<compile_context>
chip_gen: v7x
topology: tpu7x:2x2x1
jax: 0.10.2.dev20260603
libtpu: 0.0.44.dev20260713+nightly
codegen_flags: <defaults>
</compile_context>

<pallas_src>
import functools

import jax
import jax.numpy as jnp
from jax import lax
from jax.experimental import pallas as pl
from jax.experimental.pallas import tpu as pltpu
from jax.experimental.pallas import tpu_sc as plsc

MAX_JUSTICES = 100000
NUM_QUERIES = 8
DIM = 64
BATCH = 16384

NUM_CORES = 2
NUM_SUBCORES = 16
NUM_WORKERS = NUM_CORES * NUM_SUBCORES
IDS_PER_WORKER = BATCH // NUM_WORKERS
CHUNK = 32
NUM_CHUNKS = IDS_PER_WORKER // CHUNK
LANES = 16

_mesh = plsc.VectorSubcoreMesh(core_axis_name="c", subcore_axis_name="s")


@functools.partial(
    pl.kernel,
    out_type=jax.ShapeDtypeStruct((BATCH * NUM_QUERIES, DIM), jnp.float32),
    mesh=_mesh,
    compiler_params=pltpu.CompilerParams(needs_layout_passes=False),
    scratch_types=[
        pltpu.VMEM((IDS_PER_WORKER,), jnp.int32),
        pltpu.VMEM((3, CHUNK * NUM_QUERIES, DIM), jnp.float32),
        pltpu.SemaphoreType.DMA,
        pltpu.SemaphoreType.DMA,
        pltpu.SemaphoreType.DMA,
        pltpu.SemaphoreType.DMA,
        pltpu.SemaphoreType.DMA,
        pltpu.SemaphoreType.DMA,
    ],
)
def _gather_kernel(
    ids_hbm, table_hbm, out_hbm, ids_v, blocks_v, g0, g1, g2, d0, d1, d2
):
    wid = lax.axis_index("s") * NUM_CORES + lax.axis_index("c")
    base = wid * IDS_PER_WORKER

    pltpu.sync_copy(ids_hbm.at[pl.ds(base, IDS_PER_WORKER)], ids_v)

    lane = lax.iota(jnp.int32, LANES)
    gsems = (g0, g1, g2)
    dsems = (d0, d1, d2)

    def start_chunk(c, buf):
        @pl.loop(0, CHUNK // LANES)
        def per_group(g):
            ids16 = ids_v[pl.ds((c * CHUNK + g * LANES), LANES)]
            for l in range(LANES):
                row = jnp.max(jnp.where(lane == l, ids16, -1))
                pltpu.async_copy(
                    table_hbm.at[row],
                    blocks_v.at[buf].at[pl.ds((g * LANES + l) * NUM_QUERIES, NUM_QUERIES)],
                    gsems[buf],
                )

    def wait_sem(buf, sem):
        pltpu.make_async_copy(
            out_hbm.at[pl.ds(0, CHUNK * NUM_QUERIES)], blocks_v.at[buf], sem
        ).wait()

    def stage(c, buf):
        wait_sem(buf, gsems[buf])
        pltpu.async_copy(
            blocks_v.at[buf],
            out_hbm.at[pl.ds((base + c * CHUNK) * NUM_QUERIES, CHUNK * NUM_QUERIES)],
            dsems[buf],
        )
        nxt = (buf + 2) % 3

        @pl.when(c + 2 < NUM_CHUNKS)
        def _():
            @pl.when(c >= 1)
            def _():
                wait_sem(nxt, dsems[nxt])

            start_chunk(c + 2, nxt)

    start_chunk(0, 0)
    start_chunk(1, 1)

    @pl.loop(0, NUM_CHUNKS - 1, step=3)
    def ring(c):
        stage(c, 0)
        stage(c + 1, 1)
        stage(c + 2, 2)

    stage(NUM_CHUNKS - 1, 0)
    wait_sem(0, d0)
    wait_sem(1, d1)
    wait_sem(2, d2)


def kernel(justice_ids, W):
    table = W.reshape(MAX_JUSTICES, NUM_QUERIES, DIM)
    out = _gather_kernel(justice_ids.astype(jnp.int32), table)
    return out.reshape(BATCH, NUM_QUERIES, DIM)

# --- scband reference (transcript-rebuilt; emitter-appended) ---
"""Pipeline reference for scband-justice-embeddings-33182917329311 (READ-ONLY COPY).

The authoritative reference and input builder live on the scoring server;
editing this copy changes nothing except your own understanding.
"""

import jax, jax.numpy as jnp
import numpy as np

MAX_JUSTICES = 100000
NUM_QUERIES = 8
DIM = 64
BATCH = 16384

def setup_inputs(seed: int = 0) -> dict:
    key = jax.random.key(seed)
    k1, k2 = jax.random.split(key)
    justice_ids = jax.random.randint(k1, (BATCH,), 0, MAX_JUSTICES, dtype=jnp.int64 if jax.config.jax_enable_x64 else jnp.int32)
    # learned embedding table: (max_justices * num_queries, dim), init like nn.Embedding (N(0,1))
    W = jax.random.normal(k2, (MAX_JUSTICES * NUM_QUERIES, DIM), dtype=jnp.float32)
    return {"justice_ids": justice_ids, "W": W}

def reference(justice_ids, W):
    # base = justice_ids[:, None] * num_queries; indices = base + arange(num_queries)
    base = justice_ids[:, None] * NUM_QUERIES
    offsets = jnp.arange(NUM_QUERIES, dtype=justice_ids.dtype)
    indices = base + offsets  # (J, num_queries)
    queries = jnp.take(W, indices, axis=0)  # (J, num_queries, dim)
    return queries

if __name__ == "__main__":
    import jax
    _d = setup_inputs()
    print(jax.jit(kernel)(*tuple(_d.values())))

</pallas_src>

<mosaic_0001>
#map = affine_map<(d0, d1) -> (0)>
#map1 = affine_map<(d0, d1) -> (0, 0, 0)>
#map2 = affine_map<(d0, d1) -> (0, 0)>
module attributes {stable_mosaic.version = 14 : i64} {
  func.func @_gather_kernel(%arg0: i32, %arg1: i32, %arg2: memref<16384xi32, #tpu.memory_space<hbm>>, %arg3: memref<100000x8x64xf32, #tpu.memory_space<hbm>>, %arg4: memref<131072x64xf32, #tpu.memory_space<hbm>>, %arg5: memref<512xi32, #tpu.memory_space<vmem>>, %arg6: memref<3x256x64xf32, #tpu.memory_space<vmem>>, %arg7: memref<!tpu.dma_semaphore, #tpu.memory_space<semaphore_mem>>, %arg8: memref<!tpu.dma_semaphore, #tpu.memory_space<semaphore_mem>>, %arg9: memref<!tpu.dma_semaphore, #tpu.memory_space<semaphore_mem>>, %arg10: memref<!tpu.dma_semaphore, #tpu.memory_space<semaphore_mem>>, %arg11: memref<!tpu.dma_semaphore, #tpu.memory_space<semaphore_mem>>, %arg12: memref<!tpu.dma_semaphore, #tpu.memory_space<semaphore_mem>>) attributes {dimension_semantics = [#tpu.dimension_semantics<core_parallel>, #tpu.dimension_semantics<subcore_parallel>], iteration_bounds = array<i64: 2, 16>, scalar_prefetch = 0 : i64, scratch_operands = 8 : i64, tpu.core_type = #tpu.core_type<sc_vector_subcore>, window_params = [{transform_indices = #map}, {transform_indices = #map1}, {transform_indices = #map2}]} {
    %mul3A = arith.constant 2 : i32
    %mul3A_0 = arith.muli %arg1, %mul3A : i32
    %add3A = arith.addi %mul3A_0, %arg0 : i32
    %mul3A_1 = arith.constant 512 : i32
    %mul3A_2 = arith.muli %add3A, %mul3A_1 : i32
    "tpu.region"() ({
      %run_scoped3A = tpu.sem_alloc : memref<!tpu.dma_semaphore, #tpu.memory_space<semaphore_mem>>
      %dma_start3A_92 = tpu.memref_slice %arg2[%mul3A_2] : memref<16384xi32, #tpu.memory_space<hbm>> -> memref<512xi32, #tpu.memory_space<hbm>>
      %dma_start3A_93 = tpu.memref_slice %arg2[%mul3A_2] : memref<16384xi32, #tpu.memory_space<hbm>> -> memref<512xi32, #tpu.memory_space<hbm>>
      tpu.enqueue_dma source(%dma_start3A_93 : memref<512xi32, #tpu.memory_space<hbm>>) target(%arg5 : memref<512xi32, #tpu.memory_space<vmem>>) target_semaphore(%run_scoped3A : memref<!tpu.dma_semaphore, #tpu.memory_space<semaphore_mem>>)
      %dma_wait3A_94 = tpu.memref_slice %arg2[%mul3A_2] : memref<16384xi32, #tpu.memory_space<hbm>> -> memref<512xi32, #tpu.memory_space<hbm>>
      %dma_wait3A_95 = tpu.memref_slice %arg2[%mul3A_2] : memref<16384xi32, #tpu.memory_space<hbm>> -> memref<512xi32, #tpu.memory_space<hbm>>
      tpu.wait_dma2 semaphore(%run_scoped3A : memref<!tpu.dma_semaphore, #tpu.memory_space<semaphore_mem>>) src(%dma_wait3A_95 : memref<512xi32, #tpu.memory_space<hbm>>) dst(%arg5 : memref<512xi32, #tpu.memory_space<vmem>>)
      tpu.yield
    }) : () -> ()
    %iota3A = tpu.iota {dimensions = array<i32: 0>} : vector<16xi32>
    %scan3A = arith.constant 0 : i32
    %scan3A_3 = arith.constant 2 : i32
    %scan3A_4 = arith.addi %scan3A, %scan3A_3 : i32
    %scan3A_5 = arith.constant 1 : i32
    scf.for %scan3A_92 = %scan3A to %scan3A_4 step %scan3A_5  : i32 {
      %mul3A_93 = arith.constant 1 : i32
      %mul3A_94 = arith.muli %scan3A_92, %mul3A_93 : i32
      %add3A_95 = arith.constant 0 : i32
      %add3A_96 = arith.addi %add3A_95, %mul3A_94 : i32
      %mul3A_97 = arith.constant 16 : i32
      %mul3A_98 = arith.muli %add3A_96, %mul3A_97 : i32
      %add3A_99 = arith.constant 0 : i32
      %add3A_100 = arith.addi %add3A_99, %mul3A_98 : i32
      %get3A = arith.index_cast %add3A_100 : i32 to index
      %get3A_101 = tpu.vector_load %arg5[%get3A] {strides = array<i32>} : memref<512xi32, #tpu.memory_space<vmem>>, vector<16xi32>,
      %eq3A = arith.constant 0 : i32
      %eq3A_102 = vector.broadcast %eq3A : i32 to vector<16xi32>
      %eq3A_103 = arith.cmpi eq, %iota3A, %eq3A_102 : vector<16xi32>
      %jit3A = arith.constant -1 : i32
      %broadcast_in_dim3A = vector.broadcast %jit3A : i32 to vector<16xi32>
      %select_n3A = arith.select %eq3A_103, %get3A_101, %broadcast_in_dim3A : vector<16xi1>, vector<16xi32>
      %reduce_max3A = arith.constant true
      %reduce_max3A_104 = vector.broadcast %reduce_max3A : i1 to vector<16xi1>
      %reduce_max3A_105 = arith.constant -2147483648 : i32
      %reduce_max3A_106 = vector.broadcast %reduce_max3A_105 : i32 to vector<16xi32>
      %reduce_max3A_107 = arith.xori %select_n3A, %reduce_max3A_106 : vector<16xi32>
      %reduce_max3A_108 = tpu.scan <max>, %reduce_max3A_107 masked %reduce_max3A_104 : vector<16xi32>, vector<16xi1> -> vector<16xi32>
      %reduce_max3A_109 = arith.xori %reduce_max3A_108, %reduce_max3A_106 : vector<16xi32>
      %reduce_max3A_110 = vector.extract %reduce_max3A_109[15] : i32 from vector<16xi32>
      %mul3A_111 = arith.constant 16 : i32
      %mul3A_112 = arith.muli %add3A_96, %mul3A_111 : i32
      %add3A_113 = arith.constant 0 : i32
      %add3A_114 = arith.addi %mul3A_112, %add3A_113 : i32
      %mul3A_115 = arith.constant 8 : i32
      %mul3A_116 = arith.muli %add3A_114, %mul3A_115 : i32
      %dma_start3A_117 = arith.constant 0 : i32
      %dma_start3A_118 = arith.constant 0 : i32
      %dma_start3A_119 = arith.constant 0 : i32
      %dma_start3A_120 = tpu.memref_slice %arg6[%dma_start3A_117, %dma_start3A_118, %dma_start3A_119] : memref<3x256x64xf32, #tpu.memory_space<vmem>> -> memref<1x256x64xf32, #tpu.memory_space<vmem>>
      %dma_start3A_121 = tpu.memref_squeeze %dma_start3A_120 : memref<1x256x64xf32, #tpu.memory_space<vmem>> -> memref<256x64xf32, #tpu.memory_space<vmem>>
      %dma_start3A_122 = arith.constant 0 : i32
      %dma_start3A_123 = tpu.memref_slice %dma_start3A_121[%mul3A_116, %dma_start3A_122] : memref<256x64xf32, #tpu.memory_space<vmem>> -> memref<8x64xf32, #tpu.memory_space<vmem>>
      %dma_start3A_124 = arith.constant 0 : i32
      %dma_start3A_125 = arith.constant 0 : i32
      %dma_start3A_126 = tpu.memref_slice %arg3[%reduce_max3A_110, %dma_start3A_124, %dma_start3A_125] : memref<100000x8x64xf32, #tpu.memory_space<hbm>> -> memref<1x8x64xf32, #tpu.memory_space<hbm>>
      %dma_start3A_127 = tpu.memref_squeeze %dma_start3A_126 : memref<1x8x64xf32, #tpu.memory_space<hbm>> -> memref<8x64xf32, #tpu.memory_space<hbm>>
      %dma_start3A_128 = arith.constant 0 : i32
      %dma_start3A_129 = arith.constant 0 : i32
      %dma_start3A_130 = tpu.memref_slice %arg6[%dma_start3A_117, %dma_start3A_128, %dma_start3A_129] : memref<3x256x64xf32, #tpu.memory_space<vmem>> -> memref<1x256x64xf32, #tpu.memory_space<vmem>>
      %dma_start3A_131 = tpu.memref_squeeze %dma_start3A_130 : memref<1x256x64xf32, #tpu.memory_space<vmem>> -> memref<256x64xf32, #tpu.memory_space<vmem>>
      %dma_start3A_132 = arith.constant 0 : i32
      %dma_start3A_133 = tpu.memref_slice %dma_start3A_131[%mul3A_116, %dma_start3A_132] : memref<256x64xf32, #tpu.memory_space<vmem>> -> memref<8x64xf32, #tpu.memory_space<vmem>>
      %dma_start3A_134 = arith.constant 0 : i32
      %dma_start3A_135 = arith.constant 0 : i32
      %dma_start3A_136 = tpu.memref_slice %arg3[%reduce_max3A_110, %dma_start3A_134, %dma_start3A_135] : memref<100000x8x64xf32, #tpu.memory_space<hbm>> -> memref<1x8x64xf32, #tpu.memory_space<hbm>>
      %dma_start3A_137 = tpu.memref_squeeze %dma_start3A_136 : memref<1x8x64xf32, #tpu.memory_space<hbm>> -> memref<8x64xf32, #tpu.memory_space<hbm>>
      tpu.enqueue_dma source(%dma_start3A_137 : memref<8x64xf32, #tpu.memory_space<hbm>>) target(%dma_start3A_133 : memref<8x64xf32, #tpu.memory_space<vmem>>) target_semaphore(%arg7 : memref<!tpu.dma_semaphore, #tpu.memory_space<semaphore_mem>>)
      %eq3A_138 = arith.constant 1 : i32
      %eq3A_139 = vector.broadcast %eq3A_138 : i32 to vector<16xi32>
      %eq3A_140 = arith.cmpi eq, %iota3A, %eq3A_139 : vector<16xi32>
      %jit3A_141 = arith.constant -1 : i32
      %broadcast_in_dim3A_142 = vector.broadcast %jit3A_141 : i32 to vector<16xi32>
      %select_n3A_143 = arith.select %eq3A_140, %get3A_101, %broadcast_in_dim3A_142 : vector<16xi1>, vector<16xi32>
      %reduce_max3A_144 = arith.constant true
      %reduce_max3A_145 = vector.broadcast %reduce_max3A_144 : i1 to vector<16xi1>
      %reduce_max3A_146 = arith.constant -2147483648 : i32
      %reduce_max3A_147 = vector.broadcast %reduce_max3A_146 : i32 to vector<16xi32>
      %reduce_max3A_148 = arith.xori %select_n3A_143, %reduce_max3A_147 : vector<16xi32>
      %reduce_max3A_149 = tpu.scan <max>, %reduce_max3A_148 masked %reduce_max3A_145 : vector<16xi32>, vector<16xi1> -> vector<16xi32>
      %reduce_max3A_150 = arith.xori %reduce_max3A_149, %reduce_max3A_147 : vector<16xi32>
      %reduce_max3A_151 = vector.extract %reduce_max3A_150[15] : i32 from vector<16xi32>
      %mul3A_152 = arith.constant 16 : i32
      %mul3A_153 = arith.muli %add3A_96, %mul3A_152 : i32
      %add3A_154 = arith.constant 1 : i32
      %add3A_155 = arith.addi %mul3A_153, %add3A_154 : i32
      %mul3A_156 = arith.constant 8 : i32
      %mul3A_157 = arith.muli %add3A_155, %mul3A_156 : i32
      %dma_start3A_158 = arith.constant 0 : i32
      %dma_start3A_159 = arith.constant 0 : i32
      %dma_start3A_160 = arith.constant 0 : i32
      %dma_start3A_161 = tpu.memref_slice %arg6[%dma_start3A_158, %dma_start3A_159, %dma_start3A_160] : memref<3x256x64xf32, #tpu.memory_space<vmem>> -> memref<1x256x64xf32, #tpu.memory_space<vmem>>
      %dma_start3A_162 = tpu.memref_squeeze %dma_start3A_161 : memref<1x256x64xf32, #tpu.memory_space<vmem>> -> memref<256x64xf32, #tpu.memory_space<vmem>>
      %dma_start3A_163 = arith.constant 0 : i32
      %dma_start3A_164 = tpu.memref_slice %dma_start3A_162[%mul3A_157, %dma_start3A_163] : memref<256x64xf32, #tpu.memory_space<vmem>> -> memref<8x64xf32, #tpu.memory_space<vmem>>
      %dma_start3A_165 = arith.constant 0 : i32
      %dma_start3A_166 = arith.constant 0 : i32
      %dma_start3A_167 = tpu.memref_slice %arg3[%reduce_max3A_151, %dma_start3A_165, %dma_start3A_166] : memref<100000x8x64xf32, #tpu.memory_space<hbm>> -> memref<1x8x64xf32, #tpu.memory_space<hbm>>
      %dma_start3A_168 = tpu.memref_squeeze %dma_start3A_167 : memref<1x8x64xf32, #tpu.memory_space<hbm>> -> memref<8x64xf32, #tpu.memory_space<hbm>>
      %dma_start3A_169 = arith.constant 0 : i32
      %dma_start3A_170 = arith.constant 0 : i32
      %dma_start3A_171 = tpu.memref_slice %arg6[%dma_start3A_158, %dma_start3A_169, %dma_start3A_170] : memref<3x256x64xf32, #tpu.memory_space<vmem>> -> memref<1x256x64xf32, #tpu.memory_space<vmem>>
      %dma_start3A_172 = tpu.memref_squeeze %dma_start3A_171 : memref<1x256x64xf32, #tpu.memory_space<vmem>> -> memref<256x64xf32, #tpu.memory_space<vmem>>
      %dma_start3A_173 = arith.constant 0 : i32
      %dma_start3A_174 = tpu.memref_slice %dma_start3A_172[%mul3A_157, %dma_start3A_173] : memref<256x64xf32, #tpu.memory_space<vmem>> -> memref<8x64xf32, #tpu.memory_space<vmem>>
      %dma_start3A_175 = arith.constant 0 : i32
      %dma_start3A_176 = arith.constant 0 : i32
      %dma_start3A_177 = tpu.memref_slice %arg3[%reduce_max3A_151, %dma_start3A_175, %dma_start3A_176] : memref<100000x8x64xf32, #tpu.memory_space<hbm>> -> memref<1x8x64xf32, #tpu.memory_space<hbm>>
      %dma_start3A_178 = tpu.memref_squeeze %dma_start3A_177 : memref<1x8x64xf32, #tpu.memory_space<hbm>> -> memref<8x64xf32, #tpu.memory_space<hbm>>
      tpu.enqueue_dma source(%dma_start3A_178 : memref<8x64xf32, #tpu.memory_space<hbm>>) target(%dma_start3A_174 : memref<8x64xf32, #tpu.memory_space<vmem>>) target_semaphore(%arg7 : memref<!tpu.dma_semaphore, #tpu.memory_space<semaphore_mem>>)
      %eq3A_179 = arith.constant 2 : i32
      %eq3A_180 = vector.broadcast %eq3A_179 : i32 to vector<16xi32>
      %eq3A_181 = arith.cmpi eq, %iota3A, %eq3A_180 : vector<16xi32>
      %jit3A_182 = arith.constant -1 : i32
      %broadcast_in_dim3A_183 = vector.broadcast %jit3A_182 : i32 to vector<16xi32>
      %select_n3A_184 = arith.select %eq3A_181, %get3A_101, %broadcast_in_dim3A_183 : vector<16xi1>, vector<16xi32>
      %reduce_max3A_185 = arith.constant true
      %reduce_max3A_186 = vector.broadcast %reduce_max3A_185 : i1 to vector<16xi1>
      %reduce_max3A_187 = arith.constant -2147483648 : i32
      %reduce_max3A_188 = vector.broadcast %reduce_max3A_187 : i32 to vector<16xi32>
      %reduce_max3A_189 = arith.xori %select_n3A_184, %reduce_max3A_188 : vector<16xi32>
      %reduce_max3A_190 = tpu.scan <max>, %reduce_max3A_189 masked %reduce_max3A_186 : vector<16xi32>, vector<16xi1> -> vector<16xi32>
      %reduce_max3A_191 = arith.xori %reduce_max3A_190, %reduce_max3A_188 : vector<16xi32>
      %reduce_max3A_192 = vector.extract %reduce_max3A_191[15] : i32 from vector<16xi32>
      %mul3A_193 = arith.constant 16 : i32
      %mul3A_194 = arith.muli %add3A_96, %mul3A_193 : i32
      %add3A_195 = arith.constant 2 : i32
      %add3A_196 = arith.addi %mul3A_194, %add3A_195 : i32
      %mul3A_197 = arith.constant 8 : i32
      %mul3A_198 = arith.muli %add3A_196, %mul3A_197 : i32
      %dma_start3A_199 = arith.constant 0 : i32
      %dma_start3A_200 = arith.constant 0 : i32
      %dma_start3A_201 = arith.constant 0 : i32
      %dma_start3A_202 = tpu.memref_slice %arg6[%dma_start3A_199, %dma_start3A_200, %dma_start3A_201] : memref<3x256x64xf32, #tpu.memory_space<vmem>> -> memref<1x256x64xf32, #tpu.memory_space<vmem>>
      %dma_start3A_203 = tpu.memref_squeeze %dma_start3A_202 : memref<1x256x64xf32, #tpu.memory_space<vmem>> -> memref<256x64xf32, #tpu.memory_space<vmem>>
      %dma_start3A_204 = arith.constant 0 : i32
      %dma_start3A_205 = tpu.memref_slice %dma_start3A_203[%mul3A_198, %dma_start3A_204] : memref<256x64xf32, #tpu.memory_space<vmem>> -> memref<8x64xf32, #tpu.memory_space<vmem>>
      %dma_start3A_206 = arith.constant 0 : i32
      %dma_start3A_207 = arith.constant 0 : i32
      %dma_start3A_208 = tpu.memref_slice %arg3[%reduce_max3A_192, %dma_start3A_206, %dma_start3A_207] : memref<100000x8x64xf32, #tpu.memory_space<hbm>> -> memref<1x8x64xf32, #tpu.memory_space<hbm>>
      %dma_start3A_209 = tpu.memref_squeeze %dma_start3A_208 : memref<1x8x64xf32, #tpu.memory_space<hbm>> -> memref<8x64xf32, #tpu.memory_space<hbm>>
      %dma_start3A_210 = arith.constant 0 : i32
      %dma_start3A_211 = arith.constant 0 : i32
      %dma_start3A_212 = tpu.memref_slice %arg6[%dma_start3A_199, %dma_start3A_210, %dma_start3A_211] : memref<3x256x64xf32, #tpu.memory_space<vmem>> -> memref<1x256x64xf32, #tpu.memory_space<vmem>>
      %dma_start3A_213 = tpu.memref_squeeze %dma_start3A_212 : memref<1x256x64xf32, #tpu.memory_space<vmem>> -> memref<256x64xf32, #tpu.memory_space<vmem>>
      %dma_start3A_214 = arith.constant 0 : i32
      %dma_start3A_215 = tpu.memref_slice %dma_start3A_213[%mul3A_198, %dma_start3A_214] : memref<256x64xf32, #tpu.memory_space<vmem>> -> memref<8x64xf32, #tpu.memory_space<vmem>>
      %dma_start3A_216 = arith.constant 0 : i32
      %dma_start3A_217 = arith.constant 0 : i32
      %dma_start3A_218 = tpu.memref_slice %arg3[%reduce_max3A_192, %dma_start3A_216, %dma_start3A_217] : memref<100000x8x64xf32, #tpu.memory_space<hbm>> -> memref<1x8x64xf32, #tpu.memory_space<hbm>>
      %dma_start3A_219 = tpu.memref_squeeze %dma_start3A_218 : memref<1x8x64xf32, #tpu.memory_space<hbm>> -> memref<8x64xf32, #tpu.memory_space<hbm>>
      tpu.enqueue_dma source(%dma_start3A_219 : memref<8x64xf32, #tpu.memory_space<hbm>>) target(%dma_start3A_215 : memref<8x64xf32, #tpu.memory_space<vmem>>) target_semaphore(%arg7 : memref<!tpu.dma_semaphore, #tpu.memory_space<semaphore_mem>>)
      %eq3A_220 = arith.constant 3 : i32
      %eq3A_221 = vector.broadcast %eq3A_220 : i32 to vector<16xi32>
      %eq3A_222 = arith.cmpi eq, %iota3A, %eq3A_221 : vector<16xi32>
      %jit3A_223 = arith.constant -1 : i32
      %broadcast_in_dim3A_224 = vector.broadcast %jit3A_223 : i32 to vector<16xi32>
      %select_n3A_225 = arith.select %eq3A_222, %get3A_101, %broadcast_in_dim3A_224 : vector<16xi1>, vector<16xi32>
      %reduce_max3A_226 = arith.constant true
      %reduce_max3A_227 = vector.broadcast %reduce_max3A_226 : i1 to vector<16xi1>
      %reduce_max3A_228 = arith.constant -2147483648 : i32
      %reduce_max3A_229 = vector.broadcast %reduce_max3A_228 : i32 to vector<16xi32>
      %reduce_max3A_230 = arith.xori %select_n3A_225, %reduce_max3A_229 : vector<16xi32>
      %reduce_max3A_231 = tpu.scan <max>, %reduce_max3A_230 masked %reduce_max3A_227 : vector<16xi32>, vector<16xi1> -> vector<16xi32>
      %reduce_max3A_232 = arith.xori %reduce_max3A_231, %reduce_max3A_229 : vector<16xi32>
      %reduce_max3A_233 = vector.extract %reduce_max3A_232[15] : i32 from vector<16xi32>
      %mul3A_234 = arith.constant 16 : i32
      %mul3A_235 = arith.muli %add3A_96, %mul3A_234 : i32
      %add3A_236 = arith.constant 3 : i32
      %add3A_237 = arith.addi %mul3A_235, %add3A_236 : i32
      %mul3A_238 = arith.constant 8 : i32
      %mul3A_239 = arith.muli %add3A_237, %mul3A_238 : i32
      %dma_start3A_240 = arith.constant 0 : i32
      %dma_start3A_241 = arith.constant 0 : i32
      %dma_start3A_242 = arith.constant 0 : i32
      %dma_start3A_243 = tpu.memref_slice %arg6[%dma_start3A_240, %dma_start3A_241, %dma_start3A_242] : memref<3x256x64xf32, #tpu.memory_space<vmem>> -> memref<1x256x64xf32, #tpu.memory_space<vmem>>
      %dma_start3A_244 = tpu.memref_squeeze %dma_start3A_243 : memref<1x256x64xf32, #tpu.memory_space<vmem>> -> memref<256x64xf32, #tpu.memory_space<vmem>>
      %dma_start3A_245 = arith.constant 0 : i32
      %dma_start3A_246 = tpu.memref_slice %dma_start3A_244[%mul3A_239, %dma_start3A_245] : memref<256x64xf32, #tpu.memory_space<vmem>> -> memref<8x64xf32, #tpu.memory_space<vmem>>
      %dma_start3A_247 = arith.constant 0 : i32
      %dma_start3A_248 = arith.constant 0 : i32
      %dma_start3A_249 = tpu.memref_slice %arg3[%reduce_max3A_233, %dma_start3A_247, %dma_start3A_248] : memref<100000x8x64xf32, #tpu.memory_space<hbm>> -> memref<1x8x64xf32, #tpu.memory_space<hbm>>
      %dma_start3A_250 = tpu.memref_squeeze %dma_start3A_249 : memref<1x8x64xf32, #tpu.memory_space<hbm>> -> memref<8x64xf32, #tpu.memory_space<hbm>>
      %dma_start3A_251 = arith.constant 0 : i32
      %dma_start3A_252 = arith.constant 0 : i32
      %dma_start3A_253 = tpu.memref_slice %arg6[%dma_start3A_240, %dma_start3A_251, %dma_start3A_252] : memref<3x256x64xf32, #tpu.memory_space<vmem>> -> memref<1x256x64xf32, #tpu.memory_space<vmem>>
      %dma_start3A_254 = tpu.memref_squeeze %dma_start3A_253 : memref<1x256x64xf32, #tpu.memory_space<vmem>> -> memref<256x64xf32, #tpu.memory_space<vmem>>
      %dma_start3A_255 = arith.constant 0 : i32
      %dma_start3A_256 = tpu.memref_slice %dma_start3A_254[%mul3A_239, %dma_start3A_255] : memref<256x64xf32, #tpu.memory_space<vmem>> -> memref<8x64xf32, #tpu.memory_space<vmem>>
      %dma_start3A_257 = arith.constant 0 : i32
      %dma_start3A_258 = arith.constant 0 : i32
      %dma_start3A_259 = tpu.memref_slice %arg3[%reduce_max3A_233, %dma_start3A_257, %dma_start3A_258] : memref<100000x8x64xf32, #tpu.memory_space<hbm>> -> memref<1x8x64xf32, #tpu.memory_space<hbm>>
      %dma_start3A_260 = tpu.memref_squeeze %dma_start3A_259 : memref<1x8x64xf32, #tpu.memory_space<hbm>> -> memref<8x64xf32, #tpu.memory_space<hbm>>
      tpu.enqueue_dma source(%dma_start3A_260 : memref<8x64xf32, #tpu.memory_space<hbm>>) target(%dma_start3A_256 : memref<8x64xf32, #tpu.memory_space<vmem>>) target_semaphore(%arg7 : memref<!tpu.dma_semaphore, #tpu.memory_space<semaphore_mem>>)
      %eq3A_261 = arith.constant 4 : i32
      %eq3A_262 = vector.broadcast %eq3A_261 : i32 to vector<16xi32>
      %eq3A_263 = arith.cmpi eq, %iota3A, %eq3A_262 : vector<16xi32>
      %jit3A_264 = arith.constant -1 : i32
      %broadcast_in_dim3A_265 = vector.broadcast %jit3A_264 : i32 to vector<16xi32>
      %select_n3A_266 = arith.select %eq3A_263, %get3A_101, %broadcast_in_dim3A_265 : vector<16xi1>, vector<16xi32>
      %reduce_max3A_267 = arith.constant true
      %reduce_max3A_268 = vector.broadcast %reduce_max3A_267 : i1 to vector<16xi1>
      %reduce_max3A_269 = arith.constant -2147483648 : i32
      %reduce_max3A_270 = vector.broadcast %reduce_max3A_269 : i32 to vector<16xi32>
      %reduce_max3A_271 = arith.xori %select_n3A_266, %reduce_max3A_270 : vector<16xi32>
      %reduce_max3A_272 = tpu.scan <max>, %reduce_max3A_271 masked %reduce_max3A_268 : vector<16xi32>, vector<16xi1> -> vector<16xi32>
      %reduce_max3A_273 = arith.xori %reduce_max3A_272, %reduce_max3A_270 : vector<16xi32>
      %reduce_max3A_274 = vector.extract %reduce_max3A_273[15] : i32 from vector<16xi32>
      %mul3A_275 = arith.constant 16 : i32
      %mul3A_276 = arith.muli %add3A_96, %mul3A_275 : i32
      %add3A_277 = arith.constant 4 : i32
      %add3A_278 = arith.addi %mul3A_276, %add3A_277 : i32
      %mul3A_279 = arith.constant 8 : i32
      %mul3A_280 = arith.muli %add3A_278, %mul3A_279 : i32
      %dma_start3A_281 = arith.constant 0 : i32
      %dma_start3A_282 = arith.constant 0 : i32
      %dma_start3A_283 = arith.constant 0 : i32
      %dma_start3A_284 = tpu.memref_slice %arg6[%dma_start3A_281, %dma_start3A_282, %dma_start3A_283] : memref<3x256x64xf32, #tpu.memory_space<vmem>> -> memref<1x256x64xf32, #tpu.memory_space<vmem>>
      %dma_start3A_285 = tpu.memref_squeeze %dma_start3A_284 : memref<1x256x64xf32, #tpu.memory_space<vmem>> -> memref<256x64xf32, #tpu.memory_space<vmem>>
      %dma_start3A_286 = arith.constant 0 : i32
      %dma_start3A_287 = tpu.memref_slice %dma_start3A_285[%mul3A_280, %dma_start3A_286] : memref<256x64xf32, #tpu.memory_space<vmem>> -> memref<8x64xf32, #tpu.memory_space<vmem>>
      %dma_start3A_288 = arith.constant 0 : i32
      %dma_start3A_289 = arith.constant 0 : i32
      %dma_start3A_290 = tpu.memref_slice %arg3[%reduce_max3A_274, %dma_start3A_288, %dma_start3A_289] : memref<100000x8x64xf32, #tpu.memory_space<hbm>> -> memref<1x8x64xf32, #tpu.memory_space<hbm>>
      %dma_start3A_291 = tpu.memref_squeeze %dma_start3A_290 : memref<1x8x64xf32, #tpu.memory_space<hbm>> -> memref<8x64xf32, #tpu.memory_space<hbm>>
      %dma_start3A_292 = arith.constant 0 : i32
      %dma_start3A_293 = arith.constant 0 : i32
      %dma_start3A_294 = tpu.memref_slice %arg6[%dma_start3A_281, %dma_start3A_292, %dma_start3A_293] : memref<3x256x64xf32, #tpu.memory_space<vmem>> -> memref<1x256x64xf32, #tpu.memory_space<vmem>>
      %dma_start3A_295 = tpu.memref_squeeze %dma_start3A_294 : memref<1x256x64xf32, #tpu.memory_space<vmem>> -> memref<256x64xf32, #tpu.memory_space<vmem>>
      %dma_start3A_296 = arith.constant 0 : i32
      %dma_start3A_297 = tpu.memref_slice %dma_start3A_295[%mul3A_280, %dma_start3A_296] : memref<256x64xf32, #tpu.memory_space<vmem>> -> memref<8x64xf32, #tpu.memory_space<vmem>>
      %dma_start3A_298 = arith.constant 0 : i32
      %dma_start3A_299 = arith.constant 0 : i32
      %dma_start3A_300 = tpu.memref_slice %arg3[%reduce_max3A_274, %dma_start3A_298, %dma_start3A_299] : memref<100000x8x64xf32, #tpu.memory_space<hbm>> -> memref<1x8x64xf32, #tpu.memory_space<hbm>>
      %dma_start3A_301 = tpu.memref_squeeze %dma_start3A_300 : memref<1x8x64xf32, #tpu.memory_space<hbm>> -> memref<8x64xf32, #tpu.memory_space<hbm>>
      tpu.enqueue_dma source(%dma_start3A_301 : memref<8x64xf32, #tpu.memory_space<hbm>>) target(%dma_start3A_297 : memref<8x64xf32, #tpu.memory_space<vmem>>) target_semaphore(%arg7 : memref<!tpu.dma_semaphore, #tpu.memory_space<semaphore_mem>>)
      %eq3A_302 = arith.constant 5 : i32
      %eq3A_303 = vector.broadcast %eq3A_302 : i32 to vector<16xi32>
      %eq3A_304 = arith.cmpi eq, %iota3A, %eq3A_303 : vector<16xi32>
      %jit3A_305 = arith.constant -1 : i32
      %broadcast_in_dim3A_306 = vector.broadcast %jit3A_305 : i32 to vector<16xi32>
      %select_n3A_307 = arith.select %eq3A_304, %get3A_101, %broadcast_in_dim3A_306 : vector<16xi1>, vector<16xi32>
      %reduce_max3A_308 = arith.constant true
      %reduce_max3A_309 = vector.broadcast %reduce_max3A_308 : i1 to vector<16xi1>
      %reduce_max3A_310 = arith.constant -2147483648 : i32
      %reduce_max3A_311 = vector.broadcast %reduce_max3A_310 : i32 to vector<16xi32>
      %reduce_max3A_312 = arith.xori %select_n3A_307, %reduce_max3A_311 : vector<16xi32>
      %reduce_max3A_313 = tpu.scan <max>, %reduce_max3A_312 masked %reduce_max3A_309 : vector<16xi32>, vector<16xi1> -> vector<16xi32>
      %reduce_max3A_314 = arith.xori %reduce_max3A_313, %reduce_max3A_311 : vector<16xi32>
      %reduce_max3A_315 = vector.extract %reduce_max3A_314[15] : i32 from vector<16xi32>
      %mul3A_316 = arith.constant 16 : i32
      %mul3A_317 = arith.muli %add3A_96, %mul3A_316 : i32
      %add3A_318 = arith.constant 5 : i32
      %add3A_319 = arith.addi %mul3A_317, %add3A_318 : i32
      %mul3A_320 = arith.constant 8 : i32
      %mul3A_321 = arith.muli %add3A_319, %mul3A_320 : i32
      %dma_start3A_322 = arith.constant 0 : i32
      %dma_start3A_323 = arith.constant 0 : i32
      %dma_start3A_324 = arith.constant 0 : i32
      %dma_start3A_325 = tpu.memref_slice %arg6[%dma_start3A_322, %dma_start3A_323, %dma_start3A_324] : memref<3x256x64xf32, #tpu.memory_space<vmem>> -> memref<1x256x64xf32, #tpu.memory_space<vmem>>
      %dma_start3A_326 = tpu.memref_squeeze %dma_start3A_325 : memref<1x256x64xf32, #tpu.memory_space<vmem>> -> memref<256x64xf32, #tpu.memory_space<vmem>>
      %dma_start3A_327 = arith.constant 0 : i32
      %dma_start3A_328 = tpu.memref_slice %dma_start3A_326[%mul3A_321, %dma_start3A_327] : memref<256x64xf32, #tpu.memory_space<vmem>> -> memref<8x64xf32, #tpu.memory_space<vmem>>
      %dma_start3A_329 = arith.constant 0 : i32
      %dma_start3A_330 = arith.constant 0 : i32
      %dma_start3A_331 = tpu.memref_slice %arg3[%reduce_max3A_315, %dma_start3A_329, %dma_start3A_330] : memref<100000x8x64xf32, #tpu.memory_space<hbm>> -> memref<1x8x64xf32, #tpu.memory_space<hbm>>
      %dma_start3A_332 = tpu.memref_squeeze %dma_start3A_331 : memref<1x8x64xf32, #tpu.memory_space<hbm>> -> memref<8x64xf32, #tpu.memory_space<hbm>>
      %dma_start3A_333 = arith.constant 0 : i32
      %dma_start3A_334 = arith.constant 0 : i32
      %dma_start3A_335 = tpu.memref_slice %arg6[%dma_start3A_322, %dma_start3A_333, %dma_start3A_334] : memref<3x256x64xf32, #tpu.memory_space<vmem>> -> memref<1x256x64xf32, #tpu.memory_space<vmem>>
      %dma_start3A_336 = tpu.memref_squeeze %dma_start3A_335 : memref<1x256x64xf32, #tpu.memory_space<vmem>> -> memref<256x64xf32, #tpu.memory_space<vmem>>
      %dma_start3A_337 = arith.constant 0 : i32
      %dma_start3A_338 = tpu.memref_slice %dma_start3A_336[%mul3A_321, %dma_start3A_337] : memref<256x64xf32, #tpu.memory_space<vmem>> -> memref<8x64xf32, #tpu.memory_space<vmem>>
      %dma_start3A_339 = arith.constant 0 : i32
      %dma_start3A_340 = arith.constant 0 : i32
      %dma_start3A_341 = tpu.memref_slice %arg3[%reduce_max3A_315, %dma_start3A_339, %dma_start3A_340] : memref<100000x8x64xf32, #tpu.memory_space<hbm>> -> memref<1x8x64xf32, #tpu.memory_space<hbm>>
      %dma_start3A_342 = tpu.memref_squeeze %dma_start3A_341 : memref<1x8x64xf32, #tpu.memory_space<hbm>> -> memref<8x64xf32, #tpu.memory_space<hbm>>
      tpu.enqueue_dma source(%dma_start3A_342 : memref<8x64xf32, #tpu.memory_space<hbm>>) target(%dma_start3A_338 : memref<8x64xf32, #tpu.memory_space<vmem>>) target_semaphore(%arg7 : memref<!tpu.dma_semaphore, #tpu.memory_space<semaphore_mem>>)
      %eq3A_343 = arith.constant 6 : i32
      %eq3A_344 = vector.broadcast %eq3A_343 : i32 to vector<16xi32>
      %eq3A_345 = arith.cmpi eq, %iota3A, %eq3A_344 : vector<16xi32>
      %jit3A_346 = arith.constant -1 : i32
      %broadcast_in_dim3A_347 = vector.broadcast %jit3A_346 : i32 to vector<16xi32>
      %select_n3A_348 = arith.select %eq3A_345, %get3A_101, %broadcast_in_dim3A_347 : vector<16xi1>, vector<16xi32>
      %reduce_max3A_349 = arith.constant true
      %reduce_max3A_350 = vector.broadcast %reduce_max3A_349 : i1 to vector<16xi1>
      %reduce_max3A_351 = arith.constant -2147483648 : i32
      %reduce_max3A_352 = vector.broadcast %reduce_max3A_351 : i32 to vector<16xi32>
      %reduce_max3A_353 = arith.xori %select_n3A_348, %reduce_max3A_352 : vector<16xi32>
      %reduce_max3A_354 = tpu.scan <max>, %reduce_max3A_353 masked %reduce_max3A_350 : vector<16xi32>, vector<16xi1> -> vector<16xi32>
      %reduce_max3A_355 = arith.xori %reduce_max3A_354, %reduce_max3A_352 : vector<16xi32>
      %reduce_max3A_356 = vector.extract %reduce_max3A_355[15] : i32 from vector<16xi32>
      %mul3A_357 = arith.constant 16 : i32
      %mul3A_358 = arith.muli %add3A_96, %mul3A_357 : i32
      %add3A_359 = arith.constant 6 : i32
      %add3A_360 = arith.addi %mul3A_358, %add3A_359 : i32
      %mul3A_361 = arith.constant 8 : i32
      %mul3A_362 = arith.muli %add3A_360, %mul3A_361 : i32
      %dma_start3A_363 = arith.constant 0 : i32
      %dma_start3A_364 = arith.constant 0 : i32
      %dma_start3A_365 = arith.constant 0 : i32
      %dma_start3A_366 = tpu.memref_slice %arg6[%dma_start3A_363, %dma_start3A_364, %dma_start3A_365] : memref<3x256x64xf32, #tpu.memory_space<vmem>> -> memref<1x256x64xf32, #tpu.memory_space<vmem>>
      %dma_start3A_367 = tpu.memref_squeeze %dma_start3A_366 : memref<1x256x64xf32, #tpu.memory_space<vmem>> -> memref<256x64xf32, #tpu.memory_space<vmem>>
      %dma_start3A_368 = arith.constant 0 : i32
      %dma_start3A_369 = tpu.memref_slice %dma_start3A_367[%mul3A_362, %dma_start3A_368] : memref<256x64xf32, #tpu.memory_space<vmem>> -> memref<8x64xf32, #tpu.memory_space<vmem>>
      %dma_start3A_370 = arith.constant 0 : i32
      %dma_start3A_371 = arith.constant 0 : i32
      %dma_start3A_372 = tpu.memref_slice %arg3[%reduce_max3A_356, %dma_start3A_370, %dma_start3A_371] : memref<100000x8x64xf32, #tpu.memory_space<hbm>> -> memref<1x8x64xf32, #tpu.memory_space<hbm>>
      %dma_start3A_373 = tpu.memref_squeeze %dma_start3A_372 : memref<1x8x64xf32, #tpu.memory_space<hbm>> -> memref<8x64xf32, #tpu.memory_space<hbm>>
      %dma_start3A_374 = arith.constant 0 : i32
      %dma_start3A_375 = arith.constant 0 : i32
      %dma_start3A_376 = tpu.memref_slice %arg6[%dma_start3A_363, %dma_start3A_374, %dma_start3A_375] : memref<3x256x64xf32, #tpu.memory_space<vmem>> -> memref<1x256x64xf32, #tpu.memory_space<vmem>>
      %dma_start3A_377 = tpu.memref_squeeze %dma_start3A_376 : memref<1x256x64xf32, #tpu.memory_space<vmem>> -> memref<256x64xf32, #tpu.memory_space<vmem>>
      %dma_start3A_378 = arith.constant 0 : i32
      %dma_start3A_379 = tpu.memref_slice %dma_start3A_377[%mul3A_362, %dma_start3A_378] : memref<256x64xf32, #tpu.memory_space<vmem>> -> memref<8x64xf32, #tpu.memory_space<vmem>>
      %dma_start3A_380 = arith.constant 0 : i32
      %dma_start3A_381 = arith.constant 0 : i32
      %dma_start3A_382 = tpu.memref_slice %arg3[%reduce_max3A_356, %dma_start3A_380, %dma_start3A_381] : memref<100000x8x64xf32, #tpu.memory_space<hbm>> -> memref<1x8x64xf32, #tpu.memory_space<hbm>>
      %dma_start3A_383 = tpu.memref_squeeze %dma_start3A_382 : memref<1x8x64xf32, #tpu.memory_space<hbm>> -> memref<8x64xf32, #tpu.memory_space<hbm>>
      tpu.enqueue_dma source(%dma_start3A_383 : memref<8x64xf32, #tpu.memory_space<hbm>>) target(%dma_start3A_379 : memref<8x64xf32, #tpu.memory_space<vmem>>) target_semaphore(%arg7 : memref<!tpu.dma_semaphore, #tpu.memory_space<semaphore_mem>>)
      %eq3A_384 = arith.constant 7 : i32
      %eq3A_385 = vector.broadcast %eq3A_384 : i32 to vector<16xi32>
      %eq3A_386 = arith.cmpi eq, %iota3A, %eq3A_385 : vector<16xi32>
      %jit3A_387 = arith.constant -1 : i32
      %broadcast_in_dim3A_388 = vector.broadcast %jit3A_387 : i32 to vector<16xi32>
      %select_n3A_389 = arith.select %eq3A_386, %get3A_101, %broadcast_in_dim3A_388 : vector<16xi1>, vector<16xi32>
      %reduce_max3A_390 = arith.constant true
      %reduce_max3A_391 = vector.broadcast %reduce_max3A_390 : i1 to vector<16xi1>
      %reduce_max3A_392 = arith.constant -2147483648 : i32
      %reduce_max3A_393 = vector.broadcast %reduce_max3A_392 : i32 to vector<16xi32>
      %reduce_max3A_394 = arith.xori %select_n3A_389, %reduce_max3A_393 : vector<16xi32>
      %reduce_max3A_395 = tpu.scan <max>, %reduce_max3A_394 masked %reduce_max3A_391 : vector<16xi32>, vector<16xi1> -> vector<16xi32>
      %reduce_max3A_396 = arith.xori %reduce_max3A_395, %reduce_max3A_393 : vector<16xi32>
      %reduce_max3A_397 = vector.extract %reduce_max3A_396[15] : i32 from vector<16xi32>
      %mul3A_398 = arith.constant 16 : i32
      %mul3A_399 = arith.muli %add3A_96, %mul3A_398 : i32
      %add3A_400 = arith.constant 7 : i32
      %add3A_401 = arith.addi %mul3A_399, %add3A_400 : i32
      %mul3A_402 = arith.constant 8 : i32
      %mul3A_403 = arith.muli %add3A_401, %mul3A_402 : i32
      %dma_start3A_404 = arith.constant 0 : i32
      %dma_start3A_405 = arith.constant 0 : i32
      %dma_start3A_406 = arith.constant 0 : i32
      %dma_start3A_407 = tpu.memref_slice %arg6[%dma_start3A_404, %dma_start3A_405, %dma_start3A_406] : memref<3x256x64xf32, #tpu.memory_space<vmem>> -> memref<1x256x64xf32, #tpu.memory_space<vmem>>
      %dma_start3A_408 = tpu.memref_squeeze %dma_start3A_407 : memref<1x256x64xf32, #tpu.memory_space<vmem>> -> memref<256x64xf32, #tpu.memory_space<vmem>>
      %dma_start3A_409 = arith.constant 0 : i32
      %dma_start3A_410 = tpu.memref_slice %dma_start3A_408[%mul3A_403, %dma_start3A_409] : memref<256x64xf32, #tpu.memory_space<vmem>> -> memref<8x64xf32, #tpu.memory_space<vmem>>
      %dma_start3A_411 = arith.constant 0 : i32
      %dma_start3A_412 = arith.constant 0 : i32
      %dma_start3A_413 = tpu.memref_slice %arg3[%reduce_max3A_397, %dma_start3A_411, %dma_start3A_412] : memref<100000x8x64xf32, #tpu.memory_space<hbm>> -> memref<1x8x64xf32, #tpu.memory_space<hbm>>
      %dma_start3A_414 = tpu.memref_squeeze %dma_start3A_413 : memref<1x8x64xf32, #tpu.memory_space<hbm>> -> memref<8x64xf32, #tpu.memory_space<hbm>>
      %dma_start3A_415 = arith.constant 0 : i32
      %dma_start3A_416 = arith.constant 0 : i32
      %dma_start3A_417 = tpu.memref_slice %arg6[%dma_start3A_404, %dma_start3A_415, %dma_start3A_416] : memref<3x256x64xf32, #tpu.memory_space<vmem>> -> memref<1x256x64xf32, #tpu.memory_space<vmem>>
      %dma_start3A_418 = tpu.memref_squeeze %dma_start3A_417 : memref<1x256x64xf32, #tpu.memory_space<vmem>> -> memref<256x64xf32, #tpu.memory_space<vmem>>
      %dma_start3A_419 = arith.constant 0 : i32
      %dma_start3A_420 = tpu.memref_slice %dma_start3A_418[%mul3A_403, %dma_start3A_419] : memref<256x64xf32, #tpu.memory_space<vmem>> -> memref<8x64xf32, #tpu.memory_space<vmem>>
      %dma_start3A_421 = arith.constant 0 : i32
      %dma_start3A_422 = arith.constant 0 : i32
      %dma_start3A_423 = tpu.memref_slice %arg3[%reduce_max3A_397, %dma_start3A_421, %dma_start3A_422] : memref<100000x8x64xf32, #tpu.memory_space<hbm>> -> memref<1x8x64xf32, #tpu.memory_space<hbm>>
      %dma_start3A_424 = tpu.memref_squeeze %dma_start3A_423 : memref<1x8x64xf32, #tpu.memory_space<hbm>> -> memref<8x64xf32, #tpu.memory_space<hbm>>
      tpu.enqueue_dma source(%dma_start3A_424 : memref<8x64xf32, #tpu.memory_space<hbm>>) target(%dma_start3A_420 : memref<8x64xf32, #tpu.memory_space<vmem>>) target_semaphore(%arg7 : memref<!tpu.dma_semaphore, #tpu.memory_space<semaphore_mem>>)
      %eq3A_425 = arith.constant 8 : i32
      %eq3A_426 = vector.broadcast %eq3A_425 : i32 to vector<16xi32>
      %eq3A_427 = arith.cmpi eq, %iota3A, %eq3A_426 : vector<16xi32>
      %jit3A_428 = arith.constant -1 : i32
      %broadcast_in_dim3A_429 = vector.broadcast %jit3A_428 : i32 to vector<16xi32>
      %select_n3A_430 = arith.select %eq3A_427, %get3A_101, %broadcast_in_dim3A_429 : vector<16xi1>, vector<16xi32>
      %reduce_max3A_431 = arith.constant true
      %reduce_max3A_432 = vector.broadcast %reduce_max3A_431 : i1 to vector<16xi1>
      %reduce_max3A_433 = arith.constant -2147483648 : i32
      %reduce_max3A_434 = vector.broadcast %reduce_max3A_433 : i32 to vector<16xi32>
      %reduce_max3A_435 = arith.xori %select_n3A_430, %reduce_max3A_434 : vector<16xi32>
      %reduce_max3A_436 = tpu.scan <max>, %reduce_max3A_435 masked %reduce_max3A_432 : vector<16xi32>, vector<16xi1> -> vector<16xi32>
      %reduce_max3A_437 = arith.xori %reduce_max3A_436, %reduce_max3A_434 : vector<16xi32>
      %reduce_max3A_438 = vector.extract %reduce_max3A_437[15] : i32 from vector<16xi32>
      %mul3A_439 = arith.constant 16 : i32
      %mul3A_440 = arith.muli %add3A_96, %mul3A_439 : i32
      %add3A_441 = arith.constant 8 : i32
      %add3A_442 = arith.addi %mul3A_440, %add3A_441 : i32
      %mul3A_443 = arith.constant 8 : i32
      %mul3A_444 = arith.muli %add3A_442, %mul3A_443 : i32
      %dma_start3A_445 = arith.constant 0 : i32
      %dma_start3A_446 = arith.constant 0 : i32
      %dma_start3A_447 = arith.constant 0 : i32
      %dma_start3A_448 = tpu.memref_slice %arg6[%dma_start3A_445, %dma_start3A_446, %dma_start3A_447] : memref<3x256x64xf32, #tpu.memory_space<vmem>> -> memref<1x256x64xf32, #tpu.memory_space<vmem>>
      %dma_start3A_449 = tpu.memref_squeeze %dma_start3A_448 : memref<1x256x64xf32, #tpu.memory_space<vmem>> -> memref<256x64xf32, #tpu.memory_space<vmem>>
      %dma_start3A_450 = arith.constant 0 : i32
      %dma_start3A_451 = tpu.memref_slice %dma_start3A_449[%mul3A_444, %dma_start3A_450] : memref<256x64xf32, #tpu.memory_space<vmem>> -> memref<8x64xf32, #tpu.memory_space<vmem>>
      %dma_start3A_452 = arith.constant 0 : i32
      %dma_start3A_453 = arith.constant 0 : i32
      %dma_start3A_454 = tpu.memref_slice %arg3[%reduce_max3A_438, %dma_start3A_452, %dma_start3A_453] : memref<100000x8x64xf32, #tpu.memory_space<hbm>> -> memref<1x8x64xf32, #tpu.memory_space<hbm>>
      %dma_start3A_455 = tpu.memref_squeeze %dma_start3A_454 : memref<1x8x64xf32, #tpu.memory_space<hbm>> -> memref<8x64xf32, #tpu.memory_space<hbm>>
      %dma_start3A_456 = arith.constant 0 : i32
      %dma_start3A_457 = arith.constant 0 : i32
      %dma_start3A_458 = tpu.memref_slice %arg6[%dma_start3A_445, %dma_start3A_456, %dma_start3A_457] : memref<3x256x64xf32, #tpu.memory_space<vmem>> -> memref<1x256x64xf32, #tpu.memory_space<vmem>>
      %dma_start3A_459 = tpu.memref_squeeze %dma_start3A_458 : memref<1x256x64xf32, #tpu.memory_space<vmem>> -> memref<256x64xf32, #tpu.memory_space<vmem>>
      %dma_start3A_460 = arith.constant 0 : i32
      %dma_start3A_461 = tpu.memref_slice %dma_start3A_459[%mul3A_444, %dma_start3A_460] : memref<256x64xf32, #tpu.memory_space<vmem>> -> memref<8x64xf32, #tpu.memory_space<vmem>>
      %dma_start3A_462 = arith.constant 0 : i32
      %dma_start3A_463 = arith.constant 0 : i32
      %dma_start3A_464 = tpu.memref_slice %arg3[%reduce_max3A_438, %dma_start3A_462, %dma_start3A_463] : memref<100000x8x64xf32, #tpu.memory_space<hbm>> -> memref<1x8x64xf32, #tpu.memory_space<hbm>>
      %dma_start3A_465 = tpu.memref_squeeze %dma_start3A_464 : memref<1x8x64xf32, #tpu.memory_space<hbm>> -> memref<8x64xf32, #tpu.memory_space<hbm>>
      tpu.enqueue_dma source(%dma_start3A_465 : memref<8x64xf32, #tpu.memory_space<hbm>>) target(%dma_start3A_461 : memref<8x64xf32, #tpu.memory_space<vmem>>) target_semaphore(%arg7 : memref<!tpu.dma_semaphore, #tpu.memory_space<semaphore_mem>>)
      %eq3A_466 = arith.constant 9 : i32
      %eq3A_467 = vector.broadcast %eq3A_466 : i32 to vector<16xi32>
      %eq3A_468 = arith.cmpi eq, %iota3A, %eq3A_467 : vector<16xi32>
      %jit3A_469 = arith.constant -1 : i32
      %broadcast_in_dim3A_470 = vector.broadcast %jit3A_469 : i32 to vector<16xi32>
      %select_n3A_471 = arith.select %eq3A_468, %get3A_101, %broadcast_in_dim3A_470 : vector<16xi1>, vector<16xi32>
      %reduce_max3A_472 = arith.constant true
      %reduce_max3A_473 = vector.broadcast %reduce_max3A_472 : i1 to vector<16xi1>
      %reduce_max3A_474 = arith.constant -2147483648 : i32
      %reduce_max3A_475 = vector.broadcast %reduce_max3A_474 : i32 to vector<16xi32>
      %reduce_max3A_476 = arith.xori %select_n3A_471, %reduce_max3A_475 : vector<16xi32>
      %reduce_max3A_477 = tpu.scan <max>, %reduce_max3A_476 masked %reduce_max3A_473 : vector<16xi32>, vector<16xi1> -> vector<16xi32>
      %reduce_max3A_478 = arith.xori %reduce_max3A_477, %reduce_max3A_475 : vector<16xi32>
      %reduce_max3A_479 = vector.extract %reduce_max3A_478[15] : i32 from vector<16xi32>
      %mul3A_480 = arith.constant 16 : i32
      %mul3A_481 = arith.muli %add3A_96, %mul3A_480 : i32
      %add3A_482 = arith.constant 9 : i32
      %add3A_483 = arith.addi %mul3A_481, %add3A_482 : i32
      %mul3A_484 = arith.constant 8 : i32
      %mul3A_485 = arith.muli %add3A_483, %mul3A_484 : i32
      %dma_start3A_486 = arith.constant 0 : i32
      %dma_start3A_487 = arith.constant 0 : i32
      %dma_start3A_488 = arith.constant 0 : i32
      %dma_start3A_489 = tpu.memref_slice %arg6[%dma_start3A_486, %dma_start3A_487, %dma_start3A_488] : memref<3x256x64xf32, #tpu.memory_space<vmem>> -> memref<1x256x64xf32, #tpu.memory_space<vmem>>
      %dma_start3A_490 = tpu.memref_squeeze %dma_start3A_489 : memref<1x256x64xf32, #tpu.memory_space<vmem>> -> memref<256x64xf32, #tpu.memory_space<vmem>>
      %dma_start3A_491 = arith.constant 0 : i32
      %dma_start3A_492 = tpu.memref_slice %dma_start3A_490[%mul3A_485, %dma_start3A_491] : memref<256x64xf32, #tpu.memory_space<vmem>> -> memref<8x64xf32, #tpu.memory_space<vmem>>
      %dma_start3A_493 = arith.constant 0 : i32
      %dma_start3A_494 = arith.constant 0 : i32
      %dma_start3A_495 = tpu.memref_slice %arg3[%reduce_max3A_479, %dma_start3A_493, %dma_start3A_494] : memref<100000x8x64xf32, #tpu.memory_space<hbm>> -> memref<1x8x64xf32, #tpu.memory_space<hbm>>
      %dma_start3A_496 = tpu.memref_squeeze %dma_start3A_495 : memref<1x8x64xf32, #tpu.memory_space<hbm>> -> memref<8x64xf32, #tpu.memory_space<hbm>>
      %dma_start3A_497 = arith.constant 0 : i32
      %dma_start3A_498 = arith.constant 0 : i32
      %dma_start3A_499 = tpu.memref_slice %arg6[%dma_start3A_486, %dma_start3A_497, %dma_start3A_498] : memref<3x256x64xf32, #tpu.memory_space<vmem>> -> memref<1x256x64xf32, #tpu.memory_space<vmem>>
      %dma_start3A_500 = tpu.memref_squeeze %dma_start3A_499 : memref<1x256x64xf32, #tpu.memory_space<vmem>> -> memref<256x64xf32, #tpu.memory_space<vmem>>
      %dma_start3A_501 = arith.constant 0 : i32
      %dma_start3A_502 = tpu.memref_slice %dma_start3A_500[%mul3A_485, %dma_start3A_501] : memref<256x64xf32, #tpu.memory_space<vmem>> -> memref<8x64xf32, #tpu.memory_space<vmem>>
      %dma_start3A_503 = arith.constant 0 : i32
      %dma_start3A_504 = arith.constant 0 : i32
      %dma_start3A_505 = tpu.memref_slice %arg3[%reduce_max3A_479, %dma_start3A_503, %dma_start3A_504] : memref<100000x8x64xf32, #tpu.memory_space<hbm>> -> memref<1x8x64xf32, #tpu.memory_space<hbm>>
      %dma_start3A_506 = tpu.memref_squeeze %dma_start3A_505 : memref<1x8x64xf32, #tpu.memory_space<hbm>> -> memref<8x64xf32, #tpu.memory_space<hbm>>
      tpu.enqueue_dma source(%dma_start3A_506 : memref<8x64xf32, #tpu.memory_space<hbm>>) target(%dma_start3A_502 : memref<8x64xf32, #tpu.memory_space<vmem>>) target_semaphore(%arg7 : memref<!tpu.dma_semaphore, #tpu.memory_space<semaphore_mem>>)
      %eq3A_507 = arith.constant 10 : i32
      %eq3A_508 = vector.broadcast %eq3A_507 : i32 to vector<16xi32>
      %eq3A_509 = arith.cmpi eq, %iota3A, %eq3A_508 : vector<16xi32>
      %jit3A_510 = arith.constant -1 : i32
      %broadcast_in_dim3A_511 = vector.broadcast %jit3A_510 : i32 to vector<16xi32>
      %select_n3A_512 = arith.select %eq3A_509, %get3A_101, %broadcast_in_dim3A_511 : vector<16xi1>, vector<16xi32>
      %reduce_max3A_513 = arith.constant true
      %reduce_max3A_514 = vector.broadcast %reduce_max3A_513 : i1 to vector<16xi1>
      %reduce_max3A_515 = arith.constant -2147483648 : i32
      %reduce_max3A_516 = vector.broadcast %reduce_max3A_515 : i32 to vector<16xi32>
      %reduce_max3A_517 = arith.xori %select_n3A_512, %reduce_max3A_516 : vector<16xi32>
      %reduce_max3A_518 = tpu.scan <max>, %reduce_max3A_517 masked %reduce_max3A_514 : vector<16xi32>, vector<16xi1> -> vector<16xi32>
      %reduce_max3A_519 = arith.xori %reduce_max3A_518, %reduce_max3A_516 : vector<16xi32>
      %reduce_max3A_520 = vector.extract %reduce_max3A_519[15] : i32 from vector<16xi32>
      %mul3A_521 = arith.constant 16 : i32
      %mul3A_522 = arith.muli %add3A_96, %mul3A_521 : i32
      %add3A_523 = arith.constant 10 : i32
      %add3A_524 = arith.addi %mul3A_522, %add3A_523 : i32
      %mul3A_525 = arith.constant 8 : i32
      %mul3A_526 = arith.muli %add3A_524, %mul3A_525 : i32
      %dma_start3A_527 = arith.constant 0 : i32
      %dma_start3A_528 = arith.constant 0 : i32
      %dma_start3A_529 = arith.constant 0 : i32
      %dma_start3A_530 = tpu.memref_slice %arg6[%dma_start3A_527, %dma_start3A_528, %dma_start3A_529] : memref<3x256x64xf32, #tpu.memory_space<vmem>> -> memref<1x256x64xf32, #tpu.memory_space<vmem>>
      %dma_start3A_531 = tpu.memref_squeeze %dma_start3A_530 : memref<1x256x64xf32, #tpu.memory_space<vmem>> -> memref<256x64xf32, #tpu.memory_space<vmem>>
      %dma_start3A_532 = arith.constant 0 : i32
      %dma_start3A_533 = tpu.memref_slice %dma_start3A_531[%mul3A_526, %dma_start3A_532] : memref<256x64xf32, #tpu.memory_space<vmem>> -> memref<8x64xf32, #tpu.memory_space<vmem>>
      %dma_start3A_534 = arith.constant 0 : i32
      %dma_start3A_535 = arith.constant 0 : i32
      %dma_start3A_536 = tpu.memref_slice %arg3[%reduce_max3A_520, %dma_start3A_534, %dma_start3A_535] : memref<100000x8x64xf32, #tpu.memory_space<hbm>> -> memref<1x8x64xf32, #tpu.memory_space<hbm>>
      %dma_start3A_537 = tpu.memref_squeeze %dma_start3A_536 : memref<1x8x64xf32, #tpu.memory_space<hbm>> -> memref<8x64xf32, #tpu.memory_space<hbm>>
      %dma_start3A_538 = arith.constant 0 : i32
      %dma_start3A_539 = arith.constant 0 : i32
      %dma_start3A_540 = tpu.memref_slice %arg6[%dma_start3A_527, %dma_start3A_538, %dma_start3A_539] : memref<3x256x64xf32, #tpu.memory_space<vmem>> -> memref<1x256x64xf32, #tpu.memory_space<vmem>>
      %dma_start3A_541 = tpu.memref_squeeze %dma_start3A_540 : memref<1x256x64xf32, #tpu.memory_space<vmem>> -> memref<256x64xf32, #tpu.memory_space<vmem>>
      %dma_start3A_542 = arith.constant 0 : i32
      %dma_start3A_543 = tpu.memref_slice %dma_start3A_541[%mul3A_526, %dma_start3A_542] : memref<256x64xf32, #tpu.memory_space<vmem>> -> memref<8x64xf32, #tpu.memory_space<vmem>>
      %dma_start3A_544 = arith.constant 0 : i32
      %dma_start3A_545 = arith.constant 0 : i32
      %dma_start3A_546 = tpu.memref_slice %arg3[%reduce_max3A_520, %dma_start3A_544, %dma_start3A_545] : memref<100000x8x64xf32, #tpu.memory_space<hbm>> -> memref<1x8x64xf32, #tpu.memory_space<hbm>>
      %dma_start3A_547 = tpu.memref_squeeze %dma_start3A_546 : memref<1x8x64xf32, #tpu.memory_space<hbm>> -> memref<8x64xf32, #tpu.memory_space<hbm>>
      tpu.enqueue_dma source(%dma_start3A_547 : memref<8x64xf32, #tpu.memory_space<hbm>>) target(%dma_start3A_543 : memref<8x64xf32, #tpu.memory_space<vmem>>) target_semaphore(%arg7 : memref<!tpu.dma_semaphore, #tpu.memory_space<semaphore_mem>>)
      %eq3A_548 = arith.constant 11 : i32
      %eq3A_549 = vector.broadcast %eq3A_548 : i32 to vector<16xi32>
      %eq3A_550 = arith.cmpi eq, %iota3A, %eq3A_549 : vector<16xi32>
      %jit3A_551 = arith.constant -1 : i32
      %broadcast_in_dim3A_552 = vector.broadcast %jit3A_551 : i32 to vector<16xi32>
      %select_n3A_553 = arith.select %eq3A_550, %get3A_101, %broadcast_in_dim3A_552 : vector<16xi1>, vector<16xi32>
      %reduce_max3A_554 = arith.constant true
      %reduce_max3A_555 = vector.broadcast %reduce_max3A_554 : i1 to vector<16xi1>
      %reduce_max3A_556 = arith.constant -2147483648 : i32
      %reduce_max3A_557 = vector.broadcast %reduce_max3A_556 : i32 to vector<16xi32>
      %reduce_max3A_558 = arith.xori %select_n3A_553, %reduce_max3A_557 : vector<16xi32>
      %reduce_max3A_559 = tpu.scan <max>, %reduce_max3A_558 masked %reduce_max3A_555 : vector<16xi32>, vector<16xi1> -> vector<16xi32>
      %reduce_max3A_560 = arith.xori %reduce_max3A_559, %reduce_max3A_557 : vector<16xi32>
      %reduce_max3A_561 = vector.extract %reduce_max3A_560[15] : i32 from vector<16xi32>
      %mul3A_562 = arith.constant 16 : i32
      %mul3A_563 = arith.muli %add3A_96, %mul3A_562 : i32
      %add3A_564 = arith.constant 11 : i32
      %add3A_565 = arith.addi %mul3A_563, %add3A_564 : i32
      %mul3A_566 = arith.constant 8 : i32
      %mul3A_567 = arith.muli %add3A_565, %mul3A_566 : i32
      %dma_start3A_568 = arith.constant 0 : i32
      %dma_start3A_569 = arith.constant 0 : i32
      %dma_start3A_570 = arith.constant 0 : i32
      %dma_start3A_571 = tpu.memref_slice %arg6[%dma_start3A_568, %dma_start3A_569, %dma_start3A_570] : memref<3x256x64xf32, #tpu.memory_space<vmem>> -> memref<1x256x64xf32, #tpu.memory_space<vmem>>
      %dma_start3A_572 = tpu.memref_squeeze %dma_start3A_571 : memref<1x256x64xf32, #tpu.memory_space<vmem>> -> memref<256x64xf32, #tpu.memory_space<vmem>>
      %dma_start3A_573 = arith.constant 0 : i32
      %dma_start3A_574 = tpu.memref_slice %dma_start3A_572[%mul3A_567, %dma_start3A_573] : memref<256x64xf32, #tpu.memory_space<vmem>> -> memref<8x64xf32, #tpu.memory_space<vmem>>
      %dma_start3A_575 = arith.constant 0 : i32
      %dma_start3A_576 = arith.constant 0 : i32
      %dma_start3A_577 = tpu.memref_slice %arg3[%reduce_max3A_561, %dma_start3A_575, %dma_start3A_576] : memref<100000x8x64xf32, #tpu.memory_space<hbm>> -> memref<1x8x64xf32, #tpu.memory_space<hbm>>
      %dma_start3A_578 = tpu.memref_squeeze %dma_start3A_577 : memref<1x8x64xf32, #tpu.memory_space<hbm>> -> memref<8x64xf32, #tpu.memory_space<hbm>>
      %dma_start3A_579 = arith.constant 0 : i32
      %dma_start3A_580 = arith.constant 0 : i32
      %dma_start3A_581 = tpu.memref_slice %arg6[%dma_start3A_568, %dma_start3A_579, %dma_start3A_580] : memref<3x256x64xf32, #tpu.memory_space<vmem>> -> memref<1x256x64xf32, #tpu.memory_space<vmem>>
      %dma_start3A_582 = tpu.memref_squeeze %dma_start3A_581 : memref<1x256x64xf32, #tpu.memory_space<vmem>> -> memref<256x64xf32, #tpu.memory_space<vmem>>
      %dma_start3A_583 = arith.constant 0 : i32
      %dma_start3A_584 = tpu.memref_slice %dma_start3A_582[%mul3A_567, %dma_start3A_583] : memref<256x64xf32, #tpu.memory_space<vmem>> -> memref<8x64xf32, #tpu.memory_space<vmem>>
      %dma_start3A_585 = arith.constant 0 : i32
      %dma_start3A_586 = arith.constant 0 : i32
      %dma_start3A_587 = tpu.memref_slice %arg3[%reduce_max3A_561, %dma_start3A_585, %dma_start3A_586] : memref<100000x8x64xf32, #tpu.memory_space<hbm>> -> memref<1x8x64xf32, #tpu.memory_space<hbm>>
      %dma_start3A_588 = tpu.memref_squeeze %dma_start3A_587 : memref<1x8x64xf32, #tpu.memory_space<hbm>> -> memref<8x64xf32, #tpu.memory_space<hbm>>
      tpu.enqueue_dma source(%dma_start3A_588 : memref<8x64xf32, #tpu.memory_space<hbm>>) target(%dma_start3A_584 : memref<8x64xf32, #tpu.memory_space<vmem>>) target_semaphore(%arg7 : memref<!tpu.dma_semaphore, #tpu.memory_space<semaphore_mem>>)
      %eq3A_589 = arith.constant 12 : i32
      %eq3A_590 = vector.broadcast %eq3A_589 : i32 to vector<16xi32>
      %eq3A_591 = arith.cmpi eq, %iota3A, %eq3A_590 : vector<16xi32>
      %jit3A_592 = arith.constant -1 : i32
      %broadcast_in_dim3A_593 = vector.broadcast %jit3A_592 : i32 to vector<16xi32>
      %select_n3A_594 = arith.select %eq3A_591, %get3A_101, %broadcast_in_dim3A_593 : vector<16xi1>, vector<16xi32>
      %reduce_max3A_595 = arith.constant true
      %reduce_max3A_596 = vector.broadcast %reduce_max3A_595 : i1 to vector<16xi1>
      %reduce_max3A_597 = arith.constant -2147483648 : i32
      %reduce_max3A_598 = vector.broadcast %reduce_max3A_597 : i32 to vector<16xi32>
      %reduce_max3A_599 = arith.xori %select_n3A_594, %reduce_max3A_598 : vector<16xi32>
      %reduce_max3A_600 = tpu.scan <max>, %reduce_max3A_599 masked %reduce_max3A_596 : vector<16xi32>, vector<16xi1> -> vector<16xi32>
      %reduce_max3A_601 = arith.xori %reduce_max3A_600, %reduce_max3A_598 : vector<16xi32>
      %reduce_max3A_602 = vector.extract %reduce_max3A_601[15] : i32 from vector<16xi32>
      %mul3A_603 = arith.constant 16 : i32
      %mul3A_604 = arith.muli %add3A_96, %mul3A_603 : i32
      %add3A_605 = arith.constant 12 : i32
      %add3A_606 = arith.addi %mul3A_604, %add3A_605 : i32
      %mul3A_607 = arith.constant 8 : i32
      %mul3A_608 = arith.muli %add3A_606, %mul3A_607 : i32
      %dma_start3A_609 = arith.constant 0 : i32
      %dma_start3A_610 = arith.constant 0 : i32
      %dma_start3A_611 = arith.constant 0 : i32
      %dma_start3A_612 = tpu.memref_slice %arg6[%dma_start3A_609, %dma_start3A_610, %dma_start3A_611] : memref<3x256x64xf32, #tpu.memory_space<vmem>> -> memref<1x256x64xf32, #tpu.memory_space<vmem>>
      %dma_start3A_613 = tpu.memref_squeeze %dma_start3A_612 : memref<1x256x64xf32, #tpu.memory_space<vmem>> -> memref<256x64xf32, #tpu.memory_space<vmem>>
      %dma_start3A_614 = arith.constant 0 : i32
      %dma_start3A_615 = tpu.memref_slice %dma_start3A_613[%mul3A_608, %dma_start3A_614] : memref<256x64xf32, #tpu.memory_space<vmem>> -> memref<8x64xf32, #tpu.memory_space<vmem>>
      %dma_start3A_616 = arith.constant 0 : i32
      %dma_start3A_617 = arith.constant 0 : i32
      %dma_start3A_618 = tpu.memref_slice %arg3[%reduce_max3A_602, %dma_start3A_616, %dma_start3A_617] : memref<100000x8x64xf32, #tpu.memory_space<hbm>> -> memref<1x8x64xf32, #tpu.memory_space<hbm>>
      %dma_start3A_619 = tpu.memref_squeeze %dma_start3A_618 : memref<1x8x64xf32, #tpu.memory_space<hbm>> -> memref<8x64xf32, #tpu.memory_space<hbm>>
      %dma_start3A_620 = arith.constant 0 : i32
      %dma_start3A_621 = arith.constant 0 : i32
      %dma_start3A_622 = tpu.memref_slice %arg6[%dma_start3A_609, %dma_start3A_620, %dma_start3A_621] : memref<3x256x64xf32, #tpu.memory_space<vmem>> -> memref<1x256x64xf32, #tpu.memory_space<vmem>>
      %dma_start3A_623 = tpu.memref_squeeze %dma_start3A_622 : memref<1x256x64xf32, #tpu.memory_space<vmem>> -> memref<256x64xf32, #tpu.memory_space<vmem>>
      %dma_start3A_624 = arith.constant 0 : i32
      %dma_start3A_625 = tpu.memref_slice %dma_start3A_623[%mul3A_608, %dma_start3A_624] : memref<256x64xf32, #tpu.memory_space<vmem>> -> memref<8x64xf32, #tpu.memory_space<vmem>>
      %dma_start3A_626 = arith.constant 0 : i32
      %dma_start3A_627 = arith.constant 0 : i32
      %dma_start3A_628 = tpu.memref_slice %arg3[%reduce_max3A_602, %dma_start3A_626, %dma_start3A_627] : memref<100000x8x64xf32, #tpu.memory_space<hbm>> -> memref<1x8x64xf32, #tpu.memory_space<hbm>>
      %dma_start3A_629 = tpu.memref_squeeze %dma_start3A_628 : memref<1x8x64xf32, #tpu.memory_space<hbm>> -> memref<8x64xf32, #tpu.memory_space<hbm>>
      tpu.enqueue_dma source(%dma_start3A_629 : memref<8x64xf32, #tpu.memory_space<hbm>>) target(%dma_start3A_625 : memref<8x64xf32, #tpu.memory_space<vmem>>) target_semaphore(%arg7 : memref<!tpu.dma_semaphore, #tpu.memory_space<semaphore_mem>>)
      %eq3A_630 = arith.constant 13 : i32
      %eq3A_631 = vector.broadcast %eq3A_630 : i32 to vector<16xi32>
      %eq3A_632 = arith.cmpi eq, %iota3A, %eq3A_631 : vector<16xi32>
      %jit3A_633 = arith.constant -1 : i32
      %broadcast_in_dim3A_634 = vector.broadcast %jit3A_633 : i32 to vector<16xi32>
      %select_n3A_635 = arith.select %eq3A_632, %get3A_101, %broadcast_in_dim3A_634 : vector<16xi1>, vector<16xi32>
      %reduce_max3A_636 = arith.constant true
      %reduce_max3A_637 = vector.broadcast %reduce_max3A_636 : i1 to vector<16xi1>
      %reduce_max3A_638 = arith.constant -2147483648 : i32
      %reduce_max3A_639 = vector.broadcast %reduce_max3A_638 : i32 to vector<16xi32>
      %reduce_max3A_640 = arith.xori %select_n3A_635, %reduce_max3A_639 : vector<16xi32>
      %reduce_max3A_641 = tpu.scan <max>, %reduce_max3A_640 masked %reduce_max3A_637 : vector<16xi32>, vector<16xi1> -> vector<16xi32>
      %reduce_max3A_642 = arith.xori %reduce_max3A_641, %reduce_max3A_639 : vector<16xi32>
      %reduce_max3A_643 = vector.extract %reduce_max3A_642[15] : i32 from vector<16xi32>
      %mul3A_644 = arith.constant 16 : i32
      %mul3A_645 = arith.muli %add3A_96, %mul3A_644 : i32
      %add3A_646 = arith.constant 13 : i32
      %add3A_647 = arith.addi %mul3A_645, %add3A_646 : i32
      %mul3A_648 = arith.constant 8 : i32
      %mul3A_649 = arith.muli %add3A_647, %mul3A_648 : i32
      %dma_start3A_650 = arith.constant 0 : i32
      %dma_start3A_651 = arith.constant 0 : i32
      %dma_start3A_652 = arith.constant 0 : i32
      %dma_start3A_653 = tpu.memref_slice %arg6[%dma_start3A_650, %dma_start3A_651, %dma_start3A_652] : memref<3x256x64xf32, #tpu.memory_space<vmem>> -> memref<1x256x64xf32, #tpu.memory_space<vmem>>
      %dma_start3A_654 = tpu.memref_squeeze %dma_start3A_653 : memref<1x256x64xf32, #tpu.memory_space<vmem>> -> memref<256x64xf32, #tpu.memory_space<vmem>>
      %dma_start3A_655 = arith.constant 0 : i32
      %dma_start3A_656 = tpu.memref_slice %dma_start3A_654[%mul3A_649, %dma_start3A_655] : memref<256x64xf32, #tpu.memory_space<vmem>> -> memref<8x64xf32, #tpu.memory_space<vmem>>
      %dma_start3A_657 = arith.constant 0 : i32
      %dma_start3A_658 = arith.constant 0 : i32
      %dma_start3A_659 = tpu.memref_slice %arg3[%reduce_max3A_643, %dma_start3A_657, %dma_start3A_658] : memref<100000x8x64xf32, #tpu.memory_space<hbm>> -> memref<1x8x64xf32, #tpu.memory_space<hbm>>
      %dma_start3A_660 = tpu.memref_squeeze %dma_start3A_659 : memref<1x8x64xf32, #tpu.memory_space<hbm>> -> memref<8x64xf32, #tpu.memory_space<hbm>>
      %dma_start3A_661 = arith.constant 0 : i32
      %dma_start3A_662 = arith.constant 0 : i32
      %dma_start3A_663 = tpu.memref_slice %arg6[%dma_start3A_650, %dma_start3A_661, %dma_start3A_662] : memref<3x256x64xf32, #tpu.memory_space<vmem>> -> memref<1x256x64xf32, #tpu.memory_space<vmem>>
      %dma_start3A_664 = tpu.memref_squeeze %dma_start3A_663 : memref<1x256x64xf32, #tpu.memory_space<vmem>> -> memref<256x64xf32, #tpu.memory_space<vmem>>
      %dma_start3A_665 = arith.constant 0 : i32
      %dma_start3A_666 = tpu.memref_slice %dma_start3A_664[%mul3A_649, %dma_start3A_665] : memref<256x64xf32, #tpu.memory_space<vmem>> -> memref<8x64xf32, #tpu.memory_space<vmem>>
      %dma_start3A_667 = arith.constant 0 : i32
      %dma_start3A_668 = arith.constant 0 : i32
      %dma_start3A_669 = tpu.memref_slice %arg3[%reduce_max3A_643, %dma_start3A_667, %dma_start3A_668] : memref<100000x8x64xf32, #tpu.memory_space<hbm>> -> memref<1x8x64xf32, #tpu.memory_space<hbm>>
      %dma_start3A_670 = tpu.memref_squeeze %dma_start3A_669 : memref<1x8x64xf32, #tpu.memory_space<hbm>> -> memref<8x64xf32, #tpu.memory_space<hbm>>
      tpu.enqueue_dma source(%dma_start3A_670 : memref<8x64xf32, #tpu.memory_space<hbm>>) target(%dma_start3A_666 : memref<8x64xf32, #tpu.memory_space<vmem>>) target_semaphore(%arg7 : memref<!tpu.dma_semaphore, #tpu.memory_space<semaphore_mem>>)
      %eq3A_671 = arith.constant 14 : i32
      %eq3A_672 = vector.broadcast %eq3A_671 : i32 to vector<16xi32>
      %eq3A_673 = arith.cmpi eq, %iota3A, %eq3A_672 : vector<16xi32>
      %jit3A_674 = arith.constant -1 : i32
      %broadcast_in_dim3A_675 = vector.broadcast %jit3A_674 : i32 to vector<16xi32>
      %select_n3A_676 = arith.select %eq3A_673, %get3A_101, %broadcast_in_dim3A_675 : vector<16xi1>, vector<16xi32>
      %reduce_max3A_677 = arith.constant true
      %reduce_max3A_678 = vector.broadcast %reduce_max3A_677 : i1 to vector<16xi1>
      %reduce_max3A_679 = arith.constant -2147483648 : i32
      %reduce_max3A_680 = vector.broadcast %reduce_max3A_679 : i32 to vector<16xi32>
      %reduce_max3A_681 = arith.xori %select_n3A_676, %reduce_max3A_680 : vector<16xi32>
      %reduce_max3A_682 = tpu.scan <max>, %reduce_max3A_681 masked %reduce_max3A_678 : vector<16xi32>, vector<16xi1> -> vector<16xi32>
      %reduce_max3A_683 = arith.xori %reduce_max3A_682, %reduce_max3A_680 : vector<16xi32>
      %reduce_max3A_684 = vector.extract %reduce_max3A_683[15] : i32 from vector<16xi32>
      %mul3A_685 = arith.constant 16 : i32
      %mul3A_686 = arith.muli %add3A_96, %mul3A_685 : i32
      %add3A_687 = arith.constant 14 : i32
      %add3A_688 = arith.addi %mul3A_686, %add3A_687 : i32
      %mul3A_689 = arith.constant 8 : i32
      %mul3A_690 = arith.muli %add3A_688, %mul3A_689 : i32
      %dma_start3A_691 = arith.constant 0 : i32
      %dma_start3A_692 = arith.constant 0 : i32
      %dma_start3A_693 = arith.constant 0 : i32
      %dma_start3A_694 = tpu.memref_slice %arg6[%dma_start3A_691, %dma_start3A_692, %dma_start3A_693] : memref<3x256x64xf32, #tpu.memory_space<vmem>> -> memref<1x256x64xf32, #tpu.memory_space<vmem>>
      %dma_start3A_695 = tpu.memref_squeeze %dma_start3A_694 : memref<1x256x64xf32, #tpu.memory_space<vmem>> -> memref<256x64xf32, #tpu.memory_space<vmem>>
      %dma_start3A_696 = arith.constant 0 : i32
      %dma_start3A_697 = tpu.memref_slice %dma_start3A_695[%mul3A_690, %dma_start3A_696] : memref<256x64xf32, #tpu.memory_space<vmem>> -> memref<8x64xf32, #tpu.memory_space<vmem>>
      %dma_start3A_698 = arith.constant 0 : i32
      %dma_start3A_699 = arith.constant 0 : i32
      %dma_start3A_700 = tpu.memref_slice %arg3[%reduce_max3A_684, %dma_start3A_698, %dma_start3A_699] : memref<100000x8x64xf32, #tpu.memory_space<hbm>> -> memref<1x8x64xf32, #tpu.memory_space<hbm>>
      %dma_start3A_701 = tpu.memref_squeeze %dma_start3A_700 : memref<1x8x64xf32, #tpu.memory_space<hbm>> -> memref<8x64xf32, #tpu.memory_space<hbm>>
      %dma_start3A_702 = arith.constant 0 : i32
      %dma_start3A_703 = arith.constant 0 : i32
      %dma_start3A_704 = tpu.memref_slice %arg6[%dma_start3A_691, %dma_start3A_702, %dma_start3A_703] : memref<3x256x64xf32, #tpu.memory_space<vmem>> -> memref<1x256x64xf32, #tpu.memory_space<vmem>>
      %dma_start3A_705 = tpu.memref_squeeze %dma_start3A_704 : memref<1x256x64xf32, #tpu.memory_space<vmem>> -> memref<256x64xf32, #tpu.memory_space<vmem>>
      %dma_start3A_706 = arith.constant 0 : i32
      %dma_start3A_707 = tpu.memref_slice %dma_start3A_705[%mul3A_690, %dma_start3A_706] : memref<256x64xf32, #tpu.memory_space<vmem>> -> memref<8x64xf32, #tpu.memory_space<vmem>>
      %dma_start3A_708 = arith.constant 0 : i32
      %dma_start3A_709 = arith.constant 0 : i32
      %dma_start3A_710 = tpu.memref_slice %arg3[%reduce_max3A_684, %dma_start3A_708, %dma_start3A_709] : memref<100000x8x64xf32, #tpu.memory_space<hbm>> -> memref<1x8x64xf32, #tpu.memory_space<hbm>>
      %dma_start3A_711 = tpu.memref_squeeze %dma_start3A_710 : memref<1x8x64xf32, #tpu.memory_space<hbm>> -> memref<8x64xf32, #tpu.memory_space<hbm>>
      tpu.enqueue_dma source(%dma_start3A_711 : memref<8x64xf32, #tpu.memory_space<hbm>>) target(%dma_start3A_707 : memref<8x64xf32, #tpu.memory_space<vmem>>) target_semaphore(%arg7 : memref<!tpu.dma_semaphore, #tpu.memory_space<semaphore_mem>>)
      %eq3A_712 = arith.constant 15 : i32
      %eq3A_713 = vector.broadcast %eq3A_712 : i32 to vector<16xi32>
      %eq3A_714 = arith.cmpi eq, %iota3A, %eq3A_713 : vector<16xi32>
      %jit3A_715 = arith.constant -1 : i32
      %broadcast_in_dim3A_716 = vector.broadcast %jit3A_715 : i32 to vector<16xi32>
      %select_n3A_717 = arith.select %eq3A_714, %get3A_101, %broadcast_in_dim3A_716 : vector<16xi1>, vector<16xi32>
      %reduce_max3A_718 = arith.constant true
      %reduce_max3A_719 = vector.broadcast %reduce_max3A_718 : i1 to vector<16xi1>
      %reduce_max3A_720 = arith.constant -2147483648 : i32
      %reduce_max3A_721 = vector.broadcast %reduce_max3A_720 : i32 to vector<16xi32>
      %reduce_max3A_722 = arith.xori %select_n3A_717, %reduce_max3A_721 : vector<16xi32>
      %reduce_max3A_723 = tpu.scan <max>, %reduce_max3A_722 masked %reduce_max3A_719 : vector<16xi32>, vector<16xi1> -> vector<16xi32>
      %reduce_max3A_724 = arith.xori %reduce_max3A_723, %reduce_max3A_721 : vector<16xi32>
      %reduce_max3A_725 = vector.extract %reduce_max3A_724[15] : i32 from vector<16xi32>
      %mul3A_726 = arith.constant 16 : i32
      %mul3A_727 = arith.muli %add3A_96, %mul3A_726 : i32
      %add3A_728 = arith.constant 15 : i32
      %add3A_729 = arith.addi %mul3A_727, %add3A_728 : i32
      %mul3A_730 = arith.constant 8 : i32
      %mul3A_731 = arith.muli %add3A_729, %mul3A_730 : i32
      %dma_start3A_732 = arith.constant 0 : i32
      %dma_start3A_733 = arith.constant 0 : i32
      %dma_start3A_734 = arith.constant 0 : i32
      %dma_start3A_735 = tpu.memref_slice %arg6[%dma_start3A_732, %dma_start3A_733, %dma_start3A_734] : memref<3x256x64xf32, #tpu.memory_space<vmem>> -> memref<1x256x64xf32, #tpu.memory_space<vmem>>
      %dma_start3A_736 = tpu.memref_squeeze %dma_start3A_735 : memref<1x256x64xf32, #tpu.memory_space<vmem>> -> memref<256x64xf32, #tpu.memory_space<vmem>>
      %dma_start3A_737 = arith.constant 0 : i32
      %dma_start3A_738 = tpu.memref_slice %dma_start3A_736[%mul3A_731, %dma_start3A_737] : memref<256x64xf32, #tpu.memory_space<vmem>> -> memref<8x64xf32, #tpu.memory_space<vmem>>
      %dma_start3A_739 = arith.constant 0 : i32
      %dma_start3A_740 = arith.constant 0 : i32
      %dma_start3A_741 = tpu.memref_slice %arg3[%reduce_max3A_725, %dma_start3A_739, %dma_start3A_740] : memref<100000x8x64xf32, #tpu.memory_space<hbm>> -> memref<1x8x64xf32, #tpu.memory_space<hbm>>
      %dma_start3A_742 = tpu.memref_squeeze %dma_start3A_741 : memref<1x8x64xf32, #tpu.memory_space<hbm>> -> memref<8x64xf32, #tpu.memory_space<hbm>>
      %dma_start3A_743 = arith.constant 0 : i32
      %dma_start3A_744 = arith.constant 0 : i32
      %dma_start3A_745 = tpu.memref_slice %arg6[%dma_start3A_732, %dma_start3A_743, %dma_start3A_744] : memref<3x256x64xf32, #tpu.memory_space<vmem>> -> memref<1x256x64xf32, #tpu.memory_space<vmem>>
      %dma_start3A_746 = tpu.memref_squeeze %dma_start3A_745 : memref<1x256x64xf32, #tpu.memory_space<vmem>> -> memref<256x64xf32, #tpu.memory_space<vmem>>
      %dma_start3A_747 = arith.constant 0 : i32
      %dma_start3A_748 = tpu.memref_slice %dma_start3A_746[%mul3A_731, %dma_start3A_747] : memref<256x64xf32, #tpu.memory_space<vmem>> -> memref<8x64xf32, #tpu.memory_space<vmem>>
      %dma_start3A_749 = arith.constant 0 : i32
      %dma_start3A_750 = arith.constant 0 : i32
      %dma_start3A_751 = tpu.memref_slice %arg3[%reduce_max3A_725, %dma_start3A_749, %dma_start3A_750] : memref<100000x8x64xf32, #tpu.memory_space<hbm>> -> memref<1x8x64xf32, #tpu.memory_space<hbm>>
      %dma_start3A_752 = tpu.memref_squeeze %dma_start3A_751 : memref<1x8x64xf32, #tpu.memory_space<hbm>> -> memref<8x64xf32, #tpu.memory_space<hbm>>
      tpu.enqueue_dma source(%dma_start3A_752 : memref<8x64xf32, #tpu.memory_space<hbm>>) target(%dma_start3A_748 : memref<8x64xf32, #tpu.memory_space<vmem>>) target_semaphore(%arg7 : memref<!tpu.dma_semaphore, #tpu.memory_space<semaphore_mem>>)
    }
    %scan3A_6 = arith.constant 2 : i32
    %scan3A_7 = arith.constant 0 : i32
    %scan3A_8 = arith.constant 2 : i32
    %scan3A_9 = arith.addi %scan3A_7, %scan3A_8 : i32
    %scan3A_10 = arith.constant 1 : i32
    scf.for %scan3A_92 = %scan3A_7 to %scan3A_9 step %scan3A_10  : i32 {
      %mul3A_93 = arith.constant 1 : i32
      %mul3A_94 = arith.muli %scan3A_92, %mul3A_93 : i32
      %add3A_95 = arith.constant 0 : i32
      %add3A_96 = arith.addi %add3A_95, %mul3A_94 : i32
      %mul3A_97 = arith.constant 16 : i32
      %mul3A_98 = arith.muli %add3A_96, %mul3A_97 : i32
      %add3A_99 = arith.constant 32 : i32
      %add3A_100 = arith.addi %add3A_99, %mul3A_98 : i32
      %get3A = arith.index_cast %add3A_100 : i32 to index
      %get3A_101 = tpu.vector_load %arg5[%get3A] {strides = array<i32>} : memref<512xi32, #tpu.memory_space<vmem>>, vector<16xi32>,
      %eq3A = arith.constant 0 : i32
      %eq3A_102 = vector.broadcast %eq3A : i32 to vector<16xi32>
      %eq3A_103 = arith.cmpi eq, %iota3A, %eq3A_102 : vector<16xi32>
      %jit3A = arith.constant -1 : i32
      %broadcast_in_dim3A = vector.broadcast %jit3A : i32 to vector<16xi32>
      %select_n3A = arith.select %eq3A_103, %get3A_101, %broadcast_in_dim3A : vector<16xi1>, vector<16xi32>
      %reduce_max3A = arith.constant true
      %reduce_max3A_104 = vector.broadcast %reduce_max3A : i1 to vector<16xi1>
      %reduce_max3A_105 = arith.constant -2147483648 : i32
      %reduce_max3A_106 = vector.broadcast %reduce_max3A_105 : i32 to vector<16xi32>
      %reduce_max3A_107 = arith.xori %select_n3A, %reduce_max3A_106 : vector<16xi32>
      %reduce_max3A_108 = tpu.scan <max>, %reduce_max3A_107 masked %reduce_max3A_104 : vector<16xi32>, vector<16xi1> -> vector<16xi32>
      %reduce_max3A_109 = arith.xori %reduce_max3A_108, %reduce_max3A_106 : vector<16xi32>
      %reduce_max3A_110 = vector.extract %reduce_max3A_109[15] : i32 from vector<16xi32>
      %mul3A_111 = arith.constant 16 : i32
      %mul3A_112 = arith.muli %add3A_96, %mul3A_111 : i32
      %add3A_113 = arith.constant 0 : i32
      %add3A_114 = arith.addi %mul3A_112, %add3A_113 : i32
      %mul3A_115 = arith.constant 8 : i32
      %mul3A_116 = arith.muli %add3A_114, %mul3A_115 : i32
      %dma_start3A_117 = arith.constant 1 : i32
      %dma_start3A_118 = arith.constant 0 : i32
      %dma_start3A_119 = arith.constant 0 : i32
      %dma_start3A_120 = tpu.memref_slice %arg6[%dma_start3A_117, %dma_start3A_118, %dma_start3A_119] : memref<3x256x64xf32, #tpu.memory_space<vmem>> -> memref<1x256x64xf32, #tpu.memory_space<vmem>>
      %dma_start3A_121 = tpu.memref_squeeze %dma_start3A_120 : memref<1x256x64xf32, #tpu.memory_space<vmem>> -> memref<256x64xf32, #tpu.memory_space<vmem>>
      %dma_start3A_122 = arith.constant 0 : i32
      %dma_start3A_123 = tpu.memref_slice %dma_start3A_121[%mul3A_116, %dma_start3A_122] : memref<256x64xf32, #tpu.memory_space<vmem>> -> memref<8x64xf32, #tpu.memory_space<vmem>>
      %dma_start3A_124 = arith.constant 0 : i32
      %dma_start3A_125 = arith.constant 0 : i32
      %dma_start3A_126 = tpu.memref_slice %arg3[%reduce_max3A_110, %dma_start3A_124, %dma_start3A_125] : memref<100000x8x64xf32, #tpu.memory_space<hbm>> -> memref<1x8x64xf32, #tpu.memory_space<hbm>>
      %dma_start3A_127 = tpu.memref_squeeze %dma_start3A_126 : memref<1x8x64xf32, #tpu.memory_space<hbm>> -> memref<8x64xf32, #tpu.memory_space<hbm>>
      %dma_start3A_128 = arith.constant 0 : i32
      %dma_start3A_129 = arith.constant 0 : i32
      %dma_start3A_130 = tpu.memref_slice %arg6[%dma_start3A_117, %dma_start3A_128, %dma_start3A_129] : memref<3x256x64xf32, #tpu.memory_space<vmem>> -> memref<1x256x64xf32, #tpu.memory_space<vmem>>
      %dma_start3A_131 = tpu.memref_squeeze %dma_start3A_130 : memref<1x256x64xf32, #tpu.memory_space<vmem>> -> memref<256x64xf32, #tpu.memory_space<vmem>>
      %dma_start3A_132 = arith.constant 0 : i32
      %dma_start3A_133 = tpu.memref_slice %dma_start3A_131[%mul3A_116, %dma_start3A_132] : memref<256x64xf32, #tpu.memory_space<vmem>> -> memref<8x64xf32, #tpu.memory_space<vmem>>
      %dma_start3A_134 = arith.constant 0 : i32
      %dma_start3A_135 = arith.constant 0 : i32
      %dma_start3A_136 = tpu.memref_slice %arg3[%reduce_max3A_110, %dma_start3A_134, %dma_start3A_135] : memref<100000x8x64xf32, #tpu.memory_space<hbm>> -> memref<1x8x64xf32, #tpu.memory_space<hbm>>
      %dma_start3A_137 = tpu.memref_squeeze %dma_start3A_136 : memref<1x8x64xf32, #tpu.memory_space<hbm>> -> memref<8x64xf32, #tpu.memory_space<hbm>>
      tpu.enqueue_dma source(%dma_start3A_137 : memref<8x64xf32, #tpu.memory_space<hbm>>) target(%dma_start3A_133 : memref<8x64xf32, #tpu.memory_space<vmem>>) target_semaphore(%arg8 : memref<!tpu.dma_semaphore, #tpu.memory_space<semaphore_mem>>)
      %eq3A_138 = arith.constant 1 : i32
      %eq3A_139 = vector.broadcast %eq3A_138 : i32 to vector<16xi32>
      %eq3A_140 = arith.cmpi eq, %iota3A, %eq3A_139 : vector<16xi32>
      %jit3A_141 = arith.constant -1 : i32
      %broadcast_in_dim3A_142 = vector.broadcast %jit3A_141 : i32 to vector<16xi32>
      %select_n3A_143 = arith.select %eq3A_140, %get3A_101, %broadcast_in_dim3A_142 : vector<16xi1>, vector<16xi32>
      %reduce_max3A_144 = arith.constant true
      %reduce_max3A_145 = vector.broadcast %reduce_max3A_144 : i1 to vector<16xi1>
      %reduce_max3A_146 = arith.constant -2147483648 : i32
      %reduce_max3A_147 = vector.broadcast %reduce_max3A_146 : i32 to vector<16xi32>
      %reduce_max3A_148 = arith.xori %select_n3A_143, %reduce_max3A_147 : vector<16xi32>
      %reduce_max3A_149 = tpu.scan <max>, %reduce_max3A_148 masked %reduce_max3A_145 : vector<16xi32>, vector<16xi1> -> vector<16xi32>
      %reduce_max3A_150 = arith.xori %reduce_max3A_149, %reduce_max3A_147 : vector<16xi32>
      %reduce_max3A_151 = vector.extract %reduce_max3A_150[15] : i32 from vector<16xi32>
      %mul3A_152 = arith.constant 16 : i32
      %mul3A_153 = arith.muli %add3A_96, %mul3A_152 : i32
      %add3A_154 = arith.constant 1 : i32
      %add3A_155 = arith.addi %mul3A_153, %add3A_154 : i32
      %mul3A_156 = arith.constant 8 : i32
      %mul3A_157 = arith.muli %add3A_155, %mul3A_156 : i32
      %dma_start3A_158 = arith.constant 1 : i32
      %dma_start3A_159 = arith.constant 0 : i32
      %dma_start3A_160 = arith.constant 0 : i32
      %dma_start3A_161 = tpu.memref_slice %arg6[%dma_start3A_158, %dma_start3A_159, %dma_start3A_160] : memref<3x256x64xf32, #tpu.memory_space<vmem>> -> memref<1x256x64xf32, #tpu.memory_space<vmem>>
      %dma_start3A_162 = tpu.memref_squeeze %dma_start3A_161 : memref<1x256x64xf32, #tpu.memory_space<vmem>> -> memref<256x64xf32, #tpu.memory_space<vmem>>
      %dma_start3A_163 = arith.constant 0 : i32
      %dma_start3A_164 = tpu.memref_slice %dma_start3A_162[%mul3A_157, %dma_start3A_163] : memref<256x64xf32, #tpu.memory_space<vmem>> -> memref<8x64xf32, #tpu.memory_space<vmem>>
      %dma_start3A_165 = arith.constant 0 : i32
      %dma_start3A_166 = arith.constant 0 : i32
      %dma_start3A_167 = tpu.memref_slice %arg3[%reduce_max3A_151, %dma_start3A_165, %dma_start3A_166] : memref<100000x8x64xf32, #tpu.memory_space<hbm>> -> memref<1x8x64xf32, #tpu.memory_space<hbm>>
      %dma_start3A_168 = tpu.memref_squeeze %dma_start3A_167 : memref<1x8x64xf32, #tpu.memory_space<hbm>> -> memref<8x64xf32, #tpu.memory_space<hbm>>
      %dma_start3A_169 = arith.constant 0 : i32
      %dma_start3A_170 = arith.constant 0 : i32
      %dma_start3A_171 = tpu.memref_slice %arg6[%dma_start3A_158, %dma_start3A_169, %dma_start3A_170] : memref<3x256x64xf32, #tpu.memory_space<vmem>> -> memref<1x256x64xf32, #tpu.memory_space<vmem>>
      %dma_start3A_172 = tpu.memref_squeeze %dma_start3A_171 : memref<1x256x64xf32, #tpu.memory_space<vmem>> -> memref<256x64xf32, #tpu.memory_space<vmem>>
      %dma_start3A_173 = arith.constant 0 : i32
      %dma_start3A_174 = tpu.memref_slice %dma_start3A_172[%mul3A_157, %dma_start3A_173] : memref<256x64xf32, #tpu.memory_space<vmem>> -> memref<8x64xf32, #tpu.memory_space<vmem>>
      %dma_start3A_175 = arith.constant 0 : i32
      %dma_start3A_176 = arith.constant 0 : i32
      %dma_start3A_177 = tpu.memref_slice %arg3[%reduce_max3A_151, %dma_start3A_175, %dma_start3A_176] : memref<100000x8x64xf32, #tpu.memory_space<hbm>> -> memref<1x8x64xf32, #tpu.memory_space<hbm>>
      %dma_start3A_178 = tpu.memref_squeeze %dma_start3A_177 : memref<1x8x64xf32, #tpu.memory_space<hbm>> -> memref<8x64xf32, #tpu.memory_space<hbm>>
      tpu.enqueue_dma source(%dma_start3A_178 : memref<8x64xf32, #tpu.memory_space<hbm>>) target(%dma_start3A_174 : memref<8x64xf32, #tpu.memory_space<vmem>>) target_semaphore(%arg8 : memref<!tpu.dma_semaphore, #tpu.memory_space<semaphore_mem>>)
      %eq3A_179 = arith.constant 2 : i32
      %eq3A_180 = vector.broadcast %eq3A_179 : i32 to vector<16xi32>
      %eq3A_181 = arith.cmpi eq, %iota3A, %eq3A_180 : vector<16xi32>
      %jit3A_182 = arith.constant -1 : i32
      %broadcast_in_dim3A_183 = vector.broadcast %jit3A_182 : i32 to vector<16xi32>
      %select_n3A_184 = arith.select %eq3A_181, %get3A_101, %broadcast_in_dim3A_183 : vector<16xi1>, vector<16xi32>
      %reduce_max3A_185 = arith.constant true
      %reduce_max3A_186 = vector.broadcast %reduce_max3A_185 : i1 to vector<16xi1>
      %reduce_max3A_187 = arith.constant -2147483648 : i32
      %reduce_max3A_188 = vector.broadcast %reduce_max3A_187 : i32 to vector<16xi32>
      %reduce_max3A_189 = arith.xori %select_n3A_184, %reduce_max3A_188 : vector<16xi32>
      %reduce_max3A_190 = tpu.scan <max>, %reduce_max3A_189 masked %reduce_max3A_186 : vector<16xi32>, vector<16xi1> -> vector<16xi32>
      %reduce_max3A_191 = arith.xori %reduce_max3A_190, %reduce_max3A_188 : vector<16xi32>
      %reduce_max3A_192 = vector.extract %reduce_max3A_191[15] : i32 from vector<16xi32>
      %mul3A_193 = arith.constant 16 : i32
      %mul3A_194 = arith.muli %add3A_96, %mul3A_193 : i32
      %add3A_195 = arith.constant 2 : i32
      %add3A_196 = arith.addi %mul3A_194, %add3A_195 : i32
      %mul3A_197 = arith.constant 8 : i32
      %mul3A_198 = arith.muli %add3A_196, %mul3A_197 : i32
      %dma_start3A_199 = arith.constant 1 : i32
      %dma_start3A_200 = arith.constant 0 : i32
      %dma_start3A_201 = arith.constant 0 : i32
      %dma_start3A_202 = tpu.memref_slice %arg6[%dma_start3A_199, %dma_start3A_200, %dma_start3A_201] : memref<3x256x64xf32, #tpu.memory_space<vmem>> -> memref<1x256x64xf32, #tpu.memory_space<vmem>>
      %dma_start3A_203 = tpu.memref_squeeze %dma_start3A_202 : memref<1x256x64xf32, #tpu.memory_space<vmem>> -> memref<256x64xf32, #tpu.memory_space<vmem>>
      %dma_start3A_204 = arith.constant 0 : i32
      %dma_start3A_205 = tpu.memref_slice %dma_start3A_203[%mul3A_198, %dma_start3A_204] : memref<256x64xf32, #tpu.memory_space<vmem>> -> memref<8x64xf32, #tpu.memory_space<vmem>>
      %dma_start3A_206 = arith.constant 0 : i32
      %dma_start3A_207 = arith.constant 0 : i32
      %dma_start3A_208 = tpu.memref_slice %arg3[%reduce_max3A_192, %dma_start3A_206, %dma_start3A_207] : memref<100000x8x64xf32, #tpu.memory_space<hbm>> -> memref<1x8x64xf32, #tpu.memory_space<hbm>>
      %dma_start3A_209 = tpu.memref_squeeze %dma_start3A_208 : memref<1x8x64xf32, #tpu.memory_space<hbm>> -> memref<8x64xf32, #tpu.memory_space<hbm>>
      %dma_start3A_210 = arith.constant 0 : i32
      %dma_start3A_211 = arith.constant 0 : i32
      %dma_start3A_212 = tpu.memref_slice %arg6[%dma_start3A_199, %dma_start3A_210, %dma_start3A_211] : memref<3x256x64xf32, #tpu.memory_space<vmem>> -> memref<1x256x64xf32, #tpu.memory_space<vmem>>
      %dma_start3A_213 = tpu.memref_squeeze %dma_start3A_212 : memref<1x256x64xf32, #tpu.memory_space<vmem>> -> memref<256x64xf32, #tpu.memory_space<vmem>>
      %dma_start3A_214 = arith.constant 0 : i32
      %dma_start3A_215 = tpu.memref_slice %dma_start3A_213[%mul3A_198, %dma_start3A_214] : memref<256x64xf32, #tpu.memory_space<vmem>> -> memref<8x64xf32, #tpu.memory_space<vmem>>
      %dma_start3A_216 = arith.constant 0 : i32
      %dma_start3A_217 = arith.constant 0 : i32
      %dma_start3A_218 = tpu.memref_slice %arg3[%reduce_max3A_192, %dma_start3A_216, %dma_start3A_217] : memref<100000x8x64xf32, #tpu.memory_space<hbm>> -> memref<1x8x64xf32, #tpu.memory_space<hbm>>
      %dma_start3A_219 = tpu.memref_squeeze %dma_start3A_218 : memref<1x8x64xf32, #tpu.memory_space<hbm>> -> memref<8x64xf32, #tpu.memory_space<hbm>>
      tpu.enqueue_dma source(%dma_start3A_219 : memref<8x64xf32, #tpu.memory_space<hbm>>) target(%dma_start3A_215 : memref<8x64xf32, #tpu.memory_space<vmem>>) target_semaphore(%arg8 : memref<!tpu.dma_semaphore, #tpu.memory_space<semaphore_mem>>)
      %eq3A_220 = arith.constant 3 : i32
      %eq3A_221 = vector.broadcast %eq3A_220 : i32 to vector<16xi32>
      %eq3A_222 = arith.cmpi eq, %iota3A, %eq3A_221 : vector<16xi32>
      %jit3A_223 = arith.constant -1 : i32
      %broadcast_in_dim3A_224 = vector.broadcast %jit3A_223 : i32 to vector<16xi32>
      %select_n3A_225 = arith.select %eq3A_222, %get3A_101, %broadcast_in_dim3A_224 : vector<16xi1>, vector<16xi32>
      %reduce_max3A_226 = arith.constant true
      %reduce_max3A_227 = vector.broadcast %reduce_max3A_226 : i1 to vector<16xi1>
      %reduce_max3A_228 = arith.constant -2147483648 : i32
      %reduce_max3A_229 = vector.broadcast %reduce_max3A_228 : i32 to vector<16xi32>
      %reduce_max3A_230 = arith.xori %select_n3A_225, %reduce_max3A_229 : vector<16xi32>
      %reduce_max3A_231 = tpu.scan <max>, %reduce_max3A_230 masked %reduce_max3A_227 : vector<16xi32>, vector<16xi1> -> vector<16xi32>
      %reduce_max3A_232 = arith.xori %reduce_max3A_231, %reduce_max3A_229 : vector<16xi32>
      %reduce_max3A_233 = vector.extract %reduce_max3A_232[15] : i32 from vector<16xi32>
      %mul3A_234 = arith.constant 16 : i32
      %mul3A_235 = arith.muli %add3A_96, %mul3A_234 : i32
      %add3A_236 = arith.constant 3 : i32
      %add3A_237 = arith.addi %mul3A_235, %add3A_236 : i32
      %mul3A_238 = arith.constant 8 : i32
      %mul3A_239 = arith.muli %add3A_237, %mul3A_238 : i32
      %dma_start3A_240 = arith.constant 1 : i32
      %dma_start3A_241 = arith.constant 0 : i32
      %dma_start3A_242 = arith.constant 0 : i32
      %dma_start3A_243 = tpu.memref_slice %arg6[%dma_start3A_240, %dma_start3A_241, %dma_start3A_242] : memref<3x256x64xf32, #tpu.memory_space<vmem>> -> memref<1x256x64xf32, #tpu.memory_space<vmem>>
      %dma_start3A_244 = tpu.memref_squeeze %dma_start3A_243 : memref<1x256x64xf32, #tpu.memory_space<vmem>> -> memref<256x64xf32, #tpu.memory_space<vmem>>
      %dma_start3A_245 = arith.constant 0 : i32
      %dma_start3A_246 = tpu.memref_slice %dma_start3A_244[%mul3A_239, %dma_start3A_245] : memref<256x64xf32, #tpu.memory_space<vmem>> -> memref<8x64xf32, #tpu.memory_space<vmem>>
      %dma_start3A_247 = arith.constant 0 : i32
      %dma_start3A_248 = arith.constant 0 : i32
      %dma_start3A_249 = tpu.memref_slice %arg3[%reduce_max3A_233, %dma_start3A_247, %dma_start3A_248] : memref<100000x8x64xf32, #tpu.memory_space<hbm>> -> memref<1x8x64xf32, #tpu.memory_space<hbm>>
      %dma_start3A_250 = tpu.memref_squeeze %dma_start3A_249 : memref<1x8x64xf32, #tpu.memory_space<hbm>> -> memref<8x64xf32, #tpu.memory_space<hbm>>
      %dma_start3A_251 = arith.constant 0 : i32
      %dma_start3A_252 = arith.constant 0 : i32
      %dma_start3A_253 = tpu.memref_slice %arg6[%dma_start3A_240, %dma_start3A_251, %dma_start3A_252] : memref<3x256x64xf32, #tpu.memory_space<vmem>> -> memref<1x256x64xf32, #tpu.memory_space<vmem>>
      %dma_start3A_254 = tpu.memref_squeeze %dma_start3A_253 : memref<1x256x64xf32, #tpu.memory_space<vmem>> -> memref<256x64xf32, #tpu.memory_space<vmem>>
      %dma_start3A_255 = arith.constant 0 : i32
      %dma_start3A_256 = tpu.memref_slice %dma_start3A_254[%mul3A_239, %dma_start3A_255] : memref<256x64xf32, #tpu.memory_space<vmem>> -> memref<8x64xf32, #tpu.memory_space<vmem>>
      %dma_start3A_257 = arith.constant 0 : i32
      %dma_start3A_258 = arith.constant 0 : i32
      %dma_start3A_259 = tpu.memref_slice %arg3[%reduce_max3A_233, %dma_start3A_257, %dma_start3A_258] : memref<100000x8x64xf32, #tpu.memory_space<hbm>> -> memref<1x8x64xf32, #tpu.memory_space<hbm>>
      %dma_start3A_260 = tpu.memref_squeeze %dma_start3A_259 : memref<1x8x64xf32, #tpu.memory_space<hbm>> -> memref<8x64xf32, #tpu.memory_space<hbm>>
      tpu.enqueue_dma source(%dma_start3A_260 : memref<8x64xf32, #tpu.memory_space<hbm>>) target(%dma_start3A_256 : memref<8x64xf32, #tpu.memory_space<vmem>>) target_semaphore(%arg8 : memref<!tpu.dma_semaphore, #tpu.memory_space<semaphore_mem>>)
      %eq3A_261 = arith.constant 4 : i32
      %eq3A_262 = vector.broadcast %eq3A_261 : i32 to vector<16xi32>
      %eq3A_263 = arith.cmpi eq, %iota3A, %eq3A_262 : vector<16xi32>
      %jit3A_264 = arith.constant -1 : i32
      %broadcast_in_dim3A_265 = vector.broadcast %jit3A_264 : i32 to vector<16xi32>
      %select_n3A_266 = arith.select %eq3A_263, %get3A_101, %broadcast_in_dim3A_265 : vector<16xi1>, vector<16xi32>
      %reduce_max3A_267 = arith.constant true
      %reduce_max3A_268 = vector.broadcast %reduce_max3A_267 : i1 to vector<16xi1>
      %reduce_max3A_269 = arith.constant -2147483648 : i32
      %reduce_max3A_270 = vector.broadcast %reduce_max3A_269 : i32 to vector<16xi32>
      %reduce_max3A_271 = arith.xori %select_n3A_266, %reduce_max3A_270 : vector<16xi32>
      %reduce_max3A_272 = tpu.scan <max>, %reduce_max3A_271 masked %reduce_max3A_268 : vector<16xi32>, vector<16xi1> -> vector<16xi32>
      %reduce_max3A_273 = arith.xori %reduce_max3A_272, %reduce_max3A_270 : vector<16xi32>
      %reduce_max3A_274 = vector.extract %reduce_max3A_273[15] : i32 from vector<16xi32>
      %mul3A_275 = arith.constant 16 : i32
      %mul3A_276 = arith.muli %add3A_96, %mul3A_275 : i32
      %add3A_277 = arith.constant 4 : i32
      %add3A_278 = arith.addi %mul3A_276, %add3A_277 : i32
      %mul3A_279 = arith.constant 8 : i32
      %mul3A_280 = arith.muli %add3A_278, %mul3A_279 : i32
      %dma_start3A_281 = arith.constant 1 : i32
      %dma_start3A_282 = arith.constant 0 : i32
      %dma_start3A_283 = arith.constant 0 : i32
      %dma_start3A_284 = tpu.memref_slice %arg6[%dma_start3A_281, %dma_start3A_282, %dma_start3A_283] : memref<3x256x64xf32, #tpu.memory_space<vmem>> -> memref<1x256x64xf32, #tpu.memory_space<vmem>>
      %dma_start3A_285 = tpu.memref_squeeze %dma_start3A_284 : memref<1x256x64xf32, #tpu.memory_space<vmem>> -> memref<256x64xf32, #tpu.memory_space<vmem>>
      %dma_start3A_286 = arith.constant 0 : i32
      %dma_start3A_287 = tpu.memref_slice %dma_start3A_285[%mul3A_280, %dma_start3A_286] : memref<256x64xf32, #tpu.memory_space<vmem>> -> memref<8x64xf32, #tpu.memory_space<vmem>>
      %dma_start3A_288 = arith.constant 0 : i32
      %dma_start3A_289 = arith.constant 0 : i32
      %dma_start3A_290 = tpu.memref_slice %arg3[%reduce_max3A_274, %dma_start3A_288, %dma_start3A_289] : memref<100000x8x64xf32, #tpu.memory_space<hbm>> -> memref<1x8x64xf32, #tpu.memory_space<hbm>>
      %dma_start3A_291 = tpu.memref_squeeze %dma_start3A_290 : memref<1x8x64xf32, #tpu.memory_space<hbm>> -> memref<8x64xf32, #tpu.memory_space<hbm>>
      %dma_start3A_292 = arith.constant 0 : i32
      %dma_start3A_293 = arith.constant 0 : i32
      %dma_start3A_294 = tpu.memref_slice %arg6[%dma_start3A_281, %dma_start3A_292, %dma_start3A_293] : memref<3x256x64xf32, #tpu.memory_space<vmem>> -> memref<1x256x64xf32, #tpu.memory_space<vmem>>
      %dma_start3A_295 = tpu.memref_squeeze %dma_start3A_294 : memref<1x256x64xf32, #tpu.memory_space<vmem>> -> memref<256x64xf32, #tpu.memory_space<vmem>>
      %dma_start3A_296 = arith.constant 0 : i32
      %dma_start3A_297 = tpu.memref_slice %dma_start3A_295[%mul3A_280, %dma_start3A_296] : memref<256x64xf32, #tpu.memory_space<vmem>> -> memref<8x64xf32, #tpu.memory_space<vmem>>
      %dma_start3A_298 = arith.constant 0 : i32
      %dma_start3A_299 = arith.constant 0 : i32
      %dma_start3A_300 = tpu.memref_slice %arg3[%reduce_max3A_274, %dma_start3A_298, %dma_start3A_299] : memref<100000x8x64xf32, #tpu.memory_space<hbm>> -> memref<1x8x64xf32, #tpu.memory_space<hbm>>
      %dma_start3A_301 = tpu.memref_squeeze %dma_start3A_300 : memref<1x8x64xf32, #tpu.memory_space<hbm>> -> memref<8x64xf32, #tpu.memory_space<hbm>>
      tpu.enqueue_dma source(%dma_start3A_301 : memref<8x64xf32, #tpu.memory_space<hbm>>) target(%dma_start3A_297 : memref<8x64xf32, #tpu.memory_space<vmem>>) target_semaphore(%arg8 : memref<!tpu.dma_semaphore, #tpu.memory_space<semaphore_mem>>)
      %eq3A_302 = arith.constant 5 : i32
      %eq3A_303 = vector.broadcast %eq3A_302 : i32 to vector<16xi32>
      %eq3A_304 = arith.cmpi eq, %iota3A, %eq3A_303 : vector<16xi32>
      %jit3A_305 = arith.constant -1 : i32
      %broadcast_in_dim3A_306 = vector.broadcast %jit3A_305 : i32 to vector<16xi32>
      %select_n3A_307 = arith.select %eq3A_304, %get3A_101, %broadcast_in_dim3A_306 : vector<16xi1>, vector<16xi32>
      %reduce_max3A_308 = arith.constant true
      %reduce_max3A_309 = vector.broadcast %reduce_max3A_308 : i1 to vector<16xi1>
      %reduce_max3A_310 = arith.constant -2147483648 : i32
      %reduce_max3A_311 = vector.broadcast %reduce_max3A_310 : i32 to vector<16xi32>
      %reduce_max3A_312 = arith.xori %select_n3A_307, %reduce_max3A_311 : vector<16xi32>
      %reduce_max3A_313 = tpu.scan <max>, %reduce_max3A_312 masked %reduce_max3A_309 : vector<16xi32>, vector<16xi1> -> vector<16xi32>
      %reduce_max3A_314 = arith.xori %reduce_max3A_313, %reduce_max3A_311 : vector<16xi32>
      %reduce_max3A_315 = vector.extract %reduce_max3A_314[15] : i32 from vector<16xi32>
      %mul3A_316 = arith.constant 16 : i32
      %mul3A_317 = arith.muli %add3A_96, %mul3A_316 : i32
      %add3A_318 = arith.constant 5 : i32
      %add3A_319 = arith.addi %mul3A_317, %add3A_318 : i32
      %mul3A_320 = arith.constant 8 : i32
      %mul3A_321 = arith.muli %add3A_319, %mul3A_320 : i32
      %dma_start3A_322 = arith.constant 1 : i32
      %dma_start3A_323 = arith.constant 0 : i32
      %dma_start3A_324 = arith.constant 0 : i32
      %dma_start3A_325 = tpu.memref_slice %arg6[%dma_start3A_322, %dma_start3A_323, %dma_start3A_324] : memref<3x256x64xf32, #tpu.memory_space<vmem>> -> memref<1x256x64xf32, #tpu.memory_space<vmem>>
      %dma_start3A_326 = tpu.memref_squeeze %dma_start3A_325 : memref<1x256x64xf32, #tpu.memory_space<vmem>> -> memref<256x64xf32, #tpu.memory_space<vmem>>
      %dma_start3A_327 = arith.constant 0 : i32
      %dma_start3A_328 = tpu.memref_slice %dma_start3A_326[%mul3A_321, %dma_start3A_327] : memref<256x64xf32, #tpu.memory_space<vmem>> -> memref<8x64xf32, #tpu.memory_space<vmem>>
      %dma_start3A_329 = arith.constant 0 : i32
      %dma_start3A_330 = arith.constant 0 : i32
      %dma_start3A_331 = tpu.memref_slice %arg3[%reduce_max3A_315, %dma_start3A_329, %dma_start3A_330] : memref<100000x8x64xf32, #tpu.memory_space<hbm>> -> memref<1x8x64xf32, #tpu.memory_space<hbm>>
      %dma_start3A_332 = tpu.memref_squeeze %dma_start3A_331 : memref<1x8x64xf32, #tpu.memory_space<hbm>> -> memref<8x64xf32, #tpu.memory_space<hbm>>
      %dma_start3A_333 = arith.constant 0 : i32
      %dma_start3A_334 = arith.constant 0 : i32
      %dma_start3A_335 = tpu.memref_slice %arg6[%dma_start3A_322, %dma_start3A_333, %dma_start3A_334] : memref<3x256x64xf32, #tpu.memory_space<vmem>> -> memref<1x256x64xf32, #tpu.memory_space<vmem>>
      %dma_start3A_336 = tpu.memref_squeeze %dma_start3A_335 : memref<1x256x64xf32, #tpu.memory_space<vmem>> -> memref<256x64xf32, #tpu.memory_space<vmem>>
      %dma_start3A_337 = arith.constant 0 : i32
      %dma_start3A_338 = tpu.memref_slice %dma_start3A_336[%mul3A_321, %dma_start3A_337] : memref<256x64xf32, #tpu.memory_space<vmem>> -> memref<8x64xf32, #tpu.memory_space<vmem>>
      %dma_start3A_339 = arith.constant 0 : i32
      %dma_start3A_340 = arith.constant 0 : i32
      %dma_start3A_341 = tpu.memref_slice %arg3[%reduce_max3A_315, %dma_start3A_339, %dma_start3A_340] : memref<100000x8x64xf32, #tpu.memory_space<hbm>> -> memref<1x8x64xf32, #tpu.memory_space<hbm>>
      %dma_start3A_342 = tpu.memref_squeeze %dma_start3A_341 : memref<1x8x64xf32, #tpu.memory_space<hbm>> -> memref<8x64xf32, #tpu.memory_space<hbm>>
      tpu.enqueue_dma source(%dma_start3A_342 : memref<8x64xf32, #tpu.memory_space<hbm>>) target(%dma_start3A_338 : memref<8x64xf32, #tpu.memory_space<vmem>>) target_semaphore(%arg8 : memref<!tpu.dma_semaphore, #tpu.memory_space<semaphore_mem>>)
      %eq3A_343 = arith.constant 6 : i32
      %eq3A_344 = vector.broadcast %eq3A_343 : i32 to vector<16xi32>
      %eq3A_345 = arith.cmpi eq, %iota3A, %eq3A_344 : vector<16xi32>
      %jit3A_346 = arith.constant -1 : i32
      %broadcast_in_dim3A_347 = vector.broadcast %jit3A_346 : i32 to vector<16xi32>
      %select_n3A_348 = arith.select %eq3A_345, %get3A_101, %broadcast_in_dim3A_347 : vector<16xi1>, vector<16xi32>
      %reduce_max3A_349 = arith.constant true
      %reduce_max3A_350 = vector.broadcast %reduce_max3A_349 : i1 to vector<16xi1>
      %reduce_max3A_351 = arith.constant -2147483648 : i32
      %reduce_max3A_352 = vector.broadcast %reduce_max3A_351 : i32 to vector<16xi32>
      %reduce_max3A_353 = arith.xori %select_n3A_348, %reduce_max3A_352 : vector<16xi32>
      %reduce_max3A_354 = tpu.scan <max>, %reduce_max3A_353 masked %reduce_max3A_350 : vector<16xi32>, vector<16xi1> -> vector<16xi32>
      %reduce_max3A_355 = arith.xori %reduce_max3A_354, %reduce_max3A_352 : vector<16xi32>
      %reduce_max3A_356 = vector.extract %reduce_max3A_355[15] : i32 from vector<16xi32>
      %mul3A_357 = arith.constant 16 : i32
      %mul3A_358 = arith.muli %add3A_96, %mul3A_357 : i32
      %add3A_359 = arith.constant 6 : i32
      %add3A_360 = arith.addi %mul3A_358, %add3A_359 : i32
      %mul3A_361 = arith.constant 8 : i32
      %mul3A_362 = arith.muli %add3A_360, %mul3A_361 : i32
      %dma_start3A_363 = arith.constant 1 : i32
      %dma_start3A_364 = arith.constant 0 : i32
      %dma_start3A_365 = arith.constant 0 : i32
      %dma_start3A_366 = tpu.memref_slice %arg6[%dma_start3A_363, %dma_start3A_364, %dma_start3A_365] : memref<3x256x64xf32, #tpu.memory_space<vmem>> -> memref<1x256x64xf32, #tpu.memory_space<vmem>>
      %dma_start3A_367 = tpu.memref_squeeze %dma_start3A_366 : memref<1x256x64xf32, #tpu.memory_space<vmem>> -> memref<256x64xf32, #tpu.memory_space<vmem>>
      %dma_start3A_368 = arith.constant 0 : i32
      %dma_start3A_369 = tpu.memref_slice %dma_start3A_367[%mul3A_362, %dma_start3A_368] : memref<256x64xf32, #tpu.memory_space<vmem>> -> memref<8x64xf32, #tpu.memory_space<vmem>>
      %dma_start3A_370 = arith.constant 0 : i32
      %dma_start3A_371 = arith.constant 0 : i32
      %dma_start3A_372 = tpu.memref_slice %arg3[%reduce_max3A_356, %dma_start3A_370, %dma_start3A_371] : memref<100000x8x64xf32, #tpu.memory_space<hbm>> -> memref<1x8x64xf32, #tpu.memory_space<hbm>>
      %dma_start3A_373 = tpu.memref_squeeze %dma_start3A_372 : memref<1x8x64xf32, #tpu.memory_space<hbm>> -> memref<8x64xf32, #tpu.memory_space<hbm>>
      %dma_start3A_374 = arith.constant 0 : i32
      %dma_start3A_375 = arith.constant 0 : i32
      %dma_start3A_376 = tpu.memref_slice %arg6[%dma_start3A_363, %dma_start3A_374, %dma_start3A_375] : memref<3x256x64xf32, #tpu.memory_space<vmem>> -> memref<1x256x64xf32, #tpu.memory_space<vmem>>
      %dma_start3A_377 = tpu.memref_squeeze %dma_start3A_376 : memref<1x256x64xf32, #tpu.memory_space<vmem>> -> memref<256x64xf32, #tpu.memory_space<vmem>>
      %dma_start3A_378 = arith.constant 0 : i32
      %dma_start3A_379 = tpu.memref_slice %dma_start3A_377[%mul3A_362, %dma_start3A_378] : memref<256x64xf32, #tpu.memory_space<vmem>> -> memref<8x64xf32, #tpu.memory_space<vmem>>
      %dma_start3A_380 = arith.constant 0 : i32
      %dma_start3A_381 = arith.constant 0 : i32
      %dma_start3A_382 = tpu.memref_slice %arg3[%reduce_max3A_356, %dma_start3A_380, %dma_start3A_381] : memref<100000x8x64xf32, #tpu.memory_space<hbm>> -> memref<1x8x64xf32, #tpu.memory_space<hbm>>
      %dma_start3A_383 = tpu.memref_squeeze %dma_start3A_382 : memref<1x8x64xf32, #tpu.memory_space<hbm>> -> memref<8x64xf32, #tpu.memory_space<hbm>>
      tpu.enqueue_dma source(%dma_start3A_383 : memref<8x64xf32, #tpu.memory_space<hbm>>) target(%dma_start3A_379 : memref<8x64xf32, #tpu.memory_space<vmem>>) target_semaphore(%arg8 : memref<!tpu.dma_semaphore, #tpu.memory_space<semaphore_mem>>)
      %eq3A_384 = arith.constant 7 : i32
      %eq3A_385 = vector.broadcast %eq3A_384 : i32 to vector<16xi32>
      %eq3A_386 = arith.cmpi eq, %iota3A, %eq3A_385 : vector<16xi32>
      %jit3A_387 = arith.constant -1 : i32
      %broadcast_in_dim3A_388 = vector.broadcast %jit3A_387 : i32 to vector<16xi32>
      %select_n3A_389 = arith.select %eq3A_386, %get3A_101, %broadcast_in_dim3A_388 : vector<16xi1>, vector<16xi32>
      %reduce_max3A_390 = arith.constant true
      %reduce_max3A_391 = vector.broadcast %reduce_max3A_390 : i1 to vector<16xi1>
      %reduce_max3A_392 = arith.constant -2147483648 : i32
      %reduce_max3A_393 = vector.broadcast %reduce_max3A_392 : i32 to vector<16xi32>
      %reduce_max3A_394 = arith.xori %select_n3A_389, %reduce_max3A_393 : vector<16xi32>
      %reduce_max3A_395 = tpu.scan <max>, %reduce_max3A_394 masked %reduce_max3A_391 : vector<16xi32>, vector<16xi1> -> vector<16xi32>
      %reduce_max3A_396 = arith.xori %reduce_max3A_395, %reduce_max3A_393 : vector<16xi32>
      %reduce_max3A_397 = vector.extract %reduce_max3A_396[15] : i32 from vector<16xi32>
      %mul3A_398 = arith.constant 16 : i32
      %mul3A_399 = arith.muli %add3A_96, %mul3A_398 : i32
      %add3A_400 = arith.constant 7 : i32
      %add3A_401 = arith.addi %mul3A_399, %add3A_400 : i32
      %mul3A_402 = arith.constant 8 : i32
      %mul3A_403 = arith.muli %add3A_401, %mul3A_402 : i32
      %dma_start3A_404 = arith.constant 1 : i32
      %dma_start3A_405 = arith.constant 0 : i32
      %dma_start3A_406 = arith.constant 0 : i32
      %dma_start3A_407 = tpu.memref_slice %arg6[%dma_start3A_404, %dma_start3A_405, %dma_start3A_406] : memref<3x256x64xf32, #tpu.memory_space<vmem>> -> memref<1x256x64xf32, #tpu.memory_space<vmem>>
      %dma_start3A_408 = tpu.memref_squeeze %dma_start3A_407 : memref<1x256x64xf32, #tpu.memory_space<vmem>> -> memref<256x64xf32, #tpu.memory_space<vmem>>
      %dma_start3A_409 = arith.constant 0 : i32
      %dma_start3A_410 = tpu.memref_slice %dma_start3A_408[%mul3A_403, %dma_start3A_409] : memref<256x64xf32, #tpu.memory_space<vmem>> -> memref<8x64xf32, #tpu.memory_space<vmem>>
      %dma_start3A_411 = arith.constant 0 : i32
      %dma_start3A_412 = arith.constant 0 : i32
      %dma_start3A_413 = tpu.memref_slice %arg3[%reduce_max3A_397, %dma_start3A_411, %dma_start3A_412] : memref<100000x8x64xf32, #tpu.memory_space<hbm>> -> memref<1x8x64xf32, #tpu.memory_space<hbm>>
      %dma_start3A_414 = tpu.memref_squeeze %dma_start3A_413 : memref<1x8x64xf32, #tpu.memory_space<hbm>> -> memref<8x64xf32, #tpu.memory_space<hbm>>
      %dma_start3A_415 = arith.constant 0 : i32
      %dma_start3A_416 = arith.constant 0 : i32
      %dma_start3A_417 = tpu.memref_slice %arg6[%dma_start3A_404, %dma_start3A_415, %dma_start3A_416] : memref<3x256x64xf32, #tpu.memory_space<vmem>> -> memref<1x256x64xf32, #tpu.memory_space<vmem>>
      %dma_start3A_418 = tpu.memref_squeeze %dma_start3A_417 : memref<1x256x64xf32, #tpu.memory_space<vmem>> -> memref<256x64xf32, #tpu.memory_space<vmem>>
      %dma_start3A_419 = arith.constant 0 : i32
      %dma_start3A_420 = tpu.memref_slice %dma_start3A_418[%mul3A_403, %dma_start3A_419] : memref<256x64xf32, #tpu.memory_space<vmem>> -> memref<8x64xf32, #tpu.memory_space<vmem>>
      %dma_start3A_421 = arith.constant 0 : i32
      %dma_start3A_422 = arith.constant 0 : i32
      %dma_start3A_423 = tpu.memref_slice %arg3[%reduce_max3A_397, %dma_start3A_421, %dma_start3A_422] : memref<100000x8x64xf32, #tpu.memory_space<hbm>> -> memref<1x8x64xf32, #tpu.memory_space<hbm>>
      %dma_start3A_424 = tpu.memref_squeeze %dma_start3A_423 : memref<1x8x64xf32, #tpu.memory_space<hbm>> -> memref<8x64xf32, #tpu.memory_space<hbm>>
      tpu.enqueue_dma source(%dma_start3A_424 : memref<8x64xf32, #tpu.memory_space<hbm>>) target(%dma_start3A_420 : memref<8x64xf32, #tpu.memory_space<vmem>>) target_semaphore(%arg8 : memref<!tpu.dma_semaphore, #tpu.memory_space<semaphore_mem>>)
      %eq3A_425 = arith.constant 8 : i32
      %eq3A_426 = vector.broadcast %eq3A_425 : i32 to vector<16xi32>
      %eq3A_427 = arith.cmpi eq, %iota3A, %eq3A_426 : vector<16xi32>
      %jit3A_428 = arith.constant -1 : i32
      %broadcast_in_dim3A_429 = vector.broadcast %jit3A_428 : i32 to vector<16xi32>
      %select_n3A_430 = arith.select %eq3A_427, %get3A_101, %broadcast_in_dim3A_429 : vector<16xi1>, vector<16xi32>
      %reduce_max3A_431 = arith.constant true
      %reduce_max3A_432 = vector.broadcast %reduce_max3A_431 : i1 to vector<16xi1>
      %reduce_max3A_433 = arith.constant -2147483648 : i32
      %reduce_max3A_434 = vector.broadcast %reduce_max3A_433 : i32 to vector<16xi32>
      %reduce_max3A_435 = arith.xori %select_n3A_430, %reduce_max3A_434 : vector<16xi32>
      %reduce_max3A_436 = tpu.scan <max>, %reduce_max3A_435 masked %reduce_max3A_432 : vector<16xi32>, vector<16xi1> -> vector<16xi32>
      %reduce_max3A_437 = arith.xori %reduce_max3A_436, %reduce_max3A_434 : vector<16xi32>
      %reduce_max3A_438 = vector.extract %reduce_max3A_437[15] : i32 from vector<16xi32>
      %mul3A_439 = arith.constant 16 : i32
      %mul3A_440 = arith.muli %add3A_96, %mul3A_439 : i32
      %add3A_441 = arith.constant 8 : i32
      %add3A_442 = arith.addi %mul3A_440, %add3A_441 : i32
      %mul3A_443 = arith.constant 8 : i32
      %mul3A_444 = arith.muli %add3A_442, %mul3A_443 : i32
      %dma_start3A_445 = arith.constant 1 : i32
      %dma_start3A_446 = arith.constant 0 : i32
      %dma_start3A_447 = arith.constant 0 : i32
      %dma_start3A_448 = tpu.memref_slice %arg6[%dma_start3A_445, %dma_start3A_446, %dma_start3A_447] : memref<3x256x64xf32, #tpu.memory_space<vmem>> -> memref<1x256x64xf32, #tpu.memory_space<vmem>>
      %dma_start3A_449 = tpu.memref_squeeze %dma_start3A_448 : memref<1x256x64xf32, #tpu.memory_space<vmem>> -> memref<256x64xf32, #tpu.memory_space<vmem>>
      %dma_start3A_450 = arith.constant 0 : i32
      %dma_start3A_451 = tpu.memref_slice %dma_start3A_449[%mul3A_444, %dma_start3A_450] : memref<256x64xf32, #tpu.memory_space<vmem>> -> memref<8x64xf32, #tpu.memory_space<vmem>>
      %dma_start3A_452 = arith.constant 0 : i32
      %dma_start3A_453 = arith.constant 0 : i32
      %dma_start3A_454 = tpu.memref_slice %arg3[%reduce_max3A_438, %dma_start3A_452, %dma_start3A_453] : memref<100000x8x64xf32, #tpu.memory_space<hbm>> -> memref<1x8x64xf32, #tpu.memory_space<hbm>>
      %dma_start3A_455 = tpu.memref_squeeze %dma_start3A_454 : memref<1x8x64xf32, #tpu.memory_space<hbm>> -> memref<8x64xf32, #tpu.memory_space<hbm>>
      %dma_start3A_456 = arith.constant 0 : i32
      %dma_start3A_457 = arith.constant 0 : i32
      %dma_start3A_458 = tpu.memref_slice %arg6[%dma_start3A_445, %dma_start3A_456, %dma_start3A_457] : memref<3x256x64xf32, #tpu.memory_space<vmem>> -> memref<1x256x64xf32, #tpu.memory_space<vmem>>
      %dma_start3A_459 = tpu.memref_squeeze %dma_start3A_458 : memref<1x256x64xf32, #tpu.memory_space<vmem>> -> memref<256x64xf32, #tpu.memory_space<vmem>>
      %dma_start3A_460 = arith.constant 0 : i32
      %dma_start3A_461 = tpu.memref_slice %dma_start3A_459[%mul3A_444, %dma_start3A_460] : memref<256x64xf32, #tpu.memory_space<vmem>> -> memref<8x64xf32, #tpu.memory_space<vmem>>
      %dma_start3A_462 = arith.constant 0 : i32
      %dma_start3A_463 = arith.constant 0 : i32
      %dma_start3A_464 = tpu.memref_slice %arg3[%reduce_max3A_438, %dma_start3A_462, %dma_start3A_463] : memref<100000x8x64xf32, #tpu.memory_space<hbm>> -> memref<1x8x64xf32, #tpu.memory_space<hbm>>
      %dma_start3A_465 = tpu.memref_squeeze %dma_start3A_464 : memref<1x8x64xf32, #tpu.memory_space<hbm>> -> memref<8x64xf32, #tpu.memory_space<hbm>>
      tpu.enqueue_dma source(%dma_start3A_465 : memref<8x64xf32, #tpu.memory_space<hbm>>) target(%dma_start3A_461 : memref<8x64xf32, #tpu.memory_space<vmem>>) target_semaphore(%arg8 : memref<!tpu.dma_semaphore, #tpu.memory_space<semaphore_mem>>)
      %eq3A_466 = arith.constant 9 : i32
      %eq3A_467 = vector.broadcast %eq3A_466 : i32 to vector<16xi32>
      %eq3A_468 = arith.cmpi eq, %iota3A, %eq3A_467 : vector<16xi32>
      %jit3A_469 = arith.constant -1 : i32
      %broadcast_in_dim3A_470 = vector.broadcast %jit3A_469 : i32 to vector<16xi32>
      %select_n3A_471 = arith.select %eq3A_468, %get3A_101, %broadcast_in_dim3A_470 : vector<16xi1>, vector<16xi32>
      %reduce_max3A_472 = arith.constant true
      %reduce_max3A_473 = vector.broadcast %reduce_max3A_472 : i1 to vector<16xi1>
      %reduce_max3A_474 = arith.constant -2147483648 : i32
      %reduce_max3A_475 = vector.broadcast %reduce_max3A_474 : i32 to vector<16xi32>
      %reduce_max3A_476 = arith.xori %select_n3A_471, %reduce_max3A_475 : vector<16xi32>
      %reduce_max3A_477 = tpu.scan <max>, %reduce_max3A_476 masked %reduce_max3A_473 : vector<16xi32>, vector<16xi1> -> vector<16xi32>
      %reduce_max3A_478 = arith.xori %reduce_max3A_477, %reduce_max3A_475 : vector<16xi32>
      %reduce_max3A_479 = vector.extract %reduce_max3A_478[15] : i32 from vector<16xi32>
      %mul3A_480 = arith.constant 16 : i32
      %mul3A_481 = arith.muli %add3A_96, %mul3A_480 : i32
      %add3A_482 = arith.constant 9 : i32
      %add3A_483 = arith.addi %mul3A_481, %add3A_482 : i32
      %mul3A_484 = arith.constant 8 : i32
      %mul3A_485 = arith.muli %add3A_483, %mul3A_484 : i32
      %dma_start3A_486 = arith.constant 1 : i32
      %dma_start3A_487 = arith.constant 0 : i32
      %dma_start3A_488 = arith.constant 0 : i32
      %dma_start3A_489 = tpu.memref_slice %arg6[%dma_start3A_486, %dma_start3A_487, %dma_start3A_488] : memref<3x256x64xf32, #tpu.memory_space<vmem>> -> memref<1x256x64xf32, #tpu.memory_space<vmem>>
      %dma_start3A_490 = tpu.memref_squeeze %dma_start3A_489 : memref<1x256x64xf32, #tpu.memory_space<vmem>> -> memref<256x64xf32, #tpu.memory_space<vmem>>
      %dma_start3A_491 = arith.constant 0 : i32
      %dma_start3A_492 = tpu.memref_slice %dma_start3A_490[%mul3A_485, %dma_start3A_491] : memref<256x64xf32, #tpu.memory_space<vmem>> -> memref<8x64xf32, #tpu.memory_space<vmem>>
      %dma_start3A_493 = arith.constant 0 : i32
      %dma_start3A_494 = arith.constant 0 : i32
      %dma_start3A_495 = tpu.memref_slice %arg3[%reduce_max3A_479, %dma_start3A_493, %dma_start3A_494] : memref<100000x8x64xf32, #tpu.memory_space<hbm>> -> memref<1x8x64xf32, #tpu.memory_space<hbm>>
      %dma_start3A_496 = tpu.memref_squeeze %dma_start3A_495 : memref<1x8x64xf32, #tpu.memory_space<hbm>> -> memref<8x64xf32, #tpu.memory_space<hbm>>
      %dma_start3A_497 = arith.constant 0 : i32
      %dma_start3A_498 = arith.constant 0 : i32
      %dma_start3A_499 = tpu.memref_slice %arg6[%dma_start3A_486, %dma_start3A_497, %dma_start3A_498] : memref<3x256x64xf32, #tpu.memory_space<vmem>> -> memref<1x256x64xf32, #tpu.memory_space<vmem>>
      %dma_start3A_500 = tpu.memref_squeeze %dma_start3A_499 : memref<1x256x64xf32, #tpu.memory_space<vmem>> -> memref<256x64xf32, #tpu.memory_space<vmem>>
      %dma_start3A_501 = arith.constant 0 : i32
      %dma_start3A_502 = tpu.memref_slice %dma_start3A_500[%mul3A_485, %dma_start3A_501] : memref<256x64xf32, #tpu.memory_space<vmem>> -> memref<8x64xf32, #tpu.memory_space<vmem>>
      %dma_start3A_503 = arith.constant 0 : i32
      %dma_start3A_504 = arith.constant 0 : i32
      %dma_start3A_505 = tpu.memref_slice %arg3[%reduce_max3A_479, %dma_start3A_503, %dma_start3A_504] : memref<100000x8x64xf32, #tpu.memory_space<hbm>> -> memref<1x8x64xf32, #tpu.memory_space<hbm>>
      %dma_start3A_506 = tpu.memref_squeeze %dma_start3A_505 : memref<1x8x64xf32, #tpu.memory_space<hbm>> -> memref<8x64xf32, #tpu.memory_space<hbm>>
      tpu.enqueue_dma source(%dma_start3A_506 : memref<8x64xf32, #tpu.memory_space<hbm>>) target(%dma_start3A_502 : memref<8x64xf32, #tpu.memory_space<vmem>>) target_semaphore(%arg8 : memref<!tpu.dma_semaphore, #tpu.memory_space<semaphore_mem>>)
      %eq3A_507 = arith.constant 10 : i32
      %eq3A_508 = vector.broadcast %eq3A_507 : i32 to vector<16xi32>
      %eq3A_509 = arith.cmpi eq, %iota3A, %eq3A_508 : vector<16xi32>
      %jit3A_510 = arith.constant -1 : i32
      %broadcast_in_dim3A_511 = vector.broadcast %jit3A_510 : i32 to vector<16xi32>
      %select_n3A_512 = arith.select %eq3A_509, %get3A_101, %broadcast_in_dim3A_511 : vector<16xi1>, vector<16xi32>
      %reduce_max3A_513 = arith.constant true
      %reduce_max3A_514 = vector.broadcast %reduce_max3A_513 : i1 to vector<16xi1>
      %reduce_max3A_515 = arith.constant -2147483648 : i32
      %reduce_max3A_516 = vector.broadcast %reduce_max3A_515 : i32 to vector<16xi32>
      %reduce_max3A_517 = arith.xori %select_n3A_512, %reduce_max3A_516 : vector<16xi32>
      %reduce_max3A_518 = tpu.scan <max>, %reduce_max3A_517 masked %reduce_max3A_514 : vector<16xi32>, vector<16xi1> -> vector<16xi32>
      %reduce_max3A_519 = arith.xori %reduce_max3A_518, %reduce_max3A_516 : vector<16xi32>
      %reduce_max3A_520 = vector.extract %reduce_max3A_519[15] : i32 from vector<16xi32>
      %mul3A_521 = arith.constant 16 : i32
      %mul3A_522 = arith.muli %add3A_96, %mul3A_521 : i32
      %add3A_523 = arith.constant 10 : i32
      %add3A_524 = arith.addi %mul3A_522, %add3A_523 : i32
      %mul3A_525 = arith.constant 8 : i32
      %mul3A_526 = arith.muli %add3A_524, %mul3A_525 : i32
      %dma_start3A_527 = arith.constant 1 : i32
      %dma_start3A_528 = arith.constant 0 : i32
      %dma_start3A_529 = arith.constant 0 : i32
      %dma_start3A_530 = tpu.memref_slice %arg6[%dma_start3A_527, %dma_start3A_528, %dma_start3A_529] : memref<3x256x64xf32, #tpu.memory_space<vmem>> -> memref<1x256x64xf32, #tpu.memory_space<vmem>>
      %dma_start3A_531 = tpu.memref_squeeze %dma_start3A_530 : memref<1x256x64xf32, #tpu.memory_space<vmem>> -> memref<256x64xf32, #tpu.memory_space<vmem>>
      %dma_start3A_532 = arith.constant 0 : i32
      %dma_start3A_533 = tpu.memref_slice %dma_start3A_531[%mul3A_526, %dma_start3A_532] : memref<256x64xf32, #tpu.memory_space<vmem>> -> memref<8x64xf32, #tpu.memory_space<vmem>>
      %dma_start3A_534 = arith.constant 0 : i32
      %dma_start3A_535 = arith.constant 0 : i32
      %dma_start3A_536 = tpu.memref_slice %arg3[%reduce_max3A_520, %dma_start3A_534, %dma_start3A_535] : memref<100000x8x64xf32, #tpu.memory_space<hbm>> -> memref<1x8x64xf32, #tpu.memory_space<hbm>>
      %dma_start3A_537 = tpu.memref_squeeze %dma_start3A_536 : memref<1x8x64xf32, #tpu.memory_space<hbm>> -> memref<8x64xf32, #tpu.memory_space<hbm>>
      %dma_start3A_538 = arith.constant 0 : i32
      %dma_start3A_539 = arith.constant 0 : i32
      %dma_start3A_540 = tpu.memref_slice %arg6[%dma_start3A_527, %dma_start3A_538, %dma_start3A_539] : memref<3x256x64xf32, #tpu.memory_space<vmem>> -> memref<1x256x64xf32, #tpu.memory_space<vmem>>
      %dma_start3A_541 = tpu.memref_squeeze %dma_start3A_540 : memref<1x256x64xf32, #tpu.memory_space<vmem>> -> memref<256x64xf32, #tpu.memory_space<vmem>>
      %dma_start3A_542 = arith.constant 0 : i32
      %dma_start3A_543 = tpu.memref_slice %dma_start3A_541[%mul3A_526, %dma_start3A_542] : memref<256x64xf32, #tpu.memory_space<vmem>> -> memref<8x64xf32, #tpu.memory_space<vmem>>
      %dma_start3A_544 = arith.constant 0 : i32
      %dma_start3A_545 = arith.constant 0 : i32
      %dma_start3A_546 = tpu.memref_slice %arg3[%reduce_max3A_520, %dma_start3A_544, %dma_start3A_545] : memref<100000x8x64xf32, #tpu.memory_space<hbm>> -> memref<1x8x64xf32, #tpu.memory_space<hbm>>
      %dma_start3A_547 = tpu.memref_squeeze %dma_start3A_546 : memref<1x8x64xf32, #tpu.memory_space<hbm>> -> memref<8x64xf32, #tpu.memory_space<hbm>>
      tpu.enqueue_dma source(%dma_start3A_547 : memref<8x64xf32, #tpu.memory_space<hbm>>) target(%dma_start3A_543 : memref<8x64xf32, #tpu.memory_space<vmem>>) target_semaphore(%arg8 : memref<!tpu.dma_semaphore, #tpu.memory_space<semaphore_mem>>)
      %eq3A_548 = arith.constant 11 : i32
      %eq3A_549 = vector.broadcast %eq3A_548 : i32 to vector<16xi32>
      %eq3A_550 = arith.cmpi eq, %iota3A, %eq3A_549 : vector<16xi32>
      %jit3A_551 = arith.constant -1 : i32
      %broadcast_in_dim3A_552 = vector.broadcast %jit3A_551 : i32 to vector<16xi32>
      %select_n3A_553 = arith.select %eq3A_550, %get3A_101, %broadcast_in_dim3A_552 : vector<16xi1>, vector<16xi32>
      %reduce_max3A_554 = arith.constant true
      %reduce_max3A_555 = vector.broadcast %reduce_max3A_554 : i1 to vector<16xi1>
      %reduce_max3A_556 = arith.constant -2147483648 : i32
      %reduce_max3A_557 = vector.broadcast %reduce_max3A_556 : i32 to vector<16xi32>
      %reduce_max3A_558 = arith.xori %select_n3A_553, %reduce_max3A_557 : vector<16xi32>
      %reduce_max3A_559 = tpu.scan <max>, %reduce_max3A_558 masked %reduce_max3A_555 : vector<16xi32>, vector<16xi1> -> vector<16xi32>
      %reduce_max3A_560 = arith.xori %reduce_max3A_559, %reduce_max3A_557 : vector<16xi32>
      %reduce_max3A_561 = vector.extract %reduce_max3A_560[15] : i32 from vector<16xi32>
      %mul3A_562 = arith.constant 16 : i32
      %mul3A_563 = arith.muli %add3A_96, %mul3A_562 : i32
      %add3A_564 = arith.constant 11 : i32
      %add3A_565 = arith.addi %mul3A_563, %add3A_564 : i32
      %mul3A_566 = arith.constant 8 : i32
      %mul3A_567 = arith.muli %add3A_565, %mul3A_566 : i32
      %dma_start3A_568 = arith.constant 1 : i32
      %dma_start3A_569 = arith.constant 0 : i32
      %dma_start3A_570 = arith.constant 0 : i32
      %dma_start3A_571 = tpu.memref_slice %arg6[%dma_start3A_568, %dma_start3A_569, %dma_start3A_570] : memref<3x256x64xf32, #tpu.memory_space<vmem>> -> memref<1x256x64xf32, #tpu.memory_space<vmem>>
      %dma_start3A_572 = tpu.memref_squeeze %dma_start3A_571 : memref<1x256x64xf32, #tpu.memory_space<vmem>> -> memref<256x64xf32, #tpu.memory_space<vmem>>
      %dma_start3A_573 = arith.constant 0 : i32
      %dma_start3A_574 = tpu.memref_slice %dma_start3A_572[%mul3A_567, %dma_start3A_573] : memref<256x64xf32, #tpu.memory_space<vmem>> -> memref<8x64xf32, #tpu.memory_space<vmem>>
      %dma_start3A_575 = arith.constant 0 : i32
      %dma_start3A_576 = arith.constant 0 : i32
      %dma_start3A_577 = tpu.memref_slice %arg3[%reduce_max3A_561, %dma_start3A_575, %dma_start3A_576] : memref<100000x8x64xf32, #tpu.memory_space<hbm>> -> memref<1x8x64xf32, #tpu.memory_space<hbm>>
      %dma_start3A_578 = tpu.memref_squeeze %dma_start3A_577 : memref<1x8x64xf32, #tpu.memory_space<hbm>> -> memref<8x64xf32, #tpu.memory_space<hbm>>
      %dma_start3A_579 = arith.constant 0 : i32
      %dma_start3A_580 = arith.constant 0 : i32
      %dma_start3A_581 = tpu.memref_slice %arg6[%dma_start3A_568, %dma_start3A_579, %dma_start3A_580] : memref<3x256x64xf32, #tpu.memory_space<vmem>> -> memref<1x256x64xf32, #tpu.memory_space<vmem>>
      %dma_start3A_582 = tpu.memref_squeeze %dma_start3A_581 : memref<1x256x64xf32, #tpu.memory_space<vmem>> -> memref<256x64xf32, #tpu.memory_space<vmem>>
      %dma_start3A_583 = arith.constant 0 : i32
      %dma_start3A_584 = tpu.memref_slice %dma_start3A_582[%mul3A_567, %dma_start3A_583] : memref<256x64xf32, #tpu.memory_space<vmem>> -> memref<8x64xf32, #tpu.memory_space<vmem>>
      %dma_start3A_585 = arith.constant 0 : i32
      %dma_start3A_586 = arith.constant 0 : i32
      %dma_start3A_587 = tpu.memref_slice %arg3[%reduce_max3A_561, %dma_start3A_585, %dma_start3A_586] : memref<100000x8x64xf32, #tpu.memory_space<hbm>> -> memref<1x8x64xf32, #tpu.memory_space<hbm>>
      %dma_start3A_588 = tpu.memref_squeeze %dma_start3A_587 : memref<1x8x64xf32, #tpu.memory_space<hbm>> -> memref<8x64xf32, #tpu.memory_space<hbm>>
      tpu.enqueue_dma source(%dma_start3A_588 : memref<8x64xf32, #tpu.memory_space<hbm>>) target(%dma_start3A_584 : memref<8x64xf32, #tpu.memory_space<vmem>>) target_semaphore(%arg8 : memref<!tpu.dma_semaphore, #tpu.memory_space<semaphore_mem>>)
      %eq3A_589 = arith.constant 12 : i32
      %eq3A_590 = vector.broadcast %eq3A_589 : i32 to vector<16xi32>
      %eq3A_591 = arith.cmpi eq, %iota3A, %eq3A_590 : vector<16xi32>
      %jit3A_592 = arith.constant -1 : i32
      %broadcast_in_dim3A_593 = vector.broadcast %jit3A_592 : i32 to vector<16xi32>
      %select_n3A_594 = arith.select %eq3A_591, %get3A_101, %broadcast_in_dim3A_593 : vector<16xi1>, vector<16xi32>
      %reduce_max3A_595 = arith.constant true
      %reduce_max3A_596 = vector.broadcast %reduce_max3A_595 : i1 to vector<16xi1>
      %reduce_max3A_597 = arith.constant -2147483648 : i32
      %reduce_max3A_598 = vector.broadcast %reduce_max3A_597 : i32 to vector<16xi32>
      %reduce_max3A_599 = arith.xori %select_n3A_594, %reduce_max3A_598 : vector<16xi32>
      %reduce_max3A_600 = tpu.scan <max>, %reduce_max3A_599 masked %reduce_max3A_596 : vector<16xi32>, vector<16xi1> -> vector<16xi32>
      %reduce_max3A_601 = arith.xori %reduce_max3A_600, %reduce_max3A_598 : vector<16xi32>
      %reduce_max3A_602 = vector.extract %reduce_max3A_601[15] : i32 from vector<16xi32>
      %mul3A_603 = arith.constant 16 : i32
      %mul3A_604 = arith.muli %add3A_96, %mul3A_603 : i32
      %add3A_605 = arith.constant 12 : i32
      %add3A_606 = arith.addi %mul3A_604, %add3A_605 : i32
      %mul3A_607 = arith.constant 8 : i32
      %mul3A_608 = arith.muli %add3A_606, %mul3A_607 : i32
      %dma_start3A_609 = arith.constant 1 : i32
      %dma_start3A_610 = arith.constant 0 : i32
      %dma_start3A_611 = arith.constant 0 : i32
      %dma_start3A_612 = tpu.memref_slice %arg6[%dma_start3A_609, %dma_start3A_610, %dma_start3A_611] : memref<3x256x64xf32, #tpu.memory_space<vmem>> -> memref<1x256x64xf32, #tpu.memory_space<vmem>>
      %dma_start3A_613 = tpu.memref_squeeze %dma_start3A_612 : memref<1x256x64xf32, #tpu.memory_space<vmem>> -> memref<256x64xf32, #tpu.memory_space<vmem>>
      %dma_start3A_614 = arith.constant 0 : i32
      %dma_start3A_615 = tpu.memref_slice %dma_start3A_613[%mul3A_608, %dma_start3A_614] : memref<256x64xf32, #tpu.memory_space<vmem>> -> memref<8x64xf32, #tpu.memory_space<vmem>>
      %dma_start3A_616 = arith.constant 0 : i32
      %dma_start3A_617 = arith.constant 0 : i32
      %dma_start3A_618 = tpu.memref_slice %arg3[%reduce_max3A_602, %dma_start3A_616, %dma_start3A_617] : memref<100000x8x64xf32, #tpu.memory_space<hbm>> -> memref<1x8x64xf32, #tpu.memory_space<hbm>>
      %dma_start3A_619 = tpu.memref_squeeze %dma_start3A_618 : memref<1x8x64xf32, #tpu.memory_space<hbm>> -> memref<8x64xf32, #tpu.memory_space<hbm>>
      %dma_start3A_620 = arith.constant 0 : i32
      %dma_start3A_621 = arith.constant 0 : i32
      %dma_start3A_622 = tpu.memref_slice %arg6[%dma_start3A_609, %dma_start3A_620, %dma_start3A_621] : memref<3x256x64xf32, #tpu.memory_space<vmem>> -> memref<1x256x64xf32, #tpu.memory_space<vmem>>
      %dma_start3A_623 = tpu.memref_squeeze %dma_start3A_622 : memref<1x256x64xf32, #tpu.memory_space<vmem>> -> memref<256x64xf32, #tpu.memory_space<vmem>>
      %dma_start3A_624 = arith.constant 0 : i32
      %dma_start3A_625 = tpu.memref_slice %dma_start3A_623[%mul3A_608, %dma_start3A_624] : memref<256x64xf32, #tpu.memory_space<vmem>> -> memref<8x64xf32, #tpu.memory_space<vmem>>
      %dma_start3A_626 = arith.constant 0 : i32
      %dma_start3A_627 = arith.constant 0 : i32
      %dma_start3A_628 = tpu.memref_slice %arg3[%reduce_max3A_602, %dma_start3A_626, %dma_start3A_627] : memref<100000x8x64xf32, #tpu.memory_space<hbm>> -> memref<1x8x64xf32, #tpu.memory_space<hbm>>
      %dma_start3A_629 = tpu.memref_squeeze %dma_start3A_628 : memref<1x8x64xf32, #tpu.memory_space<hbm>> -> memref<8x64xf32, #tpu.memory_space<hbm>>
      tpu.enqueue_dma source(%dma_start3A_629 : memref<8x64xf32, #tpu.memory_space<hbm>>) target(%dma_start3A_625 : memref<8x64xf32, #tpu.memory_space<vmem>>) target_semaphore(%arg8 : memref<!tpu.dma_semaphore, #tpu.memory_space<semaphore_mem>>)
      %eq3A_630 = arith.constant 13 : i32
      %eq3A_631 = vector.broadcast %eq3A_630 : i32 to vector<16xi32>
      %eq3A_632 = arith.cmpi eq, %iota3A, %eq3A_631 : vector<16xi32>
      %jit3A_633 = arith.constant -1 : i32
      %broadcast_in_dim3A_634 = vector.broadcast %jit3A_633 : i32 to vector<16xi32>
      %select_n3A_635 = arith.select %eq3A_632, %get3A_101, %broadcast_in_dim3A_634 : vector<16xi1>, vector<16xi32>
      %reduce_max3A_636 = arith.constant true
      %reduce_max3A_637 = vector.broadcast %reduce_max3A_636 : i1 to vector<16xi1>
      %reduce_max3A_638 = arith.constant -2147483648 : i32
      %reduce_max3A_639 = vector.broadcast %reduce_max3A_638 : i32 to vector<16xi32>
      %reduce_max3A_640 = arith.xori %select_n3A_635, %reduce_max3A_639 : vector<16xi32>
      %reduce_max3A_641 = tpu.scan <max>, %reduce_max3A_640 masked %reduce_max3A_637 : vector<16xi32>, vector<16xi1> -> vector<16xi32>
      %reduce_max3A_642 = arith.xori %reduce_max3A_641, %reduce_max3A_639 : vector<16xi32>
      %reduce_max3A_643 = vector.extract %reduce_max3A_642[15] : i32 from vector<16xi32>
      %mul3A_644 = arith.constant 16 : i32
      %mul3A_645 = arith.muli %add3A_96, %mul3A_644 : i32
      %add3A_646 = arith.constant 13 : i32
      %add3A_647 = arith.addi %mul3A_645, %add3A_646 : i32
      %mul3A_648 = arith.constant 8 : i32
      %mul3A_649 = arith.muli %add3A_647, %mul3A_648 : i32
      %dma_start3A_650 = arith.constant 1 : i32
      %dma_start3A_651 = arith.constant 0 : i32
      %dma_start3A_652 = arith.constant 0 : i32
      %dma_start3A_653 = tpu.memref_slice %arg6[%dma_start3A_650, %dma_start3A_651, %dma_start3A_652] : memref<3x256x64xf32, #tpu.memory_space<vmem>> -> memref<1x256x64xf32, #tpu.memory_space<vmem>>
      %dma_start3A_654 = tpu.memref_squeeze %dma_start3A_653 : memref<1x256x64xf32, #tpu.memory_space<vmem>> -> memref<256x64xf32, #tpu.memory_space<vmem>>
      %dma_start3A_655 = arith.constant 0 : i32
      %dma_start3A_656 = tpu.memref_slice %dma_start3A_654[%mul3A_649, %dma_start3A_655] : memref<256x64xf32, #tpu.memory_space<vmem>> -> memref<8x64xf32, #tpu.memory_space<vmem>>
      %dma_start3A_657 = arith.constant 0 : i32
      %dma_start3A_658 = arith.constant 0 : i32
      %dma_start3A_659 = tpu.memref_slice %arg3[%reduce_max3A_643, %dma_start3A_657, %dma_start3A_658] : memref<100000x8x64xf32, #tpu.memory_space<hbm>> -> memref<1x8x64xf32, #tpu.memory_space<hbm>>
      %dma_start3A_660 = tpu.memref_squeeze %dma_start3A_659 : memref<1x8x64xf32, #tpu.memory_space<hbm>> -> memref<8x64xf32, #tpu.memory_space<hbm>>
      %dma_start3A_661 = arith.constant 0 : i32
      %dma_start3A_662 = arith.constant 0 : i32
      %dma_start3A_663 = tpu.memref_slice %arg6[%dma_start3A_650, %dma_start3A_661, %dma_start3A_662] : memref<3x256x64xf32, #tpu.memory_space<vmem>> -> memref<1x256x64xf32, #tpu.memory_space<vmem>>
      %dma_start3A_664 = tpu.memref_squeeze %dma_start3A_663 : memref<1x256x64xf32, #tpu.memory_space<vmem>> -> memref<256x64xf32, #tpu.memory_space<vmem>>
      %dma_start3A_665 = arith.constant 0 : i32
      %dma_start3A_666 = tpu.memref_slice %dma_start3A_664[%mul3A_649, %dma_start3A_665] : memref<256x64xf32, #tpu.memory_space<vmem>> -> memref<8x64xf32, #tpu.memory_space<vmem>>
      %dma_start3A_667 = arith.constant 0 : i32
      %dma_start3A_668 = arith.constant 0 : i32
      %dma_start3A_669 = tpu.memref_slice %arg3[%reduce_max3A_643, %dma_start3A_667, %dma_start3A_668] : memref<100000x8x64xf32, #tpu.memory_space<hbm>> -> memref<1x8x64xf32, #tpu.memory_space<hbm>>
      %dma_start3A_670 = tpu.memref_squeeze %dma_start3A_669 : memref<1x8x64xf32, #tpu.memory_space<hbm>> -> memref<8x64xf32, #tpu.memory_space<hbm>>
      tpu.enqueue_dma source(%dma_start3A_670 : memref<8x64xf32, #tpu.memory_space<hbm>>) target(%dma_start3A_666 : memref<8x64xf32, #tpu.memory_space<vmem>>) target_semaphore(%arg8 : memref<!tpu.dma_semaphore, #tpu.memory_space<semaphore_mem>>)
      %eq3A_671 = arith.constant 14 : i32
      %eq3A_672 = vector.broadcast %eq3A_671 : i32 to vector<16xi32>
      %eq3A_673 = arith.cmpi eq, %iota3A, %eq3A_672 : vector<16xi32>
      %jit3A_674 = arith.constant -1 : i32
      %broadcast_in_dim3A_675 = vector.broadcast %jit3A_674 : i32 to vector<16xi32>
      %select_n3A_676 = arith.select %eq3A_673, %get3A_101, %broadcast_in_dim3A_675 : vector<16xi1>, vector<16xi32>
      %reduce_max3A_677 = arith.constant true
      %reduce_max3A_678 = vector.broadcast %reduce_max3A_677 : i1 to vector<16xi1>
      %reduce_max3A_679 = arith.constant -2147483648 : i32
      %reduce_max3A_680 = vector.broadcast %reduce_max3A_679 : i32 to vector<16xi32>
      %reduce_max3A_681 = arith.xori %select_n3A_676, %reduce_max3A_680 : vector<16xi32>
      %reduce_max3A_682 = tpu.scan <max>, %reduce_max3A_681 masked %reduce_max3A_678 : vector<16xi32>, vector<16xi1> -> vector<16xi32>
      %reduce_max3A_683 = arith.xori %reduce_max3A_682, %reduce_max3A_680 : vector<16xi32>
      %reduce_max3A_684 = vector.extract %reduce_max3A_683[15] : i32 from vector<16xi32>
      %mul3A_685 = arith.constant 16 : i32
      %mul3A_686 = arith.muli %add3A_96, %mul3A_685 : i32
      %add3A_687 = arith.constant 14 : i32
      %add3A_688 = arith.addi %mul3A_686, %add3A_687 : i32
      %mul3A_689 = arith.constant 8 : i32
      %mul3A_690 = arith.muli %add3A_688, %mul3A_689 : i32
      %dma_start3A_691 = arith.constant 1 : i32
      %dma_start3A_692 = arith.constant 0 : i32
      %dma_start3A_693 = arith.constant 0 : i32
      %dma_start3A_694 = tpu.memref_slice %arg6[%dma_start3A_691, %dma_start3A_692, %dma_start3A_693] : memref<3x256x64xf32, #tpu.memory_space<vmem>> -> memref<1x256x64xf32, #tpu.memory_space<vmem>>
      %dma_start3A_695 = tpu.memref_squeeze %dma_start3A_694 : memref<1x256x64xf32, #tpu.memory_space<vmem>> -> memref<256x64xf32, #tpu.memory_space<vmem>>
      %dma_start3A_696 = arith.constant 0 : i32
      %dma_start3A_697 = tpu.memref_slice %dma_start3A_695[%mul3A_690, %dma_start3A_696] : memref<256x64xf32, #tpu.memory_space<vmem>> -> memref<8x64xf32, #tpu.memory_space<vmem>>
      %dma_start3A_698 = arith.constant 0 : i32
      %dma_start3A_699 = arith.constant 0 : i32
      %dma_start3A_700 = tpu.memref_slice %arg3[%reduce_max3A_684, %dma_start3A_698, %dma_start3A_699] : memref<100000x8x64xf32, #tpu.memory_space<hbm>> -> memref<1x8x64xf32, #tpu.memory_space<hbm>>
      %dma_start3A_701 = tpu.memref_squeeze %dma_start3A_700 : memref<1x8x64xf32, #tpu.memory_space<hbm>> -> memref<8x64xf32, #tpu.memory_space<hbm>>
      %dma_start3A_702 = arith.constant 0 : i32
      %dma_start3A_703 = arith.constant 0 : i32
      %dma_start3A_704 = tpu.memref_slice %arg6[%dma_start3A_691, %dma_start3A_702, %dma_start3A_703] : memref<3x256x64xf32, #tpu.memory_space<vmem>> -> memref<1x256x64xf32, #tpu.memory_space<vmem>>
      %dma_start3A_705 = tpu.memref_squeeze %dma_start3A_704 : memref<1x256x64xf32, #tpu.memory_space<vmem>> -> memref<256x64xf32, #tpu.memory_space<vmem>>
      %dma_start3A_706 = arith.constant 0 : i32
      %dma_start3A_707 = tpu.memref_slice %dma_start3A_705[%mul3A_690, %dma_start3A_706] : memref<256x64xf32, #tpu.memory_space<vmem>> -> memref<8x64xf32, #tpu.memory_space<vmem>>
      %dma_start3A_708 = arith.constant 0 : i32
      %dma_start3A_709 = arith.constant 0 : i32
      %dma_start3A_710 = tpu.memref_slice %arg3[%reduce_max3A_684, %dma_start3A_708, %dma_start3A_709] : memref<100000x8x64xf32, #tpu.memory_space<hbm>> -> memref<1x8x64xf32, #tpu.memory_space<hbm>>
      %dma_start3A_711 = tpu.memref_squeeze %dma_start3A_710 : memref<1x8x64xf32, #tpu.memory_space<hbm>> -> memref<8x64xf32, #tpu.memory_space<hbm>>
      tpu.enqueue_dma source(%dma_start3A_711 : memref<8x64xf32, #tpu.memory_space<hbm>>) target(%dma_start3A_707 : memref<8x64xf32, #tpu.memory_space<vmem>>) target_semaphore(%arg8 : memref<!tpu.dma_semaphore, #tpu.memory_space<semaphore_mem>>)
      %eq3A_712 = arith.constant 15 : i32
      %eq3A_713 = vector.broadcast %eq3A_712 : i32 to vector<16xi32>
      %eq3A_714 = arith.cmpi eq, %iota3A, %eq3A_713 : vector<16xi32>
      %jit3A_715 = arith.constant -1 : i32
      %broadcast_in_dim3A_716 = vector.broadcast %jit3A_715 : i32 to vector<16xi32>
      %select_n3A_717 = arith.select %eq3A_714, %get3A_101, %broadcast_in_dim3A_716 : vector<16xi1>, vector<16xi32>
      %reduce_max3A_718 = arith.constant true
      %reduce_max3A_719 = vector.broadcast %reduce_max3A_718 : i1 to vector<16xi1>
      %reduce_max3A_720 = arith.constant -2147483648 : i32
      %reduce_max3A_721 = vector.broadcast %reduce_max3A_720 : i32 to vector<16xi32>
      %reduce_max3A_722 = arith.xori %select_n3A_717, %reduce_max3A_721 : vector<16xi32>
      %reduce_max3A_723 = tpu.scan <max>, %reduce_max3A_722 masked %reduce_max3A_719 : vector<16xi32>, vector<16xi1> -> vector<16xi32>
      %reduce_max3A_724 = arith.xori %reduce_max3A_723, %reduce_max3A_721 : vector<16xi32>
      %reduce_max3A_725 = vector.extract %reduce_max3A_724[15] : i32 from vector<16xi32>
      %mul3A_726 = arith.constant 16 : i32
      %mul3A_727 = arith.muli %add3A_96, %mul3A_726 : i32
      %add3A_728 = arith.constant 15 : i32
      %add3A_729 = arith.addi %mul3A_727, %add3A_728 : i32
      %mul3A_730 = arith.constant 8 : i32
      %mul3A_731 = arith.muli %add3A_729, %mul3A_730 : i32
      %dma_start3A_732 = arith.constant 1 : i32
      %dma_start3A_733 = arith.constant 0 : i32
      %dma_start3A_734 = arith.constant 0 : i32
      %dma_start3A_735 = tpu.memref_slice %arg6[%dma_start3A_732, %dma_start3A_733, %dma_start3A_734] : memref<3x256x64xf32, #tpu.memory_space<vmem>> -> memref<1x256x64xf32, #tpu.memory_space<vmem>>
      %dma_start3A_736 = tpu.memref_squeeze %dma_start3A_735 : memref<1x256x64xf32, #tpu.memory_space<vmem>> -> memref<256x64xf32, #tpu.memory_space<vmem>>
      %dma_start3A_737 = arith.constant 0 : i32
      %dma_start3A_738 = tpu.memref_slice %dma_start3A_736[%mul3A_731, %dma_start3A_737] : memref<256x64xf32, #tpu.memory_space<vmem>> -> memref<8x64xf32, #tpu.memory_space<vmem>>
      %dma_start3A_739 = arith.constant 0 : i32
      %dma_start3A_740 = arith.constant 0 : i32
      %dma_start3A_741 = tpu.memref_slice %arg3[%reduce_max3A_725, %dma_start3A_739, %dma_start3A_740] : memref<100000x8x64xf32, #tpu.memory_space<hbm>> -> memref<1x8x64xf32, #tpu.memory_space<hbm>>
      %dma_start3A_742 = tpu.memref_squeeze %dma_start3A_741 : memref<1x8x64xf32, #tpu.memory_space<hbm>> -> memref<8x64xf32, #tpu.memory_space<hbm>>
      %dma_start3A_743 = arith.constant 0 : i32
      %dma_start3A_744 = arith.constant 0 : i32
      %dma_start3A_745 = tpu.memref_slice %arg6[%dma_start3A_732, %dma_start3A_743, %dma_start3A_744] : memref<3x256x64xf32, #tpu.memory_space<vmem>> -> memref<1x256x64xf32, #tpu.memory_space<vmem>>
      %dma_start3A_746 = tpu.memref_squeeze %dma_start3A_745 : memref<1x256x64xf32, #tpu.memory_space<vmem>> -> memref<256x64xf32, #tpu.memory_space<vmem>>
      %dma_start3A_747 = arith.constant 0 : i32
      %dma_start3A_748 = tpu.memref_slice %dma_start3A_746[%mul3A_731, %dma_start3A_747] : memref<256x64xf32, #tpu.memory_space<vmem>> -> memref<8x64xf32, #tpu.memory_space<vmem>>
      %dma_start3A_749 = arith.constant 0 : i32
      %dma_start3A_750 = arith.constant 0 : i32
      %dma_start3A_751 = tpu.memref_slice %arg3[%reduce_max3A_725, %dma_start3A_749, %dma_start3A_750] : memref<100000x8x64xf32, #tpu.memory_space<hbm>> -> memref<1x8x64xf32, #tpu.memory_space<hbm>>
      %dma_start3A_752 = tpu.memref_squeeze %dma_start3A_751 : memref<1x8x64xf32, #tpu.memory_space<hbm>> -> memref<8x64xf32, #tpu.memory_space<hbm>>
      tpu.enqueue_dma source(%dma_start3A_752 : memref<8x64xf32, #tpu.memory_space<hbm>>) target(%dma_start3A_748 : memref<8x64xf32, #tpu.memory_space<vmem>>) target_semaphore(%arg8 : memref<!tpu.dma_semaphore, #tpu.memory_space<semaphore_mem>>)
    }
    %scan3A_11 = arith.constant 2 : i32
    %scan3A_12 = arith.constant 0 : i32
    %scan3A_13 = arith.constant 5 : i32
    %scan3A_14 = arith.addi %scan3A_12, %scan3A_13 : i32
    %scan3A_15 = arith.constant 1 : i32
    scf.for %scan3A_92 = %scan3A_12 to %scan3A_14 step %scan3A_15  : i32 {
      %mul3A_93 = arith.constant 3 : i32
      %mul3A_94 = arith.muli %scan3A_92, %mul3A_93 : i32
      %add3A_95 = arith.constant 0 : i32
      %add3A_96 = arith.addi %add3A_95, %mul3A_94 : i32
      %dma_wait3A_97 = arith.constant 0 : i32
      %dma_wait3A_98 = arith.constant 0 : i32
      %dma_wait3A_99 = arith.constant 0 : i32
      %dma_wait3A_100 = tpu.memref_slice %arg6[%dma_wait3A_97, %dma_wait3A_98, %dma_wait3A_99] : memref<3x256x64xf32, #tpu.memory_space<vmem>> -> memref<1x256x64xf32, #tpu.memory_space<vmem>>
      %dma_wait3A_101 = tpu.memref_squeeze %dma_wait3A_100 : memref<1x256x64xf32, #tpu.memory_space<vmem>> -> memref<256x64xf32, #tpu.memory_space<vmem>>
      %dma_wait3A_102 = arith.constant 0 : i32
      %dma_wait3A_103 = arith.constant 0 : i32
      %dma_wait3A_104 = tpu.memref_slice %arg4[%dma_wait3A_102, %dma_wait3A_103] : memref<131072x64xf32, #tpu.memory_space<hbm>> -> memref<256x64xf32, #tpu.memory_space<hbm>>
      %dma_wait3A_105 = arith.constant 0 : i32
      %dma_wait3A_106 = arith.constant 0 : i32
      %dma_wait3A_107 = tpu.memref_slice %arg6[%dma_wait3A_97, %dma_wait3A_105, %dma_wait3A_106] : memref<3x256x64xf32, #tpu.memory_space<vmem>> -> memref<1x256x64xf32, #tpu.memory_space<vmem>>
      %dma_wait3A_108 = tpu.memref_squeeze %dma_wait3A_107 : memref<1x256x64xf32, #tpu.memory_space<vmem>> -> memref<256x64xf32, #tpu.memory_space<vmem>>
      %dma_wait3A_109 = arith.constant 0 : i32
      %dma_wait3A_110 = arith.constant 0 : i32
      %dma_wait3A_111 = tpu.memref_slice %arg4[%dma_wait3A_109, %dma_wait3A_110] : memref<131072x64xf32, #tpu.memory_space<hbm>> -> memref<256x64xf32, #tpu.memory_space<hbm>>
      tpu.wait_dma2 semaphore(%arg7 : memref<!tpu.dma_semaphore, #tpu.memory_space<semaphore_mem>>) src(%dma_wait3A_111 : memref<256x64xf32, #tpu.memory_space<hbm>>) dst(%dma_wait3A_108 : memref<256x64xf32, #tpu.memory_space<vmem>>)
      %mul3A_112 = arith.constant 32 : i32
      %mul3A_113 = arith.muli %add3A_96, %mul3A_112 : i32
      %add3A_114 = arith.addi %mul3A_2, %mul3A_113 : i32
      %mul3A_115 = arith.constant 8 : i32
      %mul3A_116 = arith.muli %add3A_114, %mul3A_115 : i32
      %dma_start3A_117 = arith.constant 0 : i32
      %dma_start3A_118 = arith.constant 0 : i32
      %dma_start3A_119 = arith.constant 0 : i32
      %dma_start3A_120 = tpu.memref_slice %arg6[%dma_start3A_117, %dma_start3A_118, %dma_start3A_119] : memref<3x256x64xf32, #tpu.memory_space<vmem>> -> memref<1x256x64xf32, #tpu.memory_space<vmem>>
      %dma_start3A_121 = tpu.memref_squeeze %dma_start3A_120 : memref<1x256x64xf32, #tpu.memory_space<vmem>> -> memref<256x64xf32, #tpu.memory_space<vmem>>
      %dma_start3A_122 = arith.constant 0 : i32
      %dma_start3A_123 = tpu.memref_slice %arg4[%mul3A_116, %dma_start3A_122] : memref<131072x64xf32, #tpu.memory_space<hbm>> -> memref<256x64xf32, #tpu.memory_space<hbm>>
      %dma_start3A_124 = arith.constant 0 : i32
      %dma_start3A_125 = tpu.memref_slice %arg4[%mul3A_116, %dma_start3A_124] : memref<131072x64xf32, #tpu.memory_space<hbm>> -> memref<256x64xf32, #tpu.memory_space<hbm>>
      %dma_start3A_126 = arith.constant 0 : i32
      %dma_start3A_127 = arith.constant 0 : i32
      %dma_start3A_128 = tpu.memref_slice %arg6[%dma_start3A_117, %dma_start3A_126, %dma_start3A_127] : memref<3x256x64xf32, #tpu.memory_space<vmem>> -> memref<1x256x64xf32, #tpu.memory_space<vmem>>
      %dma_start3A_129 = tpu.memref_squeeze %dma_start3A_128 : memref<1x256x64xf32, #tpu.memory_space<vmem>> -> memref<256x64xf32, #tpu.memory_space<vmem>>
      tpu.enqueue_dma source(%dma_start3A_129 : memref<256x64xf32, #tpu.memory_space<vmem>>) target(%dma_start3A_125 : memref<256x64xf32, #tpu.memory_space<hbm>>) target_semaphore(%arg10 : memref<!tpu.dma_semaphore, #tpu.memory_space<semaphore_mem>>)
      %add3A_130 = arith.constant 2 : i32
      %add3A_131 = arith.addi %add3A_96, %add3A_130 : i32
      %lt3A = arith.constant 16 : i32
      %lt3A_132 = arith.cmpi slt, %add3A_131, %lt3A : i32
      %convert_element_type3A = arith.extui %lt3A_132 : i1 to i32
      %cond3A = arith.constant 0 : i32
      %cond3A_133 = arith.cmpi ne, %convert_element_type3A, %cond3A : i32
      scf.if %cond3A_133 {
        %ge3A = arith.constant 1 : i32
        %ge3A_218 = arith.cmpi sge, %add3A_96, %ge3A : i32
        %convert_element_type3A_219 = arith.extui %ge3A_218 : i1 to i32
        %cond3A_220 = arith.constant 0 : i32
        %cond3A_221 = arith.cmpi ne, %convert_element_type3A_219, %cond3A_220 : i32
        scf.if %cond3A_221 {
          %dma_wait3A_229 = arith.constant 2 : i32
          %dma_wait3A_230 = arith.constant 0 : i32
          %dma_wait3A_231 = arith.constant 0 : i32
          %dma_wait3A_232 = tpu.memref_slice %arg6[%dma_wait3A_229, %dma_wait3A_230, %dma_wait3A_231] : memref<3x256x64xf32, #tpu.memory_space<vmem>> -> memref<1x256x64xf32, #tpu.memory_space<vmem>>
          %dma_wait3A_233 = tpu.memref_squeeze %dma_wait3A_232 : memref<1x256x64xf32, #tpu.memory_space<vmem>> -> memref<256x64xf32, #tpu.memory_space<vmem>>
          %dma_wait3A_234 = arith.constant 0 : i32
          %dma_wait3A_235 = arith.constant 0 : i32
          %dma_wait3A_236 = tpu.memref_slice %arg4[%dma_wait3A_234, %dma_wait3A_235] : memref<131072x64xf32, #tpu.memory_space<hbm>> -> memref<256x64xf32, #tpu.memory_space<hbm>>
          %dma_wait3A_237 = arith.constant 0 : i32
          %dma_wait3A_238 = arith.constant 0 : i32
          %dma_wait3A_239 = tpu.memref_slice %arg6[%dma_wait3A_229, %dma_wait3A_237, %dma_wait3A_238] : memref<3x256x64xf32, #tpu.memory_space<vmem>> -> memref<1x256x64xf32, #tpu.memory_space<vmem>>
          %dma_wait3A_240 = tpu.memref_squeeze %dma_wait3A_239 : memref<1x256x64xf32, #tpu.memory_space<vmem>> -> memref<256x64xf32, #tpu.memory_space<vmem>>
          %dma_wait3A_241 = arith.constant 0 : i32
          %dma_wait3A_242 = arith.constant 0 : i32
          %dma_wait3A_243 = tpu.memref_slice %arg4[%dma_wait3A_241, %dma_wait3A_242] : memref<131072x64xf32, #tpu.memory_space<hbm>> -> memref<256x64xf32, #tpu.memory_space<hbm>>
          tpu.wait_dma2 semaphore(%arg12 : memref<!tpu.dma_semaphore, #tpu.memory_space<semaphore_mem>>) src(%dma_wait3A_243 : memref<256x64xf32, #tpu.memory_space<hbm>>) dst(%dma_wait3A_240 : memref<256x64xf32, #tpu.memory_space<vmem>>)
        } else {
        }
        %add3A_222 = arith.constant 2 : i32
        %add3A_223 = arith.addi %add3A_96, %add3A_222 : i32
        %scan3A_224 = arith.constant 0 : i32
        %scan3A_225 = arith.constant 2 : i32
        %scan3A_226 = arith.addi %scan3A_224, %scan3A_225 : i32
        %scan3A_227 = arith.constant 1 : i32
        scf.for %scan3A_229 = %scan3A_224 to %scan3A_226 step %scan3A_227  : i32 {
          %mul3A_230 = arith.constant 1 : i32
          %mul3A_231 = arith.muli %scan3A_229, %mul3A_230 : i32
          %add3A_232 = arith.constant 0 : i32
          %add3A_233 = arith.addi %add3A_232, %mul3A_231 : i32
          %mul3A_234 = arith.constant 32 : i32
          %mul3A_235 = arith.muli %add3A_223, %mul3A_234 : i32
          %mul3A_236 = arith.constant 16 : i32
          %mul3A_237 = arith.muli %add3A_233, %mul3A_236 : i32
          %add3A_238 = arith.addi %mul3A_235, %mul3A_237 : i32
          %get3A = arith.index_cast %add3A_238 : i32 to index
          %get3A_239 = tpu.vector_load %arg5[%get3A] {strides = array<i32>} : memref<512xi32, #tpu.memory_space<vmem>>, vector<16xi32>,
          %eq3A = arith.constant 0 : i32
          %eq3A_240 = vector.broadcast %eq3A : i32 to vector<16xi32>
          %eq3A_241 = arith.cmpi eq, %iota3A, %eq3A_240 : vector<16xi32>
          %jit3A = arith.constant -1 : i32
          %broadcast_in_dim3A = vector.broadcast %jit3A : i32 to vector<16xi32>
          %select_n3A = arith.select %eq3A_241, %get3A_239, %broadcast_in_dim3A : vector<16xi1>, vector<16xi32>
          %reduce_max3A = arith.constant true
          %reduce_max3A_242 = vector.broadcast %reduce_max3A : i1 to vector<16xi1>
          %reduce_max3A_243 = arith.constant -2147483648 : i32
          %reduce_max3A_244 = vector.broadcast %reduce_max3A_243 : i32 to vector<16xi32>
          %reduce_max3A_245 = arith.xori %select_n3A, %reduce_max3A_244 : vector<16xi32>
          %reduce_max3A_246 = tpu.scan <max>, %reduce_max3A_245 masked %reduce_max3A_242 : vector<16xi32>, vector<16xi1> -> vector<16xi32>
          %reduce_max3A_247 = arith.xori %reduce_max3A_246, %reduce_max3A_244 : vector<16xi32>
          %reduce_max3A_248 = vector.extract %reduce_max3A_247[15] : i32 from vector<16xi32>
          %mul3A_249 = arith.constant 16 : i32
          %mul3A_250 = arith.muli %add3A_233, %mul3A_249 : i32
          %add3A_251 = arith.constant 0 : i32
          %add3A_252 = arith.addi %mul3A_250, %add3A_251 : i32
          %mul3A_253 = arith.constant 8 : i32
          %mul3A_254 = arith.muli %add3A_252, %mul3A_253 : i32
          %dma_start3A_255 = arith.constant 2 : i32
          %dma_start3A_256 = arith.constant 0 : i32
          %dma_start3A_257 = arith.constant 0 : i32
          %dma_start3A_258 = tpu.memref_slice %arg6[%dma_start3A_255, %dma_start3A_256, %dma_start3A_257] : memref<3x256x64xf32, #tpu.memory_space<vmem>> -> memref<1x256x64xf32, #tpu.memory_space<vmem>>
          %dma_start3A_259 = tpu.memref_squeeze %dma_start3A_258 : memref<1x256x64xf32, #tpu.memory_space<vmem>> -> memref<256x64xf32, #tpu.memory_space<vmem>>
          %dma_start3A_260 = arith.constant 0 : i32
          %dma_start3A_261 = tpu.memref_slice %dma_start3A_259[%mul3A_254, %dma_start3A_260] : memref<256x64xf32, #tpu.memory_space<vmem>> -> memref<8x64xf32, #tpu.memory_space<vmem>>
          %dma_start3A_262 = arith.constant 0 : i32
          %dma_start3A_263 = arith.constant 0 : i32
          %dma_start3A_264 = tpu.memref_slice %arg3[%reduce_max3A_248, %dma_start3A_262, %dma_start3A_263] : memref<100000x8x64xf32, #tpu.memory_space<hbm>> -> memref<1x8x64xf32, #tpu.memory_space<hbm>>
          %dma_start3A_265 = tpu.memref_squeeze %dma_start3A_264 : memref<1x8x64xf32, #tpu.memory_space<hbm>> -> memref<8x64xf32, #tpu.memory_space<hbm>>
          %dma_start3A_266 = arith.constant 0 : i32
          %dma_start3A_267 = arith.constant 0 : i32
          %dma_start3A_268 = tpu.memref_slice %arg6[%dma_start3A_255, %dma_start3A_266, %dma_start3A_267] : memref<3x256x64xf32, #tpu.memory_space<vmem>> -> memref<1x256x64xf32, #tpu.memory_space<vmem>>
          %dma_start3A_269 = tpu.memref_squeeze %dma_start3A_268 : memref<1x256x64xf32, #tpu.memory_space<vmem>> -> memref<256x64xf32, #tpu.memory_space<vmem>>
          %dma_start3A_270 = arith.constant 0 : i32
          %dma_start3A_271 = tpu.memref_slice %dma_start3A_269[%mul3A_254, %dma_start3A_270] : memref<256x64xf32, #tpu.memory_space<vmem>> -> memref<8x64xf32, #tpu.memory_space<vmem>>
          %dma_start3A_272 = arith.constant 0 : i32
          %dma_start3A_273 = arith.constant 0 : i32
          %dma_start3A_274 = tpu.memref_slice %arg3[%reduce_max3A_248, %dma_start3A_272, %dma_start3A_273] : memref<100000x8x64xf32, #tpu.memory_space<hbm>> -> memref<1x8x64xf32, #tpu.memory_space<hbm>>
          %dma_start3A_275 = tpu.memref_squeeze %dma_start3A_274 : memref<1x8x64xf32, #tpu.memory_space<hbm>> -> memref<8x64xf32, #tpu.memory_space<hbm>>
          tpu.enqueue_dma source(%dma_start3A_275 : memref<8x64xf32, #tpu.memory_space<hbm>>) target(%dma_start3A_271 : memref<8x64xf32, #tpu.memory_space<vmem>>) target_semaphore(%arg9 : memref<!tpu.dma_semaphore, #tpu.memory_space<semaphore_mem>>)
          %eq3A_276 = arith.constant 1 : i32
          %eq3A_277 = vector.broadcast %eq3A_276 : i32 to vector<16xi32>
          %eq3A_278 = arith.cmpi eq, %iota3A, %eq3A_277 : vector<16xi32>
          %jit3A_279 = arith.constant -1 : i32
          %broadcast_in_dim3A_280 = vector.broadcast %jit3A_279 : i32 to vector<16xi32>
          %select_n3A_281 = arith.select %eq3A_278, %get3A_239, %broadcast_in_dim3A_280 : vector<16xi1>, vector<16xi32>
          %reduce_max3A_282 = arith.constant true
          %reduce_max3A_283 = vector.broadcast %reduce_max3A_282 : i1 to vector<16xi1>
          %reduce_max3A_284 = arith.constant -2147483648 : i32
          %reduce_max3A_285 = vector.broadcast %reduce_max3A_284 : i32 to vector<16xi32>
          %reduce_max3A_286 = arith.xori %select_n3A_281, %reduce_max3A_285 : vector<16xi32>
          %reduce_max3A_287 = tpu.scan <max>, %reduce_max3A_286 masked %reduce_max3A_283 : vector<16xi32>, vector<16xi1> -> vector<16xi32>
          %reduce_max3A_288 = arith.xori %reduce_max3A_287, %reduce_max3A_285 : vector<16xi32>
          %reduce_max3A_289 = vector.extract %reduce_max3A_288[15] : i32 from vector<16xi32>
          %mul3A_290 = arith.constant 16 : i32
          %mul3A_291 = arith.muli %add3A_233, %mul3A_290 : i32
          %add3A_292 = arith.constant 1 : i32
          %add3A_293 = arith.addi %mul3A_291, %add3A_292 : i32
          %mul3A_294 = arith.constant 8 : i32
          %mul3A_295 = arith.muli %add3A_293, %mul3A_294 : i32
          %dma_start3A_296 = arith.constant 2 : i32
          %dma_start3A_297 = arith.constant 0 : i32
          %dma_start3A_298 = arith.constant 0 : i32
          %dma_start3A_299 = tpu.memref_slice %arg6[%dma_start3A_296, %dma_start3A_297, %dma_start3A_298] : memref<3x256x64xf32, #tpu.memory_space<vmem>> -> memref<1x256x64xf32, #tpu.memory_space<vmem>>
          %dma_start3A_300 = tpu.memref_squeeze %dma_start3A_299 : memref<1x256x64xf32, #tpu.memory_space<vmem>> -> memref<256x64xf32, #tpu.memory_space<vmem>>
          %dma_start3A_301 = arith.constant 0 : i32
          %dma_start3A_302 = tpu.memref_slice %dma_start3A_300[%mul3A_295, %dma_start3A_301] : memref<256x64xf32, #tpu.memory_space<vmem>> -> memref<8x64xf32, #tpu.memory_space<vmem>>
          %dma_start3A_303 = arith.constant 0 : i32
          %dma_start3A_304 = arith.constant 0 : i32
          %dma_start3A_305 = tpu.memref_slice %arg3[%reduce_max3A_289, %dma_start3A_303, %dma_start3A_304] : memref<100000x8x64xf32, #tpu.memory_space<hbm>> -> memref<1x8x64xf32, #tpu.memory_space<hbm>>
          %dma_start3A_306 = tpu.memref_squeeze %dma_start3A_305 : memref<1x8x64xf32, #tpu.memory_space<hbm>> -> memref<8x64xf32, #tpu.memory_space<hbm>>
          %dma_start3A_307 = arith.constant 0 : i32
          %dma_start3A_308 = arith.constant 0 : i32
          %dma_start3A_309 = tpu.memref_slice %arg6[%dma_start3A_296, %dma_start3A_307, %dma_start3A_308] : memref<3x256x64xf32, #tpu.memory_space<vmem>> -> memref<1x256x64xf32, #tpu.memory_space<vmem>>
          %dma_start3A_310 = tpu.memref_squeeze %dma_start3A_309 : memref<1x256x64xf32, #tpu.memory_space<vmem>> -> memref<256x64xf32, #tpu.memory_space<vmem>>
          %dma_start3A_311 = arith.constant 0 : i32
          %dma_start3A_312 = tpu.memref_slice %dma_start3A_310[%mul3A_295, %dma_start3A_311] : memref<256x64xf32, #tpu.memory_space<vmem>> -> memref<8x64xf32, #tpu.memory_space<vmem>>
          %dma_start3A_313 = arith.constant 0 : i32
          %dma_start3A_314 = arith.constant 0 : i32
          %dma_start3A_315 = tpu.memref_slice %arg3[%reduce_max3A_289, %dma_start3A_313, %dma_start3A_314] : memref<100000x8x64xf32, #tpu.memory_space<hbm>> -> memref<1x8x64xf32, #tpu.memory_space<hbm>>
          %dma_start3A_316 = tpu.memref_squeeze %dma_start3A_315 : memref<1x8x64xf32, #tpu.memory_space<hbm>> -> memref<8x64xf32, #tpu.memory_space<hbm>>
          tpu.enqueue_dma source(%dma_start3A_316 : memref<8x64xf32, #tpu.memory_space<hbm>>) target(%dma_start3A_312 : memref<8x64xf32, #tpu.memory_space<vmem>>) target_semaphore(%arg9 : memref<!tpu.dma_semaphore, #tpu.memory_space<semaphore_mem>>)
          %eq3A_317 = arith.constant 2 : i32
          %eq3A_318 = vector.broadcast %eq3A_317 : i32 to vector<16xi32>
          %eq3A_319 = arith.cmpi eq, %iota3A, %eq3A_318 : vector<16xi32>
          %jit3A_320 = arith.constant -1 : i32
          %broadcast_in_dim3A_321 = vector.broadcast %jit3A_320 : i32 to vector<16xi32>
          %select_n3A_322 = arith.select %eq3A_319, %get3A_239, %broadcast_in_dim3A_321 : vector<16xi1>, vector<16xi32>
          %reduce_max3A_323 = arith.constant true
          %reduce_max3A_324 = vector.broadcast %reduce_max3A_323 : i1 to vector<16xi1>
          %reduce_max3A_325 = arith.constant -2147483648 : i32
          %reduce_max3A_326 = vector.broadcast %reduce_max3A_325 : i32 to vector<16xi32>
          %reduce_max3A_327 = arith.xori %select_n3A_322, %reduce_max3A_326 : vector<16xi32>
          %reduce_max3A_328 = tpu.scan <max>, %reduce_max3A_327 masked %reduce_max3A_324 : vector<16xi32>, vector<16xi1> -> vector<16xi32>
          %reduce_max3A_329 = arith.xori %reduce_max3A_328, %reduce_max3A_326 : vector<16xi32>
          %reduce_max3A_330 = vector.extract %reduce_max3A_329[15] : i32 from vector<16xi32>
          %mul3A_331 = arith.constant 16 : i32
          %mul3A_332 = arith.muli %add3A_233, %mul3A_331 : i32
          %add3A_333 = arith.constant 2 : i32
          %add3A_334 = arith.addi %mul3A_332, %add3A_333 : i32
          %mul3A_335 = arith.constant 8 : i32
          %mul3A_336 = arith.muli %add3A_334, %mul3A_335 : i32
          %dma_start3A_337 = arith.constant 2 : i32
          %dma_start3A_338 = arith.constant 0 : i32
          %dma_start3A_339 = arith.constant 0 : i32
          %dma_start3A_340 = tpu.memref_slice %arg6[%dma_start3A_337, %dma_start3A_338, %dma_start3A_339] : memref<3x256x64xf32, #tpu.memory_space<vmem>> -> memref<1x256x64xf32, #tpu.memory_space<vmem>>
          %dma_start3A_341 = tpu.memref_squeeze %dma_start3A_340 : memref<1x256x64xf32, #tpu.memory_space<vmem>> -> memref<256x64xf32, #tpu.memory_space<vmem>>
          %dma_start3A_342 = arith.constant 0 : i32
          %dma_start3A_343 = tpu.memref_slice %dma_start3A_341[%mul3A_336, %dma_start3A_342] : memref<256x64xf32, #tpu.memory_space<vmem>> -> memref<8x64xf32, #tpu.memory_space<vmem>>
          %dma_start3A_344 = arith.constant 0 : i32
          %dma_start3A_345 = arith.constant 0 : i32
          %dma_start3A_346 = tpu.memref_slice %arg3[%reduce_max3A_330, %dma_start3A_344, %dma_start3A_345] : memref<100000x8x64xf32, #tpu.memory_space<hbm>> -> memref<1x8x64xf32, #tpu.memory_space<hbm>>
          %dma_start3A_347 = tpu.memref_squeeze %dma_start3A_346 : memref<1x8x64xf32, #tpu.memory_space<hbm>> -> memref<8x64xf32, #tpu.memory_space<hbm>>
          %dma_start3A_348 = arith.constant 0 : i32
          %dma_start3A_349 = arith.constant 0 : i32
          %dma_start3A_350 = tpu.memref_slice %arg6[%dma_start3A_337, %dma_start3A_348, %dma_start3A_349] : memref<3x256x64xf32, #tpu.memory_space<vmem>> -> memref<1x256x64xf32, #tpu.memory_space<vmem>>
          %dma_start3A_351 = tpu.memref_squeeze %dma_start3A_350 : memref<1x256x64xf32, #tpu.memory_space<vmem>> -> memref<256x64xf32, #tpu.memory_space<vmem>>
          %dma_start3A_352 = arith.constant 0 : i32
          %dma_start3A_353 = tpu.memref_slice %dma_start3A_351[%mul3A_336, %dma_start3A_352] : memref<256x64xf32, #tpu.memory_space<vmem>> -> memref<8x64xf32, #tpu.memory_space<vmem>>
          %dma_start3A_354 = arith.constant 0 : i32
          %dma_start3A_355 = arith.constant 0 : i32
          %dma_start3A_356 = tpu.memref_slice %arg3[%reduce_max3A_330, %dma_start3A_354, %dma_start3A_355] : memref<100000x8x64xf32, #tpu.memory_space<hbm>> -> memref<1x8x64xf32, #tpu.memory_space<hbm>>
          %dma_start3A_357 = tpu.memref_squeeze %dma_start3A_356 : memref<1x8x64xf32, #tpu.memory_space<hbm>> -> memref<8x64xf32, #tpu.memory_space<hbm>>
          tpu.enqueue_dma source(%dma_start3A_357 : memref<8x64xf32, #tpu.memory_space<hbm>>) target(%dma_start3A_353 : memref<8x64xf32, #tpu.memory_space<vmem>>) target_semaphore(%arg9 : memref<!tpu.dma_semaphore, #tpu.memory_space<semaphore_mem>>)
          %eq3A_358 = arith.constant 3 : i32
          %eq3A_359 = vector.broadcast %eq3A_358 : i32 to vector<16xi32>
          %eq3A_360 = arith.cmpi eq, %iota3A, %eq3A_359 : vector<16xi32>
          %jit3A_361 = arith.constant -1 : i32
          %broadcast_in_dim3A_362 = vector.broadcast %jit3A_361 : i32 to vector<16xi32>
          %select_n3A_363 = arith.select %eq3A_360, %get3A_239, %broadcast_in_dim3A_362 : vector<16xi1>, vector<16xi32>
          %reduce_max3A_364 = arith.constant true
          %reduce_max3A_365 = vector.broadcast %reduce_max3A_364 : i1 to vector<16xi1>
          %reduce_max3A_366 = arith.constant -2147483648 : i32
          %reduce_max3A_367 = vector.broadcast %reduce_max3A_366 : i32 to vector<16xi32>
          %reduce_max3A_368 = arith.xori %select_n3A_363, %reduce_max3A_367 : vector<16xi32>
          %reduce_max3A_369 = tpu.scan <max>, %reduce_max3A_368 masked %reduce_max3A_365 : vector<16xi32>, vector<16xi1> -> vector<16xi32>
          %reduce_max3A_370 = arith.xori %reduce_max3A_369, %reduce_max3A_367 : vector<16xi32>
          %reduce_max3A_371 = vector.extract %reduce_max3A_370[15] : i32 from vector<16xi32>
          %mul3A_372 = arith.constant 16 : i32
          %mul3A_373 = arith.muli %add3A_233, %mul3A_372 : i32
          %add3A_374 = arith.constant 3 : i32
          %add3A_375 = arith.addi %mul3A_373, %add3A_374 : i32
          %mul3A_376 = arith.constant 8 : i32
          %mul3A_377 = arith.muli %add3A_375, %mul3A_376 : i32
          %dma_start3A_378 = arith.constant 2 : i32
          %dma_start3A_379 = arith.constant 0 : i32
          %dma_start3A_380 = arith.constant 0 : i32
          %dma_start3A_381 = tpu.memref_slice %arg6[%dma_start3A_378, %dma_start3A_379, %dma_start3A_380] : memref<3x256x64xf32, #tpu.memory_space<vmem>> -> memref<1x256x64xf32, #tpu.memory_space<vmem>>
          %dma_start3A_382 = tpu.memref_squeeze %dma_start3A_381 : memref<1x256x64xf32, #tpu.memory_space<vmem>> -> memref<256x64xf32, #tpu.memory_space<vmem>>
          %dma_start3A_383 = arith.constant 0 : i32
          %dma_start3A_384 = tpu.memref_slice %dma_start3A_382[%mul3A_377, %dma_start3A_383] : memref<256x64xf32, #tpu.memory_space<vmem>> -> memref<8x64xf32, #tpu.memory_space<vmem>>
          %dma_start3A_385 = arith.constant 0 : i32
          %dma_start3A_386 = arith.constant 0 : i32
          %dma_start3A_387 = tpu.memref_slice %arg3[%reduce_max3A_371, %dma_start3A_385, %dma_start3A_386] : memref<100000x8x64xf32, #tpu.memory_space<hbm>> -> memref<1x8x64xf32, #tpu.memory_space<hbm>>
          %dma_start3A_388 = tpu.memref_squeeze %dma_start3A_387 : memref<1x8x64xf32, #tpu.memory_space<hbm>> -> memref<8x64xf32, #tpu.memory_space<hbm>>
          %dma_start3A_389 = arith.constant 0 : i32
          %dma_start3A_390 = arith.constant 0 : i32
          %dma_start3A_391 = tpu.memref_slice %arg6[%dma_start3A_378, %dma_start3A_389, %dma_start3A_390] : memref<3x256x64xf32, #tpu.memory_space<vmem>> -> memref<1x256x64xf32, #tpu.memory_space<vmem>>
          %dma_start3A_392 = tpu.memref_squeeze %dma_start3A_391 : memref<1x256x64xf32, #tpu.memory_space<vmem>> -> memref<256x64xf32, #tpu.memory_space<vmem>>
          %dma_start3A_393 = arith.constant 0 : i32
          %dma_start3A_394 = tpu.memref_slice %dma_start3A_392[%mul3A_377, %dma_start3A_393] : memref<256x64xf32, #tpu.memory_space<vmem>> -> memref<8x64xf32, #tpu.memory_space<vmem>>
          %dma_start3A_395 = arith.constant 0 : i32
          %dma_start3A_396 = arith.constant 0 : i32
          %dma_start3A_397 = tpu.memref_slice %arg3[%reduce_max3A_371, %dma_start3A_395, %dma_start3A_396] : memref<100000x8x64xf32, #tpu.memory_space<hbm>> -> memref<1x8x64xf32, #tpu.memory_space<hbm>>
          %dma_start3A_398 = tpu.memref_squeeze %dma_start3A_397 : memref<1x8x64xf32, #tpu.memory_space<hbm>> -> memref<8x64xf32, #tpu.memory_space<hbm>>
          tpu.enqueue_dma source(%dma_start3A_398 : memref<8x64xf32, #tpu.memory_space<hbm>>) target(%dma_start3A_394 : memref<8x64xf32, #tpu.memory_space<vmem>>) target_semaphore(%arg9 : memref<!tpu.dma_semaphore, #tpu.memory_space<semaphore_mem>>)
          %eq3A_399 = arith.constant 4 : i32
          %eq3A_400 = vector.broadcast %eq3A_399 : i32 to vector<16xi32>
          %eq3A_401 = arith.cmpi eq, %iota3A, %eq3A_400 : vector<16xi32>
          %jit3A_402 = arith.constant -1 : i32
          %broadcast_in_dim3A_403 = vector.broadcast %jit3A_402 : i32 to vector<16xi32>
          %select_n3A_404 = arith.select %eq3A_401, %get3A_239, %broadcast_in_dim3A_403 : vector<16xi1>, vector<16xi32>
          %reduce_max3A_405 = arith.constant true
          %reduce_max3A_406 = vector.broadcast %reduce_max3A_405 : i1 to vector<16xi1>
          %reduce_max3A_407 = arith.constant -2147483648 : i32
          %reduce_max3A_408 = vector.broadcast %reduce_max3A_407 : i32 to vector<16xi32>
          %reduce_max3A_409 = arith.xori %select_n3A_404, %reduce_max3A_408 : vector<16xi32>
          %reduce_max3A_410 = tpu.scan <max>, %reduce_max3A_409 masked %reduce_max3A_406 : vector<16xi32>, vector<16xi1> -> vector<16xi32>
          %reduce_max3A_411 = arith.xori %reduce_max3A_410, %reduce_max3A_408 : vector<16xi32>
          %reduce_max3A_412 = vector.extract %reduce_max3A_411[15] : i32 from vector<16xi32>
          %mul3A_413 = arith.constant 16 : i32
          %mul3A_414 = arith.muli %add3A_233, %mul3A_413 : i32
          %add3A_415 = arith.constant 4 : i32
          %add3A_416 = arith.addi %mul3A_414, %add3A_415 : i32
          %mul3A_417 = arith.constant 8 : i32
          %mul3A_418 = arith.muli %add3A_416, %mul3A_417 : i32
          %dma_start3A_419 = arith.constant 2 : i32
          %dma_start3A_420 = arith.constant 0 : i32
          %dma_start3A_421 = arith.constant 0 : i32
          %dma_start3A_422 = tpu.memref_slice %arg6[%dma_start3A_419, %dma_start3A_420, %dma_start3A_421] : memref<3x256x64xf32, #tpu.memory_space<vmem>> -> memref<1x256x64xf32, #tpu.memory_space<vmem>>
          %dma_start3A_423 = tpu.memref_squeeze %dma_start3A_422 : memref<1x256x64xf32, #tpu.memory_space<vmem>> -> memref<256x64xf32, #tpu.memory_space<vmem>>
          %dma_start3A_424 = arith.constant 0 : i32
          %dma_start3A_425 = tpu.memref_slice %dma_start3A_423[%mul3A_418, %dma_start3A_424] : memref<256x64xf32, #tpu.memory_space<vmem>> -> memref<8x64xf32, #tpu.memory_space<vmem>>
          %dma_start3A_426 = arith.constant 0 : i32
          %dma_start3A_427 = arith.constant 0 : i32
          %dma_start3A_428 = tpu.memref_slice %arg3[%reduce_max3A_412, %dma_start3A_426, %dma_start3A_427] : memref<100000x8x64xf32, #tpu.memory_space<hbm>> -> memref<1x8x64xf32, #tpu.memory_space<hbm>>
          %dma_start3A_429 = tpu.memref_squeeze %dma_start3A_428 : memref<1x8x64xf32, #tpu.memory_space<hbm>> -> memref<8x64xf32, #tpu.memory_space<hbm>>
          %dma_start3A_430 = arith.constant 0 : i32
          %dma_start3A_431 = arith.constant 0 : i32
          %dma_start3A_432 = tpu.memref_slice %arg6[%dma_start3A_419, %dma_start3A_430, %dma_start3A_431] : memref<3x256x64xf32, #tpu.memory_space<vmem>> -> memref<1x256x64xf32, #tpu.memory_space<vmem>>
          %dma_start3A_433 = tpu.memref_squeeze %dma_start3A_432 : memref<1x256x64xf32, #tpu.memory_space<vmem>> -> memref<256x64xf32, #tpu.memory_space<vmem>>
          %dma_start3A_434 = arith.constant 0 : i32
          %dma_start3A_435 = tpu.memref_slice %dma_start3A_433[%mul3A_418, %dma_start3A_434] : memref<256x64xf32, #tpu.memory_space<vmem>> -> memref<8x64xf32, #tpu.memory_space<vmem>>
          %dma_start3A_436 = arith.constant 0 : i32
          %dma_start3A_437 = arith.constant 0 : i32
          %dma_start3A_438 = tpu.memref_slice %arg3[%reduce_max3A_412, %dma_start3A_436, %dma_start3A_437] : memref<100000x8x64xf32, #tpu.memory_space<hbm>> -> memref<1x8x64xf32, #tpu.memory_space<hbm>>
          %dma_start3A_439 = tpu.memref_squeeze %dma_start3A_438 : memref<1x8x64xf32, #tpu.memory_space<hbm>> -> memref<8x64xf32, #tpu.memory_space<hbm>>
          tpu.enqueue_dma source(%dma_start3A_439 : memref<8x64xf32, #tpu.memory_space<hbm>>) target(%dma_start3A_435 : memref<8x64xf32, #tpu.memory_space<vmem>>) target_semaphore(%arg9 : memref<!tpu.dma_semaphore, #tpu.memory_space<semaphore_mem>>)
          %eq3A_440 = arith.constant 5 : i32
          %eq3A_441 = vector.broadcast %eq3A_440 : i32 to vector<16xi32>
          %eq3A_442 = arith.cmpi eq, %iota3A, %eq3A_441 : vector<16xi32>
          %jit3A_443 = arith.constant -1 : i32
          %broadcast_in_dim3A_444 = vector.broadcast %jit3A_443 : i32 to vector<16xi32>
          %select_n3A_445 = arith.select %eq3A_442, %get3A_239, %broadcast_in_dim3A_444 : vector<16xi1>, vector<16xi32>
          %reduce_max3A_446 = arith.constant true
          %reduce_max3A_447 = vector.broadcast %reduce_max3A_446 : i1 to vector<16xi1>
          %reduce_max3A_448 = arith.constant -2147483648 : i32
          %reduce_max3A_449 = vector.broadcast %reduce_max3A_448 : i32 to vector<16xi32>
          %reduce_max3A_450 = arith.xori %select_n3A_445, %reduce_max3A_449 : vector<16xi32>
          %reduce_max3A_451 = tpu.scan <max>, %reduce_max3A_450 masked %reduce_max3A_447 : vector<16xi32>, vector<16xi1> -> vector<16xi32>
          %reduce_max3A_452 = arith.xori %reduce_max3A_451, %reduce_max3A_449 : vector<16xi32>
          %reduce_max3A_453 = vector.extract %reduce_max3A_452[15] : i32 from vector<16xi32>
          %mul3A_454 = arith.constant 16 : i32
          %mul3A_455 = arith.muli %add3A_233, %mul3A_454 : i32
          %add3A_456 = arith.constant 5 : i32
          %add3A_457 = arith.addi %mul3A_455, %add3A_456 : i32
          %mul3A_458 = arith.constant 8 : i32
          %mul3A_459 = arith.muli %add3A_457, %mul3A_458 : i32
          %dma_start3A_460 = arith.constant 2 : i32
          %dma_start3A_461 = arith.constant 0 : i32
          %dma_start3A_462 = arith.constant 0 : i32
          %dma_start3A_463 = tpu.memref_slice %arg6[%dma_start3A_460, %dma_start3A_461, %dma_start3A_462] : memref<3x256x64xf32, #tpu.memory_space<vmem>> -> memref<1x256x64xf32, #tpu.memory_space<vmem>>
          %dma_start3A_464 = tpu.memref_squeeze %dma_start3A_463 : memref<1x256x64xf32, #tpu.memory_space<vmem>> -> memref<256x64xf32, #tpu.memory_space<vmem>>
          %dma_start3A_465 = arith.constant 0 : i32
          %dma_start3A_466 = tpu.memref_slice %dma_start3A_464[%mul3A_459, %dma_start3A_465] : memref<256x64xf32, #tpu.memory_space<vmem>> -> memref<8x64xf32, #tpu.memory_space<vmem>>
          %dma_start3A_467 = arith.constant 0 : i32
          %dma_start3A_468 = arith.constant 0 : i32
          %dma_start3A_469 = tpu.memref_slice %arg3[%reduce_max3A_453, %dma_start3A_467, %dma_start3A_468] : memref<100000x8x64xf32, #tpu.memory_space<hbm>> -> memref<1x8x64xf32, #tpu.memory_space<hbm>>
          %dma_start3A_470 = tpu.memref_squeeze %dma_start3A_469 : memref<1x8x64xf32, #tpu.memory_space<hbm>> -> memref<8x64xf32, #tpu.memory_space<hbm>>
          %dma_start3A_471 = arith.constant 0 : i32
          %dma_start3A_472 = arith.constant 0 : i32
          %dma_start3A_473 = tpu.memref_slice %arg6[%dma_start3A_460, %dma_start3A_471, %dma_start3A_472] : memref<3x256x64xf32, #tpu.memory_space<vmem>> -> memref<1x256x64xf32, #tpu.memory_space<vmem>>
          %dma_start3A_474 = tpu.memref_squeeze %dma_start3A_473 : memref<1x256x64xf32, #tpu.memory_space<vmem>> -> memref<256x64xf32, #tpu.memory_space<vmem>>
          %dma_start3A_475 = arith.constant 0 : i32
          %dma_start3A_476 = tpu.memref_slice %dma_start3A_474[%mul3A_459, %dma_start3A_475] : memref<256x64xf32, #tpu.memory_space<vmem>> -> memref<8x64xf32, #tpu.memory_space<vmem>>
          %dma_start3A_477 = arith.constant 0 : i32
          %dma_start3A_478 = arith.constant 0 : i32
          %dma_start3A_479 = tpu.memref_slice %arg3[%reduce_max3A_453, %dma_start3A_477, %dma_start3A_478] : memref<100000x8x64xf32, #tpu.memory_space<hbm>> -> memref<1x8x64xf32, #tpu.memory_space<hbm>>
          %dma_start3A_480 = tpu.memref_squeeze %dma_start3A_479 : memref<1x8x64xf32, #tpu.memory_space<hbm>> -> memref<8x64xf32, #tpu.memory_space<hbm>>
          tpu.enqueue_dma source(%dma_start3A_480 : memref<8x64xf32, #tpu.memory_space<hbm>>) target(%dma_start3A_476 : memref<8x64xf32, #tpu.memory_space<vmem>>) target_semaphore(%arg9 : memref<!tpu.dma_semaphore, #tpu.memory_space<semaphore_mem>>)
          %eq3A_481 = arith.constant 6 : i32
          %eq3A_482 = vector.broadcast %eq3A_481 : i32 to vector<16xi32>
          %eq3A_483 = arith.cmpi eq, %iota3A, %eq3A_482 : vector<16xi32>
          %jit3A_484 = arith.constant -1 : i32
          %broadcast_in_dim3A_485 = vector.broadcast %jit3A_484 : i32 to vector<16xi32>
          %select_n3A_486 = arith.select %eq3A_483, %get3A_239, %broadcast_in_dim3A_485 : vector<16xi1>, vector<16xi32>
          %reduce_max3A_487 = arith.constant true
          %reduce_max3A_488 = vector.broadcast %reduce_max3A_487 : i1 to vector<16xi1>
          %reduce_max3A_489 = arith.constant -2147483648 : i32
          %reduce_max3A_490 = vector.broadcast %reduce_max3A_489 : i32 to vector<16xi32>
          %reduce_max3A_491 = arith.xori %select_n3A_486, %reduce_max3A_490 : vector<16xi32>
          %reduce_max3A_492 = tpu.scan <max>, %reduce_max3A_491 masked %reduce_max3A_488 : vector<16xi32>, vector<16xi1> -> vector<16xi32>
          %reduce_max3A_493 = arith.xori %reduce_max3A_492, %reduce_max3A_490 : vector<16xi32>
          %reduce_max3A_494 = vector.extract %reduce_max3A_493[15] : i32 from vector<16xi32>
          %mul3A_495 = arith.constant 16 : i32
          %mul3A_496 = arith.muli %add3A_233, %mul3A_495 : i32
          %add3A_497 = arith.constant 6 : i32
          %add3A_498 = arith.addi %mul3A_496, %add3A_497 : i32
          %mul3A_499 = arith.constant 8 : i32
          %mul3A_500 = arith.muli %add3A_498, %mul3A_499 : i32
          %dma_start3A_501 = arith.constant 2 : i32
          %dma_start3A_502 = arith.constant 0 : i32
          %dma_start3A_503 = arith.constant 0 : i32
          %dma_start3A_504 = tpu.memref_slice %arg6[%dma_start3A_501, %dma_start3A_502, %dma_start3A_503] : memref<3x256x64xf32, #tpu.memory_space<vmem>> -> memref<1x256x64xf32, #tpu.memory_space<vmem>>
          %dma_start3A_505 = tpu.memref_squeeze %dma_start3A_504 : memref<1x256x64xf32, #tpu.memory_space<vmem>> -> memref<256x64xf32, #tpu.memory_space<vmem>>
          %dma_start3A_506 = arith.constant 0 : i32
          %dma_start3A_507 = tpu.memref_slice %dma_start3A_505[%mul3A_500, %dma_start3A_506] : memref<256x64xf32, #tpu.memory_space<vmem>> -> memref<8x64xf32, #tpu.memory_space<vmem>>
          %dma_start3A_508 = arith.constant 0 : i32
          %dma_start3A_509 = arith.constant 0 : i32
          %dma_start3A_510 = tpu.memref_slice %arg3[%reduce_max3A_494, %dma_start3A_508, %dma_start3A_509] : memref<100000x8x64xf32, #tpu.memory_space<hbm>> -> memref<1x8x64xf32, #tpu.memory_space<hbm>>
          %dma_start3A_511 = tpu.memref_squeeze %dma_start3A_510 : memref<1x8x64xf32, #tpu.memory_space<hbm>> -> memref<8x64xf32, #tpu.memory_space<hbm>>
          %dma_start3A_512 = arith.constant 0 : i32
          %dma_start3A_513 = arith.constant 0 : i32
          %dma_start3A_514 = tpu.memref_slice %arg6[%dma_start3A_501, %dma_start3A_512, %dma_start3A_513] : memref<3x256x64xf32, #tpu.memory_space<vmem>> -> memref<1x256x64xf32, #tpu.memory_space<vmem>>
          %dma_start3A_515 = tpu.memref_squeeze %dma_start3A_514 : memref<1x256x64xf32, #tpu.memory_space<vmem>> -> memref<256x64xf32, #tpu.memory_space<vmem>>
          %dma_start3A_516 = arith.constant 0 : i32
          %dma_start3A_517 = tpu.memref_slice %dma_start3A_515[%mul3A_500, %dma_start3A_516] : memref<256x64xf32, #tpu.memory_space<vmem>> -> memref<8x64xf32, #tpu.memory_space<vmem>>
          %dma_start3A_518 = arith.constant 0 : i32
          %dma_start3A_519 = arith.constant 0 : i32
          %dma_start3A_520 = tpu.memref_slice %arg3[%reduce_max3A_494, %dma_start3A_518, %dma_start3A_519] : memref<100000x8x64xf32, #tpu.memory_space<hbm>> -> memref<1x8x64xf32, #tpu.memory_space<hbm>>
          %dma_start3A_521 = tpu.memref_squeeze %dma_start3A_520 : memref<1x8x64xf32, #tpu.memory_space<hbm>> -> memref<8x64xf32, #tpu.memory_space<hbm>>
          tpu.enqueue_dma source(%dma_start3A_521 : memref<8x64xf32, #tpu.memory_space<hbm>>) target(%dma_start3A_517 : memref<8x64xf32, #tpu.memory_space<vmem>>) target_semaphore(%arg9 : memref<!tpu.dma_semaphore, #tpu.memory_space<semaphore_mem>>)
          %eq3A_522 = arith.constant 7 : i32
          %eq3A_523 = vector.broadcast %eq3A_522 : i32 to vector<16xi32>
          %eq3A_524 = arith.cmpi eq, %iota3A, %eq3A_523 : vector<16xi32>
          %jit3A_525 = arith.constant -1 : i32
          %broadcast_in_dim3A_526 = vector.broadcast %jit3A_525 : i32 to vector<16xi32>
          %select_n3A_527 = arith.select %eq3A_524, %get3A_239, %broadcast_in_dim3A_526 : vector<16xi1>, vector<16xi32>
          %reduce_max3A_528 = arith.constant true
          %reduce_max3A_529 = vector.broadcast %reduce_max3A_528 : i1 to vector<16xi1>
          %reduce_max3A_530 = arith.constant -2147483648 : i32
          %reduce_max3A_531 = vector.broadcast %reduce_max3A_530 : i32 to vector<16xi32>
          %reduce_max3A_532 = arith.xori %select_n3A_527, %reduce_max3A_531 : vector<16xi32>
          %reduce_max3A_533 = tpu.scan <max>, %reduce_max3A_532 masked %reduce_max3A_529 : vector<16xi32>, vector<16xi1> -> vector<16xi32>
          %reduce_max3A_534 = arith.xori %reduce_max3A_533, %reduce_max3A_531 : vector<16xi32>
          %reduce_max3A_535 = vector.extract %reduce_max3A_534[15] : i32 from vector<16xi32>
          %mul3A_536 = arith.constant 16 : i32
          %mul3A_537 = arith.muli %add3A_233, %mul3A_536 : i32
          %add3A_538 = arith.constant 7 : i32
          %add3A_539 = arith.addi %mul3A_537, %add3A_538 : i32
          %mul3A_540 = arith.constant 8 : i32
          %mul3A_541 = arith.muli %add3A_539, %mul3A_540 : i32
          %dma_start3A_542 = arith.constant 2 : i32
          %dma_start3A_543 = arith.constant 0 : i32
          %dma_start3A_544 = arith.constant 0 : i32
          %dma_start3A_545 = tpu.memref_slice %arg6[%dma_start3A_542, %dma_start3A_543, %dma_start3A_544] : memref<3x256x64xf32, #tpu.memory_space<vmem>> -> memref<1x256x64xf32, #tpu.memory_space<vmem>>
          %dma_start3A_546 = tpu.memref_squeeze %dma_start3A_545 : memref<1x256x64xf32, #tpu.memory_space<vmem>> -> memref<256x64xf32, #tpu.memory_space<vmem>>
          %dma_start3A_547 = arith.constant 0 : i32
          %dma_start3A_548 = tpu.memref_slice %dma_start3A_546[%mul3A_541, %dma_start3A_547] : memref<256x64xf32, #tpu.memory_space<vmem>> -> memref<8x64xf32, #tpu.memory_space<vmem>>
          %dma_start3A_549 = arith.constant 0 : i32
          %dma_start3A_550 = arith.constant 0 : i32
          %dma_start3A_551 = tpu.memref_slice %arg3[%reduce_max3A_535, %dma_start3A_549, %dma_start3A_550] : memref<100000x8x64xf32, #tpu.memory_space<hbm>> -> memref<1x8x64xf32, #tpu.memory_space<hbm>>
          %dma_start3A_552 = tpu.memref_squeeze %dma_start3A_551 : memref<1x8x64xf32, #tpu.memory_space<hbm>> -> memref<8x64xf32, #tpu.memory_space<hbm>>
          %dma_start3A_553 = arith.constant 0 : i32
          %dma_start3A_554 = arith.constant 0 : i32
          %dma_start3A_555 = tpu.memref_slice %arg6[%dma_start3A_542, %dma_start3A_553, %dma_start3A_554] : memref<3x256x64xf32, #tpu.memory_space<vmem>> -> memref<1x256x64xf32, #tpu.memory_space<vmem>>
          %dma_start3A_556 = tpu.memref_squeeze %dma_start3A_555 : memref<1x256x64xf32, #tpu.memory_space<vmem>> -> memref<256x64xf32, #tpu.memory_space<vmem>>
          %dma_start3A_557 = arith.constant 0 : i32
          %dma_start3A_558 = tpu.memref_slice %dma_start3A_556[%mul3A_541, %dma_start3A_557] : memref<256x64xf32, #tpu.memory_space<vmem>> -> memref<8x64xf32, #tpu.memory_space<vmem>>
          %dma_start3A_559 = arith.constant 0 : i32
          %dma_start3A_560 = arith.constant 0 : i32
          %dma_start3A_561 = tpu.memref_slice %arg3[%reduce_max3A_535, %dma_start3A_559, %dma_start3A_560] : memref<100000x8x64xf32, #tpu.memory_space<hbm>> -> memref<1x8x64xf32, #tpu.memory_space<hbm>>
          %dma_start3A_562 = tpu.memref_squeeze %dma_start3A_561 : memref<1x8x64xf32, #tpu.memory_space<hbm>> -> memref<8x64xf32, #tpu.memory_space<hbm>>
          tpu.enqueue_dma source(%dma_start3A_562 : memref<8x64xf32, #tpu.memory_space<hbm>>) target(%dma_start3A_558 : memref<8x64xf32, #tpu.memory_space<vmem>>) target_semaphore(%arg9 : memref<!tpu.dma_semaphore, #tpu.memory_space<semaphore_mem>>)
          %eq3A_563 = arith.constant 8 : i32
          %eq3A_564 = vector.broadcast %eq3A_563 : i32 to vector<16xi32>
          %eq3A_565 = arith.cmpi eq, %iota3A, %eq3A_564 : vector<16xi32>
          %jit3A_566 = arith.constant -1 : i32
          %broadcast_in_dim3A_567 = vector.broadcast %jit3A_566 : i32 to vector<16xi32>
          %select_n3A_568 = arith.select %eq3A_565, %get3A_239, %broadcast_in_dim3A_567 : vector<16xi1>, vector<16xi32>
          %reduce_max3A_569 = arith.constant true
          %reduce_max3A_570 = vector.broadcast %reduce_max3A_569 : i1 to vector<16xi1>
          %reduce_max3A_571 = arith.constant -2147483648 : i32
          %reduce_max3A_572 = vector.broadcast %reduce_max3A_571 : i32 to vector<16xi32>
          %reduce_max3A_573 = arith.xori %select_n3A_568, %reduce_max3A_572 : vector<16xi32>
          %reduce_max3A_574 = tpu.scan <max>, %reduce_max3A_573 masked %reduce_max3A_570 : vector<16xi32>, vector<16xi1> -> vector<16xi32>
          %reduce_max3A_575 = arith.xori %reduce_max3A_574, %reduce_max3A_572 : vector<16xi32>
          %reduce_max3A_576 = vector.extract %reduce_max3A_575[15] : i32 from vector<16xi32>
          %mul3A_577 = arith.constant 16 : i32
          %mul3A_578 = arith.muli %add3A_233, %mul3A_577 : i32
          %add3A_579 = arith.constant 8 : i32
          %add3A_580 = arith.addi %mul3A_578, %add3A_579 : i32
          %mul3A_581 = arith.constant 8 : i32
          %mul3A_582 = arith.muli %add3A_580, %mul3A_581 : i32
          %dma_start3A_583 = arith.constant 2 : i32
          %dma_start3A_584 = arith.constant 0 : i32
          %dma_start3A_585 = arith.constant 0 : i32
          %dma_start3A_586 = tpu.memref_slice %arg6[%dma_start3A_583, %dma_start3A_584, %dma_start3A_585] : memref<3x256x64xf32, #tpu.memory_space<vmem>> -> memref<1x256x64xf32, #tpu.memory_space<vmem>>
          %dma_start3A_587 = tpu.memref_squeeze %dma_start3A_586 : memref<1x256x64xf32, #tpu.memory_space<vmem>> -> memref<256x64xf32, #tpu.memory_space<vmem>>
          %dma_start3A_588 = arith.constant 0 : i32
          %dma_start3A_589 = tpu.memref_slice %dma_start3A_587[%mul3A_582, %dma_start3A_588] : memref<256x64xf32, #tpu.memory_space<vmem>> -> memref<8x64xf32, #tpu.memory_space<vmem>>
          %dma_start3A_590 = arith.constant 0 : i32
          %dma_start3A_591 = arith.constant 0 : i32
          %dma_start3A_592 = tpu.memref_slice %arg3[%reduce_max3A_576, %dma_start3A_590, %dma_start3A_591] : memref<100000x8x64xf32, #tpu.memory_space<hbm>> -> memref<1x8x64xf32, #tpu.memory_space<hbm>>
          %dma_start3A_593 = tpu.memref_squeeze %dma_start3A_592 : memref<1x8x64xf32, #tpu.memory_space<hbm>> -> memref<8x64xf32, #tpu.memory_space<hbm>>
          %dma_start3A_594 = arith.constant 0 : i32
          %dma_start3A_595 = arith.constant 0 : i32
          %dma_start3A_596 = tpu.memref_slice %arg6[%dma_start3A_583, %dma_start3A_594, %dma_start3A_595] : memref<3x256x64xf32, #tpu.memory_space<vmem>> -> memref<1x256x64xf32, #tpu.memory_space<vmem>>
          %dma_start3A_597 = tpu.memref_squeeze %dma_start3A_596 : memref<1x256x64xf32, #tpu.memory_space<vmem>> -> memref<256x64xf32, #tpu.memory_space<vmem>>
          %dma_start3A_598 = arith.constant 0 : i32
          %dma_start3A_599 = tpu.memref_slice %dma_start3A_597[%mul3A_582, %dma_start3A_598] : memref<256x64xf32, #tpu.memory_space<vmem>> -> memref<8x64xf32, #tpu.memory_space<vmem>>
          %dma_start3A_600 = arith.constant 0 : i32
          %dma_start3A_601 = arith.constant 0 : i32
          %dma_start3A_602 = tpu.memref_slice %arg3[%reduce_max3A_576, %dma_start3A_600, %dma_start3A_601] : memref<100000x8x64xf32, #tpu.memory_space<hbm>> -> memref<1x8x64xf32, #tpu.memory_space<hbm>>
          %dma_start3A_603 = tpu.memref_squeeze %dma_start3A_602 : memref<1x8x64xf32, #tpu.memory_space<hbm>> -> memref<8x64xf32, #tpu.memory_space<hbm>>
          tpu.enqueue_dma source(%dma_start3A_603 : memref<8x64xf32, #tpu.memory_space<hbm>>) target(%dma_start3A_599 : memref<8x64xf32, #tpu.memory_space<vmem>>) target_semaphore(%arg9 : memref<!tpu.dma_semaphore, #tpu.memory_space<semaphore_mem>>)
          %eq3A_604 = arith.constant 9 : i32
          %eq3A_605 = vector.broadcast %eq3A_604 : i32 to vector<16xi32>
          %eq3A_606 = arith.cmpi eq, %iota3A, %eq3A_605 : vector<16xi32>
          %jit3A_607 = arith.constant -1 : i32
          %broadcast_in_dim3A_608 = vector.broadcast %jit3A_607 : i32 to vector<16xi32>
          %select_n3A_609 = arith.select %eq3A_606, %get3A_239, %broadcast_in_dim3A_608 : vector<16xi1>, vector<16xi32>
          %reduce_max3A_610 = arith.constant true
          %reduce_max3A_611 = vector.broadcast %reduce_max3A_610 : i1 to vector<16xi1>
          %reduce_max3A_612 = arith.constant -2147483648 : i32
          %reduce_max3A_613 = vector.broadcast %reduce_max3A_612 : i32 to vector<16xi32>
          %reduce_max3A_614 = arith.xori %select_n3A_609, %reduce_max3A_613 : vector<16xi32>
          %reduce_max3A_615 = tpu.scan <max>, %reduce_max3A_614 masked %reduce_max3A_611 : vector<16xi32>, vector<16xi1> -> vector<16xi32>
          %reduce_max3A_616 = arith.xori %reduce_max3A_615, %reduce_max3A_613 : vector<16xi32>
          %reduce_max3A_617 = vector.extract %reduce_max3A_616[15] : i32 from vector<16xi32>
          %mul3A_618 = arith.constant 16 : i32
          %mul3A_619 = arith.muli %add3A_233, %mul3A_618 : i32
          %add3A_620 = arith.constant 9 : i32
          %add3A_621 = arith.addi %mul3A_619, %add3A_620 : i32
          %mul3A_622 = arith.constant 8 : i32
          %mul3A_623 = arith.muli %add3A_621, %mul3A_622 : i32
          %dma_start3A_624 = arith.constant 2 : i32
          %dma_start3A_625 = arith.constant 0 : i32
          %dma_start3A_626 = arith.constant 0 : i32
          %dma_start3A_627 = tpu.memref_slice %arg6[%dma_start3A_624, %dma_start3A_625, %dma_start3A_626] : memref<3x256x64xf32, #tpu.memory_space<vmem>> -> memref<1x256x64xf32, #tpu.memory_space<vmem>>
          %dma_start3A_628 = tpu.memref_squeeze %dma_start3A_627 : memref<1x256x64xf32, #tpu.memory_space<vmem>> -> memref<256x64xf32, #tpu.memory_space<vmem>>
          %dma_start3A_629 = arith.constant 0 : i32
          %dma_start3A_630 = tpu.memref_slice %dma_start3A_628[%mul3A_623, %dma_start3A_629] : memref<256x64xf32, #tpu.memory_space<vmem>> -> memref<8x64xf32, #tpu.memory_space<vmem>>
          %dma_start3A_631 = arith.constant 0 : i32
          %dma_start3A_632 = arith.constant 0 : i32
          %dma_start3A_633 = tpu.memref_slice %arg3[%reduce_max3A_617, %dma_start3A_631, %dma_start3A_632] : memref<100000x8x64xf32, #tpu.memory_space<hbm>> -> memref<1x8x64xf32, #tpu.memory_space<hbm>>
          %dma_start3A_634 = tpu.memref_squeeze %dma_start3A_633 : memref<1x8x64xf32, #tpu.memory_space<hbm>> -> memref<8x64xf32, #tpu.memory_space<hbm>>
          %dma_start3A_635 = arith.constant 0 : i32
          %dma_start3A_636 = arith.constant 0 : i32
          %dma_start3A_637 = tpu.memref_slice %arg6[%dma_start3A_624, %dma_start3A_635, %dma_start3A_636] : memref<3x256x64xf32, #tpu.memory_space<vmem>> -> memref<1x256x64xf32, #tpu.memory_space<vmem>>
          %dma_start3A_638 = tpu.memref_squeeze %dma_start3A_637 : memref<1x256x64xf32, #tpu.memory_space<vmem>> -> memref<256x64xf32, #tpu.memory_space<vmem>>
          %dma_start3A_639 = arith.constant 0 : i32
          %dma_start3A_640 = tpu.memref_slice %dma_start3A_638[%mul3A_623, %dma_start3A_639] : memref<256x64xf32, #tpu.memory_space<vmem>> -> memref<8x64xf32, #tpu.memory_space<vmem>>
          %dma_start3A_641 = arith.constant 0 : i32
          %dma_start3A_642 = arith.constant 0 : i32
          %dma_start3A_643 = tpu.memref_slice %arg3[%reduce_max3A_617, %dma_start3A_641, %dma_start3A_642] : memref<100000x8x64xf32, #tpu.memory_space<hbm>> -> memref<1x8x64xf32, #tpu.memory_space<hbm>>
          %dma_start3A_644 = tpu.memref_squeeze %dma_start3A_643 : memref<1x8x64xf32, #tpu.memory_space<hbm>> -> memref<8x64xf32, #tpu.memory_space<hbm>>
          tpu.enqueue_dma source(%dma_start3A_644 : memref<8x64xf32, #tpu.memory_space<hbm>>) target(%dma_start3A_640 : memref<8x64xf32, #tpu.memory_space<vmem>>) target_semaphore(%arg9 : memref<!tpu.dma_semaphore, #tpu.memory_space<semaphore_mem>>)
          %eq3A_645 = arith.constant 10 : i32
          %eq3A_646 = vector.broadcast %eq3A_645 : i32 to vector<16xi32>
          %eq3A_647 = arith.cmpi eq, %iota3A, %eq3A_646 : vector<16xi32>
          %jit3A_648 = arith.constant -1 : i32
          %broadcast_in_dim3A_649 = vector.broadcast %jit3A_648 : i32 to vector<16xi32>
          %select_n3A_650 = arith.select %eq3A_647, %get3A_239, %broadcast_in_dim3A_649 : vector<16xi1>, vector<16xi32>
          %reduce_max3A_651 = arith.constant true
          %reduce_max3A_652 = vector.broadcast %reduce_max3A_651 : i1 to vector<16xi1>
          %reduce_max3A_653 = arith.constant -2147483648 : i32
          %reduce_max3A_654 = vector.broadcast %reduce_max3A_653 : i32 to vector<16xi32>
          %reduce_max3A_655 = arith.xori %select_n3A_650, %reduce_max3A_654 : vector<16xi32>
          %reduce_max3A_656 = tpu.scan <max>, %reduce_max3A_655 masked %reduce_max3A_652 : vector<16xi32>, vector<16xi1> -> vector<16xi32>
          %reduce_max3A_657 = arith.xori %reduce_max3A_656, %reduce_max3A_654 : vector<16xi32>
          %reduce_max3A_658 = vector.extract %reduce_max3A_657[15] : i32 from vector<16xi32>
          %mul3A_659 = arith.constant 16 : i32
          %mul3A_660 = arith.muli %add3A_233, %mul3A_659 : i32
          %add3A_661 = arith.constant 10 : i32
          %add3A_662 = arith.addi %mul3A_660, %add3A_661 : i32
          %mul3A_663 = arith.constant 8 : i32
          %mul3A_664 = arith.muli %add3A_662, %mul3A_663 : i32
          %dma_start3A_665 = arith.constant 2 : i32
          %dma_start3A_666 = arith.constant 0 : i32
          %dma_start3A_667 = arith.constant 0 : i32
          %dma_start3A_668 = tpu.memref_slice %arg6[%dma_start3A_665, %dma_start3A_666, %dma_start3A_667] : memref<3x256x64xf32, #tpu.memory_space<vmem>> -> memref<1x256x64xf32, #tpu.memory_space<vmem>>
          %dma_start3A_669 = tpu.memref_squeeze %dma_start3A_668 : memref<1x256x64xf32, #tpu.memory_space<vmem>> -> memref<256x64xf32, #tpu.memory_space<vmem>>
          %dma_start3A_670 = arith.constant 0 : i32
          %dma_start3A_671 = tpu.memref_slice %dma_start3A_669[%mul3A_664, %dma_start3A_670] : memref<256x64xf32, #tpu.memory_space<vmem>> -> memref<8x64xf32, #tpu.memory_space<vmem>>
          %dma_start3A_672 = arith.constant 0 : i32
          %dma_start3A_673 = arith.constant 0 : i32
          %dma_start3A_674 = tpu.memref_slice %arg3[%reduce_max3A_658, %dma_start3A_672, %dma_start3A_673] : memref<100000x8x64xf32, #tpu.memory_space<hbm>> -> memref<1x8x64xf32, #tpu.memory_space<hbm>>
          %dma_start3A_675 = tpu.memref_squeeze %dma_start3A_674 : memref<1x8x64xf32, #tpu.memory_space<hbm>> -> memref<8x64xf32, #tpu.memory_space<hbm>>
          %dma_start3A_676 = arith.constant 0 : i32
          %dma_start3A_677 = arith.constant 0 : i32
          %dma_start3A_678 = tpu.memref_slice %arg6[%dma_start3A_665, %dma_start3A_676, %dma_start3A_677] : memref<3x256x64xf32, #tpu.memory_space<vmem>> -> memref<1x256x64xf32, #tpu.memory_space<vmem>>
          %dma_start3A_679 = tpu.memref_squeeze %dma_start3A_678 : memref<1x256x64xf32, #tpu.memory_space<vmem>> -> memref<256x64xf32, #tpu.memory_space<vmem>>
          %dma_start3A_680 = arith.constant 0 : i32
          %dma_start3A_681 = tpu.memref_slice %dma_start3A_679[%mul3A_664, %dma_start3A_680] : memref<256x64xf32, #tpu.memory_space<vmem>> -> memref<8x64xf32, #tpu.memory_space<vmem>>
          %dma_start3A_682 = arith.constant 0 : i32
          %dma_start3A_683 = arith.constant 0 : i32
          %dma_start3A_684 = tpu.memref_slice %arg3[%reduce_max3A_658, %dma_start3A_682, %dma_start3A_683] : memref<100000x8x64xf32, #tpu.memory_space<hbm>> -> memref<1x8x64xf32, #tpu.memory_space<hbm>>
          %dma_start3A_685 = tpu.memref_squeeze %dma_start3A_684 : memref<1x8x64xf32, #tpu.memory_space<hbm>> -> memref<8x64xf32, #tpu.memory_space<hbm>>
          tpu.enqueue_dma source(%dma_start3A_685 : memref<8x64xf32, #tpu.memory_space<hbm>>) target(%dma_start3A_681 : memref<8x64xf32, #tpu.memory_space<vmem>>) target_semaphore(%arg9 : memref<!tpu.dma_semaphore, #tpu.memory_space<semaphore_mem>>)
          %eq3A_686 = arith.constant 11 : i32
          %eq3A_687 = vector.broadcast %eq3A_686 : i32 to vector<16xi32>
          %eq3A_688 = arith.cmpi eq, %iota3A, %eq3A_687 : vector<16xi32>
          %jit3A_689 = arith.constant -1 : i32
          %broadcast_in_dim3A_690 = vector.broadcast %jit3A_689 : i32 to vector<16xi32>
          %select_n3A_691 = arith.select %eq3A_688, %get3A_239, %broadcast_in_dim3A_690 : vector<16xi1>, vector<16xi32>
          %reduce_max3A_692 = arith.constant true
          %reduce_max3A_693 = vector.broadcast %reduce_max3A_692 : i1 to vector<16xi1>
          %reduce_max3A_694 = arith.constant -2147483648 : i32
          %reduce_max3A_695 = vector.broadcast %reduce_max3A_694 : i32 to vector<16xi32>
          %reduce_max3A_696 = arith.xori %select_n3A_691, %reduce_max3A_695 : vector<16xi32>
          %reduce_max3A_697 = tpu.scan <max>, %reduce_max3A_696 masked %reduce_max3A_693 : vector<16xi32>, vector<16xi1> -> vector<16xi32>
          %reduce_max3A_698 = arith.xori %reduce_max3A_697, %reduce_max3A_695 : vector<16xi32>
          %reduce_max3A_699 = vector.extract %reduce_max3A_698[15] : i32 from vector<16xi32>
          %mul3A_700 = arith.constant 16 : i32
          %mul3A_701 = arith.muli %add3A_233, %mul3A_700 : i32
          %add3A_702 = arith.constant 11 : i32
          %add3A_703 = arith.addi %mul3A_701, %add3A_702 : i32
          %mul3A_704 = arith.constant 8 : i32
          %mul3A_705 = arith.muli %add3A_703, %mul3A_704 : i32
          %dma_start3A_706 = arith.constant 2 : i32
          %dma_start3A_707 = arith.constant 0 : i32
          %dma_start3A_708 = arith.constant 0 : i32
          %dma_start3A_709 = tpu.memref_slice %arg6[%dma_start3A_706, %dma_start3A_707, %dma_start3A_708] : memref<3x256x64xf32, #tpu.memory_space<vmem>> -> memref<1x256x64xf32, #tpu.memory_space<vmem>>
          %dma_start3A_710 = tpu.memref_squeeze %dma_start3A_709 : memref<1x256x64xf32, #tpu.memory_space<vmem>> -> memref<256x64xf32, #tpu.memory_space<vmem>>
          %dma_start3A_711 = arith.constant 0 : i32
          %dma_start3A_712 = tpu.memref_slice %dma_start3A_710[%mul3A_705, %dma_start3A_711] : memref<256x64xf32, #tpu.memory_space<vmem>> -> memref<8x64xf32, #tpu.memory_space<vmem>>
          %dma_start3A_713 = arith.constant 0 : i32
          %dma_start3A_714 = arith.constant 0 : i32
          %dma_start3A_715 = tpu.memref_slice %arg3[%reduce_max3A_699, %dma_start3A_713, %dma_start3A_714] : memref<100000x8x64xf32, #tpu.memory_space<hbm>> -> memref<1x8x64xf32, #tpu.memory_space<hbm>>
          %dma_start3A_716 = tpu.memref_squeeze %dma_start3A_715 : memref<1x8x64xf32, #tpu.memory_space<hbm>> -> memref<8x64xf32, #tpu.memory_space<hbm>>
          %dma_start3A_717 = arith.constant 0 : i32
          %dma_start3A_718 = arith.constant 0 : i32
          %dma_start3A_719 = tpu.memref_slice %arg6[%dma_start3A_706, %dma_start3A_717, %dma_start3A_718] : memref<3x256x64xf32, #tpu.memory_space<vmem>> -> memref<1x256x64xf32, #tpu.memory_space<vmem>>
          %dma_start3A_720 = tpu.memref_squeeze %dma_start3A_719 : memref<1x256x64xf32, #tpu.memory_space<vmem>> -> memref<256x64xf32, #tpu.memory_space<vmem>>
          %dma_start3A_721 = arith.constant 0 : i32
          %dma_start3A_722 = tpu.memref_slice %dma_start3A_720[%mul3A_705, %dma_start3A_721] : memref<256x64xf32, #tpu.memory_space<vmem>> -> memref<8x64xf32, #tpu.memory_space<vmem>>
          %dma_start3A_723 = arith.constant 0 : i32
          %dma_start3A_724 = arith.constant 0 : i32
          %dma_start3A_725 = tpu.memref_slice %arg3[%reduce_max3A_699, %dma_start3A_723, %dma_start3A_724] : memref<100000x8x64xf32, #tpu.memory_space<hbm>> -> memref<1x8x64xf32, #tpu.memory_space<hbm>>
          %dma_start3A_726 = tpu.memref_squeeze %dma_start3A_725 : memref<1x8x64xf32, #tpu.memory_space<hbm>> -> memref<8x64xf32, #tpu.memory_space<hbm>>
          tpu.enqueue_dma source(%dma_start3A_726 : memref<8x64xf32, #tpu.memory_space<hbm>>) target(%dma_start3A_722 : memref<8x64xf32, #tpu.memory_space<vmem>>) target_semaphore(%arg9 : memref<!tpu.dma_semaphore, #tpu.memory_space<semaphore_mem>>)
          %eq3A_727 = arith.constant 12 : i32
          %eq3A_728 = vector.broadcast %eq3A_727 : i32 to vector<16xi32>
          %eq3A_729 = arith.cmpi eq, %iota3A, %eq3A_728 : vector<16xi32>
          %jit3A_730 = arith.constant -1 : i32
          %broadcast_in_dim3A_731 = vector.broadcast %jit3A_730 : i32 to vector<16xi32>
          %select_n3A_732 = arith.select %eq3A_729, %get3A_239, %broadcast_in_dim3A_731 : vector<16xi1>, vector<16xi32>
          %reduce_max3A_733 = arith.constant true
          %reduce_max3A_734 = vector.broadcast %reduce_max3A_733 : i1 to vector<16xi1>
          %reduce_max3A_735 = arith.constant -2147483648 : i32
          %reduce_max3A_736 = vector.broadcast %reduce_max3A_735 : i32 to vector<16xi32>
          %reduce_max3A_737 = arith.xori %select_n3A_732, %reduce_max3A_736 : vector<16xi32>
          %reduce_max3A_738 = tpu.scan <max>, %reduce_max3A_737 masked %reduce_max3A_734 : vector<16xi32>, vector<16xi1> -> vector<16xi32>
          %reduce_max3A_739 = arith.xori %reduce_max3A_738, %reduce_max3A_736 : vector<16xi32>
          %reduce_max3A_740 = vector.extract %reduce_max3A_739[15] : i32 from vector<16xi32>
          %mul3A_741 = arith.constant 16 : i32
          %mul3A_742 = arith.muli %add3A_233, %mul3A_741 : i32
          %add3A_743 = arith.constant 12 : i32
          %add3A_744 = arith.addi %mul3A_742, %add3A_743 : i32
          %mul3A_745 = arith.constant 8 : i32
          %mul3A_746 = arith.muli %add3A_744, %mul3A_745 : i32
          %dma_start3A_747 = arith.constant 2 : i32
          %dma_start3A_748 = arith.constant 0 : i32
          %dma_start3A_749 = arith.constant 0 : i32
          %dma_start3A_750 = tpu.memref_slice %arg6[%dma_start3A_747, %dma_start3A_748, %dma_start3A_749] : memref<3x256x64xf32, #tpu.memory_space<vmem>> -> memref<1x256x64xf32, #tpu.memory_space<vmem>>
          %dma_start3A_751 = tpu.memref_squeeze %dma_start3A_750 : memref<1x256x64xf32, #tpu.memory_space<vmem>> -> memref<256x64xf32, #tpu.memory_space<vmem>>
          %dma_start3A_752 = arith.constant 0 : i32
          %dma_start3A_753 = tpu.memref_slice %dma_start3A_751[%mul3A_746, %dma_start3A_752] : memref<256x64xf32, #tpu.memory_space<vmem>> -> memref<8x64xf32, #tpu.memory_space<vmem>>
          %dma_start3A_754 = arith.constant 0 : i32
          %dma_start3A_755 = arith.constant 0 : i32
          %dma_start3A_756 = tpu.memref_slice %arg3[%reduce_max3A_740, %dma_start3A_754, %dma_start3A_755] : memref<100000x8x64xf32, #tpu.memory_space<hbm>> -> memref<1x8x64xf32, #tpu.memory_space<hbm>>
          %dma_start3A_757 = tpu.memref_squeeze %dma_start3A_756 : memref<1x8x64xf32, #tpu.memory_space<hbm>> -> memref<8x64xf32, #tpu.memory_space<hbm>>
          %dma_start3A_758 = arith.constant 0 : i32
          %dma_start3A_759 = arith.constant 0 : i32
          %dma_start3A_760 = tpu.memref_slice %arg6[%dma_start3A_747, %dma_start3A_758, %dma_start3A_759] : memref<3x256x64xf32, #tpu.memory_space<vmem>> -> memref<1x256x64xf32, #tpu.memory_space<vmem>>
          %dma_start3A_761 = tpu.memref_squeeze %dma_start3A_760 : memref<1x256x64xf32, #tpu.memory_space<vmem>> -> memref<256x64xf32, #tpu.memory_space<vmem>>
          %dma_start3A_762 = arith.constant 0 : i32
          %dma_start3A_763 = tpu.memref_slice %dma_start3A_761[%mul3A_746, %dma_start3A_762] : memref<256x64xf32, #tpu.memory_space<vmem>> -> memref<8x64xf32, #tpu.memory_space<vmem>>
          %dma_start3A_764 = arith.constant 0 : i32
          %dma_start3A_765 = arith.constant 0 : i32
          %dma_start3A_766 = tpu.memref_slice %arg3[%reduce_max3A_740, %dma_start3A_764, %dma_start3A_765] : memref<100000x8x64xf32, #tpu.memory_space<hbm>> -> memref<1x8x64xf32, #tpu.memory_space<hbm>>
          %dma_start3A_767 = tpu.memref_squeeze %dma_start3A_766 : memref<1x8x64xf32, #tpu.memory_space<hbm>> -> memref<8x64xf32, #tpu.memory_space<hbm>>
          tpu.enqueue_dma source(%dma_start3A_767 : memref<8x64xf32, #tpu.memory_space<hbm>>) target(%dma_start3A_763 : memref<8x64xf32, #tpu.memory_space<vmem>>) target_semaphore(%arg9 : memref<!tpu.dma_semaphore, #tpu.memory_space<semaphore_mem>>)
          %eq3A_768 = arith.constant 13 : i32
          %eq3A_769 = vector.broadcast %eq3A_768 : i32 to vector<16xi32>
          %eq3A_770 = arith.cmpi eq, %iota3A, %eq3A_769 : vector<16xi32>
          %jit3A_771 = arith.constant -1 : i32
          %broadcast_in_dim3A_772 = vector.broadcast %jit3A_771 : i32 to vector<16xi32>
          %select_n3A_773 = arith.select %eq3A_770, %get3A_239, %broadcast_in_dim3A_772 : vector<16xi1>, vector<16xi32>
          %reduce_max3A_774 = arith.constant true
          %reduce_max3A_775 = vector.broadcast %reduce_max3A_774 : i1 to vector<16xi1>
          %reduce_max3A_776 = arith.constant -2147483648 : i32
          %reduce_max3A_777 = vector.broadcast %reduce_max3A_776 : i32 to vector<16xi32>
          %reduce_max3A_778 = arith.xori %select_n3A_773, %reduce_max3A_777 : vector<16xi32>
          %reduce_max3A_779 = tpu.scan <max>, %reduce_max3A_778 masked %reduce_max3A_775 : vector<16xi32>, vector<16xi1> -> vector<16xi32>
          %reduce_max3A_780 = arith.xori %reduce_max3A_779, %reduce_max3A_777 : vector<16xi32>
          %reduce_max3A_781 = vector.extract %reduce_max3A_780[15] : i32 from vector<16xi32>
          %mul3A_782 = arith.constant 16 : i32
          %mul3A_783 = arith.muli %add3A_233, %mul3A_782 : i32
          %add3A_784 = arith.constant 13 : i32
          %add3A_785 = arith.addi %mul3A_783, %add3A_784 : i32
          %mul3A_786 = arith.constant 8 : i32
          %mul3A_787 = arith.muli %add3A_785, %mul3A_786 : i32
          %dma_start3A_788 = arith.constant 2 : i32
          %dma_start3A_789 = arith.constant 0 : i32
          %dma_start3A_790 = arith.constant 0 : i32
          %dma_start3A_791 = tpu.memref_slice %arg6[%dma_start3A_788, %dma_start3A_789, %dma_start3A_790] : memref<3x256x64xf32, #tpu.memory_space<vmem>> -> memref<1x256x64xf32, #tpu.memory_space<vmem>>
          %dma_start3A_792 = tpu.memref_squeeze %dma_start3A_791 : memref<1x256x64xf32, #tpu.memory_space<vmem>> -> memref<256x64xf32, #tpu.memory_space<vmem>>
          %dma_start3A_793 = arith.constant 0 : i32
          %dma_start3A_794 = tpu.memref_slice %dma_start3A_792[%mul3A_787, %dma_start3A_793] : memref<256x64xf32, #tpu.memory_space<vmem>> -> memref<8x64xf32, #tpu.memory_space<vmem>>
          %dma_start3A_795 = arith.constant 0 : i32
          %dma_start3A_796 = arith.constant 0 : i32
          %dma_start3A_797 = tpu.memref_slice %arg3[%reduce_max3A_781, %dma_start3A_795, %dma_start3A_796] : memref<100000x8x64xf32, #tpu.memory_space<hbm>> -> memref<1x8x64xf32, #tpu.memory_space<hbm>>
          %dma_start3A_798 = tpu.memref_squeeze %dma_start3A_797 : memref<1x8x64xf32, #tpu.memory_space<hbm>> -> memref<8x64xf32, #tpu.memory_space<hbm>>
          %dma_start3A_799 = arith.constant 0 : i32
          %dma_start3A_800 = arith.constant 0 : i32
          %dma_start3A_801 = tpu.memref_slice %arg6[%dma_start3A_788, %dma_start3A_799, %dma_start3A_800] : memref<3x256x64xf32, #tpu.memory_space<vmem>> -> memref<1x256x64xf32, #tpu.memory_space<vmem>>
          %dma_start3A_802 = tpu.memref_squeeze %dma_start3A_801 : memref<1x256x64xf32, #tpu.memory_space<vmem>> -> memref<256x64xf32, #tpu.memory_space<vmem>>
          %dma_start3A_803 = arith.constant 0 : i32
          %dma_start3A_804 = tpu.memref_slice %dma_start3A_802[%mul3A_787, %dma_start3A_803] : memref<256x64xf32, #tpu.memory_space<vmem>> -> memref<8x64xf32, #tpu.memory_space<vmem>>
          %dma_start3A_805 = arith.constant 0 : i32
          %dma_start3A_806 = arith.constant 0 : i32
          %dma_start3A_807 = tpu.memref_slice %arg3[%reduce_max3A_781, %dma_start3A_805, %dma_start3A_806] : memref<100000x8x64xf32, #tpu.memory_space<hbm>> -> memref<1x8x64xf32, #tpu.memory_space<hbm>>
          %dma_start3A_808 = tpu.memref_squeeze %dma_start3A_807 : memref<1x8x64xf32, #tpu.memory_space<hbm>> -> memref<8x64xf32, #tpu.memory_space<hbm>>
          tpu.enqueue_dma source(%dma_start3A_808 : memref<8x64xf32, #tpu.memory_space<hbm>>) target(%dma_start3A_804 : memref<8x64xf32, #tpu.memory_space<vmem>>) target_semaphore(%arg9 : memref<!tpu.dma_semaphore, #tpu.memory_space<semaphore_mem>>)
          %eq3A_809 = arith.constant 14 : i32
          %eq3A_810 = vector.broadcast %eq3A_809 : i32 to vector<16xi32>
          %eq3A_811 = arith.cmpi eq, %iota3A, %eq3A_810 : vector<16xi32>
          %jit3A_812 = arith.constant -1 : i32
          %broadcast_in_dim3A_813 = vector.broadcast %jit3A_812 : i32 to vector<16xi32>
          %select_n3A_814 = arith.select %eq3A_811, %get3A_239, %broadcast_in_dim3A_813 : vector<16xi1>, vector<16xi32>
          %reduce_max3A_815 = arith.constant true
          %reduce_max3A_816 = vector.broadcast %reduce_max3A_815 : i1 to vector<16xi1>
          %reduce_max3A_817 = arith.constant -2147483648 : i32
          %reduce_max3A_818 = vector.broadcast %reduce_max3A_817 : i32 to vector<16xi32>
          %reduce_max3A_819 = arith.xori %select_n3A_814, %reduce_max3A_818 : vector<16xi32>
          %reduce_max3A_820 = tpu.scan <max>, %reduce_max3A_819 masked %reduce_max3A_816 : vector<16xi32>, vector<16xi1> -> vector<16xi32>
          %reduce_max3A_821 = arith.xori %reduce_max3A_820, %reduce_max3A_818 : vector<16xi32>
          %reduce_max3A_822 = vector.extract %reduce_max3A_821[15] : i32 from vector<16xi32>
          %mul3A_823 = arith.constant 16 : i32
          %mul3A_824 = arith.muli %add3A_233, %mul3A_823 : i32
          %add3A_825 = arith.constant 14 : i32
          %add3A_826 = arith.addi %mul3A_824, %add3A_825 : i32
          %mul3A_827 = arith.constant 8 : i32
          %mul3A_828 = arith.muli %add3A_826, %mul3A_827 : i32
          %dma_start3A_829 = arith.constant 2 : i32
          %dma_start3A_830 = arith.constant 0 : i32
          %dma_start3A_831 = arith.constant 0 : i32
          %dma_start3A_832 = tpu.memref_slice %arg6[%dma_start3A_829, %dma_start3A_830, %dma_start3A_831] : memref<3x256x64xf32, #tpu.memory_space<vmem>> -> memref<1x256x64xf32, #tpu.memory_space<vmem>>
          %dma_start3A_833 = tpu.memref_squeeze %dma_start3A_832 : memref<1x256x64xf32, #tpu.memory_space<vmem>> -> memref<256x64xf32, #tpu.memory_space<vmem>>
          %dma_start3A_834 = arith.constant 0 : i32
          %dma_start3A_835 = tpu.memref_slice %dma_start3A_833[%mul3A_828, %dma_start3A_834] : memref<256x64xf32, #tpu.memory_space<vmem>> -> memref<8x64xf32, #tpu.memory_space<vmem>>
          %dma_start3A_836 = arith.constant 0 : i32
          %dma_start3A_837 = arith.constant 0 : i32
          %dma_start3A_838 = tpu.memref_slice %arg3[%reduce_max3A_822, %dma_start3A_836, %dma_start3A_837] : memref<100000x8x64xf32, #tpu.memory_space<hbm>> -> memref<1x8x64xf32, #tpu.memory_space<hbm>>
          %dma_start3A_839 = tpu.memref_squeeze %dma_start3A_838 : memref<1x8x64xf32, #tpu.memory_space<hbm>> -> memref<8x64xf32, #tpu.memory_space<hbm>>
          %dma_start3A_840 = arith.constant 0 : i32
          %dma_start3A_841 = arith.constant 0 : i32
          %dma_start3A_842 = tpu.memref_slice %arg6[%dma_start3A_829, %dma_start3A_840, %dma_start3A_841] : memref<3x256x64xf32, #tpu.memory_space<vmem>> -> memref<1x256x64xf32, #tpu.memory_space<vmem>>
          %dma_start3A_843 = tpu.memref_squeeze %dma_start3A_842 : memref<1x256x64xf32, #tpu.memory_space<vmem>> -> memref<256x64xf32, #tpu.memory_space<vmem>>
          %dma_start3A_844 = arith.constant 0 : i32
          %dma_start3A_845 = tpu.memref_slice %dma_start3A_843[%mul3A_828, %dma_start3A_844] : memref<256x64xf32, #tpu.memory_space<vmem>> -> memref<8x64xf32, #tpu.memory_space<vmem>>
          %dma_start3A_846 = arith.constant 0 : i32
          %dma_start3A_847 = arith.constant 0 : i32
          %dma_start3A_848 = tpu.memref_slice %arg3[%reduce_max3A_822, %dma_start3A_846, %dma_start3A_847] : memref<100000x8x64xf32, #tpu.memory_space<hbm>> -> memref<1x8x64xf32, #tpu.memory_space<hbm>>
          %dma_start3A_849 = tpu.memref_squeeze %dma_start3A_848 : memref<1x8x64xf32, #tpu.memory_space<hbm>> -> memref<8x64xf32, #tpu.memory_space<hbm>>
          tpu.enqueue_dma source(%dma_start3A_849 : memref<8x64xf32, #tpu.memory_space<hbm>>) target(%dma_start3A_845 : memref<8x64xf32, #tpu.memory_space<vmem>>) target_semaphore(%arg9 : memref<!tpu.dma_semaphore, #tpu.memory_space<semaphore_mem>>)
          %eq3A_850 = arith.constant 15 : i32
          %eq3A_851 = vector.broadcast %eq3A_850 : i32 to vector<16xi32>
          %eq3A_852 = arith.cmpi eq, %iota3A, %eq3A_851 : vector<16xi32>
          %jit3A_853 = arith.constant -1 : i32
          %broadcast_in_dim3A_854 = vector.broadcast %jit3A_853 : i32 to vector<16xi32>
          %select_n3A_855 = arith.select %eq3A_852, %get3A_239, %broadcast_in_dim3A_854 : vector<16xi1>, vector<16xi32>
          %reduce_max3A_856 = arith.constant true
          %reduce_max3A_857 = vector.broadcast %reduce_max3A_856 : i1 to vector<16xi1>
          %reduce_max3A_858 = arith.constant -2147483648 : i32
          %reduce_max3A_859 = vector.broadcast %reduce_max3A_858 : i32 to vector<16xi32>
          %reduce_max3A_860 = arith.xori %select_n3A_855, %reduce_max3A_859 : vector<16xi32>
          %reduce_max3A_861 = tpu.scan <max>, %reduce_max3A_860 masked %reduce_max3A_857 : vector<16xi32>, vector<16xi1> -> vector<16xi32>
          %reduce_max3A_862 = arith.xori %reduce_max3A_861, %reduce_max3A_859 : vector<16xi32>
          %reduce_max3A_863 = vector.extract %reduce_max3A_862[15] : i32 from vector<16xi32>
          %mul3A_864 = arith.constant 16 : i32
          %mul3A_865 = arith.muli %add3A_233, %mul3A_864 : i32
          %add3A_866 = arith.constant 15 : i32
          %add3A_867 = arith.addi %mul3A_865, %add3A_866 : i32
          %mul3A_868 = arith.constant 8 : i32
          %mul3A_869 = arith.muli %add3A_867, %mul3A_868 : i32
          %dma_start3A_870 = arith.constant 2 : i32
          %dma_start3A_871 = arith.constant 0 : i32
          %dma_start3A_872 = arith.constant 0 : i32
          %dma_start3A_873 = tpu.memref_slice %arg6[%dma_start3A_870, %dma_start3A_871, %dma_start3A_872] : memref<3x256x64xf32, #tpu.memory_space<vmem>> -> memref<1x256x64xf32, #tpu.memory_space<vmem>>
          %dma_start3A_874 = tpu.memref_squeeze %dma_start3A_873 : memref<1x256x64xf32, #tpu.memory_space<vmem>> -> memref<256x64xf32, #tpu.memory_space<vmem>>
          %dma_start3A_875 = arith.constant 0 : i32
          %dma_start3A_876 = tpu.memref_slice %dma_start3A_874[%mul3A_869, %dma_start3A_875] : memref<256x64xf32, #tpu.memory_space<vmem>> -> memref<8x64xf32, #tpu.memory_space<vmem>>
          %dma_start3A_877 = arith.constant 0 : i32
          %dma_start3A_878 = arith.constant 0 : i32
          %dma_start3A_879 = tpu.memref_slice %arg3[%reduce_max3A_863, %dma_start3A_877, %dma_start3A_878] : memref<100000x8x64xf32, #tpu.memory_space<hbm>> -> memref<1x8x64xf32, #tpu.memory_space<hbm>>
          %dma_start3A_880 = tpu.memref_squeeze %dma_start3A_879 : memref<1x8x64xf32, #tpu.memory_space<hbm>> -> memref<8x64xf32, #tpu.memory_space<hbm>>
          %dma_start3A_881 = arith.constant 0 : i32
          %dma_start3A_882 = arith.constant 0 : i32
          %dma_start3A_883 = tpu.memref_slice %arg6[%dma_start3A_870, %dma_start3A_881, %dma_start3A_882] : memref<3x256x64xf32, #tpu.memory_space<vmem>> -> memref<1x256x64xf32, #tpu.memory_space<vmem>>
          %dma_start3A_884 = tpu.memref_squeeze %dma_start3A_883 : memref<1x256x64xf32, #tpu.memory_space<vmem>> -> memref<256x64xf32, #tpu.memory_space<vmem>>
          %dma_start3A_885 = arith.constant 0 : i32
          %dma_start3A_886 = tpu.memref_slice %dma_start3A_884[%mul3A_869, %dma_start3A_885] : memref<256x64xf32, #tpu.memory_space<vmem>> -> memref<8x64xf32, #tpu.memory_space<vmem>>
          %dma_start3A_887 = arith.constant 0 : i32
          %dma_start3A_888 = arith.constant 0 : i32
          %dma_start3A_889 = tpu.memref_slice %arg3[%reduce_max3A_863, %dma_start3A_887, %dma_start3A_888] : memref<100000x8x64xf32, #tpu.memory_space<hbm>> -> memref<1x8x64xf32, #tpu.memory_space<hbm>>
          %dma_start3A_890 = tpu.memref_squeeze %dma_start3A_889 : memref<1x8x64xf32, #tpu.memory_space<hbm>> -> memref<8x64xf32, #tpu.memory_space<hbm>>
          tpu.enqueue_dma source(%dma_start3A_890 : memref<8x64xf32, #tpu.memory_space<hbm>>) target(%dma_start3A_886 : memref<8x64xf32, #tpu.memory_space<vmem>>) target_semaphore(%arg9 : memref<!tpu.dma_semaphore, #tpu.memory_space<semaphore_mem>>)
        }
        %scan3A_228 = arith.constant 2 : i32
      } else {
      }
      %add3A_134 = arith.constant 1 : i32
      %add3A_135 = arith.addi %add3A_96, %add3A_134 : i32
      %dma_wait3A_136 = arith.constant 1 : i32
      %dma_wait3A_137 = arith.constant 0 : i32
      %dma_wait3A_138 = arith.constant 0 : i32
      %dma_wait3A_139 = tpu.memref_slice %arg6[%dma_wait3A_136, %dma_wait3A_137, %dma_wait3A_138] : memref<3x256x64xf32, #tpu.memory_space<vmem>> -> memref<1x256x64xf32, #tpu.memory_space<vmem>>
      %dma_wait3A_140 = tpu.memref_squeeze %dma_wait3A_139 : memref<1x256x64xf32, #tpu.memory_space<vmem>> -> memref<256x64xf32, #tpu.memory_space<vmem>>
      %dma_wait3A_141 = arith.constant 0 : i32
      %dma_wait3A_142 = arith.constant 0 : i32
      %dma_wait3A_143 = tpu.memref_slice %arg4[%dma_wait3A_141, %dma_wait3A_142] : memref<131072x64xf32, #tpu.memory_space<hbm>> -> memref<256x64xf32, #tpu.memory_space<hbm>>
      %dma_wait3A_144 = arith.constant 0 : i32
      %dma_wait3A_145 = arith.constant 0 : i32
      %dma_wait3A_146 = tpu.memref_slice %arg6[%dma_wait3A_136, %dma_wait3A_144, %dma_wait3A_145] : memref<3x256x64xf32, #tpu.memory_space<vmem>> -> memref<1x256x64xf32, #tpu.memory_space<vmem>>
      %dma_wait3A_147 = tpu.memref_squeeze %dma_wait3A_146 : memref<1x256x64xf32, #tpu.memory_space<vmem>> -> memref<256x64xf32, #tpu.memory_space<vmem>>
      %dma_wait3A_148 = arith.constant 0 : i32
      %dma_wait3A_149 = arith.constant 0 : i32
      %dma_wait3A_150 = tpu.memref_slice %arg4[%dma_wait3A_148, %dma_wait3A_149] : memref<131072x64xf32, #tpu.memory_space<hbm>> -> memref<256x64xf32, #tpu.memory_space<hbm>>
      tpu.wait_dma2 semaphore(%arg8 : memref<!tpu.dma_semaphore, #tpu.memory_space<semaphore_mem>>) src(%dma_wait3A_150 : memref<256x64xf32, #tpu.memory_space<hbm>>) dst(%dma_wait3A_147 : memref<256x64xf32, #tpu.memory_space<vmem>>)
      %mul3A_151 = arith.constant 32 : i32
      %mul3A_152 = arith.muli %add3A_135, %mul3A_151 : i32
      %add3A_153 = arith.addi %mul3A_2, %mul3A_152 : i32
      %mul3A_154 = arith.constant 8 : i32
      %mul3A_155 = arith.muli %add3A_153, %mul3A_154 : i32
      %dma_start3A_156 = arith.constant 1 : i32
      %dma_start3A_157 = arith.constant 0 : i32
      %dma_start3A_158 = arith.constant 0 : i32
      %dma_start3A_159 = tpu.memref_slice %arg6[%dma_start3A_156, %dma_start3A_157, %dma_start3A_158] : memref<3x256x64xf32, #tpu.memory_space<vmem>> -> memref<1x256x64xf32, #tpu.memory_space<vmem>>
      %dma_start3A_160 = tpu.memref_squeeze %dma_start3A_159 : memref<1x256x64xf32, #tpu.memory_space<vmem>> -> memref<256x64xf32, #tpu.memory_space<vmem>>
      %dma_start3A_161 = arith.constant 0 : i32
      %dma_start3A_162 = tpu.memref_slice %arg4[%mul3A_155, %dma_start3A_161] : memref<131072x64xf32, #tpu.memory_space<hbm>> -> memref<256x64xf32, #tpu.memory_space<hbm>>
      %dma_start3A_163 = arith.constant 0 : i32
      %dma_start3A_164 = tpu.memref_slice %arg4[%mul3A_155, %dma_start3A_163] : memref<131072x64xf32, #tpu.memory_space<hbm>> -> memref<256x64xf32, #tpu.memory_space<hbm>>
      %dma_start3A_165 = arith.constant 0 : i32
      %dma_start3A_166 = arith.constant 0 : i32
      %dma_start3A_167 = tpu.memref_slice %arg6[%dma_start3A_156, %dma_start3A_165, %dma_start3A_166] : memref<3x256x64xf32, #tpu.memory_space<vmem>> -> memref<1x256x64xf32, #tpu.memory_space<vmem>>
      %dma_start3A_168 = tpu.memref_squeeze %dma_start3A_167 : memref<1x256x64xf32, #tpu.memory_space<vmem>> -> memref<256x64xf32, #tpu.memory_space<vmem>>
      tpu.enqueue_dma source(%dma_start3A_168 : memref<256x64xf32, #tpu.memory_space<vmem>>) target(%dma_start3A_164 : memref<256x64xf32, #tpu.memory_space<hbm>>) target_semaphore(%arg11 : memref<!tpu.dma_semaphore, #tpu.memory_space<semaphore_mem>>)
      %add3A_169 = arith.constant 2 : i32
      %add3A_170 = arith.addi %add3A_135, %add3A_169 : i32
      %lt3A_171 = arith.constant 16 : i32
      %lt3A_172 = arith.cmpi slt, %add3A_170, %lt3A_171 : i32
      %convert_element_type3A_173 = arith.extui %lt3A_172 : i1 to i32
      %cond3A_174 = arith.constant 0 : i32
      %cond3A_175 = arith.cmpi ne, %convert_element_type3A_173, %cond3A_174 : i32
      scf.if %cond3A_175 {
        %ge3A = arith.constant 1 : i32
        %ge3A_218 = arith.cmpi sge, %add3A_135, %ge3A : i32
        %convert_element_type3A_219 = arith.extui %ge3A_218 : i1 to i32
        %cond3A_220 = arith.constant 0 : i32
        %cond3A_221 = arith.cmpi ne, %convert_element_type3A_219, %cond3A_220 : i32
        scf.if %cond3A_221 {
          %dma_wait3A_229 = arith.constant 0 : i32
          %dma_wait3A_230 = arith.constant 0 : i32
          %dma_wait3A_231 = arith.constant 0 : i32
          %dma_wait3A_232 = tpu.memref_slice %arg6[%dma_wait3A_229, %dma_wait3A_230, %dma_wait3A_231] : memref<3x256x64xf32, #tpu.memory_space<vmem>> -> memref<1x256x64xf32, #tpu.memory_space<vmem>>
          %dma_wait3A_233 = tpu.memref_squeeze %dma_wait3A_232 : memref<1x256x64xf32, #tpu.memory_space<vmem>> -> memref<256x64xf32, #tpu.memory_space<vmem>>
          %dma_wait3A_234 = arith.constant 0 : i32
          %dma_wait3A_235 = arith.constant 0 : i32
          %dma_wait3A_236 = tpu.memref_slice %arg4[%dma_wait3A_234, %dma_wait3A_235] : memref<131072x64xf32, #tpu.memory_space<hbm>> -> memref<256x64xf32, #tpu.memory_space<hbm>>
          %dma_wait3A_237 = arith.constant 0 : i32
          %dma_wait3A_238 = arith.constant 0 : i32
          %dma_wait3A_239 = tpu.memref_slice %arg6[%dma_wait3A_229, %dma_wait3A_237, %dma_wait3A_238] : memref<3x256x64xf32, #tpu.memory_space<vmem>> -> memref<1x256x64xf32, #tpu.memory_space<vmem>>
          %dma_wait3A_240 = tpu.memref_squeeze %dma_wait3A_239 : memref<1x256x64xf32, #tpu.memory_space<vmem>> -> memref<256x64xf32, #tpu.memory_space<vmem>>
          %dma_wait3A_241 = arith.constant 0 : i32
          %dma_wait3A_242 = arith.constant 0 : i32
          %dma_wait3A_243 = tpu.memref_slice %arg4[%dma_wait3A_241, %dma_wait3A_242] : memref<131072x64xf32, #tpu.memory_space<hbm>> -> memref<256x64xf32, #tpu.memory_space<hbm>>
          tpu.wait_dma2 semaphore(%arg10 : memref<!tpu.dma_semaphore, #tpu.memory_space<semaphore_mem>>) src(%dma_wait3A_243 : memref<256x64xf32, #tpu.memory_space<hbm>>) dst(%dma_wait3A_240 : memref<256x64xf32, #tpu.memory_space<vmem>>)
        } else {
        }
        %add3A_222 = arith.constant 2 : i32
        %add3A_223 = arith.addi %add3A_135, %add3A_222 : i32
        %scan3A_224 = arith.constant 0 : i32
        %scan3A_225 = arith.constant 2 : i32
        %scan3A_226 = arith.addi %scan3A_224, %scan3A_225 : i32
        %scan3A_227 = arith.constant 1 : i32
        scf.for %scan3A_229 = %scan3A_224 to %scan3A_226 step %scan3A_227  : i32 {
          %mul3A_230 = arith.constant 1 : i32
          %mul3A_231 = arith.muli %scan3A_229, %mul3A_230 : i32
          %add3A_232 = arith.constant 0 : i32
          %add3A_233 = arith.addi %add3A_232, %mul3A_231 : i32
          %mul3A_234 = arith.constant 32 : i32
          %mul3A_235 = arith.muli %add3A_223, %mul3A_234 : i32
          %mul3A_236 = arith.constant 16 : i32
          %mul3A_237 = arith.muli %add3A_233, %mul3A_236 : i32
          %add3A_238 = arith.addi %mul3A_235, %mul3A_237 : i32
          %get3A = arith.index_cast %add3A_238 : i32 to index
          %get3A_239 = tpu.vector_load %arg5[%get3A] {strides = array<i32>} : memref<512xi32, #tpu.memory_space<vmem>>, vector<16xi32>,
          %eq3A = arith.constant 0 : i32
          %eq3A_240 = vector.broadcast %eq3A : i32 to vector<16xi32>
          %eq3A_241 = arith.cmpi eq, %iota3A, %eq3A_240 : vector<16xi32>
          %jit3A = arith.constant -1 : i32
          %broadcast_in_dim3A = vector.broadcast %jit3A : i32 to vector<16xi32>
          %select_n3A = arith.select %eq3A_241, %get3A_239, %broadcast_in_dim3A : vector<16xi1>, vector<16xi32>
          %reduce_max3A = arith.constant true
          %reduce_max3A_242 = vector.broadcast %reduce_max3A : i1 to vector<16xi1>
          %reduce_max3A_243 = arith.constant -2147483648 : i32
          %reduce_max3A_244 = vector.broadcast %reduce_max3A_243 : i32 to vector<16xi32>
          %reduce_max3A_245 = arith.xori %select_n3A, %reduce_max3A_244 : vector<16xi32>
          %reduce_max3A_246 = tpu.scan <max>, %reduce_max3A_245 masked %reduce_max3A_242 : vector<16xi32>, vector<16xi1> -> vector<16xi32>
          %reduce_max3A_247 = arith.xori %reduce_max3A_246, %reduce_max3A_244 : vector<16xi32>
          %reduce_max3A_248 = vector.extract %reduce_max3A_247[15] : i32 from vector<16xi32>
          %mul3A_249 = arith.constant 16 : i32
          %mul3A_250 = arith.muli %add3A_233, %mul3A_249 : i32
          %add3A_251 = arith.constant 0 : i32
          %add3A_252 = arith.addi %mul3A_250, %add3A_251 : i32
          %mul3A_253 = arith.constant 8 : i32
          %mul3A_254 = arith.muli %add3A_252, %mul3A_253 : i32
          %dma_start3A_255 = arith.constant 0 : i32
          %dma_start3A_256 = arith.constant 0 : i32
          %dma_start3A_257 = arith.constant 0 : i32
          %dma_start3A_258 = tpu.memref_slice %arg6[%dma_start3A_255, %dma_start3A_256, %dma_start3A_257] : memref<3x256x64xf32, #tpu.memory_space<vmem>> -> memref<1x256x64xf32, #tpu.memory_space<vmem>>
          %dma_start3A_259 = tpu.memref_squeeze %dma_start3A_258 : memref<1x256x64xf32, #tpu.memory_space<vmem>> -> memref<256x64xf32, #tpu.memory_space<vmem>>
          %dma_start3A_260 = arith.constant 0 : i32
          %dma_start3A_261 = tpu.memref_slice %dma_start3A_259[%mul3A_254, %dma_start3A_260] : memref<256x64xf32, #tpu.memory_space<vmem>> -> memref<8x64xf32, #tpu.memory_space<vmem>>
          %dma_start3A_262 = arith.constant 0 : i32
          %dma_start3A_263 = arith.constant 0 : i32
          %dma_start3A_264 = tpu.memref_slice %arg3[%reduce_max3A_248, %dma_start3A_262, %dma_start3A_263] : memref<100000x8x64xf32, #tpu.memory_space<hbm>> -> memref<1x8x64xf32, #tpu.memory_space<hbm>>
          %dma_start3A_265 = tpu.memref_squeeze %dma_start3A_264 : memref<1x8x64xf32, #tpu.memory_space<hbm>> -> memref<8x64xf32, #tpu.memory_space<hbm>>
          %dma_start3A_266 = arith.constant 0 : i32
          %dma_start3A_267 = arith.constant 0 : i32
          %dma_start3A_268 = tpu.memref_slice %arg6[%dma_start3A_255, %dma_start3A_266, %dma_start3A_267] : memref<3x256x64xf32, #tpu.memory_space<vmem>> -> memref<1x256x64xf32, #tpu.memory_space<vmem>>
          %dma_start3A_269 = tpu.memref_squeeze %dma_start3A_268 : memref<1x256x64xf32, #tpu.memory_space<vmem>> -> memref<256x64xf32, #tpu.memory_space<vmem>>
          %dma_start3A_270 = arith.constant 0 : i32
          %dma_start3A_271 = tpu.memref_slice %dma_start3A_269[%mul3A_254, %dma_start3A_270] : memref<256x64xf32, #tpu.memory_space<vmem>> -> memref<8x64xf32, #tpu.memory_space<vmem>>
          %dma_start3A_272 = arith.constant 0 : i32
          %dma_start3A_273 = arith.constant 0 : i32
          %dma_start3A_274 = tpu.memref_slice %arg3[%reduce_max3A_248, %dma_start3A_272, %dma_start3A_273] : memref<100000x8x64xf32, #tpu.memory_space<hbm>> -> memref<1x8x64xf32, #tpu.memory_space<hbm>>
          %dma_start3A_275 = tpu.memref_squeeze %dma_start3A_274 : memref<1x8x64xf32, #tpu.memory_space<hbm>> -> memref<8x64xf32, #tpu.memory_space<hbm>>
          tpu.enqueue_dma source(%dma_start3A_275 : memref<8x64xf32, #tpu.memory_space<hbm>>) target(%dma_start3A_271 : memref<8x64xf32, #tpu.memory_space<vmem>>) target_semaphore(%arg7 : memref<!tpu.dma_semaphore, #tpu.memory_space<semaphore_mem>>)
          %eq3A_276 = arith.constant 1 : i32
          %eq3A_277 = vector.broadcast %eq3A_276 : i32 to vector<16xi32>
          %eq3A_278 = arith.cmpi eq, %iota3A, %eq3A_277 : vector<16xi32>
          %jit3A_279 = arith.constant -1 : i32
          %broadcast_in_dim3A_280 = vector.broadcast %jit3A_279 : i32 to vector<16xi32>
          %select_n3A_281 = arith.select %eq3A_278, %get3A_239, %broadcast_in_dim3A_280 : vector<16xi1>, vector<16xi32>
          %reduce_max3A_282 = arith.constant true
          %reduce_max3A_283 = vector.broadcast %reduce_max3A_282 : i1 to vector<16xi1>
          %reduce_max3A_284 = arith.constant -2147483648 : i32
          %reduce_max3A_285 = vector.broadcast %reduce_max3A_284 : i32 to vector<16xi32>
          %reduce_max3A_286 = arith.xori %select_n3A_281, %reduce_max3A_285 : vector<16xi32>
          %reduce_max3A_287 = tpu.scan <max>, %reduce_max3A_286 masked %reduce_max3A_283 : vector<16xi32>, vector<16xi1> -> vector<16xi32>
          %reduce_max3A_288 = arith.xori %reduce_max3A_287, %reduce_max3A_285 : vector<16xi32>
          %reduce_max3A_289 = vector.extract %reduce_max3A_288[15] : i32 from vector<16xi32>
          %mul3A_290 = arith.constant 16 : i32
          %mul3A_291 = arith.muli %add3A_233, %mul3A_290 : i32
          %add3A_292 = arith.constant 1 : i32
          %add3A_293 = arith.addi %mul3A_291, %add3A_292 : i32
          %mul3A_294 = arith.constant 8 : i32
          %mul3A_295 = arith.muli %add3A_293, %mul3A_294 : i32
          %dma_start3A_296 = arith.constant 0 : i32
          %dma_start3A_297 = arith.constant 0 : i32
          %dma_start3A_298 = arith.constant 0 : i32
          %dma_start3A_299 = tpu.memref_slice %arg6[%dma_start3A_296, %dma_start3A_297, %dma_start3A_298] : memref<3x256x64xf32, #tpu.memory_space<vmem>> -> memref<1x256x64xf32, #tpu.memory_space<vmem>>
          %dma_start3A_300 = tpu.memref_squeeze %dma_start3A_299 : memref<1x256x64xf32, #tpu.memory_space<vmem>> -> memref<256x64xf32, #tpu.memory_space<vmem>>
          %dma_start3A_301 = arith.constant 0 : i32
          %dma_start3A_302 = tpu.memref_slice %dma_start3A_300[%mul3A_295, %dma_start3A_301] : memref<256x64xf32, #tpu.memory_space<vmem>> -> memref<8x64xf32, #tpu.memory_space<vmem>>
          %dma_start3A_303 = arith.constant 0 : i32
          %dma_start3A_304 = arith.constant 0 : i32
          %dma_start3A_305 = tpu.memref_slice %arg3[%reduce_max3A_289, %dma_start3A_303, %dma_start3A_304] : memref<100000x8x64xf32, #tpu.memory_space<hbm>> -> memref<1x8x64xf32, #tpu.memory_space<hbm>>
          %dma_start3A_306 = tpu.memref_squeeze %dma_start3A_305 : memref<1x8x64xf32, #tpu.memory_space<hbm>> -> memref<8x64xf32, #tpu.memory_space<hbm>>
          %dma_start3A_307 = arith.constant 0 : i32
          %dma_start3A_308 = arith.constant 0 : i32
          %dma_start3A_309 = tpu.memref_slice %arg6[%dma_start3A_296, %dma_start3A_307, %dma_start3A_308] : memref<3x256x64xf32, #tpu.memory_space<vmem>> -> memref<1x256x64xf32, #tpu.memory_space<vmem>>
          %dma_start3A_310 = tpu.memref_squeeze %dma_start3A_309 : memref<1x256x64xf32, #tpu.memory_space<vmem>> -> memref<256x64xf32, #tpu.memory_space<vmem>>
          %dma_start3A_311 = arith.constant 0 : i32
          %dma_start3A_312 = tpu.memref_slice %dma_start3A_310[%mul3A_295, %dma_start3A_311] : memref<256x64xf32, #tpu.memory_space<vmem>> -> memref<8x64xf32, #tpu.memory_space<vmem>>
          %dma_start3A_313 = arith.constant 0 : i32
          %dma_start3A_314 = arith.constant 0 : i32
          %dma_start3A_315 = tpu.memref_slice %arg3[%reduce_max3A_289, %dma_start3A_313, %dma_start3A_314] : memref<100000x8x64xf32, #tpu.memory_space<hbm>> -> memref<1x8x64xf32, #tpu.memory_space<hbm>>
          %dma_start3A_316 = tpu.memref_squeeze %dma_start3A_315 : memref<1x8x64xf32, #tpu.memory_space<hbm>> -> memref<8x64xf32, #tpu.memory_space<hbm>>
          tpu.enqueue_dma source(%dma_start3A_316 : memref<8x64xf32, #tpu.memory_space<hbm>>) target(%dma_start3A_312 : memref<8x64xf32, #tpu.memory_space<vmem>>) target_semaphore(%arg7 : memref<!tpu.dma_semaphore, #tpu.memory_space<semaphore_mem>>)
          %eq3A_317 = arith.constant 2 : i32
          %eq3A_318 = vector.broadcast %eq3A_317 : i32 to vector<16xi32>
          %eq3A_319 = arith.cmpi eq, %iota3A, %eq3A_318 : vector<16xi32>
          %jit3A_320 = arith.constant -1 : i32
          %broadcast_in_dim3A_321 = vector.broadcast %jit3A_320 : i32 to vector<16xi32>
          %select_n3A_322 = arith.select %eq3A_319, %get3A_239, %broadcast_in_dim3A_321 : vector<16xi1>, vector<16xi32>
          %reduce_max3A_323 = arith.constant true
          %reduce_max3A_324 = vector.broadcast %reduce_max3A_323 : i1 to vector<16xi1>
          %reduce_max3A_325 = arith.constant -2147483648 : i32
          %reduce_max3A_326 = vector.broadcast %reduce_max3A_325 : i32 to vector<16xi32>
          %reduce_max3A_327 = arith.xori %select_n3A_322, %reduce_max3A_326 : vector<16xi32>
          %reduce_max3A_328 = tpu.scan <max>, %reduce_max3A_327 masked %reduce_max3A_324 : vector<16xi32>, vector<16xi1> -> vector<16xi32>
          %reduce_max3A_329 = arith.xori %reduce_max3A_328, %reduce_max3A_326 : vector<16xi32>
          %reduce_max3A_330 = vector.extract %reduce_max3A_329[15] : i32 from vector<16xi32>
          %mul3A_331 = arith.constant 16 : i32
          %mul3A_332 = arith.muli %add3A_233, %mul3A_331 : i32
          %add3A_333 = arith.constant 2 : i32
          %add3A_334 = arith.addi %mul3A_332, %add3A_333 : i32
          %mul3A_335 = arith.constant 8 : i32
          %mul3A_336 = arith.muli %add3A_334, %mul3A_335 : i32
          %dma_start3A_337 = arith.constant 0 : i32
          %dma_start3A_338 = arith.constant 0 : i32
          %dma_start3A_339 = arith.constant 0 : i32
          %dma_start3A_340 = tpu.memref_slice %arg6[%dma_start3A_337, %dma_start3A_338, %dma_start3A_339] : memref<3x256x64xf32, #tpu.memory_space<vmem>> -> memref<1x256x64xf32, #tpu.memory_space<vmem>>
          %dma_start3A_341 = tpu.memref_squeeze %dma_start3A_340 : memref<1x256x64xf32, #tpu.memory_space<vmem>> -> memref<256x64xf32, #tpu.memory_space<vmem>>
          %dma_start3A_342 = arith.constant 0 : i32
          %dma_start3A_343 = tpu.memref_slice %dma_start3A_341[%mul3A_336, %dma_start3A_342] : memref<256x64xf32, #tpu.memory_space<vmem>> -> memref<8x64xf32, #tpu.memory_space<vmem>>
          %dma_start3A_344 = arith.constant 0 : i32
          %dma_start3A_345 = arith.constant 0 : i32
          %dma_start3A_346 = tpu.memref_slice %arg3[%reduce_max3A_330, %dma_start3A_344, %dma_start3A_345] : memref<100000x8x64xf32, #tpu.memory_space<hbm>> -> memref<1x8x64xf32, #tpu.memory_space<hbm>>
          %dma_start3A_347 = tpu.memref_squeeze %dma_start3A_346 : memref<1x8x64xf32, #tpu.memory_space<hbm>> -> memref<8x64xf32, #tpu.memory_space<hbm>>
          %dma_start3A_348 = arith.constant 0 : i32
          %dma_start3A_349 = arith.constant 0 : i32
          %dma_start3A_350 = tpu.memref_slice %arg6[%dma_start3A_337, %dma_start3A_348, %dma_start3A_349] : memref<3x256x64xf32, #tpu.memory_space<vmem>> -> memref<1x256x64xf32, #tpu.memory_space<vmem>>
          %dma_start3A_351 = tpu.memref_squeeze %dma_start3A_350 : memref<1x256x64xf32, #tpu.memory_space<vmem>> -> memref<256x64xf32, #tpu.memory_space<vmem>>
          %dma_start3A_352 = arith.constant 0 : i32
          %dma_start3A_353 = tpu.memref_slice %dma_start3A_351[%mul3A_336, %dma_start3A_352] : memref<256x64xf32, #tpu.memory_space<vmem>> -> memref<8x64xf32, #tpu.memory_space<vmem>>
          %dma_start3A_354 = arith.constant 0 : i32
          %dma_start3A_355 = arith.constant 0 : i32
          %dma_start3A_356 = tpu.memref_slice %arg3[%reduce_max3A_330, %dma_start3A_354, %dma_start3A_355] : memref<100000x8x64xf32, #tpu.memory_space<hbm>> -> memref<1x8x64xf32, #tpu.memory_space<hbm>>
          %dma_start3A_357 = tpu.memref_squeeze %dma_start3A_356 : memref<1x8x64xf32, #tpu.memory_space<hbm>> -> memref<8x64xf32, #tpu.memory_space<hbm>>
          tpu.enqueue_dma source(%dma_start3A_357 : memref<8x64xf32, #tpu.memory_space<hbm>>) target(%dma_start3A_353 : memref<8x64xf32, #tpu.memory_space<vmem>>) target_semaphore(%arg7 : memref<!tpu.dma_semaphore, #tpu.memory_space<semaphore_mem>>)
          %eq3A_358 = arith.constant 3 : i32
          %eq3A_359 = vector.broadcast %eq3A_358 : i32 to vector<16xi32>
          %eq3A_360 = arith.cmpi eq, %iota3A, %eq3A_359 : vector<16xi32>
          %jit3A_361 = arith.constant -1 : i32
          %broadcast_in_dim3A_362 = vector.broadcast %jit3A_361 : i32 to vector<16xi32>
          %select_n3A_363 = arith.select %eq3A_360, %get3A_239, %broadcast_in_dim3A_362 : vector<16xi1>, vector<16xi32>
          %reduce_max3A_364 = arith.constant true
          %reduce_max3A_365 = vector.broadcast %reduce_max3A_364 : i1 to vector<16xi1>
          %reduce_max3A_366 = arith.constant -2147483648 : i32
          %reduce_max3A_367 = vector.broadcast %reduce_max3A_366 : i32 to vector<16xi32>
          %reduce_max3A_368 = arith.xori %select_n3A_363, %reduce_max3A_367 : vector<16xi32>
          %reduce_max3A_369 = tpu.scan <max>, %reduce_max3A_368 masked %reduce_max3A_365 : vector<16xi32>, vector<16xi1> -> vector<16xi32>
          %reduce_max3A_370 = arith.xori %reduce_max3A_369, %reduce_max3A_367 : vector<16xi32>
          %reduce_max3A_371 = vector.extract %reduce_max3A_370[15] : i32 from vector<16xi32>
          %mul3A_372 = arith.constant 16 : i32
          %mul3A_373 = arith.muli %add3A_233, %mul3A_372 : i32
          %add3A_374 = arith.constant 3 : i32
          %add3A_375 = arith.addi %mul3A_373, %add3A_374 : i32
          %mul3A_376 = arith.constant 8 : i32
          %mul3A_377 = arith.muli %add3A_375, %mul3A_376 : i32
          %dma_start3A_378 = arith.constant 0 : i32
          %dma_start3A_379 = arith.constant 0 : i32
          %dma_start3A_380 = arith.constant 0 : i32
          %dma_start3A_381 = tpu.memref_slice %arg6[%dma_start3A_378, %dma_start3A_379, %dma_start3A_380] : memref<3x256x64xf32, #tpu.memory_space<vmem>> -> memref<1x256x64xf32, #tpu.memory_space<vmem>>
          %dma_start3A_382 = tpu.memref_squeeze %dma_start3A_381 : memref<1x256x64xf32, #tpu.memory_space<vmem>> -> memref<256x64xf32, #tpu.memory_space<vmem>>
          %dma_start3A_383 = arith.constant 0 : i32
          %dma_start3A_384 = tpu.memref_slice %dma_start3A_382[%mul3A_377, %dma_start3A_383] : memref<256x64xf32, #tpu.memory_space<vmem>> -> memref<8x64xf32, #tpu.memory_space<vmem>>
          %dma_start3A_385 = arith.constant 0 : i32
          %dma_start3A_386 = arith.constant 0 : i32
          %dma_start3A_387 = tpu.memref_slice %arg3[%reduce_max3A_371, %dma_start3A_385, %dma_start3A_386] : memref<100000x8x64xf32, #tpu.memory_space<hbm>> -> memref<1x8x64xf32, #tpu.memory_space<hbm>>
          %dma_start3A_388 = tpu.memref_squeeze %dma_start3A_387 : memref<1x8x64xf32, #tpu.memory_space<hbm>> -> memref<8x64xf32, #tpu.memory_space<hbm>>
          %dma_start3A_389 = arith.constant 0 : i32
          %dma_start3A_390 = arith.constant 0 : i32
          %dma_start3A_391 = tpu.memref_slice %arg6[%dma_start3A_378, %dma_start3A_389, %dma_start3A_390] : memref<3x256x64xf32, #tpu.memory_space<vmem>> -> memref<1x256x64xf32, #tpu.memory_space<vmem>>
          %dma_start3A_392 = tpu.memref_squeeze %dma_start3A_391 : memref<1x256x64xf32, #tpu.memory_space<vmem>> -> memref<256x64xf32, #tpu.memory_space<vmem>>
          %dma_start3A_393 = arith.constant 0 : i32
          %dma_start3A_394 = tpu.memref_slice %dma_start3A_392[%mul3A_377, %dma_start3A_393] : memref<256x64xf32, #tpu.memory_space<vmem>> -> memref<8x64xf32, #tpu.memory_space<vmem>>
          %dma_start3A_395 = arith.constant 0 : i32
          %dma_start3A_396 = arith.constant 0 : i32
          %dma_start3A_397 = tpu.memref_slice %arg3[%reduce_max3A_371, %dma_start3A_395, %dma_start3A_396] : memref<100000x8x64xf32, #tpu.memory_space<hbm>> -> memref<1x8x64xf32, #tpu.memory_space<hbm>>
          %dma_start3A_398 = tpu.memref_squeeze %dma_start3A_397 : memref<1x8x64xf32, #tpu.memory_space<hbm>> -> memref<8x64xf32, #tpu.memory_space<hbm>>
          tpu.enqueue_dma source(%dma_start3A_398 : memref<8x64xf32, #tpu.memory_space<hbm>>) target(%dma_start3A_394 : memref<8x64xf32, #tpu.memory_space<vmem>>) target_semaphore(%arg7 : memref<!tpu.dma_semaphore, #tpu.memory_space<semaphore_mem>>)
          %eq3A_399 = arith.constant 4 : i32
          %eq3A_400 = vector.broadcast %eq3A_399 : i32 to vector<16xi32>
          %eq3A_401 = arith.cmpi eq, %iota3A, %eq3A_400 : vector<16xi32>
          %jit3A_402 = arith.constant -1 : i32
          %broadcast_in_dim3A_403 = vector.broadcast %jit3A_402 : i32 to vector<16xi32>
          %select_n3A_404 = arith.select %eq3A_401, %get3A_239, %broadcast_in_dim3A_403 : vector<16xi1>, vector<16xi32>
          %reduce_max3A_405 = arith.constant true
          %reduce_max3A_406 = vector.broadcast %reduce_max3A_405 : i1 to vector<16xi1>
          %reduce_max3A_407 = arith.constant -2147483648 : i32
          %reduce_max3A_408 = vector.broadcast %reduce_max3A_407 : i32 to vector<16xi32>
          %reduce_max3A_409 = arith.xori %select_n3A_404, %reduce_max3A_408 : vector<16xi32>
          %reduce_max3A_410 = tpu.scan <max>, %reduce_max3A_409 masked %reduce_max3A_406 : vector<16xi32>, vector<16xi1> -> vector<16xi32>
          %reduce_max3A_411 = arith.xori %reduce_max3A_410, %reduce_max3A_408 : vector<16xi32>
          %reduce_max3A_412 = vector.extract %reduce_max3A_411[15] : i32 from vector<16xi32>
          %mul3A_413 = arith.constant 16 : i32
          %mul3A_414 = arith.muli %add3A_233, %mul3A_413 : i32
          %add3A_415 = arith.constant 4 : i32
          %add3A_416 = arith.addi %mul3A_414, %add3A_415 : i32
          %mul3A_417 = arith.constant 8 : i32
          %mul3A_418 = arith.muli %add3A_416, %mul3A_417 : i32
          %dma_start3A_419 = arith.constant 0 : i32
          %dma_start3A_420 = arith.constant 0 : i32
          %dma_start3A_421 = arith.constant 0 : i32
          %dma_start3A_422 = tpu.memref_slice %arg6[%dma_start3A_419, %dma_start3A_420, %dma_start3A_421] : memref<3x256x64xf32, #tpu.memory_space<vmem>> -> memref<1x256x64xf32, #tpu.memory_space<vmem>>
          %dma_start3A_423 = tpu.memref_squeeze %dma_start3A_422 : memref<1x256x64xf32, #tpu.memory_space<vmem>> -> memref<256x64xf32, #tpu.memory_space<vmem>>
          %dma_start3A_424 = arith.constant 0 : i32
          %dma_start3A_425 = tpu.memref_slice %dma_start3A_423[%mul3A_418, %dma_start3A_424] : memref<256x64xf32, #tpu.memory_space<vmem>> -> memref<8x64xf32, #tpu.memory_space<vmem>>
          %dma_start3A_426 = arith.constant 0 : i32
          %dma_start3A_427 = arith.constant 0 : i32
          %dma_start3A_428 = tpu.memref_slice %arg3[%reduce_max3A_412, %dma_start3A_426, %dma_start3A_427] : memref<100000x8x64xf32, #tpu.memory_space<hbm>> -> memref<1x8x64xf32, #tpu.memory_space<hbm>>
          %dma_start3A_429 = tpu.memref_squeeze %dma_start3A_428 : memref<1x8x64xf32, #tpu.memory_space<hbm>> -> memref<8x64xf32, #tpu.memory_space<hbm>>
          %dma_start3A_430 = arith.constant 0 : i32
          %dma_start3A_431 = arith.constant 0 : i32
          %dma_start3A_432 = tpu.memref_slice %arg6[%dma_start3A_419, %dma_start3A_430, %dma_start3A_431] : memref<3x256x64xf32, #tpu.memory_space<vmem>> -> memref<1x256x64xf32, #tpu.memory_space<vmem>>
          %dma_start3A_433 = tpu.memref_squeeze %dma_start3A_432 : memref<1x256x64xf32, #tpu.memory_space<vmem>> -> memref<256x64xf32, #tpu.memory_space<vmem>>
          %dma_start3A_434 = arith.constant 0 : i32
          %dma_start3A_435 = tpu.memref_slice %dma_start3A_433[%mul3A_418, %dma_start3A_434] : memref<256x64xf32, #tpu.memory_space<vmem>> -> memref<8x64xf32, #tpu.memory_space<vmem>>
          %dma_start3A_436 = arith.constant 0 : i32
          %dma_start3A_437 = arith.constant 0 : i32
          %dma_start3A_438 = tpu.memref_slice %arg3[%reduce_max3A_412, %dma_start3A_436, %dma_start3A_437] : memref<100000x8x64xf32, #tpu.memory_space<hbm>> -> memref<1x8x64xf32, #tpu.memory_space<hbm>>
          %dma_start3A_439 = tpu.memref_squeeze %dma_start3A_438 : memref<1x8x64xf32, #tpu.memory_space<hbm>> -> memref<8x64xf32, #tpu.memory_space<hbm>>
          tpu.enqueue_dma source(%dma_start3A_439 : memref<8x64xf32, #tpu.memory_space<hbm>>) target(%dma_start3A_435 : memref<8x64xf32, #tpu.memory_space<vmem>>) target_semaphore(%arg7 : memref<!tpu.dma_semaphore, #tpu.memory_space<semaphore_mem>>)
          %eq3A_440 = arith.constant 5 : i32
          %eq3A_441 = vector.broadcast %eq3A_440 : i32 to vector<16xi32>
          %eq3A_442 = arith.cmpi eq, %iota3A, %eq3A_441 : vector<16xi32>
          %jit3A_443 = arith.constant -1 : i32
          %broadcast_in_dim3A_444 = vector.broadcast %jit3A_443 : i32 to vector<16xi32>
          %select_n3A_445 = arith.select %eq3A_442, %get3A_239, %broadcast_in_dim3A_444 : vector<16xi1>, vector<16xi32>
          %reduce_max3A_446 = arith.constant true
          %reduce_max3A_447 = vector.broadcast %reduce_max3A_446 : i1 to vector<16xi1>
          %reduce_max3A_448 = arith.constant -2147483648 : i32
          %reduce_max3A_449 = vector.broadcast %reduce_max3A_448 : i32 to vector<16xi32>
          %reduce_max3A_450 = arith.xori %select_n3A_445, %reduce_max3A_449 : vector<16xi32>
          %reduce_max3A_451 = tpu.scan <max>, %reduce_max3A_450 masked %reduce_max3A_447 : vector<16xi32>, vector<16xi1> -> vector<16xi32>
          %reduce_max3A_452 = arith.xori %reduce_max3A_451, %reduce_max3A_449 : vector<16xi32>
          %reduce_max3A_453 = vector.extract %reduce_max3A_452[15] : i32 from vector<16xi32>
          %mul3A_454 = arith.constant 16 : i32
          %mul3A_455 = arith.muli %add3A_233, %mul3A_454 : i32
          %add3A_456 = arith.constant 5 : i32
          %add3A_457 = arith.addi %mul3A_455, %add3A_456 : i32
          %mul3A_458 = arith.constant 8 : i32
          %mul3A_459 = arith.muli %add3A_457, %mul3A_458 : i32
          %dma_start3A_460 = arith.constant 0 : i32
          %dma_start3A_461 = arith.constant 0 : i32
          %dma_start3A_462 = arith.constant 0 : i32
          %dma_start3A_463 = tpu.memref_slice %arg6[%dma_start3A_460, %dma_start3A_461, %dma_start3A_462] : memref<3x256x64xf32, #tpu.memory_space<vmem>> -> memref<1x256x64xf32, #tpu.memory_space<vmem>>
          %dma_start3A_464 = tpu.memref_squeeze %dma_start3A_463 : memref<1x256x64xf32, #tpu.memory_space<vmem>> -> memref<256x64xf32, #tpu.memory_space<vmem>>
          %dma_start3A_465 = arith.constant 0 : i32
          %dma_start3A_466 = tpu.memref_slice %dma_start3A_464[%mul3A_459, %dma_start3A_465] : memref<256x64xf32, #tpu.memory_space<vmem>> -> memref<8x64xf32, #tpu.memory_space<vmem>>
          %dma_start3A_467 = arith.constant 0 : i32
          %dma_start3A_468 = arith.constant 0 : i32
          %dma_start3A_469 = tpu.memref_slice %arg3[%reduce_max3A_453, %dma_start3A_467, %dma_start3A_468] : memref<100000x8x64xf32, #tpu.memory_space<hbm>> -> memref<1x8x64xf32, #tpu.memory_space<hbm>>
          %dma_start3A_470 = tpu.memref_squeeze %dma_start3A_469 : memref<1x8x64xf32, #tpu.memory_space<hbm>> -> memref<8x64xf32, #tpu.memory_space<hbm>>
          %dma_start3A_471 = arith.constant 0 : i32
          %dma_start3A_472 = arith.constant 0 : i32
          %dma_start3A_473 = tpu.memref_slice %arg6[%dma_start3A_460, %dma_start3A_471, %dma_start3A_472] : memref<3x256x64xf32, #tpu.memory_space<vmem>> -> memref<1x256x64xf32, #tpu.memory_space<vmem>>
          %dma_start3A_474 = tpu.memref_squeeze %dma_start3A_473 : memref<1x256x64xf32, #tpu.memory_space<vmem>> -> memref<256x64xf32, #tpu.memory_space<vmem>>
          %dma_start3A_475 = arith.constant 0 : i32
          %dma_start3A_476 = tpu.memref_slice %dma_start3A_474[%mul3A_459, %dma_start3A_475] : memref<256x64xf32, #tpu.memory_space<vmem>> -> memref<8x64xf32, #tpu.memory_space<vmem>>
          %dma_start3A_477 = arith.constant 0 : i32
          %dma_start3A_478 = arith.constant 0 : i32
          %dma_start3A_479 = tpu.memref_slice %arg3[%reduce_max3A_453, %dma_start3A_477, %dma_start3A_478] : memref<100000x8x64xf32, #tpu.memory_space<hbm>> -> memref<1x8x64xf32, #tpu.memory_space<hbm>>
          %dma_start3A_480 = tpu.memref_squeeze %dma_start3A_479 : memref<1x8x64xf32, #tpu.memory_space<hbm>> -> memref<8x64xf32, #tpu.memory_space<hbm>>
          tpu.enqueue_dma source(%dma_start3A_480 : memref<8x64xf32, #tpu.memory_space<hbm>>) target(%dma_start3A_476 : memref<8x64xf32, #tpu.memory_space<vmem>>) target_semaphore(%arg7 : memref<!tpu.dma_semaphore, #tpu.memory_space<semaphore_mem>>)
          %eq3A_481 = arith.constant 6 : i32
          %eq3A_482 = vector.broadcast %eq3A_481 : i32 to vector<16xi32>
          %eq3A_483 = arith.cmpi eq, %iota3A, %eq3A_482 : vector<16xi32>
          %jit3A_484 = arith.constant -1 : i32
          %broadcast_in_dim3A_485 = vector.broadcast %jit3A_484 : i32 to vector<16xi32>
          %select_n3A_486 = arith.select %eq3A_483, %get3A_239, %broadcast_in_dim3A_485 : vector<16xi1>, vector<16xi32>
          %reduce_max3A_487 = arith.constant true
          %reduce_max3A_488 = vector.broadcast %reduce_max3A_487 : i1 to vector<16xi1>
          %reduce_max3A_489 = arith.constant -2147483648 : i32
          %reduce_max3A_490 = vector.broadcast %reduce_max3A_489 : i32 to vector<16xi32>
          %reduce_max3A_491 = arith.xori %select_n3A_486, %reduce_max3A_490 : vector<16xi32>
          %reduce_max3A_492 = tpu.scan <max>, %reduce_max3A_491 masked %reduce_max3A_488 : vector<16xi32>, vector<16xi1> -> vector<16xi32>
          %reduce_max3A_493 = arith.xori %reduce_max3A_492, %reduce_max3A_490 : vector<16xi32>
          %reduce_max3A_494 = vector.extract %reduce_max3A_493[15] : i32 from vector<16xi32>
          %mul3A_495 = arith.constant 16 : i32
          %mul3A_496 = arith.muli %add3A_233, %mul3A_495 : i32
          %add3A_497 = arith.constant 6 : i32
          %add3A_498 = arith.addi %mul3A_496, %add3A_497 : i32
          %mul3A_499 = arith.constant 8 : i32
          %mul3A_500 = arith.muli %add3A_498, %mul3A_499 : i32
          %dma_start3A_501 = arith.constant 0 : i32
          %dma_start3A_502 = arith.constant 0 : i32
          %dma_start3A_503 = arith.constant 0 : i32
          %dma_start3A_504 = tpu.memref_slice %arg6[%dma_start3A_501, %dma_start3A_502, %dma_start3A_503] : memref<3x256x64xf32, #tpu.memory_space<vmem>> -> memref<1x256x64xf32, #tpu.memory_space<vmem>>
          %dma_start3A_505 = tpu.memref_squeeze %dma_start3A_504 : memref<1x256x64xf32, #tpu.memory_space<vmem>> -> memref<256x64xf32, #tpu.memory_space<vmem>>
          %dma_start3A_506 = arith.constant 0 : i32
          %dma_start3A_507 = tpu.memref_slice %dma_start3A_505[%mul3A_500, %dma_start3A_506] : memref<256x64xf32, #tpu.memory_space<vmem>> -> memref<8x64xf32, #tpu.memory_space<vmem>>
          %dma_start3A_508 = arith.constant 0 : i32
          %dma_start3A_509 = arith.constant 0 : i32
          %dma_start3A_510 = tpu.memref_slice %arg3[%reduce_max3A_494, %dma_start3A_508, %dma_start3A_509] : memref<100000x8x64xf32, #tpu.memory_space<hbm>> -> memref<1x8x64xf32, #tpu.memory_space<hbm>>
          %dma_start3A_511 = tpu.memref_squeeze %dma_start3A_510 : memref<1x8x64xf32, #tpu.memory_space<hbm>> -> memref<8x64xf32, #tpu.memory_space<hbm>>
          %dma_start3A_512 = arith.constant 0 : i32
          %dma_start3A_513 = arith.constant 0 : i32
          %dma_start3A_514 = tpu.memref_slice %arg6[%dma_start3A_501, %dma_start3A_512, %dma_start3A_513] : memref<3x256x64xf32, #tpu.memory_space<vmem>> -> memref<1x256x64xf32, #tpu.memory_space<vmem>>
          %dma_start3A_515 = tpu.memref_squeeze %dma_start3A_514 : memref<1x256x64xf32, #tpu.memory_space<vmem>> -> memref<256x64xf32, #tpu.memory_space<vmem>>
          %dma_start3A_516 = arith.constant 0 : i32
          %dma_start3A_517 = tpu.memref_slice %dma_start3A_515[%mul3A_500, %dma_start3A_516] : memref<256x64xf32, #tpu.memory_space<vmem>> -> memref<8x64xf32, #tpu.memory_space<vmem>>
          %dma_start3A_518 = arith.constant 0 : i32
          %dma_start3A_519 = arith.constant 0 : i32
          %dma_start3A_520 = tpu.memref_slice %arg3[%reduce_max3A_494, %dma_start3A_518, %dma_start3A_519] : memref<100000x8x64xf32, #tpu.memory_space<hbm>> -> memref<1x8x64xf32, #tpu.memory_space<hbm>>
          %dma_start3A_521 = tpu.memref_squeeze %dma_start3A_520 : memref<1x8x64xf32, #tpu.memory_space<hbm>> -> memref<8x64xf32, #tpu.memory_space<hbm>>
          tpu.enqueue_dma source(%dma_start3A_521 : memref<8x64xf32, #tpu.memory_space<hbm>>) target(%dma_start3A_517 : memref<8x64xf32, #tpu.memory_space<vmem>>) target_semaphore(%arg7 : memref<!tpu.dma_semaphore, #tpu.memory_space<semaphore_mem>>)
          %eq3A_522 = arith.constant 7 : i32
          %eq3A_523 = vector.broadcast %eq3A_522 : i32 to vector<16xi32>
          %eq3A_524 = arith.cmpi eq, %iota3A, %eq3A_523 : vector<16xi32>
          %jit3A_525 = arith.constant -1 : i32
          %broadcast_in_dim3A_526 = vector.broadcast %jit3A_525 : i32 to vector<16xi32>
          %select_n3A_527 = arith.select %eq3A_524, %get3A_239, %broadcast_in_dim3A_526 : vector<16xi1>, vector<16xi32>
          %reduce_max3A_528 = arith.constant true
          %reduce_max3A_529 = vector.broadcast %reduce_max3A_528 : i1 to vector<16xi1>
          %reduce_max3A_530 = arith.constant -2147483648 : i32
          %reduce_max3A_531 = vector.broadcast %reduce_max3A_530 : i32 to vector<16xi32>
          %reduce_max3A_532 = arith.xori %select_n3A_527, %reduce_max3A_531 : vector<16xi32>
          %reduce_max3A_533 = tpu.scan <max>, %reduce_max3A_532 masked %reduce_max3A_529 : vector<16xi32>, vector<16xi1> -> vector<16xi32>
          %reduce_max3A_534 = arith.xori %reduce_max3A_533, %reduce_max3A_531 : vector<16xi32>
          %reduce_max3A_535 = vector.extract %reduce_max3A_534[15] : i32 from vector<16xi32>
          %mul3A_536 = arith.constant 16 : i32
          %mul3A_537 = arith.muli %add3A_233, %mul3A_536 : i32
          %add3A_538 = arith.constant 7 : i32
          %add3A_539 = arith.addi %mul3A_537, %add3A_538 : i32
          %mul3A_540 = arith.constant 8 : i32
          %mul3A_541 = arith.muli %add3A_539, %mul3A_540 : i32
          %dma_start3A_542 = arith.constant 0 : i32
          %dma_start3A_543 = arith.constant 0 : i32
          %dma_start3A_544 = arith.constant 0 : i32
          %dma_start3A_545 = tpu.memref_slice %arg6[%dma_start3A_542, %dma_start3A_543, %dma_start3A_544] : memref<3x256x64xf32, #tpu.memory_space<vmem>> -> memref<1x256x64xf32, #tpu.memory_space<vmem>>
          %dma_start3A_546 = tpu.memref_squeeze %dma_start3A_545 : memref<1x256x64xf32, #tpu.memory_space<vmem>> -> memref<256x64xf32, #tpu.memory_space<vmem>>
          %dma_start3A_547 = arith.constant 0 : i32
          %dma_start3A_548 = tpu.memref_slice %dma_start3A_546[%mul3A_541, %dma_start3A_547] : memref<256x64xf32, #tpu.memory_space<vmem>> -> memref<8x64xf32, #tpu.memory_space<vmem>>
          %dma_start3A_549 = arith.constant 0 : i32
          %dma_start3A_550 = arith.constant 0 : i32
          %dma_start3A_551 = tpu.memref_slice %arg3[%reduce_max3A_535, %dma_start3A_549, %dma_start3A_550] : memref<100000x8x64xf32, #tpu.memory_space<hbm>> -> memref<1x8x64xf32, #tpu.memory_space<hbm>>
          %dma_start3A_552 = tpu.memref_squeeze %dma_start3A_551 : memref<1x8x64xf32, #tpu.memory_space<hbm>> -> memref<8x64xf32, #tpu.memory_space<hbm>>
          %dma_start3A_553 = arith.constant 0 : i32
          %dma_start3A_554 = arith.constant 0 : i32
          %dma_start3A_555 = tpu.memref_slice %arg6[%dma_start3A_542, %dma_start3A_553, %dma_start3A_554] : memref<3x256x64xf32, #tpu.memory_space<vmem>> -> memref<1x256x64xf32, #tpu.memory_space<vmem>>
          %dma_start3A_556 = tpu.memref_squeeze %dma_start3A_555 : memref<1x256x64xf32, #tpu.memory_space<vmem>> -> memref<256x64xf32, #tpu.memory_space<vmem>>
          %dma_start3A_557 = arith.constant 0 : i32
          %dma_start3A_558 = tpu.memref_slice %dma_start3A_556[%mul3A_541, %dma_start3A_557] : memref<256x64xf32, #tpu.memory_space<vmem>> -> memref<8x64xf32, #tpu.memory_space<vmem>>
          %dma_start3A_559 = arith.constant 0 : i32
          %dma_start3A_560 = arith.constant 0 : i32
          %dma_start3A_561 = tpu.memref_slice %arg3[%reduce_max3A_535, %dma_start3A_559, %dma_start3A_560] : memref<100000x8x64xf32, #tpu.memory_space<hbm>> -> memref<1x8x64xf32, #tpu.memory_space<hbm>>
          %dma_start3A_562 = tpu.memref_squeeze %dma_start3A_561 : memref<1x8x64xf32, #tpu.memory_space<hbm>> -> memref<8x64xf32, #tpu.memory_space<hbm>>
          tpu.enqueue_dma source(%dma_start3A_562 : memref<8x64xf32, #tpu.memory_space<hbm>>) target(%dma_start3A_558 : memref<8x64xf32, #tpu.memory_space<vmem>>) target_semaphore(%arg7 : memref<!tpu.dma_semaphore, #tpu.memory_space<semaphore_mem>>)
          %eq3A_563 = arith.constant 8 : i32
          %eq3A_564 = vector.broadcast %eq3A_563 : i32 to vector<16xi32>
          %eq3A_565 = arith.cmpi eq, %iota3A, %eq3A_564 : vector<16xi32>
          %jit3A_566 = arith.constant -1 : i32
          %broadcast_in_dim3A_567 = vector.broadcast %jit3A_566 : i32 to vector<16xi32>
          %select_n3A_568 = arith.select %eq3A_565, %get3A_239, %broadcast_in_dim3A_567 : vector<16xi1>, vector<16xi32>
          %reduce_max3A_569 = arith.constant true
          %reduce_max3A_570 = vector.broadcast %reduce_max3A_569 : i1 to vector<16xi1>
          %reduce_max3A_571 = arith.constant -2147483648 : i32
          %reduce_max3A_572 = vector.broadcast %reduce_max3A_571 : i32 to vector<16xi32>
          %reduce_max3A_573 = arith.xori %select_n3A_568, %reduce_max3A_572 : vector<16xi32>
          %reduce_max3A_574 = tpu.scan <max>, %reduce_max3A_573 masked %reduce_max3A_570 : vector<16xi32>, vector<16xi1> -> vector<16xi32>
          %reduce_max3A_575 = arith.xori %reduce_max3A_574, %reduce_max3A_572 : vector<16xi32>
          %reduce_max3A_576 = vector.extract %reduce_max3A_575[15] : i32 from vector<16xi32>
          %mul3A_577 = arith.constant 16 : i32
          %mul3A_578 = arith.muli %add3A_233, %mul3A_577 : i32
          %add3A_579 = arith.constant 8 : i32
          %add3A_580 = arith.addi %mul3A_578, %add3A_579 : i32
          %mul3A_581 = arith.constant 8 : i32
          %mul3A_582 = arith.muli %add3A_580, %mul3A_581 : i32
          %dma_start3A_583 = arith.constant 0 : i32
          %dma_start3A_584 = arith.constant 0 : i32
          %dma_start3A_585 = arith.constant 0 : i32
          %dma_start3A_586 = tpu.memref_slice %arg6[%dma_start3A_583, %dma_start3A_584, %dma_start3A_585] : memref<3x256x64xf32, #tpu.memory_space<vmem>> -> memref<1x256x64xf32, #tpu.memory_space<vmem>>
          %dma_start3A_587 = tpu.memref_squeeze %dma_start3A_586 : memref<1x256x64xf32, #tpu.memory_space<vmem>> -> memref<256x64xf32, #tpu.memory_space<vmem>>
          %dma_start3A_588 = arith.constant 0 : i32
          %dma_start3A_589 = tpu.memref_slice %dma_start3A_587[%mul3A_582, %dma_start3A_588] : memref<256x64xf32, #tpu.memory_space<vmem>> -> memref<8x64xf32, #tpu.memory_space<vmem>>
          %dma_start3A_590 = arith.constant 0 : i32
          %dma_start3A_591 = arith.constant 0 : i32
          %dma_start3A_592 = tpu.memref_slice %arg3[%reduce_max3A_576, %dma_start3A_590, %dma_start3A_591] : memref<100000x8x64xf32, #tpu.memory_space<hbm>> -> memref<1x8x64xf32, #tpu.memory_space<hbm>>
          %dma_start3A_593 = tpu.memref_squeeze %dma_start3A_592 : memref<1x8x64xf32, #tpu.memory_space<hbm>> -> memref<8x64xf32, #tpu.memory_space<hbm>>
          %dma_start3A_594 = arith.constant 0 : i32
          %dma_start3A_595 = arith.constant 0 : i32
          %dma_start3A_596 = tpu.memref_slice %arg6[%dma_start3A_583, %dma_start3A_594, %dma_start3A_595] : memref<3x256x64xf32, #tpu.memory_space<vmem>> -> memref<1x256x64xf32, #tpu.memory_space<vmem>>
          %dma_start3A_597 = tpu.memref_squeeze %dma_start3A_596 : memref<1x256x64xf32, #tpu.memory_space<vmem>> -> memref<256x64xf32, #tpu.memory_space<vmem>>
          %dma_start3A_598 = arith.constant 0 : i32
          %dma_start3A_599 = tpu.memref_slice %dma_start3A_597[%mul3A_582, %dma_start3A_598] : memref<256x64xf32, #tpu.memory_space<vmem>> -> memref<8x64xf32, #tpu.memory_space<vmem>>
          %dma_start3A_600 = arith.constant 0 : i32
          %dma_start3A_601 = arith.constant 0 : i32
          %dma_start3A_602 = tpu.memref_slice %arg3[%reduce_max3A_576, %dma_start3A_600, %dma_start3A_601] : memref<100000x8x64xf32, #tpu.memory_space<hbm>> -> memref<1x8x64xf32, #tpu.memory_space<hbm>>
          %dma_start3A_603 = tpu.memref_squeeze %dma_start3A_602 : memref<1x8x64xf32, #tpu.memory_space<hbm>> -> memref<8x64xf32, #tpu.memory_space<hbm>>
          tpu.enqueue_dma source(%dma_start3A_603 : memref<8x64xf32, #tpu.memory_space<hbm>>) target(%dma_start3A_599 : memref<8x64xf32, #tpu.memory_space<vmem>>) target_semaphore(%arg7 : memref<!tpu.dma_semaphore, #tpu.memory_space<semaphore_mem>>)
          %eq3A_604 = arith.constant 9 : i32
          %eq3A_605 = vector.broadcast %eq3A_604 : i32 to vector<16xi32>
          %eq3A_606 = arith.cmpi eq, %iota3A, %eq3A_605 : vector<16xi32>
          %jit3A_607 = arith.constant -1 : i32
          %broadcast_in_dim3A_608 = vector.broadcast %jit3A_607 : i32 to vector<16xi32>
          %select_n3A_609 = arith.select %eq3A_606, %get3A_239, %broadcast_in_dim3A_608 : vector<16xi1>, vector<16xi32>
          %reduce_max3A_610 = arith.constant true
          %reduce_max3A_611 = vector.broadcast %reduce_max3A_610 : i1 to vector<16xi1>
          %reduce_max3A_612 = arith.constant -2147483648 : i32
          %reduce_max3A_613 = vector.broadcast %reduce_max3A_612 : i32 to vector<16xi32>
          %reduce_max3A_614 = arith.xori %select_n3A_609, %reduce_max3A_613 : vector<16xi32>
          %reduce_max3A_615 = tpu.scan <max>, %reduce_max3A_614 masked %reduce_max3A_611 : vector<16xi32>, vector<16xi1> -> vector<16xi32>
          %reduce_max3A_616 = arith.xori %reduce_max3A_615, %reduce_max3A_613 : vector<16xi32>
          %reduce_max3A_617 = vector.extract %reduce_max3A_616[15] : i32 from vector<16xi32>
          %mul3A_618 = arith.constant 16 : i32
          %mul3A_619 = arith.muli %add3A_233, %mul3A_618 : i32
          %add3A_620 = arith.constant 9 : i32
          %add3A_621 = arith.addi %mul3A_619, %add3A_620 : i32
          %mul3A_622 = arith.constant 8 : i32
          %mul3A_623 = arith.muli %add3A_621, %mul3A_622 : i32
          %dma_start3A_624 = arith.constant 0 : i32
          %dma_start3A_625 = arith.constant 0 : i32
          %dma_start3A_626 = arith.constant 0 : i32
          %dma_start3A_627 = tpu.memref_slice %arg6[%dma_start3A_624, %dma_start3A_625, %dma_start3A_626] : memref<3x256x64xf32, #tpu.memory_space<vmem>> -> memref<1x256x64xf32, #tpu.memory_space<vmem>>
          %dma_start3A_628 = tpu.memref_squeeze %dma_start3A_627 : memref<1x256x64xf32, #tpu.memory_space<vmem>> -> memref<256x64xf32, #tpu.memory_space<vmem>>
          %dma_start3A_629 = arith.constant 0 : i32
          %dma_start3A_630 = tpu.memref_slice %dma_start3A_628[%mul3A_623, %dma_start3A_629] : memref<256x64xf32, #tpu.memory_space<vmem>> -> memref<8x64xf32, #tpu.memory_space<vmem>>
          %dma_start3A_631 = arith.constant 0 : i32
          %dma_start3A_632 = arith.constant 0 : i32
          %dma_start3A_633 = tpu.memref_slice %arg3[%reduce_max3A_617, %dma_start3A_631, %dma_start3A_632] : memref<100000x8x64xf32, #tpu.memory_space<hbm>> -> memref<1x8x64xf32, #tpu.memory_space<hbm>>
          %dma_start3A_634 = tpu.memref_squeeze %dma_start3A_633 : memref<1x8x64xf32, #tpu.memory_space<hbm>> -> memref<8x64xf32, #tpu.memory_space<hbm>>
          %dma_start3A_635 = arith.constant 0 : i32
          %dma_start3A_636 = arith.constant 0 : i32
          %dma_start3A_637 = tpu.memref_slice %arg6[%dma_start3A_624, %dma_start3A_635, %dma_start3A_636] : memref<3x256x64xf32, #tpu.memory_space<vmem>> -> memref<1x256x64xf32, #tpu.memory_space<vmem>>
          %dma_start3A_638 = tpu.memref_squeeze %dma_start3A_637 : memref<1x256x64xf32, #tpu.memory_space<vmem>> -> memref<256x64xf32, #tpu.memory_space<vmem>>
          %dma_start3A_639 = arith.constant 0 : i32
          %dma_start3A_640 = tpu.memref_slice %dma_start3A_638[%mul3A_623, %dma_start3A_639] : memref<256x64xf32, #tpu.memory_space<vmem>> -> memref<8x64xf32, #tpu.memory_space<vmem>>
          %dma_start3A_641 = arith.constant 0 : i32
          %dma_start3A_642 = arith.constant 0 : i32
          %dma_start3A_643 = tpu.memref_slice %arg3[%reduce_max3A_617, %dma_start3A_641, %dma_start3A_642] : memref<100000x8x64xf32, #tpu.memory_space<hbm>> -> memref<1x8x64xf32, #tpu.memory_space<hbm>>
          %dma_start3A_644 = tpu.memref_squeeze %dma_start3A_643 : memref<1x8x64xf32, #tpu.memory_space<hbm>> -> memref<8x64xf32, #tpu.memory_space<hbm>>
          tpu.enqueue_dma source(%dma_start3A_644 : memref<8x64xf32, #tpu.memory_space<hbm>>) target(%dma_start3A_640 : memref<8x64xf32, #tpu.memory_space<vmem>>) target_semaphore(%arg7 : memref<!tpu.dma_semaphore, #tpu.memory_space<semaphore_mem>>)
          %eq3A_645 = arith.constant 10 : i32
          %eq3A_646 = vector.broadcast %eq3A_645 : i32 to vector<16xi32>
          %eq3A_647 = arith.cmpi eq, %iota3A, %eq3A_646 : vector<16xi32>
          %jit3A_648 = arith.constant -1 : i32
          %broadcast_in_dim3A_649 = vector.broadcast %jit3A_648 : i32 to vector<16xi32>
          %select_n3A_650 = arith.select %eq3A_647, %get3A_239, %broadcast_in_dim3A_649 : vector<16xi1>, vector<16xi32>
          %reduce_max3A_651 = arith.constant true
          %reduce_max3A_652 = vector.broadcast %reduce_max3A_651 : i1 to vector<16xi1>
          %reduce_max3A_653 = arith.constant -2147483648 : i32
          %reduce_max3A_654 = vector.broadcast %reduce_max3A_653 : i32 to vector<16xi32>
          %reduce_max3A_655 = arith.xori %select_n3A_650, %reduce_max3A_654 : vector<16xi32>
          %reduce_max3A_656 = tpu.scan <max>, %reduce_max3A_655 masked %reduce_max3A_652 : vector<16xi32>, vector<16xi1> -> vector<16xi32>
          %reduce_max3A_657 = arith.xori %reduce_max3A_656, %reduce_max3A_654 : vector<16xi32>
          %reduce_max3A_658 = vector.extract %reduce_max3A_657[15] : i32 from vector<16xi32>
          %mul3A_659 = arith.constant 16 : i32
          %mul3A_660 = arith.muli %add3A_233, %mul3A_659 : i32
          %add3A_661 = arith.constant 10 : i32
          %add3A_662 = arith.addi %mul3A_660, %add3A_661 : i32
          %mul3A_663 = arith.constant 8 : i32
          %mul3A_664 = arith.muli %add3A_662, %mul3A_663 : i32
          %dma_start3A_665 = arith.constant 0 : i32
          %dma_start3A_666 = arith.constant 0 : i32
          %dma_start3A_667 = arith.constant 0 : i32
          %dma_start3A_668 = tpu.memref_slice %arg6[%dma_start3A_665, %dma_start3A_666, %dma_start3A_667] : memref<3x256x64xf32, #tpu.memory_space<vmem>> -> memref<1x256x64xf32, #tpu.memory_space<vmem>>
          %dma_start3A_669 = tpu.memref_squeeze %dma_start3A_668 : memref<1x256x64xf32, #tpu.memory_space<vmem>> -> memref<256x64xf32, #tpu.memory_space<vmem>>
          %dma_start3A_670 = arith.constant 0 : i32
          %dma_start3A_671 = tpu.memref_slice %dma_start3A_669[%mul3A_664, %dma_start3A_670] : memref<256x64xf32, #tpu.memory_space<vmem>> -> memref<8x64xf32, #tpu.memory_space<vmem>>
          %dma_start3A_672 = arith.constant 0 : i32
          %dma_start3A_673 = arith.constant 0 : i32
          %dma_start3A_674 = tpu.memref_slice %arg3[%reduce_max3A_658, %dma_start3A_672, %dma_start3A_673] : memref<100000x8x64xf32, #tpu.memory_space<hbm>> -> memref<1x8x64xf32, #tpu.memory_space<hbm>>
          %dma_start3A_675 = tpu.memref_squeeze %dma_start3A_674 : memref<1x8x64xf32, #tpu.memory_space<hbm>> -> memref<8x64xf32, #tpu.memory_space<hbm>>
          %dma_start3A_676 = arith.constant 0 : i32
          %dma_start3A_677 = arith.constant 0 : i32
          %dma_start3A_678 = tpu.memref_slice %arg6[%dma_start3A_665, %dma_start3A_676, %dma_start3A_677] : memref<3x256x64xf32, #tpu.memory_space<vmem>> -> memref<1x256x64xf32, #tpu.memory_space<vmem>>
          %dma_start3A_679 = tpu.memref_squeeze %dma_start3A_678 : memref<1x256x64xf32, #tpu.memory_space<vmem>> -> memref<256x64xf32, #tpu.memory_space<vmem>>
          %dma_start3A_680 = arith.constant 0 : i32
          %dma_start3A_681 = tpu.memref_slice %dma_start3A_679[%mul3A_664, %dma_start3A_680] : memref<256x64xf32, #tpu.memory_space<vmem>> -> memref<8x64xf32, #tpu.memory_space<vmem>>
          %dma_start3A_682 = arith.constant 0 : i32
          %dma_start3A_683 = arith.constant 0 : i32
          %dma_start3A_684 = tpu.memref_slice %arg3[%reduce_max3A_658, %dma_start3A_682, %dma_start3A_683] : memref<100000x8x64xf32, #tpu.memory_space<hbm>> -> memref<1x8x64xf32, #tpu.memory_space<hbm>>
          %dma_start3A_685 = tpu.memref_squeeze %dma_start3A_684 : memref<1x8x64xf32, #tpu.memory_space<hbm>> -> memref<8x64xf32, #tpu.memory_space<hbm>>
          tpu.enqueue_dma source(%dma_start3A_685 : memref<8x64xf32, #tpu.memory_space<hbm>>) target(%dma_start3A_681 : memref<8x64xf32, #tpu.memory_space<vmem>>) target_semaphore(%arg7 : memref<!tpu.dma_semaphore, #tpu.memory_space<semaphore_mem>>)
          %eq3A_686 = arith.constant 11 : i32
          %eq3A_687 = vector.broadcast %eq3A_686 : i32 to vector<16xi32>
          %eq3A_688 = arith.cmpi eq, %iota3A, %eq3A_687 : vector<16xi32>
          %jit3A_689 = arith.constant -1 : i32
          %broadcast_in_dim3A_690 = vector.broadcast %jit3A_689 : i32 to vector<16xi32>
          %select_n3A_691 = arith.select %eq3A_688, %get3A_239, %broadcast_in_dim3A_690 : vector<16xi1>, vector<16xi32>
          %reduce_max3A_692 = arith.constant true
          %reduce_max3A_693 = vector.broadcast %reduce_max3A_692 : i1 to vector<16xi1>
          %reduce_max3A_694 = arith.constant -2147483648 : i32
          %reduce_max3A_695 = vector.broadcast %reduce_max3A_694 : i32 to vector<16xi32>
          %reduce_max3A_696 = arith.xori %select_n3A_691, %reduce_max3A_695 : vector<16xi32>
          %reduce_max3A_697 = tpu.scan <max>, %reduce_max3A_696 masked %reduce_max3A_693 : vector<16xi32>, vector<16xi1> -> vector<16xi32>
          %reduce_max3A_698 = arith.xori %reduce_max3A_697, %reduce_max3A_695 : vector<16xi32>
          %reduce_max3A_699 = vector.extract %reduce_max3A_698[15] : i32 from vector<16xi32>
          %mul3A_700 = arith.constant 16 : i32
          %mul3A_701 = arith.muli %add3A_233, %mul3A_700 : i32
          %add3A_702 = arith.constant 11 : i32
          %add3A_703 = arith.addi %mul3A_701, %add3A_702 : i32
          %mul3A_704 = arith.constant 8 : i32
          %mul3A_705 = arith.muli %add3A_703, %mul3A_704 : i32
          %dma_start3A_706 = arith.constant 0 : i32
          %dma_start3A_707 = arith.constant 0 : i32
          %dma_start3A_708 = arith.constant 0 : i32
          %dma_start3A_709 = tpu.memref_slice %arg6[%dma_start3A_706, %dma_start3A_707, %dma_start3A_708] : memref<3x256x64xf32, #tpu.memory_space<vmem>> -> memref<1x256x64xf32, #tpu.memory_space<vmem>>
          %dma_start3A_710 = tpu.memref_squeeze %dma_start3A_709 : memref<1x256x64xf32, #tpu.memory_space<vmem>> -> memref<256x64xf32, #tpu.memory_space<vmem>>
          %dma_start3A_711 = arith.constant 0 : i32
          %dma_start3A_712 = tpu.memref_slice %dma_start3A_710[%mul3A_705, %dma_start3A_711] : memref<256x64xf32, #tpu.memory_space<vmem>> -> memref<8x64xf32, #tpu.memory_space<vmem>>
          %dma_start3A_713 = arith.constant 0 : i32
          %dma_start3A_714 = arith.constant 0 : i32
          %dma_start3A_715 = tpu.memref_slice %arg3[%reduce_max3A_699, %dma_start3A_713, %dma_start3A_714] : memref<100000x8x64xf32, #tpu.memory_space<hbm>> -> memref<1x8x64xf32, #tpu.memory_space<hbm>>
          %dma_start3A_716 = tpu.memref_squeeze %dma_start3A_715 : memref<1x8x64xf32, #tpu.memory_space<hbm>> -> memref<8x64xf32, #tpu.memory_space<hbm>>
          %dma_start3A_717 = arith.constant 0 : i32
          %dma_start3A_718 = arith.constant 0 : i32
          %dma_start3A_719 = tpu.memref_slice %arg6[%dma_start3A_706, %dma_start3A_717, %dma_start3A_718] : memref<3x256x64xf32, #tpu.memory_space<vmem>> -> memref<1x256x64xf32, #tpu.memory_space<vmem>>
          %dma_start3A_720 = tpu.memref_squeeze %dma_start3A_719 : memref<1x256x64xf32, #tpu.memory_space<vmem>> -> memref<256x64xf32, #tpu.memory_space<vmem>>
          %dma_start3A_721 = arith.constant 0 : i32
          %dma_start3A_722 = tpu.memref_slice %dma_start3A_720[%mul3A_705, %dma_start3A_721] : memref<256x64xf32, #tpu.memory_space<vmem>> -> memref<8x64xf32, #tpu.memory_space<vmem>>
          %dma_start3A_723 = arith.constant 0 : i32
          %dma_start3A_724 = arith.constant 0 : i32
          %dma_start3A_725 = tpu.memref_slice %arg3[%reduce_max3A_699, %dma_start3A_723, %dma_start3A_724] : memref<100000x8x64xf32, #tpu.memory_space<hbm>> -> memref<1x8x64xf32, #tpu.memory_space<hbm>>
          %dma_start3A_726 = tpu.memref_squeeze %dma_start3A_725 : memref<1x8x64xf32, #tpu.memory_space<hbm>> -> memref<8x64xf32, #tpu.memory_space<hbm>>
          tpu.enqueue_dma source(%dma_start3A_726 : memref<8x64xf32, #tpu.memory_space<hbm>>) target(%dma_start3A_722 : memref<8x64xf32, #tpu.memory_space<vmem>>) target_semaphore(%arg7 : memref<!tpu.dma_semaphore, #tpu.memory_space<semaphore_mem>>)
          %eq3A_727 = arith.constant 12 : i32
          %eq3A_728 = vector.broadcast %eq3A_727 : i32 to vector<16xi32>
          %eq3A_729 = arith.cmpi eq, %iota3A, %eq3A_728 : vector<16xi32>
          %jit3A_730 = arith.constant -1 : i32
          %broadcast_in_dim3A_731 = vector.broadcast %jit3A_730 : i32 to vector<16xi32>
          %select_n3A_732 = arith.select %eq3A_729, %get3A_239, %broadcast_in_dim3A_731 : vector<16xi1>, vector<16xi32>
          %reduce_max3A_733 = arith.constant true
          %reduce_max3A_734 = vector.broadcast %reduce_max3A_733 : i1 to vector<16xi1>
          %reduce_max3A_735 = arith.constant -2147483648 : i32
          %reduce_max3A_736 = vector.broadcast %reduce_max3A_735 : i32 to vector<16xi32>
          %reduce_max3A_737 = arith.xori %select_n3A_732, %reduce_max3A_736 : vector<16xi32>
          %reduce_max3A_738 = tpu.scan <max>, %reduce_max3A_737 masked %reduce_max3A_734 : vector<16xi32>, vector<16xi1> -> vector<16xi32>
          %reduce_max3A_739 = arith.xori %reduce_max3A_738, %reduce_max3A_736 : vector<16xi32>
          %reduce_max3A_740 = vector.extract %reduce_max3A_739[15] : i32 from vector<16xi32>
          %mul3A_741 = arith.constant 16 : i32
          %mul3A_742 = arith.muli %add3A_233, %mul3A_741 : i32
          %add3A_743 = arith.constant 12 : i32
          %add3A_744 = arith.addi %mul3A_742, %add3A_743 : i32
          %mul3A_745 = arith.constant 8 : i32
          %mul3A_746 = arith.muli %add3A_744, %mul3A_745 : i32
          %dma_start3A_747 = arith.constant 0 : i32
          %dma_start3A_748 = arith.constant 0 : i32
          %dma_start3A_749 = arith.constant 0 : i32
          %dma_start3A_750 = tpu.memref_slice %arg6[%dma_start3A_747, %dma_start3A_748, %dma_start3A_749] : memref<3x256x64xf32, #tpu.memory_space<vmem>> -> memref<1x256x64xf32, #tpu.memory_space<vmem>>
          %dma_start3A_751 = tpu.memref_squeeze %dma_start3A_750 : memref<1x256x64xf32, #tpu.memory_space<vmem>> -> memref<256x64xf32, #tpu.memory_space<vmem>>
          %dma_start3A_752 = arith.constant 0 : i32
          %dma_start3A_753 = tpu.memref_slice %dma_start3A_751[%mul3A_746, %dma_start3A_752] : memref<256x64xf32, #tpu.memory_space<vmem>> -> memref<8x64xf32, #tpu.memory_space<vmem>>
          %dma_start3A_754 = arith.constant 0 : i32
          %dma_start3A_755 = arith.constant 0 : i32
          %dma_start3A_756 = tpu.memref_slice %arg3[%reduce_max3A_740, %dma_start3A_754, %dma_start3A_755] : memref<100000x8x64xf32, #tpu.memory_space<hbm>> -> memref<1x8x64xf32, #tpu.memory_space<hbm>>
          %dma_start3A_757 = tpu.memref_squeeze %dma_start3A_756 : memref<1x8x64xf32, #tpu.memory_space<hbm>> -> memref<8x64xf32, #tpu.memory_space<hbm>>
          %dma_start3A_758 = arith.constant 0 : i32
          %dma_start3A_759 = arith.constant 0 : i32
          %dma_start3A_760 = tpu.memref_slice %arg6[%dma_start3A_747, %dma_start3A_758, %dma_start3A_759] : memref<3x256x64xf32, #tpu.memory_space<vmem>> -> memref<1x256x64xf32, #tpu.memory_space<vmem>>
          %dma_start3A_761 = tpu.memref_squeeze %dma_start3A_760 : memref<1x256x64xf32, #tpu.memory_space<vmem>> -> memref<256x64xf32, #tpu.memory_space<vmem>>
          %dma_start3A_762 = arith.constant 0 : i32
          %dma_start3A_763 = tpu.memref_slice %dma_start3A_761[%mul3A_746, %dma_start3A_762] : memref<256x64xf32, #tpu.memory_space<vmem>> -> memref<8x64xf32, #tpu.memory_space<vmem>>
          %dma_start3A_764 = arith.constant 0 : i32
          %dma_start3A_765 = arith.constant 0 : i32
          %dma_start3A_766 = tpu.memref_slice %arg3[%reduce_max3A_740, %dma_start3A_764, %dma_start3A_765] : memref<100000x8x64xf32, #tpu.memory_space<hbm>> -> memref<1x8x64xf32, #tpu.memory_space<hbm>>
          %dma_start3A_767 = tpu.memref_squeeze %dma_start3A_766 : memref<1x8x64xf32, #tpu.memory_space<hbm>> -> memref<8x64xf32, #tpu.memory_space<hbm>>
          tpu.enqueue_dma source(%dma_start3A_767 : memref<8x64xf32, #tpu.memory_space<hbm>>) target(%dma_start3A_763 : memref<8x64xf32, #tpu.memory_space<vmem>>) target_semaphore(%arg7 : memref<!tpu.dma_semaphore, #tpu.memory_space<semaphore_mem>>)
          %eq3A_768 = arith.constant 13 : i32
          %eq3A_769 = vector.broadcast %eq3A_768 : i32 to vector<16xi32>
          %eq3A_770 = arith.cmpi eq, %iota3A, %eq3A_769 : vector<16xi32>
          %jit3A_771 = arith.constant -1 : i32
          %broadcast_in_dim3A_772 = vector.broadcast %jit3A_771 : i32 to vector<16xi32>
          %select_n3A_773 = arith.select %eq3A_770, %get3A_239, %broadcast_in_dim3A_772 : vector<16xi1>, vector<16xi32>
          %reduce_max3A_774 = arith.constant true
          %reduce_max3A_775 = vector.broadcast %reduce_max3A_774 : i1 to vector<16xi1>
          %reduce_max3A_776 = arith.constant -2147483648 : i32
          %reduce_max3A_777 = vector.broadcast %reduce_max3A_776 : i32 to vector<16xi32>
          %reduce_max3A_778 = arith.xori %select_n3A_773, %reduce_max3A_777 : vector<16xi32>
          %reduce_max3A_779 = tpu.scan <max>, %reduce_max3A_778 masked %reduce_max3A_775 : vector<16xi32>, vector<16xi1> -> vector<16xi32>
          %reduce_max3A_780 = arith.xori %reduce_max3A_779, %reduce_max3A_777 : vector<16xi32>
          %reduce_max3A_781 = vector.extract %reduce_max3A_780[15] : i32 from vector<16xi32>
          %mul3A_782 = arith.constant 16 : i32
          %mul3A_783 = arith.muli %add3A_233, %mul3A_782 : i32
          %add3A_784 = arith.constant 13 : i32
          %add3A_785 = arith.addi %mul3A_783, %add3A_784 : i32
          %mul3A_786 = arith.constant 8 : i32
          %mul3A_787 = arith.muli %add3A_785, %mul3A_786 : i32
          %dma_start3A_788 = arith.constant 0 : i32
          %dma_start3A_789 = arith.constant 0 : i32
          %dma_start3A_790 = arith.constant 0 : i32
          %dma_start3A_791 = tpu.memref_slice %arg6[%dma_start3A_788, %dma_start3A_789, %dma_start3A_790] : memref<3x256x64xf32, #tpu.memory_space<vmem>> -> memref<1x256x64xf32, #tpu.memory_space<vmem>>
          %dma_start3A_792 = tpu.memref_squeeze %dma_start3A_791 : memref<1x256x64xf32, #tpu.memory_space<vmem>> -> memref<256x64xf32, #tpu.memory_space<vmem>>
          %dma_start3A_793 = arith.constant 0 : i32
          %dma_start3A_794 = tpu.memref_slice %dma_start3A_792[%mul3A_787, %dma_start3A_793] : memref<256x64xf32, #tpu.memory_space<vmem>> -> memref<8x64xf32, #tpu.memory_space<vmem>>
          %dma_start3A_795 = arith.constant 0 : i32
          %dma_start3A_796 = arith.constant 0 : i32
          %dma_start3A_797 = tpu.memref_slice %arg3[%reduce_max3A_781, %dma_start3A_795, %dma_start3A_796] : memref<100000x8x64xf32, #tpu.memory_space<hbm>> -> memref<1x8x64xf32, #tpu.memory_space<hbm>>
          %dma_start3A_798 = tpu.memref_squeeze %dma_start3A_797 : memref<1x8x64xf32, #tpu.memory_space<hbm>> -> memref<8x64xf32, #tpu.memory_space<hbm>>
          %dma_start3A_799 = arith.constant 0 : i32
          %dma_start3A_800 = arith.constant 0 : i32
          %dma_start3A_801 = tpu.memref_slice %arg6[%dma_start3A_788, %dma_start3A_799, %dma_start3A_800] : memref<3x256x64xf32, #tpu.memory_space<vmem>> -> memref<1x256x64xf32, #tpu.memory_space<vmem>>
          %dma_start3A_802 = tpu.memref_squeeze %dma_start3A_801 : memref<1x256x64xf32, #tpu.memory_space<vmem>> -> memref<256x64xf32, #tpu.memory_space<vmem>>
          %dma_start3A_803 = arith.constant 0 : i32
          %dma_start3A_804 = tpu.memref_slice %dma_start3A_802[%mul3A_787, %dma_start3A_803] : memref<256x64xf32, #tpu.memory_space<vmem>> -> memref<8x64xf32, #tpu.memory_space<vmem>>
          %dma_start3A_805 = arith.constant 0 : i32
          %dma_start3A_806 = arith.constant 0 : i32
          %dma_start3A_807 = tpu.memref_slice %arg3[%reduce_max3A_781, %dma_start3A_805, %dma_start3A_806] : memref<100000x8x64xf32, #tpu.memory_space<hbm>> -> memref<1x8x64xf32, #tpu.memory_space<hbm>>
          %dma_start3A_808 = tpu.memref_squeeze %dma_start3A_807 : memref<1x8x64xf32, #tpu.memory_space<hbm>> -> memref<8x64xf32, #tpu.memory_space<hbm>>
          tpu.enqueue_dma source(%dma_start3A_808 : memref<8x64xf32, #tpu.memory_space<hbm>>) target(%dma_start3A_804 : memref<8x64xf32, #tpu.memory_space<vmem>>) target_semaphore(%arg7 : memref<!tpu.dma_semaphore, #tpu.memory_space<semaphore_mem>>)
          %eq3A_809 = arith.constant 14 : i32
          %eq3A_810 = vector.broadcast %eq3A_809 : i32 to vector<16xi32>
          %eq3A_811 = arith.cmpi eq, %iota3A, %eq3A_810 : vector<16xi32>
          %jit3A_812 = arith.constant -1 : i32
          %broadcast_in_dim3A_813 = vector.broadcast %jit3A_812 : i32 to vector<16xi32>
          %select_n3A_814 = arith.select %eq3A_811, %get3A_239, %broadcast_in_dim3A_813 : vector<16xi1>, vector<16xi32>
          %reduce_max3A_815 = arith.constant true
          %reduce_max3A_816 = vector.broadcast %reduce_max3A_815 : i1 to vector<16xi1>
          %reduce_max3A_817 = arith.constant -2147483648 : i32
          %reduce_max3A_818 = vector.broadcast %reduce_max3A_817 : i32 to vector<16xi32>
          %reduce_max3A_819 = arith.xori %select_n3A_814, %reduce_max3A_818 : vector<16xi32>
          %reduce_max3A_820 = tpu.scan <max>, %reduce_max3A_819 masked %reduce_max3A_816 : vector<16xi32>, vector<16xi1> -> vector<16xi32>
          %reduce_max3A_821 = arith.xori %reduce_max3A_820, %reduce_max3A_818 : vector<16xi32>
          %reduce_max3A_822 = vector.extract %reduce_max3A_821[15] : i32 from vector<16xi32>
          %mul3A_823 = arith.constant 16 : i32
          %mul3A_824 = arith.muli %add3A_233, %mul3A_823 : i32
          %add3A_825 = arith.constant 14 : i32
          %add3A_826 = arith.addi %mul3A_824, %add3A_825 : i32
          %mul3A_827 = arith.constant 8 : i32
          %mul3A_828 = arith.muli %add3A_826, %mul3A_827 : i32
          %dma_start3A_829 = arith.constant 0 : i32
          %dma_start3A_830 = arith.constant 0 : i32
          %dma_start3A_831 = arith.constant 0 : i32
          %dma_start3A_832 = tpu.memref_slice %arg6[%dma_start3A_829, %dma_start3A_830, %dma_start3A_831] : memref<3x256x64xf32, #tpu.memory_space<vmem>> -> memref<1x256x64xf32, #tpu.memory_space<vmem>>
          %dma_start3A_833 = tpu.memref_squeeze %dma_start3A_832 : memref<1x256x64xf32, #tpu.memory_space<vmem>> -> memref<256x64xf32, #tpu.memory_space<vmem>>
          %dma_start3A_834 = arith.constant 0 : i32
          %dma_start3A_835 = tpu.memref_slice %dma_start3A_833[%mul3A_828, %dma_start3A_834] : memref<256x64xf32, #tpu.memory_space<vmem>> -> memref<8x64xf32, #tpu.memory_space<vmem>>
          %dma_start3A_836 = arith.constant 0 : i32
          %dma_start3A_837 = arith.constant 0 : i32
          %dma_start3A_838 = tpu.memref_slice %arg3[%reduce_max3A_822, %dma_start3A_836, %dma_start3A_837] : memref<100000x8x64xf32, #tpu.memory_space<hbm>> -> memref<1x8x64xf32, #tpu.memory_space<hbm>>
          %dma_start3A_839 = tpu.memref_squeeze %dma_start3A_838 : memref<1x8x64xf32, #tpu.memory_space<hbm>> -> memref<8x64xf32, #tpu.memory_space<hbm>>
          %dma_start3A_840 = arith.constant 0 : i32
          %dma_start3A_841 = arith.constant 0 : i32
          %dma_start3A_842 = tpu.memref_slice %arg6[%dma_start3A_829, %dma_start3A_840, %dma_start3A_841] : memref<3x256x64xf32, #tpu.memory_space<vmem>> -> memref<1x256x64xf32, #tpu.memory_space<vmem>>
          %dma_start3A_843 = tpu.memref_squeeze %dma_start3A_842 : memref<1x256x64xf32, #tpu.memory_space<vmem>> -> memref<256x64xf32, #tpu.memory_space<vmem>>
          %dma_start3A_844 = arith.constant 0 : i32
          %dma_start3A_845 = tpu.memref_slice %dma_start3A_843[%mul3A_828, %dma_start3A_844] : memref<256x64xf32, #tpu.memory_space<vmem>> -> memref<8x64xf32, #tpu.memory_space<vmem>>
          %dma_start3A_846 = arith.constant 0 : i32
          %dma_start3A_847 = arith.constant 0 : i32
          %dma_start3A_848 = tpu.memref_slice %arg3[%reduce_max3A_822, %dma_start3A_846, %dma_start3A_847] : memref<100000x8x64xf32, #tpu.memory_space<hbm>> -> memref<1x8x64xf32, #tpu.memory_space<hbm>>
          %dma_start3A_849 = tpu.memref_squeeze %dma_start3A_848 : memref<1x8x64xf32, #tpu.memory_space<hbm>> -> memref<8x64xf32, #tpu.memory_space<hbm>>
          tpu.enqueue_dma source(%dma_start3A_849 : memref<8x64xf32, #tpu.memory_space<hbm>>) target(%dma_start3A_845 : memref<8x64xf32, #tpu.memory_space<vmem>>) target_semaphore(%arg7 : memref<!tpu.dma_semaphore, #tpu.memory_space<semaphore_mem>>)
          %eq3A_850 = arith.constant 15 : i32
          %eq3A_851 = vector.broadcast %eq3A_850 : i32 to vector<16xi32>
          %eq3A_852 = arith.cmpi eq, %iota3A, %eq3A_851 : vector<16xi32>
          %jit3A_853 = arith.constant -1 : i32
          %broadcast_in_dim3A_854 = vector.broadcast %jit3A_853 : i32 to vector<16xi32>
          %select_n3A_855 = arith.select %eq3A_852, %get3A_239, %broadcast_in_dim3A_854 : vector<16xi1>, vector<16xi32>
          %reduce_max3A_856 = arith.constant true
          %reduce_max3A_857 = vector.broadcast %reduce_max3A_856 : i1 to vector<16xi1>
          %reduce_max3A_858 = arith.constant -2147483648 : i32
          %reduce_max3A_859 = vector.broadcast %reduce_max3A_858 : i32 to vector<16xi32>
          %reduce_max3A_860 = arith.xori %select_n3A_855, %reduce_max3A_859 : vector<16xi32>
          %reduce_max3A_861 = tpu.scan <max>, %reduce_max3A_860 masked %reduce_max3A_857 : vector<16xi32>, vector<16xi1> -> vector<16xi32>
          %reduce_max3A_862 = arith.xori %reduce_max3A_861, %reduce_max3A_859 : vector<16xi32>
          %reduce_max3A_863 = vector.extract %reduce_max3A_862[15] : i32 from vector<16xi32>
          %mul3A_864 = arith.constant 16 : i32
          %mul3A_865 = arith.muli %add3A_233, %mul3A_864 : i32
          %add3A_866 = arith.constant 15 : i32
          %add3A_867 = arith.addi %mul3A_865, %add3A_866 : i32
          %mul3A_868 = arith.constant 8 : i32
          %mul3A_869 = arith.muli %add3A_867, %mul3A_868 : i32
          %dma_start3A_870 = arith.constant 0 : i32
          %dma_start3A_871 = arith.constant 0 : i32
          %dma_start3A_872 = arith.constant 0 : i32
          %dma_start3A_873 = tpu.memref_slice %arg6[%dma_start3A_870, %dma_start3A_871, %dma_start3A_872] : memref<3x256x64xf32, #tpu.memory_space<vmem>> -> memref<1x256x64xf32, #tpu.memory_space<vmem>>
          %dma_start3A_874 = tpu.memref_squeeze %dma_start3A_873 : memref<1x256x64xf32, #tpu.memory_space<vmem>> -> memref<256x64xf32, #tpu.memory_space<vmem>>
          %dma_start3A_875 = arith.constant 0 : i32
          %dma_start3A_876 = tpu.memref_slice %dma_start3A_874[%mul3A_869, %dma_start3A_875] : memref<256x64xf32, #tpu.memory_space<vmem>> -> memref<8x64xf32, #tpu.memory_space<vmem>>
          %dma_start3A_877 = arith.constant 0 : i32
          %dma_start3A_878 = arith.constant 0 : i32
          %dma_start3A_879 = tpu.memref_slice %arg3[%reduce_max3A_863, %dma_start3A_877, %dma_start3A_878] : memref<100000x8x64xf32, #tpu.memory_space<hbm>> -> memref<1x8x64xf32, #tpu.memory_space<hbm>>
          %dma_start3A_880 = tpu.memref_squeeze %dma_start3A_879 : memref<1x8x64xf32, #tpu.memory_space<hbm>> -> memref<8x64xf32, #tpu.memory_space<hbm>>
          %dma_start3A_881 = arith.constant 0 : i32
          %dma_start3A_882 = arith.constant 0 : i32
          %dma_start3A_883 = tpu.memref_slice %arg6[%dma_start3A_870, %dma_start3A_881, %dma_start3A_882] : memref<3x256x64xf32, #tpu.memory_space<vmem>> -> memref<1x256x64xf32, #tpu.memory_space<vmem>>
          %dma_start3A_884 = tpu.memref_squeeze %dma_start3A_883 : memref<1x256x64xf32, #tpu.memory_space<vmem>> -> memref<256x64xf32, #tpu.memory_space<vmem>>
          %dma_start3A_885 = arith.constant 0 : i32
          %dma_start3A_886 = tpu.memref_slice %dma_start3A_884[%mul3A_869, %dma_start3A_885] : memref<256x64xf32, #tpu.memory_space<vmem>> -> memref<8x64xf32, #tpu.memory_space<vmem>>
          %dma_start3A_887 = arith.constant 0 : i32
          %dma_start3A_888 = arith.constant 0 : i32
          %dma_start3A_889 = tpu.memref_slice %arg3[%reduce_max3A_863, %dma_start3A_887, %dma_start3A_888] : memref<100000x8x64xf32, #tpu.memory_space<hbm>> -> memref<1x8x64xf32, #tpu.memory_space<hbm>>
          %dma_start3A_890 = tpu.memref_squeeze %dma_start3A_889 : memref<1x8x64xf32, #tpu.memory_space<hbm>> -> memref<8x64xf32, #tpu.memory_space<hbm>>
          tpu.enqueue_dma source(%dma_start3A_890 : memref<8x64xf32, #tpu.memory_space<hbm>>) target(%dma_start3A_886 : memref<8x64xf32, #tpu.memory_space<vmem>>) target_semaphore(%arg7 : memref<!tpu.dma_semaphore, #tpu.memory_space<semaphore_mem>>)
        }
        %scan3A_228 = arith.constant 2 : i32
      } else {
      }
      %add3A_176 = arith.constant 2 : i32
      %add3A_177 = arith.addi %add3A_96, %add3A_176 : i32
      %dma_wait3A_178 = arith.constant 2 : i32
      %dma_wait3A_179 = arith.constant 0 : i32
      %dma_wait3A_180 = arith.constant 0 : i32
      %dma_wait3A_181 = tpu.memref_slice %arg6[%dma_wait3A_178, %dma_wait3A_179, %dma_wait3A_180] : memref<3x256x64xf32, #tpu.memory_space<vmem>> -> memref<1x256x64xf32, #tpu.memory_space<vmem>>
      %dma_wait3A_182 = tpu.memref_squeeze %dma_wait3A_181 : memref<1x256x64xf32, #tpu.memory_space<vmem>> -> memref<256x64xf32, #tpu.memory_space<vmem>>
      %dma_wait3A_183 = arith.constant 0 : i32
      %dma_wait3A_184 = arith.constant 0 : i32
      %dma_wait3A_185 = tpu.memref_slice %arg4[%dma_wait3A_183, %dma_wait3A_184] : memref<131072x64xf32, #tpu.memory_space<hbm>> -> memref<256x64xf32, #tpu.memory_space<hbm>>
      %dma_wait3A_186 = arith.constant 0 : i32
      %dma_wait3A_187 = arith.constant 0 : i32
      %dma_wait3A_188 = tpu.memref_slice %arg6[%dma_wait3A_178, %dma_wait3A_186, %dma_wait3A_187] : memref<3x256x64xf32, #tpu.memory_space<vmem>> -> memref<1x256x64xf32, #tpu.memory_space<vmem>>
      %dma_wait3A_189 = tpu.memref_squeeze %dma_wait3A_188 : memref<1x256x64xf32, #tpu.memory_space<vmem>> -> memref<256x64xf32, #tpu.memory_space<vmem>>
      %dma_wait3A_190 = arith.constant 0 : i32
      %dma_wait3A_191 = arith.constant 0 : i32
      %dma_wait3A_192 = tpu.memref_slice %arg4[%dma_wait3A_190, %dma_wait3A_191] : memref<131072x64xf32, #tpu.memory_space<hbm>> -> memref<256x64xf32, #tpu.memory_space<hbm>>
      tpu.wait_dma2 semaphore(%arg9 : memref<!tpu.dma_semaphore, #tpu.memory_space<semaphore_mem>>) src(%dma_wait3A_192 : memref<256x64xf32, #tpu.memory_space<hbm>>) dst(%dma_wait3A_189 : memref<256x64xf32, #tpu.memory_space<vmem>>)
      %mul3A_193 = arith.constant 32 : i32
      %mul3A_194 = arith.muli %add3A_177, %mul3A_193 : i32
      %add3A_195 = arith.addi %mul3A_2, %mul3A_194 : i32
      %mul3A_196 = arith.constant 8 : i32
      %mul3A_197 = arith.muli %add3A_195, %mul3A_196 : i32
      %dma_start3A_198 = arith.constant 2 : i32
      %dma_start3A_199 = arith.constant 0 : i32
      %dma_start3A_200 = arith.constant 0 : i32
      %dma_start3A_201 = tpu.memref_slice %arg6[%dma_start3A_198, %dma_start3A_199, %dma_start3A_200] : memref<3x256x64xf32, #tpu.memory_space<vmem>> -> memref<1x256x64xf32, #tpu.memory_space<vmem>>
      %dma_start3A_202 = tpu.memref_squeeze %dma_start3A_201 : memref<1x256x64xf32, #tpu.memory_space<vmem>> -> memref<256x64xf32, #tpu.memory_space<vmem>>
      %dma_start3A_203 = arith.constant 0 : i32
      %dma_start3A_204 = tpu.memref_slice %arg4[%mul3A_197, %dma_start3A_203] : memref<131072x64xf32, #tpu.memory_space<hbm>> -> memref<256x64xf32, #tpu.memory_space<hbm>>
      %dma_start3A_205 = arith.constant 0 : i32
      %dma_start3A_206 = tpu.memref_slice %arg4[%mul3A_197, %dma_start3A_205] : memref<131072x64xf32, #tpu.memory_space<hbm>> -> memref<256x64xf32, #tpu.memory_space<hbm>>
      %dma_start3A_207 = arith.constant 0 : i32
      %dma_start3A_208 = arith.constant 0 : i32
      %dma_start3A_209 = tpu.memref_slice %arg6[%dma_start3A_198, %dma_start3A_207, %dma_start3A_208] : memref<3x256x64xf32, #tpu.memory_space<vmem>> -> memref<1x256x64xf32, #tpu.memory_space<vmem>>
      %dma_start3A_210 = tpu.memref_squeeze %dma_start3A_209 : memref<1x256x64xf32, #tpu.memory_space<vmem>> -> memref<256x64xf32, #tpu.memory_space<vmem>>
      tpu.enqueue_dma source(%dma_start3A_210 : memref<256x64xf32, #tpu.memory_space<vmem>>) target(%dma_start3A_206 : memref<256x64xf32, #tpu.memory_space<hbm>>) target_semaphore(%arg12 : memref<!tpu.dma_semaphore, #tpu.memory_space<semaphore_mem>>)
      %add3A_211 = arith.constant 2 : i32
      %add3A_212 = arith.addi %add3A_177, %add3A_211 : i32
      %lt3A_213 = arith.constant 16 : i32
      %lt3A_214 = arith.cmpi slt, %add3A_212, %lt3A_213 : i32
      %convert_element_type3A_215 = arith.extui %lt3A_214 : i1 to i32
      %cond3A_216 = arith.constant 0 : i32
      %cond3A_217 = arith.cmpi ne, %convert_element_type3A_215, %cond3A_216 : i32
      scf.if %cond3A_217 {
        %ge3A = arith.constant 1 : i32
        %ge3A_218 = arith.cmpi sge, %add3A_177, %ge3A : i32
        %convert_element_type3A_219 = arith.extui %ge3A_218 : i1 to i32
        %cond3A_220 = arith.constant 0 : i32
        %cond3A_221 = arith.cmpi ne, %convert_element_type3A_219, %cond3A_220 : i32
        scf.if %cond3A_221 {
          %dma_wait3A_229 = arith.constant 1 : i32
          %dma_wait3A_230 = arith.constant 0 : i32
          %dma_wait3A_231 = arith.constant 0 : i32
          %dma_wait3A_232 = tpu.memref_slice %arg6[%dma_wait3A_229, %dma_wait3A_230, %dma_wait3A_231] : memref<3x256x64xf32, #tpu.memory_space<vmem>> -> memref<1x256x64xf32, #tpu.memory_space<vmem>>
          %dma_wait3A_233 = tpu.memref_squeeze %dma_wait3A_232 : memref<1x256x64xf32, #tpu.memory_space<vmem>> -> memref<256x64xf32, #tpu.memory_space<vmem>>
          %dma_wait3A_234 = arith.constant 0 : i32
          %dma_wait3A_235 = arith.constant 0 : i32
          %dma_wait3A_236 = tpu.memref_slice %arg4[%dma_wait3A_234, %dma_wait3A_235] : memref<131072x64xf32, #tpu.memory_space<hbm>> -> memref<256x64xf32, #tpu.memory_space<hbm>>
          %dma_wait3A_237 = arith.constant 0 : i32
          %dma_wait3A_238 = arith.constant 0 : i32
          %dma_wait3A_239 = tpu.memref_slice %arg6[%dma_wait3A_229, %dma_wait3A_237, %dma_wait3A_238] : memref<3x256x64xf32, #tpu.memory_space<vmem>> -> memref<1x256x64xf32, #tpu.memory_space<vmem>>
          %dma_wait3A_240 = tpu.memref_squeeze %dma_wait3A_239 : memref<1x256x64xf32, #tpu.memory_space<vmem>> -> memref<256x64xf32, #tpu.memory_space<vmem>>
          %dma_wait3A_241 = arith.constant 0 : i32
          %dma_wait3A_242 = arith.constant 0 : i32
          %dma_wait3A_243 = tpu.memref_slice %arg4[%dma_wait3A_241, %dma_wait3A_242] : memref<131072x64xf32, #tpu.memory_space<hbm>> -> memref<256x64xf32, #tpu.memory_space<hbm>>
          tpu.wait_dma2 semaphore(%arg11 : memref<!tpu.dma_semaphore, #tpu.memory_space<semaphore_mem>>) src(%dma_wait3A_243 : memref<256x64xf32, #tpu.memory_space<hbm>>) dst(%dma_wait3A_240 : memref<256x64xf32, #tpu.memory_space<vmem>>)
        } else {
        }
        %add3A_222 = arith.constant 2 : i32
        %add3A_223 = arith.addi %add3A_177, %add3A_222 : i32
        %scan3A_224 = arith.constant 0 : i32
        %scan3A_225 = arith.constant 2 : i32
        %scan3A_226 = arith.addi %scan3A_224, %scan3A_225 : i32
        %scan3A_227 = arith.constant 1 : i32
        scf.for %scan3A_229 = %scan3A_224 to %scan3A_226 step %scan3A_227  : i32 {
          %mul3A_230 = arith.constant 1 : i32
          %mul3A_231 = arith.muli %scan3A_229, %mul3A_230 : i32
          %add3A_232 = arith.constant 0 : i32
          %add3A_233 = arith.addi %add3A_232, %mul3A_231 : i32
          %mul3A_234 = arith.constant 32 : i32
          %mul3A_235 = arith.muli %add3A_223, %mul3A_234 : i32
          %mul3A_236 = arith.constant 16 : i32
          %mul3A_237 = arith.muli %add3A_233, %mul3A_236 : i32
          %add3A_238 = arith.addi %mul3A_235, %mul3A_237 : i32
          %get3A = arith.index_cast %add3A_238 : i32 to index
          %get3A_239 = tpu.vector_load %arg5[%get3A] {strides = array<i32>} : memref<512xi32, #tpu.memory_space<vmem>>, vector<16xi32>,
          %eq3A = arith.constant 0 : i32
          %eq3A_240 = vector.broadcast %eq3A : i32 to vector<16xi32>
          %eq3A_241 = arith.cmpi eq, %iota3A, %eq3A_240 : vector<16xi32>
          %jit3A = arith.constant -1 : i32
          %broadcast_in_dim3A = vector.broadcast %jit3A : i32 to vector<16xi32>
          %select_n3A = arith.select %eq3A_241, %get3A_239, %broadcast_in_dim3A : vector<16xi1>, vector<16xi32>
          %reduce_max3A = arith.constant true
          %reduce_max3A_242 = vector.broadcast %reduce_max3A : i1 to vector<16xi1>
          %reduce_max3A_243 = arith.constant -2147483648 : i32
          %reduce_max3A_244 = vector.broadcast %reduce_max3A_243 : i32 to vector<16xi32>
          %reduce_max3A_245 = arith.xori %select_n3A, %reduce_max3A_244 : vector<16xi32>
          %reduce_max3A_246 = tpu.scan <max>, %reduce_max3A_245 masked %reduce_max3A_242 : vector<16xi32>, vector<16xi1> -> vector<16xi32>
          %reduce_max3A_247 = arith.xori %reduce_max3A_246, %reduce_max3A_244 : vector<16xi32>
          %reduce_max3A_248 = vector.extract %reduce_max3A_247[15] : i32 from vector<16xi32>
          %mul3A_249 = arith.constant 16 : i32
          %mul3A_250 = arith.muli %add3A_233, %mul3A_249 : i32
          %add3A_251 = arith.constant 0 : i32
          %add3A_252 = arith.addi %mul3A_250, %add3A_251 : i32
          %mul3A_253 = arith.constant 8 : i32
          %mul3A_254 = arith.muli %add3A_252, %mul3A_253 : i32
          %dma_start3A_255 = arith.constant 1 : i32
          %dma_start3A_256 = arith.constant 0 : i32
          %dma_start3A_257 = arith.constant 0 : i32
          %dma_start3A_258 = tpu.memref_slice %arg6[%dma_start3A_255, %dma_start3A_256, %dma_start3A_257] : memref<3x256x64xf32, #tpu.memory_space<vmem>> -> memref<1x256x64xf32, #tpu.memory_space<vmem>>
          %dma_start3A_259 = tpu.memref_squeeze %dma_start3A_258 : memref<1x256x64xf32, #tpu.memory_space<vmem>> -> memref<256x64xf32, #tpu.memory_space<vmem>>
          %dma_start3A_260 = arith.constant 0 : i32
          %dma_start3A_261 = tpu.memref_slice %dma_start3A_259[%mul3A_254, %dma_start3A_260] : memref<256x64xf32, #tpu.memory_space<vmem>> -> memref<8x64xf32, #tpu.memory_space<vmem>>
          %dma_start3A_262 = arith.constant 0 : i32
          %dma_start3A_263 = arith.constant 0 : i32
          %dma_start3A_264 = tpu.memref_slice %arg3[%reduce_max3A_248, %dma_start3A_262, %dma_start3A_263] : memref<100000x8x64xf32, #tpu.memory_space<hbm>> -> memref<1x8x64xf32, #tpu.memory_space<hbm>>
          %dma_start3A_265 = tpu.memref_squeeze %dma_start3A_264 : memref<1x8x64xf32, #tpu.memory_space<hbm>> -> memref<8x64xf32, #tpu.memory_space<hbm>>
          %dma_start3A_266 = arith.constant 0 : i32
          %dma_start3A_267 = arith.constant 0 : i32
          %dma_start3A_268 = tpu.memref_slice %arg6[%dma_start3A_255, %dma_start3A_266, %dma_start3A_267] : memref<3x256x64xf32, #tpu.memory_space<vmem>> -> memref<1x256x64xf32, #tpu.memory_space<vmem>>
          %dma_start3A_269 = tpu.memref_squeeze %dma_start3A_268 : memref<1x256x64xf32, #tpu.memory_space<vmem>> -> memref<256x64xf32, #tpu.memory_space<vmem>>
          %dma_start3A_270 = arith.constant 0 : i32
          %dma_start3A_271 = tpu.memref_slice %dma_start3A_269[%mul3A_254, %dma_start3A_270] : memref<256x64xf32, #tpu.memory_space<vmem>> -> memref<8x64xf32, #tpu.memory_space<vmem>>
          %dma_start3A_272 = arith.constant 0 : i32
          %dma_start3A_273 = arith.constant 0 : i32
          %dma_start3A_274 = tpu.memref_slice %arg3[%reduce_max3A_248, %dma_start3A_272, %dma_start3A_273] : memref<100000x8x64xf32, #tpu.memory_space<hbm>> -> memref<1x8x64xf32, #tpu.memory_space<hbm>>
          %dma_start3A_275 = tpu.memref_squeeze %dma_start3A_274 : memref<1x8x64xf32, #tpu.memory_space<hbm>> -> memref<8x64xf32, #tpu.memory_space<hbm>>
          tpu.enqueue_dma source(%dma_start3A_275 : memref<8x64xf32, #tpu.memory_space<hbm>>) target(%dma_start3A_271 : memref<8x64xf32, #tpu.memory_space<vmem>>) target_semaphore(%arg8 : memref<!tpu.dma_semaphore, #tpu.memory_space<semaphore_mem>>)
          %eq3A_276 = arith.constant 1 : i32
          %eq3A_277 = vector.broadcast %eq3A_276 : i32 to vector<16xi32>
          %eq3A_278 = arith.cmpi eq, %iota3A, %eq3A_277 : vector<16xi32>
          %jit3A_279 = arith.constant -1 : i32
          %broadcast_in_dim3A_280 = vector.broadcast %jit3A_279 : i32 to vector<16xi32>
          %select_n3A_281 = arith.select %eq3A_278, %get3A_239, %broadcast_in_dim3A_280 : vector<16xi1>, vector<16xi32>
          %reduce_max3A_282 = arith.constant true
          %reduce_max3A_283 = vector.broadcast %reduce_max3A_282 : i1 to vector<16xi1>
          %reduce_max3A_284 = arith.constant -2147483648 : i32
          %reduce_max3A_285 = vector.broadcast %reduce_max3A_284 : i32 to vector<16xi32>
          %reduce_max3A_286 = arith.xori %select_n3A_281, %reduce_max3A_285 : vector<16xi32>
          %reduce_max3A_287 = tpu.scan <max>, %reduce_max3A_286 masked %reduce_max3A_283 : vector<16xi32>, vector<16xi1> -> vector<16xi32>
          %reduce_max3A_288 = arith.xori %reduce_max3A_287, %reduce_max3A_285 : vector<16xi32>
          %reduce_max3A_289 = vector.extract %reduce_max3A_288[15] : i32 from vector<16xi32>
          %mul3A_290 = arith.constant 16 : i32
          %mul3A_291 = arith.muli %add3A_233, %mul3A_290 : i32
          %add3A_292 = arith.constant 1 : i32
          %add3A_293 = arith.addi %mul3A_291, %add3A_292 : i32
          %mul3A_294 = arith.constant 8 : i32
          %mul3A_295 = arith.muli %add3A_293, %mul3A_294 : i32
          %dma_start3A_296 = arith.constant 1 : i32
          %dma_start3A_297 = arith.constant 0 : i32
          %dma_start3A_298 = arith.constant 0 : i32
          %dma_start3A_299 = tpu.memref_slice %arg6[%dma_start3A_296, %dma_start3A_297, %dma_start3A_298] : memref<3x256x64xf32, #tpu.memory_space<vmem>> -> memref<1x256x64xf32, #tpu.memory_space<vmem>>
          %dma_start3A_300 = tpu.memref_squeeze %dma_start3A_299 : memref<1x256x64xf32, #tpu.memory_space<vmem>> -> memref<256x64xf32, #tpu.memory_space<vmem>>
          %dma_start3A_301 = arith.constant 0 : i32
          %dma_start3A_302 = tpu.memref_slice %dma_start3A_300[%mul3A_295, %dma_start3A_301] : memref<256x64xf32, #tpu.memory_space<vmem>> -> memref<8x64xf32, #tpu.memory_space<vmem>>
          %dma_start3A_303 = arith.constant 0 : i32
          %dma_start3A_304 = arith.constant 0 : i32
          %dma_start3A_305 = tpu.memref_slice %arg3[%reduce_max3A_289, %dma_start3A_303, %dma_start3A_304] : memref<100000x8x64xf32, #tpu.memory_space<hbm>> -> memref<1x8x64xf32, #tpu.memory_space<hbm>>
          %dma_start3A_306 = tpu.memref_squeeze %dma_start3A_305 : memref<1x8x64xf32, #tpu.memory_space<hbm>> -> memref<8x64xf32, #tpu.memory_space<hbm>>
          %dma_start3A_307 = arith.constant 0 : i32
          %dma_start3A_308 = arith.constant 0 : i32
          %dma_start3A_309 = tpu.memref_slice %arg6[%dma_start3A_296, %dma_start3A_307, %dma_start3A_308] : memref<3x256x64xf32, #tpu.memory_space<vmem>> -> memref<1x256x64xf32, #tpu.memory_space<vmem>>
          %dma_start3A_310 = tpu.memref_squeeze %dma_start3A_309 : memref<1x256x64xf32, #tpu.memory_space<vmem>> -> memref<256x64xf32, #tpu.memory_space<vmem>>
          %dma_start3A_311 = arith.constant 0 : i32
          %dma_start3A_312 = tpu.memref_slice %dma_start3A_310[%mul3A_295, %dma_start3A_311] : memref<256x64xf32, #tpu.memory_space<vmem>> -> memref<8x64xf32, #tpu.memory_space<vmem>>
          %dma_start3A_313 = arith.constant 0 : i32
          %dma_start3A_314 = arith.constant 0 : i32
          %dma_start3A_315 = tpu.memref_slice %arg3[%reduce_max3A_289, %dma_start3A_313, %dma_start3A_314] : memref<100000x8x64xf32, #tpu.memory_space<hbm>> -> memref<1x8x64xf32, #tpu.memory_space<hbm>>
          %dma_start3A_316 = tpu.memref_squeeze %dma_start3A_315 : memref<1x8x64xf32, #tpu.memory_space<hbm>> -> memref<8x64xf32, #tpu.memory_space<hbm>>
          tpu.enqueue_dma source(%dma_start3A_316 : memref<8x64xf32, #tpu.memory_space<hbm>>) target(%dma_start3A_312 : memref<8x64xf32, #tpu.memory_space<vmem>>) target_semaphore(%arg8 : memref<!tpu.dma_semaphore, #tpu.memory_space<semaphore_mem>>)
          %eq3A_317 = arith.constant 2 : i32
          %eq3A_318 = vector.broadcast %eq3A_317 : i32 to vector<16xi32>
          %eq3A_319 = arith.cmpi eq, %iota3A, %eq3A_318 : vector<16xi32>
          %jit3A_320 = arith.constant -1 : i32
          %broadcast_in_dim3A_321 = vector.broadcast %jit3A_320 : i32 to vector<16xi32>
          %select_n3A_322 = arith.select %eq3A_319, %get3A_239, %broadcast_in_dim3A_321 : vector<16xi1>, vector<16xi32>
          %reduce_max3A_323 = arith.constant true
          %reduce_max3A_324 = vector.broadcast %reduce_max3A_323 : i1 to vector<16xi1>
          %reduce_max3A_325 = arith.constant -2147483648 : i32
          %reduce_max3A_326 = vector.broadcast %reduce_max3A_325 : i32 to vector<16xi32>
          %reduce_max3A_327 = arith.xori %select_n3A_322, %reduce_max3A_326 : vector<16xi32>
          %reduce_max3A_328 = tpu.scan <max>, %reduce_max3A_327 masked %reduce_max3A_324 : vector<16xi32>, vector<16xi1> -> vector<16xi32>
          %reduce_max3A_329 = arith.xori %reduce_max3A_328, %reduce_max3A_326 : vector<16xi32>
          %reduce_max3A_330 = vector.extract %reduce_max3A_329[15] : i32 from vector<16xi32>
          %mul3A_331 = arith.constant 16 : i32
          %mul3A_332 = arith.muli %add3A_233, %mul3A_331 : i32
          %add3A_333 = arith.constant 2 : i32
          %add3A_334 = arith.addi %mul3A_332, %add3A_333 : i32
          %mul3A_335 = arith.constant 8 : i32
          %mul3A_336 = arith.muli %add3A_334, %mul3A_335 : i32
          %dma_start3A_337 = arith.constant 1 : i32
          %dma_start3A_338 = arith.constant 0 : i32
          %dma_start3A_339 = arith.constant 0 : i32
          %dma_start3A_340 = tpu.memref_slice %arg6[%dma_start3A_337, %dma_start3A_338, %dma_start3A_339] : memref<3x256x64xf32, #tpu.memory_space<vmem>> -> memref<1x256x64xf32, #tpu.memory_space<vmem>>
          %dma_start3A_341 = tpu.memref_squeeze %dma_start3A_340 : memref<1x256x64xf32, #tpu.memory_space<vmem>> -> memref<256x64xf32, #tpu.memory_space<vmem>>
          %dma_start3A_342 = arith.constant 0 : i32
          %dma_start3A_343 = tpu.memref_slice %dma_start3A_341[%mul3A_336, %dma_start3A_342] : memref<256x64xf32, #tpu.memory_space<vmem>> -> memref<8x64xf32, #tpu.memory_space<vmem>>
          %dma_start3A_344 = arith.constant 0 : i32
          %dma_start3A_345 = arith.constant 0 : i32
          %dma_start3A_346 = tpu.memref_slice %arg3[%reduce_max3A_330, %dma_start3A_344, %dma_start3A_345] : memref<100000x8x64xf32, #tpu.memory_space<hbm>> -> memref<1x8x64xf32, #tpu.memory_space<hbm>>
          %dma_start3A_347 = tpu.memref_squeeze %dma_start3A_346 : memref<1x8x64xf32, #tpu.memory_space<hbm>> -> memref<8x64xf32, #tpu.memory_space<hbm>>
          %dma_start3A_348 = arith.constant 0 : i32
          %dma_start3A_349 = arith.constant 0 : i32
          %dma_start3A_350 = tpu.memref_slice %arg6[%dma_start3A_337, %dma_start3A_348, %dma_start3A_349] : memref<3x256x64xf32, #tpu.memory_space<vmem>> -> memref<1x256x64xf32, #tpu.memory_space<vmem>>
          %dma_start3A_351 = tpu.memref_squeeze %dma_start3A_350 : memref<1x256x64xf32, #tpu.memory_space<vmem>> -> memref<256x64xf32, #tpu.memory_space<vmem>>
          %dma_start3A_352 = arith.constant 0 : i32
          %dma_start3A_353 = tpu.memref_slice %dma_start3A_351[%mul3A_336, %dma_start3A_352] : memref<256x64xf32, #tpu.memory_space<vmem>> -> memref<8x64xf32, #tpu.memory_space<vmem>>
          %dma_start3A_354 = arith.constant 0 : i32
          %dma_start3A_355 = arith.constant 0 : i32
          %dma_start3A_356 = tpu.memref_slice %arg3[%reduce_max3A_330, %dma_start3A_354, %dma_start3A_355] : memref<100000x8x64xf32, #tpu.memory_space<hbm>> -> memref<1x8x64xf32, #tpu.memory_space<hbm>>
          %dma_start3A_357 = tpu.memref_squeeze %dma_start3A_356 : memref<1x8x64xf32, #tpu.memory_space<hbm>> -> memref<8x64xf32, #tpu.memory_space<hbm>>
          tpu.enqueue_dma source(%dma_start3A_357 : memref<8x64xf32, #tpu.memory_space<hbm>>) target(%dma_start3A_353 : memref<8x64xf32, #tpu.memory_space<vmem>>) target_semaphore(%arg8 : memref<!tpu.dma_semaphore, #tpu.memory_space<semaphore_mem>>)
          %eq3A_358 = arith.constant 3 : i32
          %eq3A_359 = vector.broadcast %eq3A_358 : i32 to vector<16xi32>
          %eq3A_360 = arith.cmpi eq, %iota3A, %eq3A_359 : vector<16xi32>
          %jit3A_361 = arith.constant -1 : i32
          %broadcast_in_dim3A_362 = vector.broadcast %jit3A_361 : i32 to vector<16xi32>
          %select_n3A_363 = arith.select %eq3A_360, %get3A_239, %broadcast_in_dim3A_362 : vector<16xi1>, vector<16xi32>
          %reduce_max3A_364 = arith.constant true
          %reduce_max3A_365 = vector.broadcast %reduce_max3A_364 : i1 to vector<16xi1>
          %reduce_max3A_366 = arith.constant -2147483648 : i32
          %reduce_max3A_367 = vector.broadcast %reduce_max3A_366 : i32 to vector<16xi32>
          %reduce_max3A_368 = arith.xori %select_n3A_363, %reduce_max3A_367 : vector<16xi32>
          %reduce_max3A_369 = tpu.scan <max>, %reduce_max3A_368 masked %reduce_max3A_365 : vector<16xi32>, vector<16xi1> -> vector<16xi32>
          %reduce_max3A_370 = arith.xori %reduce_max3A_369, %reduce_max3A_367 : vector<16xi32>
          %reduce_max3A_371 = vector.extract %reduce_max3A_370[15] : i32 from vector<16xi32>
          %mul3A_372 = arith.constant 16 : i32
          %mul3A_373 = arith.muli %add3A_233, %mul3A_372 : i32
          %add3A_374 = arith.constant 3 : i32
          %add3A_375 = arith.addi %mul3A_373, %add3A_374 : i32
          %mul3A_376 = arith.constant 8 : i32
          %mul3A_377 = arith.muli %add3A_375, %mul3A_376 : i32
          %dma_start3A_378 = arith.constant 1 : i32
          %dma_start3A_379 = arith.constant 0 : i32
          %dma_start3A_380 = arith.constant 0 : i32
          %dma_start3A_381 = tpu.memref_slice %arg6[%dma_start3A_378, %dma_start3A_379, %dma_start3A_380] : memref<3x256x64xf32, #tpu.memory_space<vmem>> -> memref<1x256x64xf32, #tpu.memory_space<vmem>>
          %dma_start3A_382 = tpu.memref_squeeze %dma_start3A_381 : memref<1x256x64xf32, #tpu.memory_space<vmem>> -> memref<256x64xf32, #tpu.memory_space<vmem>>
          %dma_start3A_383 = arith.constant 0 : i32
          %dma_start3A_384 = tpu.memref_slice %dma_start3A_382[%mul3A_377, %dma_start3A_383] : memref<256x64xf32, #tpu.memory_space<vmem>> -> memref<8x64xf32, #tpu.memory_space<vmem>>
          %dma_start3A_385 = arith.constant 0 : i32
          %dma_start3A_386 = arith.constant 0 : i32
          %dma_start3A_387 = tpu.memref_slice %arg3[%reduce_max3A_371, %dma_start3A_385, %dma_start3A_386] : memref<100000x8x64xf32, #tpu.memory_space<hbm>> -> memref<1x8x64xf32, #tpu.memory_space<hbm>>
          %dma_start3A_388 = tpu.memref_squeeze %dma_start3A_387 : memref<1x8x64xf32, #tpu.memory_space<hbm>> -> memref<8x64xf32, #tpu.memory_space<hbm>>
          %dma_start3A_389 = arith.constant 0 : i32
          %dma_start3A_390 = arith.constant 0 : i32
          %dma_start3A_391 = tpu.memref_slice %arg6[%dma_start3A_378, %dma_start3A_389, %dma_start3A_390] : memref<3x256x64xf32, #tpu.memory_space<vmem>> -> memref<1x256x64xf32, #tpu.memory_space<vmem>>
          %dma_start3A_392 = tpu.memref_squeeze %dma_start3A_391 : memref<1x256x64xf32, #tpu.memory_space<vmem>> -> memref<256x64xf32, #tpu.memory_space<vmem>>
          %dma_start3A_393 = arith.constant 0 : i32
          %dma_start3A_394 = tpu.memref_slice %dma_start3A_392[%mul3A_377, %dma_start3A_393] : memref<256x64xf32, #tpu.memory_space<vmem>> -> memref<8x64xf32, #tpu.memory_space<vmem>>
          %dma_start3A_395 = arith.constant 0 : i32
          %dma_start3A_396 = arith.constant 0 : i32
          %dma_start3A_397 = tpu.memref_slice %arg3[%reduce_max3A_371, %dma_start3A_395, %dma_start3A_396] : memref<100000x8x64xf32, #tpu.memory_space<hbm>> -> memref<1x8x64xf32, #tpu.memory_space<hbm>>
          %dma_start3A_398 = tpu.memref_squeeze %dma_start3A_397 : memref<1x8x64xf32, #tpu.memory_space<hbm>> -> memref<8x64xf32, #tpu.memory_space<hbm>>
          tpu.enqueue_dma source(%dma_start3A_398 : memref<8x64xf32, #tpu.memory_space<hbm>>) target(%dma_start3A_394 : memref<8x64xf32, #tpu.memory_space<vmem>>) target_semaphore(%arg8 : memref<!tpu.dma_semaphore, #tpu.memory_space<semaphore_mem>>)
          %eq3A_399 = arith.constant 4 : i32
          %eq3A_400 = vector.broadcast %eq3A_399 : i32 to vector<16xi32>
          %eq3A_401 = arith.cmpi eq, %iota3A, %eq3A_400 : vector<16xi32>
          %jit3A_402 = arith.constant -1 : i32
          %broadcast_in_dim3A_403 = vector.broadcast %jit3A_402 : i32 to vector<16xi32>
          %select_n3A_404 = arith.select %eq3A_401, %get3A_239, %broadcast_in_dim3A_403 : vector<16xi1>, vector<16xi32>
          %reduce_max3A_405 = arith.constant true
          %reduce_max3A_406 = vector.broadcast %reduce_max3A_405 : i1 to vector<16xi1>
          %reduce_max3A_407 = arith.constant -2147483648 : i32
          %reduce_max3A_408 = vector.broadcast %reduce_max3A_407 : i32 to vector<16xi32>
          %reduce_max3A_409 = arith.xori %select_n3A_404, %reduce_max3A_408 : vector<16xi32>
          %reduce_max3A_410 = tpu.scan <max>, %reduce_max3A_409 masked %reduce_max3A_406 : vector<16xi32>, vector<16xi1> -> vector<16xi32>
          %reduce_max3A_411 = arith.xori %reduce_max3A_410, %reduce_max3A_408 : vector<16xi32>
          %reduce_max3A_412 = vector.extract %reduce_max3A_411[15] : i32 from vector<16xi32>
          %mul3A_413 = arith.constant 16 : i32
          %mul3A_414 = arith.muli %add3A_233, %mul3A_413 : i32
          %add3A_415 = arith.constant 4 : i32
          %add3A_416 = arith.addi %mul3A_414, %add3A_415 : i32
          %mul3A_417 = arith.constant 8 : i32
          %mul3A_418 = arith.muli %add3A_416, %mul3A_417 : i32
          %dma_start3A_419 = arith.constant 1 : i32
          %dma_start3A_420 = arith.constant 0 : i32
          %dma_start3A_421 = arith.constant 0 : i32
          %dma_start3A_422 = tpu.memref_slice %arg6[%dma_start3A_419, %dma_start3A_420, %dma_start3A_421] : memref<3x256x64xf32, #tpu.memory_space<vmem>> -> memref<1x256x64xf32, #tpu.memory_space<vmem>>
          %dma_start3A_423 = tpu.memref_squeeze %dma_start3A_422 : memref<1x256x64xf32, #tpu.memory_space<vmem>> -> memref<256x64xf32, #tpu.memory_space<vmem>>
          %dma_start3A_424 = arith.constant 0 : i32
          %dma_start3A_425 = tpu.memref_slice %dma_start3A_423[%mul3A_418, %dma_start3A_424] : memref<256x64xf32, #tpu.memory_space<vmem>> -> memref<8x64xf32, #tpu.memory_space<vmem>>
          %dma_start3A_426 = arith.constant 0 : i32
          %dma_start3A_427 = arith.constant 0 : i32
          %dma_start3A_428 = tpu.memref_slice %arg3[%reduce_max3A_412, %dma_start3A_426, %dma_start3A_427] : memref<100000x8x64xf32, #tpu.memory_space<hbm>> -> memref<1x8x64xf32, #tpu.memory_space<hbm>>
          %dma_start3A_429 = tpu.memref_squeeze %dma_start3A_428 : memref<1x8x64xf32, #tpu.memory_space<hbm>> -> memref<8x64xf32, #tpu.memory_space<hbm>>
          %dma_start3A_430 = arith.constant 0 : i32
          %dma_start3A_431 = arith.constant 0 : i32
          %dma_start3A_432 = tpu.memref_slice %arg6[%dma_start3A_419, %dma_start3A_430, %dma_start3A_431] : memref<3x256x64xf32, #tpu.memory_space<vmem>> -> memref<1x256x64xf32, #tpu.memory_space<vmem>>
          %dma_start3A_433 = tpu.memref_squeeze %dma_start3A_432 : memref<1x256x64xf32, #tpu.memory_space<vmem>> -> memref<256x64xf32, #tpu.memory_space<vmem>>
          %dma_start3A_434 = arith.constant 0 : i32
          %dma_start3A_435 = tpu.memref_slice %dma_start3A_433[%mul3A_418, %dma_start3A_434] : memref<256x64xf32, #tpu.memory_space<vmem>> -> memref<8x64xf32, #tpu.memory_space<vmem>>
          %dma_start3A_436 = arith.constant 0 : i32
          %dma_start3A_437 = arith.constant 0 : i32
          %dma_start3A_438 = tpu.memref_slice %arg3[%reduce_max3A_412, %dma_start3A_436, %dma_start3A_437] : memref<100000x8x64xf32, #tpu.memory_space<hbm>> -> memref<1x8x64xf32, #tpu.memory_space<hbm>>
          %dma_start3A_439 = tpu.memref_squeeze %dma_start3A_438 : memref<1x8x64xf32, #tpu.memory_space<hbm>> -> memref<8x64xf32, #tpu.memory_space<hbm>>
          tpu.enqueue_dma source(%dma_start3A_439 : memref<8x64xf32, #tpu.memory_space<hbm>>) target(%dma_start3A_435 : memref<8x64xf32, #tpu.memory_space<vmem>>) target_semaphore(%arg8 : memref<!tpu.dma_semaphore, #tpu.memory_space<semaphore_mem>>)
          %eq3A_440 = arith.constant 5 : i32
          %eq3A_441 = vector.broadcast %eq3A_440 : i32 to vector<16xi32>
          %eq3A_442 = arith.cmpi eq, %iota3A, %eq3A_441 : vector<16xi32>
          %jit3A_443 = arith.constant -1 : i32
          %broadcast_in_dim3A_444 = vector.broadcast %jit3A_443 : i32 to vector<16xi32>
          %select_n3A_445 = arith.select %eq3A_442, %get3A_239, %broadcast_in_dim3A_444 : vector<16xi1>, vector<16xi32>
          %reduce_max3A_446 = arith.constant true
          %reduce_max3A_447 = vector.broadcast %reduce_max3A_446 : i1 to vector<16xi1>
          %reduce_max3A_448 = arith.constant -2147483648 : i32
          %reduce_max3A_449 = vector.broadcast %reduce_max3A_448 : i32 to vector<16xi32>
          %reduce_max3A_450 = arith.xori %select_n3A_445, %reduce_max3A_449 : vector<16xi32>
          %reduce_max3A_451 = tpu.scan <max>, %reduce_max3A_450 masked %reduce_max3A_447 : vector<16xi32>, vector<16xi1> -> vector<16xi32>
          %reduce_max3A_452 = arith.xori %reduce_max3A_451, %reduce_max3A_449 : vector<16xi32>
          %reduce_max3A_453 = vector.extract %reduce_max3A_452[15] : i32 from vector<16xi32>
          %mul3A_454 = arith.constant 16 : i32
          %mul3A_455 = arith.muli %add3A_233, %mul3A_454 : i32
          %add3A_456 = arith.constant 5 : i32
          %add3A_457 = arith.addi %mul3A_455, %add3A_456 : i32
          %mul3A_458 = arith.constant 8 : i32
          %mul3A_459 = arith.muli %add3A_457, %mul3A_458 : i32
          %dma_start3A_460 = arith.constant 1 : i32
          %dma_start3A_461 = arith.constant 0 : i32
          %dma_start3A_462 = arith.constant 0 : i32
          %dma_start3A_463 = tpu.memref_slice %arg6[%dma_start3A_460, %dma_start3A_461, %dma_start3A_462] : memref<3x256x64xf32, #tpu.memory_space<vmem>> -> memref<1x256x64xf32, #tpu.memory_space<vmem>>
          %dma_start3A_464 = tpu.memref_squeeze %dma_start3A_463 : memref<1x256x64xf32, #tpu.memory_space<vmem>> -> memref<256x64xf32, #tpu.memory_space<vmem>>
          %dma_start3A_465 = arith.constant 0 : i32
          %dma_start3A_466 = tpu.memref_slice %dma_start3A_464[%mul3A_459, %dma_start3A_465] : memref<256x64xf32, #tpu.memory_space<vmem>> -> memref<8x64xf32, #tpu.memory_space<vmem>>
          %dma_start3A_467 = arith.constant 0 : i32
          %dma_start3A_468 = arith.constant 0 : i32
          %dma_start3A_469 = tpu.memref_slice %arg3[%reduce_max3A_453, %dma_start3A_467, %dma_start3A_468] : memref<100000x8x64xf32, #tpu.memory_space<hbm>> -> memref<1x8x64xf32, #tpu.memory_space<hbm>>
          %dma_start3A_470 = tpu.memref_squeeze %dma_start3A_469 : memref<1x8x64xf32, #tpu.memory_space<hbm>> -> memref<8x64xf32, #tpu.memory_space<hbm>>
          %dma_start3A_471 = arith.constant 0 : i32
          %dma_start3A_472 = arith.constant 0 : i32
          %dma_start3A_473 = tpu.memref_slice %arg6[%dma_start3A_460, %dma_start3A_471, %dma_start3A_472] : memref<3x256x64xf32, #tpu.memory_space<vmem>> -> memref<1x256x64xf32, #tpu.memory_space<vmem>>
          %dma_start3A_474 = tpu.memref_squeeze %dma_start3A_473 : memref<1x256x64xf32, #tpu.memory_space<vmem>> -> memref<256x64xf32, #tpu.memory_space<vmem>>
          %dma_start3A_475 = arith.constant 0 : i32
          %dma_start3A_476 = tpu.memref_slice %dma_start3A_474[%mul3A_459, %dma_start3A_475] : memref<256x64xf32, #tpu.memory_space<vmem>> -> memref<8x64xf32, #tpu.memory_space<vmem>>
          %dma_start3A_477 = arith.constant 0 : i32
          %dma_start3A_478 = arith.constant 0 : i32
          %dma_start3A_479 = tpu.memref_slice %arg3[%reduce_max3A_453, %dma_start3A_477, %dma_start3A_478] : memref<100000x8x64xf32, #tpu.memory_space<hbm>> -> memref<1x8x64xf32, #tpu.memory_space<hbm>>
          %dma_start3A_480 = tpu.memref_squeeze %dma_start3A_479 : memref<1x8x64xf32, #tpu.memory_space<hbm>> -> memref<8x64xf32, #tpu.memory_space<hbm>>
          tpu.enqueue_dma source(%dma_start3A_480 : memref<8x64xf32, #tpu.memory_space<hbm>>) target(%dma_start3A_476 : memref<8x64xf32, #tpu.memory_space<vmem>>) target_semaphore(%arg8 : memref<!tpu.dma_semaphore, #tpu.memory_space<semaphore_mem>>)
          %eq3A_481 = arith.constant 6 : i32
          %eq3A_482 = vector.broadcast %eq3A_481 : i32 to vector<16xi32>
          %eq3A_483 = arith.cmpi eq, %iota3A, %eq3A_482 : vector<16xi32>
          %jit3A_484 = arith.constant -1 : i32
          %broadcast_in_dim3A_485 = vector.broadcast %jit3A_484 : i32 to vector<16xi32>
          %select_n3A_486 = arith.select %eq3A_483, %get3A_239, %broadcast_in_dim3A_485 : vector<16xi1>, vector<16xi32>
          %reduce_max3A_487 = arith.constant true
          %reduce_max3A_488 = vector.broadcast %reduce_max3A_487 : i1 to vector<16xi1>
          %reduce_max3A_489 = arith.constant -2147483648 : i32
          %reduce_max3A_490 = vector.broadcast %reduce_max3A_489 : i32 to vector<16xi32>
          %reduce_max3A_491 = arith.xori %select_n3A_486, %reduce_max3A_490 : vector<16xi32>
          %reduce_max3A_492 = tpu.scan <max>, %reduce_max3A_491 masked %reduce_max3A_488 : vector<16xi32>, vector<16xi1> -> vector<16xi32>
          %reduce_max3A_493 = arith.xori %reduce_max3A_492, %reduce_max3A_490 : vector<16xi32>
          %reduce_max3A_494 = vector.extract %reduce_max3A_493[15] : i32 from vector<16xi32>
          %mul3A_495 = arith.constant 16 : i32
          %mul3A_496 = arith.muli %add3A_233, %mul3A_495 : i32
          %add3A_497 = arith.constant 6 : i32
          %add3A_498 = arith.addi %mul3A_496, %add3A_497 : i32
          %mul3A_499 = arith.constant 8 : i32
          %mul3A_500 = arith.muli %add3A_498, %mul3A_499 : i32
          %dma_start3A_501 = arith.constant 1 : i32
          %dma_start3A_502 = arith.constant 0 : i32
          %dma_start3A_503 = arith.constant 0 : i32
          %dma_start3A_504 = tpu.memref_slice %arg6[%dma_start3A_501, %dma_start3A_502, %dma_start3A_503] : memref<3x256x64xf32, #tpu.memory_space<vmem>> -> memref<1x256x64xf32, #tpu.memory_space<vmem>>
          %dma_start3A_505 = tpu.memref_squeeze %dma_start3A_504 : memref<1x256x64xf32, #tpu.memory_space<vmem>> -> memref<256x64xf32, #tpu.memory_space<vmem>>
          %dma_start3A_506 = arith.constant 0 : i32
          %dma_start3A_507 = tpu.memref_slice %dma_start3A_505[%mul3A_500, %dma_start3A_506] : memref<256x64xf32, #tpu.memory_space<vmem>> -> memref<8x64xf32, #tpu.memory_space<vmem>>
          %dma_start3A_508 = arith.constant 0 : i32
          %dma_start3A_509 = arith.constant 0 : i32
          %dma_start3A_510 = tpu.memref_slice %arg3[%reduce_max3A_494, %dma_start3A_508, %dma_start3A_509] : memref<100000x8x64xf32, #tpu.memory_space<hbm>> -> memref<1x8x64xf32, #tpu.memory_space<hbm>>
          %dma_start3A_511 = tpu.memref_squeeze %dma_start3A_510 : memref<1x8x64xf32, #tpu.memory_space<hbm>> -> memref<8x64xf32, #tpu.memory_space<hbm>>
          %dma_start3A_512 = arith.constant 0 : i32
          %dma_start3A_513 = arith.constant 0 : i32
          %dma_start3A_514 = tpu.memref_slice %arg6[%dma_start3A_501, %dma_start3A_512, %dma_start3A_513] : memref<3x256x64xf32, #tpu.memory_space<vmem>> -> memref<1x256x64xf32, #tpu.memory_space<vmem>>
          %dma_start3A_515 = tpu.memref_squeeze %dma_start3A_514 : memref<1x256x64xf32, #tpu.memory_space<vmem>> -> memref<256x64xf32, #tpu.memory_space<vmem>>
          %dma_start3A_516 = arith.constant 0 : i32
          %dma_start3A_517 = tpu.memref_slice %dma_start3A_515[%mul3A_500, %dma_start3A_516] : memref<256x64xf32, #tpu.memory_space<vmem>> -> memref<8x64xf32, #tpu.memory_space<vmem>>
          %dma_start3A_518 = arith.constant 0 : i32
          %dma_start3A_519 = arith.constant 0 : i32
          %dma_start3A_520 = tpu.memref_slice %arg3[%reduce_max3A_494, %dma_start3A_518, %dma_start3A_519] : memref<100000x8x64xf32, #tpu.memory_space<hbm>> -> memref<1x8x64xf32, #tpu.memory_space<hbm>>
          %dma_start3A_521 = tpu.memref_squeeze %dma_start3A_520 : memref<1x8x64xf32, #tpu.memory_space<hbm>> -> memref<8x64xf32, #tpu.memory_space<hbm>>
          tpu.enqueue_dma source(%dma_start3A_521 : memref<8x64xf32, #tpu.memory_space<hbm>>) target(%dma_start3A_517 : memref<8x64xf32, #tpu.memory_space<vmem>>) target_semaphore(%arg8 : memref<!tpu.dma_semaphore, #tpu.memory_space<semaphore_mem>>)
          %eq3A_522 = arith.constant 7 : i32
          %eq3A_523 = vector.broadcast %eq3A_522 : i32 to vector<16xi32>
          %eq3A_524 = arith.cmpi eq, %iota3A, %eq3A_523 : vector<16xi32>
          %jit3A_525 = arith.constant -1 : i32
          %broadcast_in_dim3A_526 = vector.broadcast %jit3A_525 : i32 to vector<16xi32>
          %select_n3A_527 = arith.select %eq3A_524, %get3A_239, %broadcast_in_dim3A_526 : vector<16xi1>, vector<16xi32>
          %reduce_max3A_528 = arith.constant true
          %reduce_max3A_529 = vector.broadcast %reduce_max3A_528 : i1 to vector<16xi1>
          %reduce_max3A_530 = arith.constant -2147483648 : i32
          %reduce_max3A_531 = vector.broadcast %reduce_max3A_530 : i32 to vector<16xi32>
          %reduce_max3A_532 = arith.xori %select_n3A_527, %reduce_max3A_531 : vector<16xi32>
          %reduce_max3A_533 = tpu.scan <max>, %reduce_max3A_532 masked %reduce_max3A_529 : vector<16xi32>, vector<16xi1> -> vector<16xi32>
          %reduce_max3A_534 = arith.xori %reduce_max3A_533, %reduce_max3A_531 : vector<16xi32>
          %reduce_max3A_535 = vector.extract %reduce_max3A_534[15] : i32 from vector<16xi32>
          %mul3A_536 = arith.constant 16 : i32
          %mul3A_537 = arith.muli %add3A_233, %mul3A_536 : i32
          %add3A_538 = arith.constant 7 : i32
          %add3A_539 = arith.addi %mul3A_537, %add3A_538 : i32
          %mul3A_540 = arith.constant 8 : i32
          %mul3A_541 = arith.muli %add3A_539, %mul3A_540 : i32
          %dma_start3A_542 = arith.constant 1 : i32
          %dma_start3A_543 = arith.constant 0 : i32
          %dma_start3A_544 = arith.constant 0 : i32
          %dma_start3A_545 = tpu.memref_slice %arg6[%dma_start3A_542, %dma_start3A_543, %dma_start3A_544] : memref<3x256x64xf32, #tpu.memory_space<vmem>> -> memref<1x256x64xf32, #tpu.memory_space<vmem>>
          %dma_start3A_546 = tpu.memref_squeeze %dma_start3A_545 : memref<1x256x64xf32, #tpu.memory_space<vmem>> -> memref<256x64xf32, #tpu.memory_space<vmem>>
          %dma_start3A_547 = arith.constant 0 : i32
          %dma_start3A_548 = tpu.memref_slice %dma_start3A_546[%mul3A_541, %dma_start3A_547] : memref<256x64xf32, #tpu.memory_space<vmem>> -> memref<8x64xf32, #tpu.memory_space<vmem>>
          %dma_start3A_549 = arith.constant 0 : i32
          %dma_start3A_550 = arith.constant 0 : i32
          %dma_start3A_551 = tpu.memref_slice %arg3[%reduce_max3A_535, %dma_start3A_549, %dma_start3A_550] : memref<100000x8x64xf32, #tpu.memory_space<hbm>> -> memref<1x8x64xf32, #tpu.memory_space<hbm>>
          %dma_start3A_552 = tpu.memref_squeeze %dma_start3A_551 : memref<1x8x64xf32, #tpu.memory_space<hbm>> -> memref<8x64xf32, #tpu.memory_space<hbm>>
          %dma_start3A_553 = arith.constant 0 : i32
          %dma_start3A_554 = arith.constant 0 : i32
          %dma_start3A_555 = tpu.memref_slice %arg6[%dma_start3A_542, %dma_start3A_553, %dma_start3A_554] : memref<3x256x64xf32, #tpu.memory_space<vmem>> -> memref<1x256x64xf32, #tpu.memory_space<vmem>>
          %dma_start3A_556 = tpu.memref_squeeze %dma_start3A_555 : memref<1x256x64xf32, #tpu.memory_space<vmem>> -> memref<256x64xf32, #tpu.memory_space<vmem>>
          %dma_start3A_557 = arith.constant 0 : i32
          %dma_start3A_558 = tpu.memref_slice %dma_start3A_556[%mul3A_541, %dma_start3A_557] : memref<256x64xf32, #tpu.memory_space<vmem>> -> memref<8x64xf32, #tpu.memory_space<vmem>>
          %dma_start3A_559 = arith.constant 0 : i32
          %dma_start3A_560 = arith.constant 0 : i32
          %dma_start3A_561 = tpu.memref_slice %arg3[%reduce_max3A_535, %dma_start3A_559, %dma_start3A_560] : memref<100000x8x64xf32, #tpu.memory_space<hbm>> -> memref<1x8x64xf32, #tpu.memory_space<hbm>>
          %dma_start3A_562 = tpu.memref_squeeze %dma_start3A_561 : memref<1x8x64xf32, #tpu.memory_space<hbm>> -> memref<8x64xf32, #tpu.memory_space<hbm>>
          tpu.enqueue_dma source(%dma_start3A_562 : memref<8x64xf32, #tpu.memory_space<hbm>>) target(%dma_start3A_558 : memref<8x64xf32, #tpu.memory_space<vmem>>) target_semaphore(%arg8 : memref<!tpu.dma_semaphore, #tpu.memory_space<semaphore_mem>>)
          %eq3A_563 = arith.constant 8 : i32
          %eq3A_564 = vector.broadcast %eq3A_563 : i32 to vector<16xi32>
          %eq3A_565 = arith.cmpi eq, %iota3A, %eq3A_564 : vector<16xi32>
          %jit3A_566 = arith.constant -1 : i32
          %broadcast_in_dim3A_567 = vector.broadcast %jit3A_566 : i32 to vector<16xi32>
          %select_n3A_568 = arith.select %eq3A_565, %get3A_239, %broadcast_in_dim3A_567 : vector<16xi1>, vector<16xi32>
          %reduce_max3A_569 = arith.constant true
          %reduce_max3A_570 = vector.broadcast %reduce_max3A_569 : i1 to vector<16xi1>
          %reduce_max3A_571 = arith.constant -2147483648 : i32
          %reduce_max3A_572 = vector.broadcast %reduce_max3A_571 : i32 to vector<16xi32>
          %reduce_max3A_573 = arith.xori %select_n3A_568, %reduce_max3A_572 : vector<16xi32>
          %reduce_max3A_574 = tpu.scan <max>, %reduce_max3A_573 masked %reduce_max3A_570 : vector<16xi32>, vector<16xi1> -> vector<16xi32>
          %reduce_max3A_575 = arith.xori %reduce_max3A_574, %reduce_max3A_572 : vector<16xi32>
          %reduce_max3A_576 = vector.extract %reduce_max3A_575[15] : i32 from vector<16xi32>
          %mul3A_577 = arith.constant 16 : i32
          %mul3A_578 = arith.muli %add3A_233, %mul3A_577 : i32
          %add3A_579 = arith.constant 8 : i32
          %add3A_580 = arith.addi %mul3A_578, %add3A_579 : i32
          %mul3A_581 = arith.constant 8 : i32
          %mul3A_582 = arith.muli %add3A_580, %mul3A_581 : i32
          %dma_start3A_583 = arith.constant 1 : i32
          %dma_start3A_584 = arith.constant 0 : i32
          %dma_start3A_585 = arith.constant 0 : i32
          %dma_start3A_586 = tpu.memref_slice %arg6[%dma_start3A_583, %dma_start3A_584, %dma_start3A_585] : memref<3x256x64xf32, #tpu.memory_space<vmem>> -> memref<1x256x64xf32, #tpu.memory_space<vmem>>
          %dma_start3A_587 = tpu.memref_squeeze %dma_start3A_586 : memref<1x256x64xf32, #tpu.memory_space<vmem>> -> memref<256x64xf32, #tpu.memory_space<vmem>>
          %dma_start3A_588 = arith.constant 0 : i32
          %dma_start3A_589 = tpu.memref_slice %dma_start3A_587[%mul3A_582, %dma_start3A_588] : memref<256x64xf32, #tpu.memory_space<vmem>> -> memref<8x64xf32, #tpu.memory_space<vmem>>
          %dma_start3A_590 = arith.constant 0 : i32
          %dma_start3A_591 = arith.constant 0 : i32
          %dma_start3A_592 = tpu.memref_slice %arg3[%reduce_max3A_576, %dma_start3A_590, %dma_start3A_591] : memref<100000x8x64xf32, #tpu.memory_space<hbm>> -> memref<1x8x64xf32, #tpu.memory_space<hbm>>
          %dma_start3A_593 = tpu.memref_squeeze %dma_start3A_592 : memref<1x8x64xf32, #tpu.memory_space<hbm>> -> memref<8x64xf32, #tpu.memory_space<hbm>>
          %dma_start3A_594 = arith.constant 0 : i32
          %dma_start3A_595 = arith.constant 0 : i32
          %dma_start3A_596 = tpu.memref_slice %arg6[%dma_start3A_583, %dma_start3A_594, %dma_start3A_595] : memref<3x256x64xf32, #tpu.memory_space<vmem>> -> memref<1x256x64xf32, #tpu.memory_space<vmem>>
          %dma_start3A_597 = tpu.memref_squeeze %dma_start3A_596 : memref<1x256x64xf32, #tpu.memory_space<vmem>> -> memref<256x64xf32, #tpu.memory_space<vmem>>
          %dma_start3A_598 = arith.constant 0 : i32
          %dma_start3A_599 = tpu.memref_slice %dma_start3A_597[%mul3A_582, %dma_start3A_598] : memref<256x64xf32, #tpu.memory_space<vmem>> -> memref<8x64xf32, #tpu.memory_space<vmem>>
          %dma_start3A_600 = arith.constant 0 : i32
          %dma_start3A_601 = arith.constant 0 : i32
          %dma_start3A_602 = tpu.memref_slice %arg3[%reduce_max3A_576, %dma_start3A_600, %dma_start3A_601] : memref<100000x8x64xf32, #tpu.memory_space<hbm>> -> memref<1x8x64xf32, #tpu.memory_space<hbm>>
          %dma_start3A_603 = tpu.memref_squeeze %dma_start3A_602 : memref<1x8x64xf32, #tpu.memory_space<hbm>> -> memref<8x64xf32, #tpu.memory_space<hbm>>
          tpu.enqueue_dma source(%dma_start3A_603 : memref<8x64xf32, #tpu.memory_space<hbm>>) target(%dma_start3A_599 : memref<8x64xf32, #tpu.memory_space<vmem>>) target_semaphore(%arg8 : memref<!tpu.dma_semaphore, #tpu.memory_space<semaphore_mem>>)
          %eq3A_604 = arith.constant 9 : i32
          %eq3A_605 = vector.broadcast %eq3A_604 : i32 to vector<16xi32>
          %eq3A_606 = arith.cmpi eq, %iota3A, %eq3A_605 : vector<16xi32>
          %jit3A_607 = arith.constant -1 : i32
          %broadcast_in_dim3A_608 = vector.broadcast %jit3A_607 : i32 to vector<16xi32>
          %select_n3A_609 = arith.select %eq3A_606, %get3A_239, %broadcast_in_dim3A_608 : vector<16xi1>, vector<16xi32>
          %reduce_max3A_610 = arith.constant true
          %reduce_max3A_611 = vector.broadcast %reduce_max3A_610 : i1 to vector<16xi1>
          %reduce_max3A_612 = arith.constant -2147483648 : i32
          %reduce_max3A_613 = vector.broadcast %reduce_max3A_612 : i32 to vector<16xi32>
          %reduce_max3A_614 = arith.xori %select_n3A_609, %reduce_max3A_613 : vector<16xi32>
          %reduce_max3A_615 = tpu.scan <max>, %reduce_max3A_614 masked %reduce_max3A_611 : vector<16xi32>, vector<16xi1> -> vector<16xi32>
          %reduce_max3A_616 = arith.xori %reduce_max3A_615, %reduce_max3A_613 : vector<16xi32>
          %reduce_max3A_617 = vector.extract %reduce_max3A_616[15] : i32 from vector<16xi32>
          %mul3A_618 = arith.constant 16 : i32
          %mul3A_619 = arith.muli %add3A_233, %mul3A_618 : i32
          %add3A_620 = arith.constant 9 : i32
          %add3A_621 = arith.addi %mul3A_619, %add3A_620 : i32
          %mul3A_622 = arith.constant 8 : i32
          %mul3A_623 = arith.muli %add3A_621, %mul3A_622 : i32
          %dma_start3A_624 = arith.constant 1 : i32
          %dma_start3A_625 = arith.constant 0 : i32
          %dma_start3A_626 = arith.constant 0 : i32
          %dma_start3A_627 = tpu.memref_slice %arg6[%dma_start3A_624, %dma_start3A_625, %dma_start3A_626] : memref<3x256x64xf32, #tpu.memory_space<vmem>> -> memref<1x256x64xf32, #tpu.memory_space<vmem>>
          %dma_start3A_628 = tpu.memref_squeeze %dma_start3A_627 : memref<1x256x64xf32, #tpu.memory_space<vmem>> -> memref<256x64xf32, #tpu.memory_space<vmem>>
          %dma_start3A_629 = arith.constant 0 : i32
          %dma_start3A_630 = tpu.memref_slice %dma_start3A_628[%mul3A_623, %dma_start3A_629] : memref<256x64xf32, #tpu.memory_space<vmem>> -> memref<8x64xf32, #tpu.memory_space<vmem>>
          %dma_start3A_631 = arith.constant 0 : i32
          %dma_start3A_632 = arith.constant 0 : i32
          %dma_start3A_633 = tpu.memref_slice %arg3[%reduce_max3A_617, %dma_start3A_631, %dma_start3A_632] : memref<100000x8x64xf32, #tpu.memory_space<hbm>> -> memref<1x8x64xf32, #tpu.memory_space<hbm>>
          %dma_start3A_634 = tpu.memref_squeeze %dma_start3A_633 : memref<1x8x64xf32, #tpu.memory_space<hbm>> -> memref<8x64xf32, #tpu.memory_space<hbm>>
          %dma_start3A_635 = arith.constant 0 : i32
          %dma_start3A_636 = arith.constant 0 : i32
          %dma_start3A_637 = tpu.memref_slice %arg6[%dma_start3A_624, %dma_start3A_635, %dma_start3A_636] : memref<3x256x64xf32, #tpu.memory_space<vmem>> -> memref<1x256x64xf32, #tpu.memory_space<vmem>>
          %dma_start3A_638 = tpu.memref_squeeze %dma_start3A_637 : memref<1x256x64xf32, #tpu.memory_space<vmem>> -> memref<256x64xf32, #tpu.memory_space<vmem>>
          %dma_start3A_639 = arith.constant 0 : i32
          %dma_start3A_640 = tpu.memref_slice %dma_start3A_638[%mul3A_623, %dma_start3A_639] : memref<256x64xf32, #tpu.memory_space<vmem>> -> memref<8x64xf32, #tpu.memory_space<vmem>>
          %dma_start3A_641 = arith.constant 0 : i32
          %dma_start3A_642 = arith.constant 0 : i32
          %dma_start3A_643 = tpu.memref_slice %arg3[%reduce_max3A_617, %dma_start3A_641, %dma_start3A_642] : memref<100000x8x64xf32, #tpu.memory_space<hbm>> -> memref<1x8x64xf32, #tpu.memory_space<hbm>>
          %dma_start3A_644 = tpu.memref_squeeze %dma_start3A_643 : memref<1x8x64xf32, #tpu.memory_space<hbm>> -> memref<8x64xf32, #tpu.memory_space<hbm>>
          tpu.enqueue_dma source(%dma_start3A_644 : memref<8x64xf32, #tpu.memory_space<hbm>>) target(%dma_start3A_640 : memref<8x64xf32, #tpu.memory_space<vmem>>) target_semaphore(%arg8 : memref<!tpu.dma_semaphore, #tpu.memory_space<semaphore_mem>>)
          %eq3A_645 = arith.constant 10 : i32
          %eq3A_646 = vector.broadcast %eq3A_645 : i32 to vector<16xi32>
          %eq3A_647 = arith.cmpi eq, %iota3A, %eq3A_646 : vector<16xi32>
          %jit3A_648 = arith.constant -1 : i32
          %broadcast_in_dim3A_649 = vector.broadcast %jit3A_648 : i32 to vector<16xi32>
          %select_n3A_650 = arith.select %eq3A_647, %get3A_239, %broadcast_in_dim3A_649 : vector<16xi1>, vector<16xi32>
          %reduce_max3A_651 = arith.constant true
          %reduce_max3A_652 = vector.broadcast %reduce_max3A_651 : i1 to vector<16xi1>
          %reduce_max3A_653 = arith.constant -2147483648 : i32
          %reduce_max3A_654 = vector.broadcast %reduce_max3A_653 : i32 to vector<16xi32>
          %reduce_max3A_655 = arith.xori %select_n3A_650, %reduce_max3A_654 : vector<16xi32>
          %reduce_max3A_656 = tpu.scan <max>, %reduce_max3A_655 masked %reduce_max3A_652 : vector<16xi32>, vector<16xi1> -> vector<16xi32>
          %reduce_max3A_657 = arith.xori %reduce_max3A_656, %reduce_max3A_654 : vector<16xi32>
          %reduce_max3A_658 = vector.extract %reduce_max3A_657[15] : i32 from vector<16xi32>
          %mul3A_659 = arith.constant 16 : i32
          %mul3A_660 = arith.muli %add3A_233, %mul3A_659 : i32
          %add3A_661 = arith.constant 10 : i32
          %add3A_662 = arith.addi %mul3A_660, %add3A_661 : i32
          %mul3A_663 = arith.constant 8 : i32
          %mul3A_664 = arith.muli %add3A_662, %mul3A_663 : i32
          %dma_start3A_665 = arith.constant 1 : i32
          %dma_start3A_666 = arith.constant 0 : i32
          %dma_start3A_667 = arith.constant 0 : i32
          %dma_start3A_668 = tpu.memref_slice %arg6[%dma_start3A_665, %dma_start3A_666, %dma_start3A_667] : memref<3x256x64xf32, #tpu.memory_space<vmem>> -> memref<1x256x64xf32, #tpu.memory_space<vmem>>
          %dma_start3A_669 = tpu.memref_squeeze %dma_start3A_668 : memref<1x256x64xf32, #tpu.memory_space<vmem>> -> memref<256x64xf32, #tpu.memory_space<vmem>>
          %dma_start3A_670 = arith.constant 0 : i32
          %dma_start3A_671 = tpu.memref_slice %dma_start3A_669[%mul3A_664, %dma_start3A_670] : memref<256x64xf32, #tpu.memory_space<vmem>> -> memref<8x64xf32, #tpu.memory_space<vmem>>
          %dma_start3A_672 = arith.constant 0 : i32
          %dma_start3A_673 = arith.constant 0 : i32
          %dma_start3A_674 = tpu.memref_slice %arg3[%reduce_max3A_658, %dma_start3A_672, %dma_start3A_673] : memref<100000x8x64xf32, #tpu.memory_space<hbm>> -> memref<1x8x64xf32, #tpu.memory_space<hbm>>
          %dma_start3A_675 = tpu.memref_squeeze %dma_start3A_674 : memref<1x8x64xf32, #tpu.memory_space<hbm>> -> memref<8x64xf32, #tpu.memory_space<hbm>>
          %dma_start3A_676 = arith.constant 0 : i32
          %dma_start3A_677 = arith.constant 0 : i32
          %dma_start3A_678 = tpu.memref_slice %arg6[%dma_start3A_665, %dma_start3A_676, %dma_start3A_677] : memref<3x256x64xf32, #tpu.memory_space<vmem>> -> memref<1x256x64xf32, #tpu.memory_space<vmem>>
          %dma_start3A_679 = tpu.memref_squeeze %dma_start3A_678 : memref<1x256x64xf32, #tpu.memory_space<vmem>> -> memref<256x64xf32, #tpu.memory_space<vmem>>
          %dma_start3A_680 = arith.constant 0 : i32
          %dma_start3A_681 = tpu.memref_slice %dma_start3A_679[%mul3A_664, %dma_start3A_680] : memref<256x64xf32, #tpu.memory_space<vmem>> -> memref<8x64xf32, #tpu.memory_space<vmem>>
          %dma_start3A_682 = arith.constant 0 : i32
          %dma_start3A_683 = arith.constant 0 : i32
          %dma_start3A_684 = tpu.memref_slice %arg3[%reduce_max3A_658, %dma_start3A_682, %dma_start3A_683] : memref<100000x8x64xf32, #tpu.memory_space<hbm>> -> memref<1x8x64xf32, #tpu.memory_space<hbm>>
          %dma_start3A_685 = tpu.memref_squeeze %dma_start3A_684 : memref<1x8x64xf32, #tpu.memory_space<hbm>> -> memref<8x64xf32, #tpu.memory_space<hbm>>
          tpu.enqueue_dma source(%dma_start3A_685 : memref<8x64xf32, #tpu.memory_space<hbm>>) target(%dma_start3A_681 : memref<8x64xf32, #tpu.memory_space<vmem>>) target_semaphore(%arg8 : memref<!tpu.dma_semaphore, #tpu.memory_space<semaphore_mem>>)
          %eq3A_686 = arith.constant 11 : i32
          %eq3A_687 = vector.broadcast %eq3A_686 : i32 to vector<16xi32>
          %eq3A_688 = arith.cmpi eq, %iota3A, %eq3A_687 : vector<16xi32>
          %jit3A_689 = arith.constant -1 : i32
          %broadcast_in_dim3A_690 = vector.broadcast %jit3A_689 : i32 to vector<16xi32>
          %select_n3A_691 = arith.select %eq3A_688, %get3A_239, %broadcast_in_dim3A_690 : vector<16xi1>, vector<16xi32>
          %reduce_max3A_692 = arith.constant true
          %reduce_max3A_693 = vector.broadcast %reduce_max3A_692 : i1 to vector<16xi1>
          %reduce_max3A_694 = arith.constant -2147483648 : i32
          %reduce_max3A_695 = vector.broadcast %reduce_max3A_694 : i32 to vector<16xi32>
          %reduce_max3A_696 = arith.xori %select_n3A_691, %reduce_max3A_695 : vector<16xi32>
          %reduce_max3A_697 = tpu.scan <max>, %reduce_max3A_696 masked %reduce_max3A_693 : vector<16xi32>, vector<16xi1> -> vector<16xi32>
          %reduce_max3A_698 = arith.xori %reduce_max3A_697, %reduce_max3A_695 : vector<16xi32>
          %reduce_max3A_699 = vector.extract %reduce_max3A_698[15] : i32 from vector<16xi32>
          %mul3A_700 = arith.constant 16 : i32
          %mul3A_701 = arith.muli %add3A_233, %mul3A_700 : i32
          %add3A_702 = arith.constant 11 : i32
          %add3A_703 = arith.addi %mul3A_701, %add3A_702 : i32
          %mul3A_704 = arith.constant 8 : i32
          %mul3A_705 = arith.muli %add3A_703, %mul3A_704 : i32
          %dma_start3A_706 = arith.constant 1 : i32
          %dma_start3A_707 = arith.constant 0 : i32
          %dma_start3A_708 = arith.constant 0 : i32
          %dma_start3A_709 = tpu.memref_slice %arg6[%dma_start3A_706, %dma_start3A_707, %dma_start3A_708] : memref<3x256x64xf32, #tpu.memory_space<vmem>> -> memref<1x256x64xf32, #tpu.memory_space<vmem>>
          %dma_start3A_710 = tpu.memref_squeeze %dma_start3A_709 : memref<1x256x64xf32, #tpu.memory_space<vmem>> -> memref<256x64xf32, #tpu.memory_space<vmem>>
          %dma_start3A_711 = arith.constant 0 : i32
          %dma_start3A_712 = tpu.memref_slice %dma_start3A_710[%mul3A_705, %dma_start3A_711] : memref<256x64xf32, #tpu.memory_space<vmem>> -> memref<8x64xf32, #tpu.memory_space<vmem>>
          %dma_start3A_713 = arith.constant 0 : i32
          %dma_start3A_714 = arith.constant 0 : i32
          %dma_start3A_715 = tpu.memref_slice %arg3[%reduce_max3A_699, %dma_start3A_713, %dma_start3A_714] : memref<100000x8x64xf32, #tpu.memory_space<hbm>> -> memref<1x8x64xf32, #tpu.memory_space<hbm>>
          %dma_start3A_716 = tpu.memref_squeeze %dma_start3A_715 : memref<1x8x64xf32, #tpu.memory_space<hbm>> -> memref<8x64xf32, #tpu.memory_space<hbm>>
          %dma_start3A_717 = arith.constant 0 : i32
          %dma_start3A_718 = arith.constant 0 : i32
          %dma_start3A_719 = tpu.memref_slice %arg6[%dma_start3A_706, %dma_start3A_717, %dma_start3A_718] : memref<3x256x64xf32, #tpu.memory_space<vmem>> -> memref<1x256x64xf32, #tpu.memory_space<vmem>>
          %dma_start3A_720 = tpu.memref_squeeze %dma_start3A_719 : memref<1x256x64xf32, #tpu.memory_space<vmem>> -> memref<256x64xf32, #tpu.memory_space<vmem>>
          %dma_start3A_721 = arith.constant 0 : i32
          %dma_start3A_722 = tpu.memref_slice %dma_start3A_720[%mul3A_705, %dma_start3A_721] : memref<256x64xf32, #tpu.memory_space<vmem>> -> memref<8x64xf32, #tpu.memory_space<vmem>>
          %dma_start3A_723 = arith.constant 0 : i32
          %dma_start3A_724 = arith.constant 0 : i32
          %dma_start3A_725 = tpu.memref_slice %arg3[%reduce_max3A_699, %dma_start3A_723, %dma_start3A_724] : memref<100000x8x64xf32, #tpu.memory_space<hbm>> -> memref<1x8x64xf32, #tpu.memory_space<hbm>>
          %dma_start3A_726 = tpu.memref_squeeze %dma_start3A_725 : memref<1x8x64xf32, #tpu.memory_space<hbm>> -> memref<8x64xf32, #tpu.memory_space<hbm>>
          tpu.enqueue_dma source(%dma_start3A_726 : memref<8x64xf32, #tpu.memory_space<hbm>>) target(%dma_start3A_722 : memref<8x64xf32, #tpu.memory_space<vmem>>) target_semaphore(%arg8 : memref<!tpu.dma_semaphore, #tpu.memory_space<semaphore_mem>>)
          %eq3A_727 = arith.constant 12 : i32
          %eq3A_728 = vector.broadcast %eq3A_727 : i32 to vector<16xi32>
          %eq3A_729 = arith.cmpi eq, %iota3A, %eq3A_728 : vector<16xi32>
          %jit3A_730 = arith.constant -1 : i32
          %broadcast_in_dim3A_731 = vector.broadcast %jit3A_730 : i32 to vector<16xi32>
          %select_n3A_732 = arith.select %eq3A_729, %get3A_239, %broadcast_in_dim3A_731 : vector<16xi1>, vector<16xi32>
          %reduce_max3A_733 = arith.constant true
          %reduce_max3A_734 = vector.broadcast %reduce_max3A_733 : i1 to vector<16xi1>
          %reduce_max3A_735 = arith.constant -2147483648 : i32
          %reduce_max3A_736 = vector.broadcast %reduce_max3A_735 : i32 to vector<16xi32>
          %reduce_max3A_737 = arith.xori %select_n3A_732, %reduce_max3A_736 : vector<16xi32>
          %reduce_max3A_738 = tpu.scan <max>, %reduce_max3A_737 masked %reduce_max3A_734 : vector<16xi32>, vector<16xi1> -> vector<16xi32>
          %reduce_max3A_739 = arith.xori %reduce_max3A_738, %reduce_max3A_736 : vector<16xi32>
          %reduce_max3A_740 = vector.extract %reduce_max3A_739[15] : i32 from vector<16xi32>
          %mul3A_741 = arith.constant 16 : i32
          %mul3A_742 = arith.muli %add3A_233, %mul3A_741 : i32
          %add3A_743 = arith.constant 12 : i32
          %add3A_744 = arith.addi %mul3A_742, %add3A_743 : i32
          %mul3A_745 = arith.constant 8 : i32
          %mul3A_746 = arith.muli %add3A_744, %mul3A_745 : i32
          %dma_start3A_747 = arith.constant 1 : i32
          %dma_start3A_748 = arith.constant 0 : i32
          %dma_start3A_749 = arith.constant 0 : i32
          %dma_start3A_750 = tpu.memref_slice %arg6[%dma_start3A_747, %dma_start3A_748, %dma_start3A_749] : memref<3x256x64xf32, #tpu.memory_space<vmem>> -> memref<1x256x64xf32, #tpu.memory_space<vmem>>
          %dma_start3A_751 = tpu.memref_squeeze %dma_start3A_750 : memref<1x256x64xf32, #tpu.memory_space<vmem>> -> memref<256x64xf32, #tpu.memory_space<vmem>>
          %dma_start3A_752 = arith.constant 0 : i32
          %dma_start3A_753 = tpu.memref_slice %dma_start3A_751[%mul3A_746, %dma_start3A_752] : memref<256x64xf32, #tpu.memory_space<vmem>> -> memref<8x64xf32, #tpu.memory_space<vmem>>
          %dma_start3A_754 = arith.constant 0 : i32
          %dma_start3A_755 = arith.constant 0 : i32
          %dma_start3A_756 = tpu.memref_slice %arg3[%reduce_max3A_740, %dma_start3A_754, %dma_start3A_755] : memref<100000x8x64xf32, #tpu.memory_space<hbm>> -> memref<1x8x64xf32, #tpu.memory_space<hbm>>
          %dma_start3A_757 = tpu.memref_squeeze %dma_start3A_756 : memref<1x8x64xf32, #tpu.memory_space<hbm>> -> memref<8x64xf32, #tpu.memory_space<hbm>>
          %dma_start3A_758 = arith.constant 0 : i32
          %dma_start3A_759 = arith.constant 0 : i32
          %dma_start3A_760 = tpu.memref_slice %arg6[%dma_start3A_747, %dma_start3A_758, %dma_start3A_759] : memref<3x256x64xf32, #tpu.memory_space<vmem>> -> memref<1x256x64xf32, #tpu.memory_space<vmem>>
          %dma_start3A_761 = tpu.memref_squeeze %dma_start3A_760 : memref<1x256x64xf32, #tpu.memory_space<vmem>> -> memref<256x64xf32, #tpu.memory_space<vmem>>
          %dma_start3A_762 = arith.constant 0 : i32
          %dma_start3A_763 = tpu.memref_slice %dma_start3A_761[%mul3A_746, %dma_start3A_762] : memref<256x64xf32, #tpu.memory_space<vmem>> -> memref<8x64xf32, #tpu.memory_space<vmem>>
          %dma_start3A_764 = arith.constant 0 : i32
          %dma_start3A_765 = arith.constant 0 : i32
          %dma_start3A_766 = tpu.memref_slice %arg3[%reduce_max3A_740, %dma_start3A_764, %dma_start3A_765] : memref<100000x8x64xf32, #tpu.memory_space<hbm>> -> memref<1x8x64xf32, #tpu.memory_space<hbm>>
          %dma_start3A_767 = tpu.memref_squeeze %dma_start3A_766 : memref<1x8x64xf32, #tpu.memory_space<hbm>> -> memref<8x64xf32, #tpu.memory_space<hbm>>
          tpu.enqueue_dma source(%dma_start3A_767 : memref<8x64xf32, #tpu.memory_space<hbm>>) target(%dma_start3A_763 : memref<8x64xf32, #tpu.memory_space<vmem>>) target_semaphore(%arg8 : memref<!tpu.dma_semaphore, #tpu.memory_space<semaphore_mem>>)
          %eq3A_768 = arith.constant 13 : i32
          %eq3A_769 = vector.broadcast %eq3A_768 : i32 to vector<16xi32>
          %eq3A_770 = arith.cmpi eq, %iota3A, %eq3A_769 : vector<16xi32>
          %jit3A_771 = arith.constant -1 : i32
          %broadcast_in_dim3A_772 = vector.broadcast %jit3A_771 : i32 to vector<16xi32>
          %select_n3A_773 = arith.select %eq3A_770, %get3A_239, %broadcast_in_dim3A_772 : vector<16xi1>, vector<16xi32>
          %reduce_max3A_774 = arith.constant true
          %reduce_max3A_775 = vector.broadcast %reduce_max3A_774 : i1 to vector<16xi1>
          %reduce_max3A_776 = arith.constant -2147483648 : i32
          %reduce_max3A_777 = vector.broadcast %reduce_max3A_776 : i32 to vector<16xi32>
          %reduce_max3A_778 = arith.xori %select_n3A_773, %reduce_max3A_777 : vector<16xi32>
          %reduce_max3A_779 = tpu.scan <max>, %reduce_max3A_778 masked %reduce_max3A_775 : vector<16xi32>, vector<16xi1> -> vector<16xi32>
          %reduce_max3A_780 = arith.xori %reduce_max3A_779, %reduce_max3A_777 : vector<16xi32>
          %reduce_max3A_781 = vector.extract %reduce_max3A_780[15] : i32 from vector<16xi32>
          %mul3A_782 = arith.constant 16 : i32
          %mul3A_783 = arith.muli %add3A_233, %mul3A_782 : i32
          %add3A_784 = arith.constant 13 : i32
          %add3A_785 = arith.addi %mul3A_783, %add3A_784 : i32
          %mul3A_786 = arith.constant 8 : i32
          %mul3A_787 = arith.muli %add3A_785, %mul3A_786 : i32
          %dma_start3A_788 = arith.constant 1 : i32
          %dma_start3A_789 = arith.constant 0 : i32
          %dma_start3A_790 = arith.constant 0 : i32
          %dma_start3A_791 = tpu.memref_slice %arg6[%dma_start3A_788, %dma_start3A_789, %dma_start3A_790] : memref<3x256x64xf32, #tpu.memory_space<vmem>> -> memref<1x256x64xf32, #tpu.memory_space<vmem>>
          %dma_start3A_792 = tpu.memref_squeeze %dma_start3A_791 : memref<1x256x64xf32, #tpu.memory_space<vmem>> -> memref<256x64xf32, #tpu.memory_space<vmem>>
          %dma_start3A_793 = arith.constant 0 : i32
          %dma_start3A_794 = tpu.memref_slice %dma_start3A_792[%mul3A_787, %dma_start3A_793] : memref<256x64xf32, #tpu.memory_space<vmem>> -> memref<8x64xf32, #tpu.memory_space<vmem>>
          %dma_start3A_795 = arith.constant 0 : i32
          %dma_start3A_796 = arith.constant 0 : i32
          %dma_start3A_797 = tpu.memref_slice %arg3[%reduce_max3A_781, %dma_start3A_795, %dma_start3A_796] : memref<100000x8x64xf32, #tpu.memory_space<hbm>> -> memref<1x8x64xf32, #tpu.memory_space<hbm>>
          %dma_start3A_798 = tpu.memref_squeeze %dma_start3A_797 : memref<1x8x64xf32, #tpu.memory_space<hbm>> -> memref<8x64xf32, #tpu.memory_space<hbm>>
          %dma_start3A_799 = arith.constant 0 : i32
          %dma_start3A_800 = arith.constant 0 : i32
          %dma_start3A_801 = tpu.memref_slice %arg6[%dma_start3A_788, %dma_start3A_799, %dma_start3A_800] : memref<3x256x64xf32, #tpu.memory_space<vmem>> -> memref<1x256x64xf32, #tpu.memory_space<vmem>>
          %dma_start3A_802 = tpu.memref_squeeze %dma_start3A_801 : memref<1x256x64xf32, #tpu.memory_space<vmem>> -> memref<256x64xf32, #tpu.memory_space<vmem>>
          %dma_start3A_803 = arith.constant 0 : i32
          %dma_start3A_804 = tpu.memref_slice %dma_start3A_802[%mul3A_787, %dma_start3A_803] : memref<256x64xf32, #tpu.memory_space<vmem>> -> memref<8x64xf32, #tpu.memory_space<vmem>>
          %dma_start3A_805 = arith.constant 0 : i32
          %dma_start3A_806 = arith.constant 0 : i32
          %dma_start3A_807 = tpu.memref_slice %arg3[%reduce_max3A_781, %dma_start3A_805, %dma_start3A_806] : memref<100000x8x64xf32, #tpu.memory_space<hbm>> -> memref<1x8x64xf32, #tpu.memory_space<hbm>>
          %dma_start3A_808 = tpu.memref_squeeze %dma_start3A_807 : memref<1x8x64xf32, #tpu.memory_space<hbm>> -> memref<8x64xf32, #tpu.memory_space<hbm>>
          tpu.enqueue_dma source(%dma_start3A_808 : memref<8x64xf32, #tpu.memory_space<hbm>>) target(%dma_start3A_804 : memref<8x64xf32, #tpu.memory_space<vmem>>) target_semaphore(%arg8 : memref<!tpu.dma_semaphore, #tpu.memory_space<semaphore_mem>>)
          %eq3A_809 = arith.constant 14 : i32
          %eq3A_810 = vector.broadcast %eq3A_809 : i32 to vector<16xi32>
          %eq3A_811 = arith.cmpi eq, %iota3A, %eq3A_810 : vector<16xi32>
          %jit3A_812 = arith.constant -1 : i32
          %broadcast_in_dim3A_813 = vector.broadcast %jit3A_812 : i32 to vector<16xi32>
          %select_n3A_814 = arith.select %eq3A_811, %get3A_239, %broadcast_in_dim3A_813 : vector<16xi1>, vector<16xi32>
          %reduce_max3A_815 = arith.constant true
          %reduce_max3A_816 = vector.broadcast %reduce_max3A_815 : i1 to vector<16xi1>
          %reduce_max3A_817 = arith.constant -2147483648 : i32
          %reduce_max3A_818 = vector.broadcast %reduce_max3A_817 : i32 to vector<16xi32>
          %reduce_max3A_819 = arith.xori %select_n3A_814, %reduce_max3A_818 : vector<16xi32>
          %reduce_max3A_820 = tpu.scan <max>, %reduce_max3A_819 masked %reduce_max3A_816 : vector<16xi32>, vector<16xi1> -> vector<16xi32>
          %reduce_max3A_821 = arith.xori %reduce_max3A_820, %reduce_max3A_818 : vector<16xi32>
          %reduce_max3A_822 = vector.extract %reduce_max3A_821[15] : i32 from vector<16xi32>
          %mul3A_823 = arith.constant 16 : i32
          %mul3A_824 = arith.muli %add3A_233, %mul3A_823 : i32
          %add3A_825 = arith.constant 14 : i32
          %add3A_826 = arith.addi %mul3A_824, %add3A_825 : i32
          %mul3A_827 = arith.constant 8 : i32
          %mul3A_828 = arith.muli %add3A_826, %mul3A_827 : i32
          %dma_start3A_829 = arith.constant 1 : i32
          %dma_start3A_830 = arith.constant 0 : i32
          %dma_start3A_831 = arith.constant 0 : i32
          %dma_start3A_832 = tpu.memref_slice %arg6[%dma_start3A_829, %dma_start3A_830, %dma_start3A_831] : memref<3x256x64xf32, #tpu.memory_space<vmem>> -> memref<1x256x64xf32, #tpu.memory_space<vmem>>
          %dma_start3A_833 = tpu.memref_squeeze %dma_start3A_832 : memref<1x256x64xf32, #tpu.memory_space<vmem>> -> memref<256x64xf32, #tpu.memory_space<vmem>>
          %dma_start3A_834 = arith.constant 0 : i32
          %dma_start3A_835 = tpu.memref_slice %dma_start3A_833[%mul3A_828, %dma_start3A_834] : memref<256x64xf32, #tpu.memory_space<vmem>> -> memref<8x64xf32, #tpu.memory_space<vmem>>
          %dma_start3A_836 = arith.constant 0 : i32
          %dma_start3A_837 = arith.constant 0 : i32
          %dma_start3A_838 = tpu.memref_slice %arg3[%reduce_max3A_822, %dma_start3A_836, %dma_start3A_837] : memref<100000x8x64xf32, #tpu.memory_space<hbm>> -> memref<1x8x64xf32, #tpu.memory_space<hbm>>
          %dma_start3A_839 = tpu.memref_squeeze %dma_start3A_838 : memref<1x8x64xf32, #tpu.memory_space<hbm>> -> memref<8x64xf32, #tpu.memory_space<hbm>>
          %dma_start3A_840 = arith.constant 0 : i32
          %dma_start3A_841 = arith.constant 0 : i32
          %dma_start3A_842 = tpu.memref_slice %arg6[%dma_start3A_829, %dma_start3A_840, %dma_start3A_841] : memref<3x256x64xf32, #tpu.memory_space<vmem>> -> memref<1x256x64xf32, #tpu.memory_space<vmem>>
          %dma_start3A_843 = tpu.memref_squeeze %dma_start3A_842 : memref<1x256x64xf32, #tpu.memory_space<vmem>> -> memref<256x64xf32, #tpu.memory_space<vmem>>
          %dma_start3A_844 = arith.constant 0 : i32
          %dma_start3A_845 = tpu.memref_slice %dma_start3A_843[%mul3A_828, %dma_start3A_844] : memref<256x64xf32, #tpu.memory_space<vmem>> -> memref<8x64xf32, #tpu.memory_space<vmem>>
          %dma_start3A_846 = arith.constant 0 : i32
          %dma_start3A_847 = arith.constant 0 : i32
          %dma_start3A_848 = tpu.memref_slice %arg3[%reduce_max3A_822, %dma_start3A_846, %dma_start3A_847] : memref<100000x8x64xf32, #tpu.memory_space<hbm>> -> memref<1x8x64xf32, #tpu.memory_space<hbm>>
          %dma_start3A_849 = tpu.memref_squeeze %dma_start3A_848 : memref<1x8x64xf32, #tpu.memory_space<hbm>> -> memref<8x64xf32, #tpu.memory_space<hbm>>
          tpu.enqueue_dma source(%dma_start3A_849 : memref<8x64xf32, #tpu.memory_space<hbm>>) target(%dma_start3A_845 : memref<8x64xf32, #tpu.memory_space<vmem>>) target_semaphore(%arg8 : memref<!tpu.dma_semaphore, #tpu.memory_space<semaphore_mem>>)
          %eq3A_850 = arith.constant 15 : i32
          %eq3A_851 = vector.broadcast %eq3A_850 : i32 to vector<16xi32>
          %eq3A_852 = arith.cmpi eq, %iota3A, %eq3A_851 : vector<16xi32>
          %jit3A_853 = arith.constant -1 : i32
          %broadcast_in_dim3A_854 = vector.broadcast %jit3A_853 : i32 to vector<16xi32>
          %select_n3A_855 = arith.select %eq3A_852, %get3A_239, %broadcast_in_dim3A_854 : vector<16xi1>, vector<16xi32>
          %reduce_max3A_856 = arith.constant true
          %reduce_max3A_857 = vector.broadcast %reduce_max3A_856 : i1 to vector<16xi1>
          %reduce_max3A_858 = arith.constant -2147483648 : i32
          %reduce_max3A_859 = vector.broadcast %reduce_max3A_858 : i32 to vector<16xi32>
          %reduce_max3A_860 = arith.xori %select_n3A_855, %reduce_max3A_859 : vector<16xi32>
          %reduce_max3A_861 = tpu.scan <max>, %reduce_max3A_860 masked %reduce_max3A_857 : vector<16xi32>, vector<16xi1> -> vector<16xi32>
          %reduce_max3A_862 = arith.xori %reduce_max3A_861, %reduce_max3A_859 : vector<16xi32>
          %reduce_max3A_863 = vector.extract %reduce_max3A_862[15] : i32 from vector<16xi32>
          %mul3A_864 = arith.constant 16 : i32
          %mul3A_865 = arith.muli %add3A_233, %mul3A_864 : i32
          %add3A_866 = arith.constant 15 : i32
          %add3A_867 = arith.addi %mul3A_865, %add3A_866 : i32
          %mul3A_868 = arith.constant 8 : i32
          %mul3A_869 = arith.muli %add3A_867, %mul3A_868 : i32
          %dma_start3A_870 = arith.constant 1 : i32
          %dma_start3A_871 = arith.constant 0 : i32
          %dma_start3A_872 = arith.constant 0 : i32
          %dma_start3A_873 = tpu.memref_slice %arg6[%dma_start3A_870, %dma_start3A_871, %dma_start3A_872] : memref<3x256x64xf32, #tpu.memory_space<vmem>> -> memref<1x256x64xf32, #tpu.memory_space<vmem>>
          %dma_start3A_874 = tpu.memref_squeeze %dma_start3A_873 : memref<1x256x64xf32, #tpu.memory_space<vmem>> -> memref<256x64xf32, #tpu.memory_space<vmem>>
          %dma_start3A_875 = arith.constant 0 : i32
          %dma_start3A_876 = tpu.memref_slice %dma_start3A_874[%mul3A_869, %dma_start3A_875] : memref<256x64xf32, #tpu.memory_space<vmem>> -> memref<8x64xf32, #tpu.memory_space<vmem>>
          %dma_start3A_877 = arith.constant 0 : i32
          %dma_start3A_878 = arith.constant 0 : i32
          %dma_start3A_879 = tpu.memref_slice %arg3[%reduce_max3A_863, %dma_start3A_877, %dma_start3A_878] : memref<100000x8x64xf32, #tpu.memory_space<hbm>> -> memref<1x8x64xf32, #tpu.memory_space<hbm>>
          %dma_start3A_880 = tpu.memref_squeeze %dma_start3A_879 : memref<1x8x64xf32, #tpu.memory_space<hbm>> -> memref<8x64xf32, #tpu.memory_space<hbm>>
          %dma_start3A_881 = arith.constant 0 : i32
          %dma_start3A_882 = arith.constant 0 : i32
          %dma_start3A_883 = tpu.memref_slice %arg6[%dma_start3A_870, %dma_start3A_881, %dma_start3A_882] : memref<3x256x64xf32, #tpu.memory_space<vmem>> -> memref<1x256x64xf32, #tpu.memory_space<vmem>>
          %dma_start3A_884 = tpu.memref_squeeze %dma_start3A_883 : memref<1x256x64xf32, #tpu.memory_space<vmem>> -> memref<256x64xf32, #tpu.memory_space<vmem>>
          %dma_start3A_885 = arith.constant 0 : i32
          %dma_start3A_886 = tpu.memref_slice %dma_start3A_884[%mul3A_869, %dma_start3A_885] : memref<256x64xf32, #tpu.memory_space<vmem>> -> memref<8x64xf32, #tpu.memory_space<vmem>>
          %dma_start3A_887 = arith.constant 0 : i32
          %dma_start3A_888 = arith.constant 0 : i32
          %dma_start3A_889 = tpu.memref_slice %arg3[%reduce_max3A_863, %dma_start3A_887, %dma_start3A_888] : memref<100000x8x64xf32, #tpu.memory_space<hbm>> -> memref<1x8x64xf32, #tpu.memory_space<hbm>>
          %dma_start3A_890 = tpu.memref_squeeze %dma_start3A_889 : memref<1x8x64xf32, #tpu.memory_space<hbm>> -> memref<8x64xf32, #tpu.memory_space<hbm>>
          tpu.enqueue_dma source(%dma_start3A_890 : memref<8x64xf32, #tpu.memory_space<hbm>>) target(%dma_start3A_886 : memref<8x64xf32, #tpu.memory_space<vmem>>) target_semaphore(%arg8 : memref<!tpu.dma_semaphore, #tpu.memory_space<semaphore_mem>>)
        }
        %scan3A_228 = arith.constant 2 : i32
      } else {
      }
    }
    %scan3A_16 = arith.constant 5 : i32
    %dma_wait3A = arith.constant 0 : i32
    %dma_wait3A_17 = arith.constant 0 : i32
    %dma_wait3A_18 = arith.constant 0 : i32
    %dma_wait3A_19 = tpu.memref_slice %arg6[%dma_wait3A, %dma_wait3A_17, %dma_wait3A_18] : memref<3x256x64xf32, #tpu.memory_space<vmem>> -> memref<1x256x64xf32, #tpu.memory_space<vmem>>
    %dma_wait3A_20 = tpu.memref_squeeze %dma_wait3A_19 : memref<1x256x64xf32, #tpu.memory_space<vmem>> -> memref<256x64xf32, #tpu.memory_space<vmem>>
    %dma_wait3A_21 = arith.constant 0 : i32
    %dma_wait3A_22 = arith.constant 0 : i32
    %dma_wait3A_23 = tpu.memref_slice %arg4[%dma_wait3A_21, %dma_wait3A_22] : memref<131072x64xf32, #tpu.memory_space<hbm>> -> memref<256x64xf32, #tpu.memory_space<hbm>>
    %dma_wait3A_24 = arith.constant 0 : i32
    %dma_wait3A_25 = arith.constant 0 : i32
    %dma_wait3A_26 = tpu.memref_slice %arg6[%dma_wait3A, %dma_wait3A_24, %dma_wait3A_25] : memref<3x256x64xf32, #tpu.memory_space<vmem>> -> memref<1x256x64xf32, #tpu.memory_space<vmem>>
    %dma_wait3A_27 = tpu.memref_squeeze %dma_wait3A_26 : memref<1x256x64xf32, #tpu.memory_space<vmem>> -> memref<256x64xf32, #tpu.memory_space<vmem>>
    %dma_wait3A_28 = arith.constant 0 : i32
    %dma_wait3A_29 = arith.constant 0 : i32
    %dma_wait3A_30 = tpu.memref_slice %arg4[%dma_wait3A_28, %dma_wait3A_29] : memref<131072x64xf32, #tpu.memory_space<hbm>> -> memref<256x64xf32, #tpu.memory_space<hbm>>
    tpu.wait_dma2 semaphore(%arg7 : memref<!tpu.dma_semaphore, #tpu.memory_space<semaphore_mem>>) src(%dma_wait3A_30 : memref<256x64xf32, #tpu.memory_space<hbm>>) dst(%dma_wait3A_27 : memref<256x64xf32, #tpu.memory_space<vmem>>)
    %add3A_31 = arith.constant 480 : i32
    %add3A_32 = arith.addi %mul3A_2, %add3A_31 : i32
    %mul3A_33 = arith.constant 8 : i32
    %mul3A_34 = arith.muli %add3A_32, %mul3A_33 : i32
    %dma_start3A = arith.constant 0 : i32
    %dma_start3A_35 = arith.constant 0 : i32
    %dma_start3A_36 = arith.constant 0 : i32
    %dma_start3A_37 = tpu.memref_slice %arg6[%dma_start3A, %dma_start3A_35, %dma_start3A_36] : memref<3x256x64xf32, #tpu.memory_space<vmem>> -> memref<1x256x64xf32, #tpu.memory_space<vmem>>
    %dma_start3A_38 = tpu.memref_squeeze %dma_start3A_37 : memref<1x256x64xf32, #tpu.memory_space<vmem>> -> memref<256x64xf32, #tpu.memory_space<vmem>>
    %dma_start3A_39 = arith.constant 0 : i32
    %dma_start3A_40 = tpu.memref_slice %arg4[%mul3A_34, %dma_start3A_39] : memref<131072x64xf32, #tpu.memory_space<hbm>> -> memref<256x64xf32, #tpu.memory_space<hbm>>
    %dma_start3A_41 = arith.constant 0 : i32
    %dma_start3A_42 = tpu.memref_slice %arg4[%mul3A_34, %dma_start3A_41] : memref<131072x64xf32, #tpu.memory_space<hbm>> -> memref<256x64xf32, #tpu.memory_space<hbm>>
    %dma_start3A_43 = arith.constant 0 : i32
    %dma_start3A_44 = arith.constant 0 : i32
    %dma_start3A_45 = tpu.memref_slice %arg6[%dma_start3A, %dma_start3A_43, %dma_start3A_44] : memref<3x256x64xf32, #tpu.memory_space<vmem>> -> memref<1x256x64xf32, #tpu.memory_space<vmem>>
    %dma_start3A_46 = tpu.memref_squeeze %dma_start3A_45 : memref<1x256x64xf32, #tpu.memory_space<vmem>> -> memref<256x64xf32, #tpu.memory_space<vmem>>
    tpu.enqueue_dma source(%dma_start3A_46 : memref<256x64xf32, #tpu.memory_space<vmem>>) target(%dma_start3A_42 : memref<256x64xf32, #tpu.memory_space<hbm>>) target_semaphore(%arg10 : memref<!tpu.dma_semaphore, #tpu.memory_space<semaphore_mem>>)
    %dma_wait3A_47 = arith.constant 0 : i32
    %dma_wait3A_48 = arith.constant 0 : i32
    %dma_wait3A_49 = arith.constant 0 : i32
    %dma_wait3A_50 = tpu.memref_slice %arg6[%dma_wait3A_47, %dma_wait3A_48, %dma_wait3A_49] : memref<3x256x64xf32, #tpu.memory_space<vmem>> -> memref<1x256x64xf32, #tpu.memory_space<vmem>>
    %dma_wait3A_51 = tpu.memref_squeeze %dma_wait3A_50 : memref<1x256x64xf32, #tpu.memory_space<vmem>> -> memref<256x64xf32, #tpu.memory_space<vmem>>
    %dma_wait3A_52 = arith.constant 0 : i32
    %dma_wait3A_53 = arith.constant 0 : i32
    %dma_wait3A_54 = tpu.memref_slice %arg4[%dma_wait3A_52, %dma_wait3A_53] : memref<131072x64xf32, #tpu.memory_space<hbm>> -> memref<256x64xf32, #tpu.memory_space<hbm>>
    %dma_wait3A_55 = arith.constant 0 : i32
    %dma_wait3A_56 = arith.constant 0 : i32
    %dma_wait3A_57 = tpu.memref_slice %arg6[%dma_wait3A_47, %dma_wait3A_55, %dma_wait3A_56] : memref<3x256x64xf32, #tpu.memory_space<vmem>> -> memref<1x256x64xf32, #tpu.memory_space<vmem>>
    %dma_wait3A_58 = tpu.memref_squeeze %dma_wait3A_57 : memref<1x256x64xf32, #tpu.memory_space<vmem>> -> memref<256x64xf32, #tpu.memory_space<vmem>>
    %dma_wait3A_59 = arith.constant 0 : i32
    %dma_wait3A_60 = arith.constant 0 : i32
    %dma_wait3A_61 = tpu.memref_slice %arg4[%dma_wait3A_59, %dma_wait3A_60] : memref<131072x64xf32, #tpu.memory_space<hbm>> -> memref<256x64xf32, #tpu.memory_space<hbm>>
    tpu.wait_dma2 semaphore(%arg10 : memref<!tpu.dma_semaphore, #tpu.memory_space<semaphore_mem>>) src(%dma_wait3A_61 : memref<256x64xf32, #tpu.memory_space<hbm>>) dst(%dma_wait3A_58 : memref<256x64xf32, #tpu.memory_space<vmem>>)
    %dma_wait3A_62 = arith.constant 1 : i32
    %dma_wait3A_63 = arith.constant 0 : i32
    %dma_wait3A_64 = arith.constant 0 : i32
    %dma_wait3A_65 = tpu.memref_slice %arg6[%dma_wait3A_62, %dma_wait3A_63, %dma_wait3A_64] : memref<3x256x64xf32, #tpu.memory_space<vmem>> -> memref<1x256x64xf32, #tpu.memory_space<vmem>>
    %dma_wait3A_66 = tpu.memref_squeeze %dma_wait3A_65 : memref<1x256x64xf32, #tpu.memory_space<vmem>> -> memref<256x64xf32, #tpu.memory_space<vmem>>
    %dma_wait3A_67 = arith.constant 0 : i32
    %dma_wait3A_68 = arith.constant 0 : i32
    %dma_wait3A_69 = tpu.memref_slice %arg4[%dma_wait3A_67, %dma_wait3A_68] : memref<131072x64xf32, #tpu.memory_space<hbm>> -> memref<256x64xf32, #tpu.memory_space<hbm>>
    %dma_wait3A_70 = arith.constant 0 : i32
    %dma_wait3A_71 = arith.constant 0 : i32
    %dma_wait3A_72 = tpu.memref_slice %arg6[%dma_wait3A_62, %dma_wait3A_70, %dma_wait3A_71] : memref<3x256x64xf32, #tpu.memory_space<vmem>> -> memref<1x256x64xf32, #tpu.memory_space<vmem>>
    %dma_wait3A_73 = tpu.memref_squeeze %dma_wait3A_72 : memref<1x256x64xf32, #tpu.memory_space<vmem>> -> memref<256x64xf32, #tpu.memory_space<vmem>>
    %dma_wait3A_74 = arith.constant 0 : i32
    %dma_wait3A_75 = arith.constant 0 : i32
    %dma_wait3A_76 = tpu.memref_slice %arg4[%dma_wait3A_74, %dma_wait3A_75] : memref<131072x64xf32, #tpu.memory_space<hbm>> -> memref<256x64xf32, #tpu.memory_space<hbm>>
    tpu.wait_dma2 semaphore(%arg11 : memref<!tpu.dma_semaphore, #tpu.memory_space<semaphore_mem>>) src(%dma_wait3A_76 : memref<256x64xf32, #tpu.memory_space<hbm>>) dst(%dma_wait3A_73 : memref<256x64xf32, #tpu.memory_space<vmem>>)
    %dma_wait3A_77 = arith.constant 2 : i32
    %dma_wait3A_78 = arith.constant 0 : i32
    %dma_wait3A_79 = arith.constant 0 : i32
    %dma_wait3A_80 = tpu.memref_slice %arg6[%dma_wait3A_77, %dma_wait3A_78, %dma_wait3A_79] : memref<3x256x64xf32, #tpu.memory_space<vmem>> -> memref<1x256x64xf32, #tpu.memory_space<vmem>>
    %dma_wait3A_81 = tpu.memref_squeeze %dma_wait3A_80 : memref<1x256x64xf32, #tpu.memory_space<vmem>> -> memref<256x64xf32, #tpu.memory_space<vmem>>
    %dma_wait3A_82 = arith.constant 0 : i32
    %dma_wait3A_83 = arith.constant 0 : i32
    %dma_wait3A_84 = tpu.memref_slice %arg4[%dma_wait3A_82, %dma_wait3A_83] : memref<131072x64xf32, #tpu.memory_space<hbm>> -> memref<256x64xf32, #tpu.memory_space<hbm>>
    %dma_wait3A_85 = arith.constant 0 : i32
    %dma_wait3A_86 = arith.constant 0 : i32
    %dma_wait3A_87 = tpu.memref_slice %arg6[%dma_wait3A_77, %dma_wait3A_85, %dma_wait3A_86] : memref<3x256x64xf32, #tpu.memory_space<vmem>> -> memref<1x256x64xf32, #tpu.memory_space<vmem>>
    %dma_wait3A_88 = tpu.memref_squeeze %dma_wait3A_87 : memref<1x256x64xf32, #tpu.memory_space<vmem>> -> memref<256x64xf32, #tpu.memory_space<vmem>>
    %dma_wait3A_89 = arith.constant 0 : i32
    %dma_wait3A_90 = arith.constant 0 : i32
    %dma_wait3A_91 = tpu.memref_slice %arg4[%dma_wait3A_89, %dma_wait3A_90] : memref<131072x64xf32, #tpu.memory_space<hbm>> -> memref<256x64xf32, #tpu.memory_space<hbm>>
    tpu.wait_dma2 semaphore(%arg12 : memref<!tpu.dma_semaphore, #tpu.memory_space<semaphore_mem>>) src(%dma_wait3A_91 : memref<256x64xf32, #tpu.memory_space<hbm>>) dst(%dma_wait3A_88 : memref<256x64xf32, #tpu.memory_space<vmem>>)
    return
  }
}

</mosaic_0001>

<sc_bundles>
// kernel: kernel.3.cloned.1.call-start
scs
__scs_entry_jumppad:
0x0: {  	(pc) =	sbr.rel $0x88, $3  }
0x1: {  	(tag) =	ssettag $0x0;
	lr =	simm.s32 $0x1  }
0x2: {  	[smem:$0x3F9F] =	sst lr;
	_ =	strace $0xD0000000  }
0x3: {  	_ = 	snop  }
0x4: {  	_ = 	snop  }
0x5: {  	_ = 	snop  }
0x6: {  	_ = 	snop  }
0x7: {  	_ = 	snop  }
__scs_overlays_trampoline_lowered:
0x8: {  	[smem:$0x3FAE] =	sst s0  }
0x9: {  	[smem:$0x3FAF] =	sst s1  }
0xa: {  	[smem:$0x3FB0] =	sst s2  }
0xb: {  	[smem:$0x3FB1] =	sst s3  }
0xc: {  	[smem:$0x3FB2] =	sst s4  }
0xd: {  	[smem:$0x3FB3] =	sst s5  }
0xe: {  	[smem:$0x3FB4] =	sst s6  }
0xf: {  	[smem:$0x3FB5] =	sst s7  }
0x10: {  	[smem:$0x3FB6] =	sst s8  }
0x11: {  	[smem:$0x3FB7] =	sst s9;
	s0 =	simm.s32 @!p0 $0x0  }
0x12: {  	s1 =	sld [smem:$0x3F9D];
	s0 =	simm.s32 @p0 $0x1  }
0x13: {  	[smem:$0x3FB8] =	sst s0;
	s0 =	simm.s32 @!p1 $0x0  }
0x14: {  	s2 =	sld [smem:$0x3F9C];
	s0 =	simm.s32 @p1 $0x1  }
0x15: {  	[smem:$0x3FB9] =	sst s0;
	s0 =	simm.s32 @!p2 $0x0  }
0x16: {  	s3 =	sld [smem:$0x3FDB];
	s0 =	simm.s32 @p2 $0x1  }
0x17: {  	s4 =	simm.s32 $0x1BF5;
	[smem:$0x3FBB] =	sst s0  }
0x18: {  	s0 =	sld [smem:$0x3F9E];
	_ =	swait.ge [sflag:s4], $0x0  }
0x19: {  	s7 =	sld [smem:$0x3F9F]  }
0x1a: {  	s8 =	sadd.s32 $0xFFFFE003, lr  }
0x1b: {  	s9 =	sadd.s32 $0xFFFFFEF7, lr;
	s5 =	simm.s32 $0xFFFFFFFF;
	p2 =	slt.u32 s8, $0xFFFFF086  }
0x1c: {  	p1 =	slt.u32 s9, $0xF7A;
	s5 =	simm.s32 @!p2 $0x0  }
0x1d: {  	s5 =	simm.s32 @p1 $0x1;
	p0 =	seq.s32 s7, s2  }
0x1e: {  	s7 =	smul.u32 @!p0 $0xF7A, s2;
	p2 =	seq.s32 @!p0 s5, $0x0  }
0x1f: {  	s9 =	smul.u32 $0xF7A, s1;
	s8 =	simm.s32 @!p0 $0x1BF5;
	p2 =	por !p2, p0  }
0x20: {  	[sflag:s8] =	ssyncset.s32 @!p0 $0xFFFFF086;
	s6 =	sadd.s32 @!p0 s3, s7;
	s7 =	simm.s32 @!p0 $0x108  }
0x21: {  	s3 =	sadd.s32 s3, s9;
	s6 =	sadd.s32 @!p0 $0x88, s6;
	s7 =	simm.s32 @p2 $0x1082  }
0x22: {  	[simem:s7], [sflag:s8] =	dma.local @!p0 [hbm:s6], $0xF7A  }
0x23: {  	s9 =	sor.u32 $0xD0000000, s2;
	s6 =	simm.s32 $0x108;
	_ =	swait.ge @!p0 [sflag:s8], $0x0  }
0x24: {  	s3 =	sadd.s32 $0x88, s3;
	s6 =	simm.s32 @!p1 $0x1082;
	[sflag:s4] =	ssyncset.s32 $0xFFFFF086  }
0x25: {  	[simem:s6], [sflag:s4] =	dma.local [hbm:s3], $0xF7A  }
0x26: {  	[smem:$0x3F9F] =	sst s1;
	(tag) =	ssettag s2;
	_ =	strace s9  }
0x27: {  	s1 =	sld [smem:$0x3FAF]  }
0x28: {  	s2 =	sld [smem:$0x3FB0]  }
0x29: {  	s4 =	sld [smem:$0x3FB2]  }
0x2a: {  	p0 =	seq.s32 s5, $0x0;
	s5 =	sld [smem:$0x3FB3]  }
0x2b: {  	s6 =	sld [smem:$0x3FB4]  }
0x2c: {  	s7 =	sld [smem:$0x3FB5]  }
0x2d: {  	s3 =	simm.s32 $0x108;
	s8 =	sld [smem:$0x3FB6]  }
0x2e: {  	s3 =	simm.s32 @!p0 $0x1082;
	s9 =	sld [smem:$0x3FB7]  }
0x2f: {  	lr =	sadd.s32 s0, s3;
	s0 =	sld [smem:$0x3FAE]  }
0x30: {  	s3 =	sld [smem:$0x3FB1]  }
0x31: {  	[smem:$0x3FBA] =	sst s10  }
0x32: {  	s10 =	sld [smem:$0x3FB8];
	_ =	sdelay $0x3  }
0x33: {  	p0 =	seq.s32 s10, $0x1;
	s10 =	sld [smem:$0x3FBA];
	_ =	sdelay $0x3  }
0x34: {  	[smem:$0x3FBA] =	sst s10  }
0x35: {  	s10 =	sld [smem:$0x3FB9];
	_ =	sdelay $0x3  }
0x36: {  	p1 =	seq.s32 s10, $0x1;
	s10 =	sld [smem:$0x3FBA];
	_ =	sdelay $0x3  }
0x37: {  	[smem:$0x3FBA] =	sst s10  }
0x38: {  	s10 =	sld [smem:$0x3FBB]  }
0x39: {  	_ = 	snop;
	(pc) =	sbr.ind lr, $3  }
0x3a: {  	_ = 	snop  }
0x3b: {  	_ = 	snop  }
0x3c: {  	p2 =	seq.s32 s10, $0x1;
	s10 =	sld [smem:$0x3FBA]  }
0x3d: {  	_ =	shalt  }
0x3e: {  	_ =	shalt  }
0x3f: {  	_ =	shalt  }
0x40: {  	_ =	shalt  }
0x41: {  	_ =	shalt  }
0x42: {  	_ =	shalt  }
0x43: {  	_ =	shalt  }
0x44: {  	_ =	shalt  }
0x45: {  	_ =	shalt  }
0x46: {  	_ =	shalt  }
0x47: {  	_ =	shalt  }
0x48: {  	_ =	shalt  }
0x49: {  	_ =	shalt  }
0x4a: {  	_ =	shalt  }
0x4b: {  	_ =	shalt  }
0x4c: {  	_ =	shalt  }
0x4d: {  	_ =	shalt  }
0x4e: {  	_ =	shalt  }
0x4f: {  	_ =	shalt  }
0x50: {  	_ =	shalt  }
0x51: {  	_ =	shalt  }
0x52: {  	_ =	shalt  }
0x53: {  	_ =	shalt  }
0x54: {  	_ =	shalt  }
0x55: {  	_ =	shalt  }
0x56: {  	_ =	shalt  }
0x57: {  	_ =	shalt  }
0x58: {  	_ =	shalt  }
0x59: {  	_ =	shalt  }
0x5a: {  	_ =	shalt  }
0x5b: {  	_ =	shalt  }
0x5c: {  	_ =	shalt  }
0x5d: {  	_ =	shalt  }
0x5e: {  	_ =	shalt  }
0x5f: {  	_ =	shalt  }
0x60: {  	_ =	shalt  }
0x61: {  	_ =	shalt  }
0x62: {  	_ =	shalt  }
0x63: {  	_ =	shalt  }
0x64: {  	_ =	shalt  }
0x65: {  	_ =	shalt  }
0x66: {  	_ =	shalt  }
0x67: {  	_ =	shalt  }
0x68: {  	_ =	shalt  }
0x69: {  	_ =	shalt  }
0x6a: {  	_ =	shalt  }
0x6b: {  	_ =	shalt  }
0x6c: {  	_ =	shalt  }
0x6d: {  	_ =	shalt  }
0x6e: {  	_ =	shalt  }
0x6f: {  	_ =	shalt  }
0x70: {  	_ =	shalt  }
0x71: {  	_ =	shalt  }
0x72: {  	_ =	shalt  }
0x73: {  	_ =	shalt  }
0x74: {  	_ =	shalt  }
0x75: {  	_ =	shalt  }
0x76: {  	_ =	shalt  }
0x77: {  	_ =	shalt  }
0x78: {  	_ =	shalt  }
0x79: {  	_ =	shalt  }
0x7a: {  	_ =	shalt  }
0x7b: {  	_ =	shalt  }
0x7c: {  	_ =	shalt  }
0x7d: {  	_ =	shalt  }
0x7e: {  	_ =	shalt  }
0x7f: {  	_ =	shalt  }
0x80: {  	_ =	shalt  }
0x81: {  	_ =	shalt  }
0x82: {  	_ =	shalt  }
0x83: {  	_ =	shalt  }
0x84: {  	_ =	shalt  }
0x85: {  	_ =	shalt  }
0x86: {  	_ =	shalt  }
0x87: {  	_ =	shalt  }
.Lfunc_end0:
.L_simem_size_0:
called_computation.1_lowered:
.L_overlay_start_0:
0x88: {  	s2 =	sld [smem:$0x3FD9]  }
0x89: {  	s3 =	sld [smem:$0x3FFE];
	_ =	sdelay $0x1  }
0x8a: {  	s1 =	srdreg.scid  }
0x8b: {  	s0 =	sand.u32 $0x1, s1  }
0x8c: {  	s17 =	sshll.u32 s0, $0xA;
	s2 =	sadd.s32 s3, s2  }
0x8d: {  	s2 =	sadd.s32 s2, s17  }
0x8e: {  	[smem:$0x3FC6] =	sst s2  }
0x8f: {  	_ = 	snop  }
0x90: {  	s2 =	sld [smem:$0x3FC9];
	(tm) =	ssettm $0x1  }
0x91: {  	s18 =	sld [smem:$0x3FFB];
	_ =	sdelay $0x3  }
0x92: {  	_ =	strace s18  }
0x93: {  	s3 =	sld [smem:$0x3FFC];
	_ =	sdelay $0x3  }
0x94: {  	_ =	strace s3  }
0x95: {  	s3 =	sld [smem:$0x3FFD];
	_ =	sdelay $0x3  }
0x96: {  	_ =	strace s3  }
0x97: {  	_ =	strace $0x8FFFFFFF  }
0x98: {  	s19 =	sld [smem:$0x3FDB];
	_ =	sdelay $0x1  }
0x99: {  	s4 =	simm.s32 $_scs_section_size  }
0x9a: {  	s5 =	simm.s32 $_size__tile_overlayer_lowered;
	s6 =	simm.s32 $_tile_overlayer_lowered  }
0x9b: {  	s22 =	simm.s32 $0x1BFF;
	s21 =	sshll.u32 s6, $0x1;
	s3 =	sadd.s32 s4, s19  }
0x9c: {  	s7 =	simm.s32 $0x0;
	s20 =	sshll.u32 s5, $0x1;
	s5 =	sadd.s32 s21, s3  }
0x9d: {  	[timem:s7], [sflag:s22] =	dma.local [hbm:s5], s20  }
0x9e: {  	_ =	swait.ge [sflag:s22], s20  }
0x9f: {  	s4 =	ssub.s32 $0x0, s20;
	[sflag:s22] =	ssyncset.done $0x0  }
0xa0: {  	[sflag:s22] =	ssyncadd.s32 s4;
	_ =	sdelay $0x1  }
0xa1: {  	s23 =	simm.s32 $0x1B8B  }
0xa2: {  	_ =	swait.ge [sflag:s23], $0x1  }
0xa3: {  	[sflag:s23] =	ssyncset.done $0x0  }
0xa4: {  	s25 =	simm.s32 $0x1B8E;
	s24 =	sld [smem:$0x3FFE];
	[sflag:s23] =	ssyncadd.s32 $0xFFFFFFFF  }
0xa5: {  	s26 =	simm.s32 $execute0_lowered;
	[smem:$0x3FD2] =	sst s25  }
0xa6: {  	s5 =	sshll.u32 s26, $0x1;
	_ =	strace $0x80000046;
	[dreg:$0x1] =	wrdreg $0xFFFFFFFF  }
0xa7: {  	s28 =	simm.s32 $_size_execute0_lowered;
	s3 =	sadd.s32 s3, s5;
	[dreg:$0x0] =	wrdreg $0x0  }
0xa8: {  	s5 =	sshll.u32 s28, $0x1;
	[dreg:$0x2] =	wrdreg s3  }
0xa9: {  	[dreg:$0x3] =	wrdreg s5  }
0xaa: {  	[dreg:$0x4] =	wrdreg $0xC0  }
0xab: {  	_ =	task [dreg:s7], $0x5FFFF  }
0xac: {  	[dreg:$0x1] =	wrdreg $0xFFFFFFFF  }
0xad: {  	[dreg:$0x0] =	wrdreg $0x60  }
0xae: {  	[dreg:$0x2] =	wrdreg s2  }
0xaf: {  	[dreg:$0x3] =	wrdreg s24  }
0xb0: {  	[dreg:$0x4] =	wrdreg $0x9  }
0xb1: {  	_ =	task.clear_ibuf [dreg:s7], $0x5FFFF;
	_ =	strace $0x90000046  }
0xb2: {  	s29 =	simm.s32 $0x9;
	_ =	strace $0x80000048  }
0xb3: {  	_ =	swait.ge [sflag:s29], $0x1  }
0xb4: {  	[sflag:s29] =	ssyncadd.s32 $0xFFFFFFFF  }
0xb5: {  	_ =	strace $0x90000048  }
0xb6: {  	_ =	sfence  }
0xb7: {  	s30 =	sld [smem:$0x0];
	_ =	sdelay $0x2  }
0xb8: {  	s31 =	sshll.u32 s1, $0xD;
	s1 =	sshrl.u32 s1, $0x2  }
0xb9: {  	s3 =	sand.u32 $0x4000, s31;
	s1 =	sadd.s32 s1, s30  }
0xba: {  	s0 =	sor.u32 s3, s0;
	s1 =	sshll.u32 s1, $0x11  }
0xbb: {  	s0 =	sor.u32 s1, s0  }
0xbc: {  	s0 =	sadd.s32 $0x8F2B, s0  }
0xbd: {  	[sflag:s0] =	ssyncadd.remote.s32 $0x1  }
0xbe: {  	_ =	sfence.sel $0xFFFF  }
0xbf: {  	[dreg:$0x0] =	wrdreg $0xFFFFFFFF;
	(pc) =	sbr.abs _section_cstart, $3  }
0xc0: {  	[dreg:$0x1] =	wrdreg $0xFFFFFFFF  }
0xc1: {  	_ =	task.clear_ibuf [dreg:s7], $0x2FFFF;
	_ =	strace $0x9FFFFFFF  }
0xc2: {  	(tm) =	ssettm $0x7FFFFFFF  }
0xc3: {  	_ =	shalt  }
tec
execute0_lowered:
.L_overlay_start_1:
0x0: {  	(tag) =	ssettag $0x1  }
0x1: {  	s7 =	rddreg [dreg:$0x0]  }
0x2: {  	s5 =	rddreg [dreg:$0x1]  }
0x3: {  	s0 =	rddreg [dreg:$0x2]  }
0x4: {  	s2 =	simm.s32 $0x0;
	s3 =	srdreg.scid;
	s1 =	stileid.u32  }
0x5: {  	s11 =	simm.s32 $0x7;
	s12 =	simm.s32 $0x1;
	s13 =	simm.s32 $0x200  }
0x6: {  	s14 =	simm.s32 $0x2;
	s15 =	simm.s32 $0x8200;
	s16 =	simm.s32 $0x4  }
0x7: {  	s17 =	simm.s32 $0x3;
	s18 =	simm.s32 $0x10200;
	s19 =	simm.s32 $0x5  }
0x8: {  	s20 =	simm.s32 $0x6;
	s21 =	simm.s32 $0x0;
	[smem:$0x7FF] =	sst s2  }
0x9: {  	vm0 =	vmmov $0x1;
	s3 =	sand.u32 $0x1, s3;
	s4 =	sshll.u32 s1, $0xA;
	_ =	strace $0x80000047  }
0xa: {  	vm1 =	vcmask $0x308;
	vm2 =	vcmask $0x70C;
	vm3 =	vcmask $0xB10;
	s6 =	ssub.s32 $0x2, s3;
	s8 =	sshll.u32 s3, $0x9;
	s3 =	sadd.s32 $0x800, s5  }
0xb: {  	vm4 =	vcmask $0xF14;
	vm5 =	vcmask $0x1318;
	vm6 =	vcmask $0x171C;
	s5 =	sadd.s32 $0xC35800, s5;
	s9 =	sshrl.u32 s6, $0x1;
	s4 =	sor.u32 s8, s4  }
0xc: {  	vm7 =	vcmask $0x1B20;
	vm8 =	vcmask $0x1F24;
	vm9 =	vcmask $0x2328;
	s10 =	ssub.s32 s6, s9;
	s30 =	sshll.u32 s4, $0x7;
	s8 =	sshrl.u32 s4, $0x3  }
0xd: {  	vm10 =	vcmask $0x272C;
	vm11 =	vcmask $0x2B30;
	vm12 =	vcmask $0x2F34;
	s31 =	sshll.u32 s4, $0xA;
	s6 =	sadd.s32 s5, s30;
	s7 =	sadd.s32 s7, s8  }
0xe: {  	vm13 =	vcmask $0x3338;
	vm14 =	vcmask $0x373C;
	vm15 =	vmmov $0x7fff;
	s8 =	sor.u32 $0x8000, s31;
	s10 =	smax.u32 s10, $0x1;
	s9 =	sadd.s32 $0xF000, s6  }
.LBB2_1:
0xf: {  	[tilespmem:s2], [sflag:$0x7] =	stream.linear.gather [hbm4b:s7+s2], $0x200, $0x38;
	[tilespmem:$0x18200] =	vst v63  }
0x10: {  	_ =	swait.ge [sflag:s11], $0x200  }
0x11: {  	p0 =	por $0x1, $0x1;
	[sflag:s11] =	ssyncset.done $0x0  }
0x12: {  	p1 =	por $0x1, $0x1;
	s23 =	simm.s32 $0x0;
	[sflag:s11] =	ssyncadd.s32 $0xFFFFFE00  }
.LBB2_2:
0x13: {  	s22 =	sshll.u32 s23, $0x4  }
0x14: {  	s22 =	sand.u32 $0x3FFFFFF0, s22  }
0x15: {  	v0 =	vld [tilespmem:s22+$0x0];
	_ =	sdelay $0x4  }
0x16: {  	v1 =	vnsel vm0, $0xFFFFFFFF, v0  }
0x17: {  	v1 =	vxor.u32 $0x80000000, v1  }
0x18: {  	(xrf0) =	vmax.scan.msk.u32 $0xffff, v1;
	_ =	sdelay $0x3  }
0x19: {  	v34 =	vsel vm1, $0xFFFFFFFF, v0  }
0x1a: {  	v1 =	vxor.u32 $0x80000000, v34  }
0x1b: {  	(xrf0) =	vmax.scan.msk.u32 $0xffff, v1;
	v35, _, _ =	vpop (xrf0)  }
0x1c: {  	v36 =	vsel vm2, $0xFFFFFFFF, v0;
	(v2sf) =	vpush v35, $0xF  }
0x1d: {  	v1 =	vxor.u32 $0x80000000, v36  }
0x1e: {  	(xrf0) =	vmax.scan.msk.u32 $0xffff, v1;
	_ =	sdelay $0x2  }
0x1f: {  	v37, _, _ =	vpop (xrf0)  }
0x20: {  	v38 =	vsel vm3, $0xFFFFFFFF, v0;
	(v2sf) =	vpush v37, $0xF  }
0x21: {  	v1 =	vxor.u32 $0x80000000, v38  }
0x22: {  	(xrf0) =	vmax.scan.msk.u32 $0xffff, v1;
	v39, _, _ =	vpop (xrf0)  }
0x23: {  	(v2sf) =	vpush v39, $0xF;
	_ =	sdelay $0x2  }
0x24: {  	v40 =	vsel vm4, $0xFFFFFFFF, v0  }
0x25: {  	v1 =	vxor.u32 $0x80000000, v40  }
0x26: {  	(xrf0) =	vmax.scan.msk.u32 $0xffff, v1;
	v41, _, _ =	vpop (xrf0)  }
0x27: {  	v42 =	vsel vm5, $0xFFFFFFFF, v0;
	s31 =	spop (v2sf);
	(v2sf) =	vpush v41, $0xF  }
0x28: {  	v1 =	vxor.u32 $0x80000000, v42  }
0x29: {  	s24 =	sshll.u32 s23, $0xE;
	(xrf0) =	vmax.scan.msk.u32 $0xffff, v1;
	s22 =	sshll.u32 s31, $0x7  }
0x2a: {  	s23 =	sand.u32 $0x3FFFC000, s24;
	s22 =	sand.u32 $0x1FFFFF80, s22  }
0x2b: {  	s24 =	sor.u32 $0x200, s23;
	s25 =	sadd.s32 s3, s22;
	s22 =	simm.s32 $0x0  }
0x2c: {  	v43, _, _ =	vpop (xrf0);
	[tilespmem:s24], [sflag:$0x1] =	stream.linear.gather [hbm4b:s25+s22], $0x400, $0x38;
	[tilespmem:$0x18200] =	vst v63  }
0x2d: {  	v44 =	vsel vm6, $0xFFFFFFFF, v0;
	s25 =	spop (v2sf);
	(v2sf) =	vpush v43, $0xF  }
0x2e: {  	v1 =	vxor.u32 $0x80000000, v44  }
0x2f: {  	(xrf0) =	vmax.scan.msk.u32 $0xffff, v1;
	v45, _, _ =	vpop (xrf0)  }
0x30: {  	s28 =	spop (v2sf);
	(v2sf) =	vpush v45, $0xF;
	_ =	sdelay $0x2  }
0x31: {  	v46 =	vsel vm7, $0xFFFFFFFF, v0  }
0x32: {  	v1 =	vxor.u32 $0x80000000, v46  }
0x33: {  	(xrf0) =	vmax.scan.msk.u32 $0xffff, v1;
	v47, _, _ =	vpop (xrf0)  }
0x34: {  	v48 =	vsel vm8, $0xFFFFFFFF, v0;
	s30 =	spop (v2sf);
	(v2sf) =	vpush v47, $0xF  }
0x35: {  	v1 =	vxor.u32 $0x80000000, v48;
	s24 =	sshll.u32 s25, $0x7  }
0x36: {  	(xrf0) =	vmax.scan.msk.u32 $0xffff, v1;
	s24 =	sand.u32 $0x1FFFFF80, s24  }
0x37: {  	s26 =	sor.u32 $0x600, s23;
	s24 =	sadd.s32 s3, s24  }
0x38: {  	[tilespmem:s26], [sflag:$0x1] =	stream.linear.gather [hbm4b:s24+s22], $0x400, $0x38;
	[tilespmem:$0x18200] =	vst v63  }
0x39: {  	v50 =	vsel vm9, $0xFFFFFFFF, v0;
	v49, _, _ =	vpop (xrf0);
	s24 =	sshll.u32 s28, $0x7  }
0x3a: {  	v1 =	vxor.u32 $0x80000000, v50;
	s24 =	sand.u32 $0x1FFFFF80, s24;
	s25 =	spop (v2sf);
	(v2sf) =	vpush v49, $0xF  }
0x3b: {  	s29 =	sor.u32 $0xA00, s23;
	(xrf0) =	vmax.scan.msk.u32 $0xffff, v1;
	s24 =	sadd.s32 s3, s24  }
0x3c: {  	v51, _, _ =	vpop (xrf0);
	[tilespmem:s29], [sflag:$0x1] =	stream.linear.gather [hbm4b:s24+s22], $0x400, $0x38;
	[tilespmem:$0x18200] =	vst v63  }
0x3d: {  	s24 =	sshll.u32 s30, $0x7;
	s28 =	spop (v2sf);
	(v2sf) =	vpush v51, $0xF  }
0x3e: {  	s24 =	sand.u32 $0x1FFFFF80, s24  }
0x3f: {  	s31 =	sor.u32 $0xE00, s23;
	s24 =	sadd.s32 s3, s24  }
0x40: {  	v52 =	vsel vm10, $0xFFFFFFFF, v0;
	[tilespmem:s31], [sflag:$0x1] =	stream.linear.gather [hbm4b:s24+s22], $0x400, $0x38;
	[tilespmem:$0x18200] =	vst v63  }
0x41: {  	v1 =	vxor.u32 $0x80000000, v52;
	s24 =	sshll.u32 s25, $0x7  }
0x42: {  	(xrf0) =	vmax.scan.msk.u32 $0xffff, v1;
	v53, _, _ =	vpop (xrf0);
	s24 =	sand.u32 $0x1FFFFF80, s24  }
0x43: {  	v54 =	vsel vm11, $0xFFFFFFFF, v0;
	s26 =	sor.u32 $0x1200, s23;
	s24 =	sadd.s32 s3, s24;
	s30 =	spop (v2sf);
	(v2sf) =	vpush v53, $0xF  }
0x44: {  	v1 =	vxor.u32 $0x80000000, v54;
	[tilespmem:s26], [sflag:$0x1] =	stream.linear.gather [hbm4b:s24+s22], $0x400, $0x38;
	[tilespmem:$0x18200] =	vst v63  }
0x45: {  	(xrf0) =	vmax.scan.msk.u32 $0xffff, v1;
	s24 =	sshll.u32 s28, $0x7  }
0x46: {  	s24 =	sand.u32 $0x1FFFFF80, s24  }
0x47: {  	s29 =	sor.u32 $0x1600, s23;
	s24 =	sadd.s32 s3, s24  }
0x48: {  	v55, _, _ =	vpop (xrf0);
	[tilespmem:s29], [sflag:$0x1] =	stream.linear.gather [hbm4b:s24+s22], $0x400, $0x38;
	[tilespmem:$0x18200] =	vst v63  }
0x49: {  	v56 =	vsel vm12, $0xFFFFFFFF, v0;
	s25 =	spop (v2sf);
	(v2sf) =	vpush v55, $0xF  }
0x4a: {  	v1 =	vxor.u32 $0x80000000, v56;
	s24 =	sshll.u32 s30, $0x7  }
0x4b: {  	(xrf0) =	vmax.scan.msk.u32 $0xffff, v1;
	v57, _, _ =	vpop (xrf0);
	s24 =	sand.u32 $0x1FFFFF80, s24  }
0x4c: {  	s31 =	sor.u32 $0x1A00, s23;
	s24 =	sadd.s32 s3, s24;
	s28 =	spop (v2sf);
	(v2sf) =	vpush v57, $0xF  }
0x4d: {  	[tilespmem:s31], [sflag:$0x1] =	stream.linear.gather [hbm4b:s24+s22], $0x400, $0x38;
	[tilespmem:$0x18200] =	vst v63  }
0x4e: {  	v58 =	vsel vm13, $0xFFFFFFFF, v0;
	s24 =	sshll.u32 s25, $0x7  }
0x4f: {  	v1 =	vxor.u32 $0x80000000, v58;
	s24 =	sand.u32 $0x1FFFFF80, s24  }
0x50: {  	(xrf0) =	vmax.scan.msk.u32 $0xffff, v1;
	s26 =	sor.u32 $0x1E00, s23;
	s24 =	sadd.s32 s3, s24  }
0x51: {  	v59, _, _ =	vpop (xrf0);
	[tilespmem:s26], [sflag:$0x1] =	stream.linear.gather [hbm4b:s24+s22], $0x400, $0x38;
	[tilespmem:$0x18200] =	vst v63  }
0x52: {  	v60 =	vsel vm14, $0xFFFFFFFF, v0;
	s30 =	spop (v2sf);
	(v2sf) =	vpush v59, $0xF  }
0x53: {  	v1 =	vxor.u32 $0x80000000, v60;
	s24 =	sshll.u32 s28, $0x7  }
0x54: {  	(xrf0) =	vmax.scan.msk.u32 $0xffff, v1;
	s24 =	sand.u32 $0x1FFFFF80, s24  }
0x55: {  	s29 =	sor.u32 $0x2200, s23;
	s24 =	sadd.s32 s3, s24  }
0x56: {  	[tilespmem:s29], [sflag:$0x1] =	stream.linear.gather [hbm4b:s24+s22], $0x400, $0x38;
	[tilespmem:$0x18200] =	vst v63  }
0x57: {  	v0 =	vsel vm15, $0xFFFFFFFF, v0;
	v61, _, _ =	vpop (xrf0);
	s24 =	sshll.u32 s30, $0x7  }
0x58: {  	v0 =	vxor.u32 $0x80000000, v0;
	s24 =	sand.u32 $0x1FFFFF80, s24;
	s25 =	spop (v2sf);
	(v2sf) =	vpush v61, $0xF  }
0x59: {  	(xrf0) =	vmax.scan.msk.u32 $0xffff, v0;
	s31 =	sor.u32 $0x2600, s23;
	s24 =	sadd.s32 s3, s24  }
0x5a: {  	v62, _, _ =	vpop (xrf0);
	[tilespmem:s31], [sflag:$0x1] =	stream.linear.gather [hbm4b:s24+s22], $0x400, $0x38;
	[tilespmem:$0x18200] =	vst v63  }
0x5b: {  	s24 =	sshll.u32 s25, $0x7;
	s28 =	spop (v2sf);
	(v2sf) =	vpush v62, $0xF  }
0x5c: {  	s24 =	sand.u32 $0x1FFFFF80, s24  }
0x5d: {  	s26 =	sor.u32 $0x2A00, s23;
	s24 =	sadd.s32 s3, s24  }
0x5e: {  	[tilespmem:s26], [sflag:$0x1] =	stream.linear.gather [hbm4b:s24+s22], $0x400, $0x38;
	[tilespmem:$0x18200] =	vst v63  }
0x5f: {  	s24 =	sshll.u32 s28, $0x7  }
0x60: {  	v63, _, _ =	vpop (xrf0);
	s24 =	sand.u32 $0x1FFFFF80, s24  }
0x61: {  	s29 =	sor.u32 $0x2E00, s23;
	s24 =	sadd.s32 s3, s24;
	s30 =	spop (v2sf);
	(v2sf) =	vpush v63, $0xF  }
0x62: {  	[tilespmem:s29], [sflag:$0x1] =	stream.linear.gather [hbm4b:s24+s22], $0x400, $0x38;
	[tilespmem:$0x18200] =	vst v63  }
0x63: {  	s24 =	sshll.u32 s30, $0x7  }
0x64: {  	s24 =	sand.u32 $0x1FFFFF80, s24  }
0x65: {  	s31 =	sor.u32 $0x3200, s23;
	s24 =	sadd.s32 s3, s24  }
0x66: {  	[tilespmem:s31], [sflag:$0x1] =	stream.linear.gather [hbm4b:s24+s22], $0x400, $0x38;
	[tilespmem:$0x18200] =	vst v63  }
0x67: {  	s26 =	spop (v2sf)  }
0x68: {  	s24 =	sshll.u32 s26, $0x7  }
0x69: {  	s24 =	sand.u32 $0x1FFFFF80, s24  }
0x6a: {  	s28 =	sor.u32 $0x3600, s23;
	s29 =	spop (v2sf);
	s24 =	sadd.s32 s3, s24  }
0x6b: {  	[tilespmem:s28], [sflag:$0x1] =	stream.linear.gather [hbm4b:s24+s22], $0x400, $0x38;
	[tilespmem:$0x18200] =	vst v63  }
0x6c: {  	s24 =	sshll.u32 s29, $0x7  }
0x6d: {  	s24 =	sand.u32 $0x1FFFFF80, s24  }
0x6e: {  	s30 =	sor.u32 $0x3A00, s23;
	s24 =	sadd.s32 s3, s24  }
0x6f: {  	[tilespmem:s30], [sflag:$0x1] =	stream.linear.gather [hbm4b:s24+s22], $0x400, $0x38;
	[tilespmem:$0x18200] =	vst v63  }
0x70: {  	p2 =	por p1, p1;
	s31 =	spop (v2sf)  }
.Ltmp0:
0x71: {  	s24 =	sshll.u32 s31, $0x7;
	(pc) =	sbr.rel @p2 .LBB2_2-.Ltmp0, $4  }
0x72: {  	s24 =	sand.u32 $0x1FFFFF80, s24  }
0x73: {  	s23 =	sor.u32 $0x3E00, s23;
	s24 =	sadd.s32 s3, s24  }
0x74: {  	[tilespmem:s23], [sflag:$0x1] =	stream.linear.gather [hbm4b:s24+s22], $0x400, $0x38;
	[tilespmem:$0x18200] =	vst v63  }
0x75: {  	p1 =	por $0x0, $0x0;
	s23 =	simm.s32 $0x1  }
0x76: {  	s23 =	simm.s32 $0x0  }
.LBB2_4:
0x77: {  	s24 =	sshll.u32 s23, $0x4  }
0x78: {  	s24 =	sand.u32 $0x3FFFFFF0, s24  }
0x79: {  	v0 =	vld [tilespmem:s24+$0x20];
	_ =	sdelay $0x4  }
0x7a: {  	v1 =	vnsel vm0, $0xFFFFFFFF, v0  }
0x7b: {  	v1 =	vxor.u32 $0x80000000, v1  }
0x7c: {  	(xrf0) =	vmax.scan.msk.u32 $0xffff, v1;
	_ =	sdelay $0x3  }
0x7d: {  	v34 =	vsel vm1, $0xFFFFFFFF, v0  }
0x7e: {  	v1 =	vxor.u32 $0x80000000, v34  }
0x7f: {  	(xrf0) =	vmax.scan.msk.u32 $0xffff, v1;
	v35, _, _ =	vpop (xrf0)  }
0x80: {  	v36 =	vsel vm2, $0xFFFFFFFF, v0;
	(v2sf) =	vpush v35, $0xF  }
0x81: {  	v1 =	vxor.u32 $0x80000000, v36  }
0x82: {  	(xrf0) =	vmax.scan.msk.u32 $0xffff, v1;
	_ =	sdelay $0x2  }
0x83: {  	v37, _, _ =	vpop (xrf0)  }
0x84: {  	v38 =	vsel vm3, $0xFFFFFFFF, v0;
	(v2sf) =	vpush v37, $0xF  }
0x85: {  	v1 =	vxor.u32 $0x80000000, v38  }
0x86: {  	(xrf0) =	vmax.scan.msk.u32 $0xffff, v1;
	v39, _, _ =	vpop (xrf0)  }
0x87: {  	(v2sf) =	vpush v39, $0xF;
	_ =	sdelay $0x2  }
0x88: {  	v40 =	vsel vm4, $0xFFFFFFFF, v0  }
0x89: {  	v1 =	vxor.u32 $0x80000000, v40  }
0x8a: {  	(xrf0) =	vmax.scan.msk.u32 $0xffff, v1;
	v41, _, _ =	vpop (xrf0)  }
0x8b: {  	v42 =	vsel vm5, $0xFFFFFFFF, v0;
	s30 =	spop (v2sf);
	(v2sf) =	vpush v41, $0xF  }
0x8c: {  	v1 =	vxor.u32 $0x80000000, v42  }
0x8d: {  	s31 =	sshll.u32 s23, $0xE;
	(xrf0) =	vmax.scan.msk.u32 $0xffff, v1;
	s24 =	sshll.u32 s30, $0x7  }
0x8e: {  	s23 =	sand.u32 $0x3FFFC000, s31;
	s24 =	sand.u32 $0x1FFFFF80, s24  }
0x8f: {  	s25 =	sadd.s32 $0x8200, s23;
	s24 =	sadd.s32 s3, s24  }
0x90: {  	v43, _, _ =	vpop (xrf0);
	[tilespmem:s25], [sflag:$0x2] =	stream.linear.gather [hbm4b:s24+s22], $0x400, $0x38;
	[tilespmem:$0x18200] =	vst v63  }
0x91: {  	v44 =	vsel vm6, $0xFFFFFFFF, v0;
	s25 =	spop (v2sf);
	(v2sf) =	vpush v43, $0xF  }
0x92: {  	v1 =	vxor.u32 $0x80000000, v44  }
0x93: {  	(xrf0) =	vmax.scan.msk.u32 $0xffff, v1;
	v45, _, _ =	vpop (xrf0)  }
0x94: {  	s28 =	spop (v2sf);
	(v2sf) =	vpush v45, $0xF;
	_ =	sdelay $0x2  }
0x95: {  	v46 =	vsel vm7, $0xFFFFFFFF, v0  }
0x96: {  	v1 =	vxor.u32 $0x80000000, v46  }
0x97: {  	(xrf0) =	vmax.scan.msk.u32 $0xffff, v1;
	v47, _, _ =	vpop (xrf0)  }
0x98: {  	v48 =	vsel vm8, $0xFFFFFFFF, v0;
	s30 =	spop (v2sf);
	(v2sf) =	vpush v47, $0xF  }
0x99: {  	v1 =	vxor.u32 $0x80000000, v48;
	s24 =	sshll.u32 s25, $0x7  }
0x9a: {  	(xrf0) =	vmax.scan.msk.u32 $0xffff, v1;
	s24 =	sand.u32 $0x1FFFFF80, s24  }
0x9b: {  	s26 =	sadd.s32 $0x8600, s23;
	s24 =	sadd.s32 s3, s24  }
0x9c: {  	[tilespmem:s26], [sflag:$0x2] =	stream.linear.gather [hbm4b:s24+s22], $0x400, $0x38;
	[tilespmem:$0x18200] =	vst v63  }
0x9d: {  	v50 =	vsel vm9, $0xFFFFFFFF, v0;
	v49, _, _ =	vpop (xrf0);
	s24 =	sshll.u32 s28, $0x7  }
0x9e: {  	v1 =	vxor.u32 $0x80000000, v50;
	s24 =	sand.u32 $0x1FFFFF80, s24;
	s25 =	spop (v2sf);
	(v2sf) =	vpush v49, $0xF  }
0x9f: {  	s29 =	sadd.s32 $0x8A00, s23;
	(xrf0) =	vmax.scan.msk.u32 $0xffff, v1;
	s24 =	sadd.s32 s3, s24  }
0xa0: {  	v51, _, _ =	vpop (xrf0);
	[tilespmem:s29], [sflag:$0x2] =	stream.linear.gather [hbm4b:s24+s22], $0x400, $0x38;
	[tilespmem:$0x18200] =	vst v63  }
0xa1: {  	s24 =	sshll.u32 s30, $0x7;
	s28 =	spop (v2sf);
	(v2sf) =	vpush v51, $0xF  }
0xa2: {  	s24 =	sand.u32 $0x1FFFFF80, s24  }
0xa3: {  	s31 =	sadd.s32 $0x8E00, s23;
	s24 =	sadd.s32 s3, s24  }
0xa4: {  	v52 =	vsel vm10, $0xFFFFFFFF, v0;
	[tilespmem:s31], [sflag:$0x2] =	stream.linear.gather [hbm4b:s24+s22], $0x400, $0x38;
	[tilespmem:$0x18200] =	vst v63  }
0xa5: {  	v1 =	vxor.u32 $0x80000000, v52;
	s24 =	sshll.u32 s25, $0x7  }
0xa6: {  	(xrf0) =	vmax.scan.msk.u32 $0xffff, v1;
	v53, _, _ =	vpop (xrf0);
	s24 =	sand.u32 $0x1FFFFF80, s24  }
0xa7: {  	v54 =	vsel vm11, $0xFFFFFFFF, v0;
	s26 =	sadd.s32 $0x9200, s23;
	s24 =	sadd.s32 s3, s24;
	s30 =	spop (v2sf);
	(v2sf) =	vpush v53, $0xF  }
0xa8: {  	v1 =	vxor.u32 $0x80000000, v54;
	[tilespmem:s26], [sflag:$0x2] =	stream.linear.gather [hbm4b:s24+s22], $0x400, $0x38;
	[tilespmem:$0x18200] =	vst v63  }
0xa9: {  	(xrf0) =	vmax.scan.msk.u32 $0xffff, v1;
	s24 =	sshll.u32 s28, $0x7  }
0xaa: {  	s24 =	sand.u32 $0x1FFFFF80, s24  }
0xab: {  	s29 =	sadd.s32 $0x9600, s23;
	s24 =	sadd.s32 s3, s24  }
0xac: {  	v55, _, _ =	vpop (xrf0);
	[tilespmem:s29], [sflag:$0x2] =	stream.linear.gather [hbm4b:s24+s22], $0x400, $0x38;
	[tilespmem:$0x18200] =	vst v63  }
0xad: {  	v56 =	vsel vm12, $0xFFFFFFFF, v0;
	s25 =	spop (v2sf);
	(v2sf) =	vpush v55, $0xF  }
0xae: {  	v1 =	vxor.u32 $0x80000000, v56;
	s24 =	sshll.u32 s30, $0x7  }
0xaf: {  	(xrf0) =	vmax.scan.msk.u32 $0xffff, v1;
	v57, _, _ =	vpop (xrf0);
	s24 =	sand.u32 $0x1FFFFF80, s24  }
0xb0: {  	s31 =	sadd.s32 $0x9A00, s23;
	s24 =	sadd.s32 s3, s24;
	s28 =	spop (v2sf);
	(v2sf) =	vpush v57, $0xF  }
0xb1: {  	[tilespmem:s31], [sflag:$0x2] =	stream.linear.gather [hbm4b:s24+s22], $0x400, $0x38;
	[tilespmem:$0x18200] =	vst v63  }
0xb2: {  	v58 =	vsel vm13, $0xFFFFFFFF, v0;
	s24 =	sshll.u32 s25, $0x7  }
0xb3: {  	v1 =	vxor.u32 $0x80000000, v58;
	s24 =	sand.u32 $0x1FFFFF80, s24  }
0xb4: {  	(xrf0) =	vmax.scan.msk.u32 $0xffff, v1;
	s26 =	sadd.s32 $0x9E00, s23;
	s24 =	sadd.s32 s3, s24  }
0xb5: {  	v59, _, _ =	vpop (xrf0);
	[tilespmem:s26], [sflag:$0x2] =	stream.linear.gather [hbm4b:s24+s22], $0x400, $0x38;
	[tilespmem:$0x18200] =	vst v63  }
0xb6: {  	v60 =	vsel vm14, $0xFFFFFFFF, v0;
	s30 =	spop (v2sf);
	(v2sf) =	vpush v59, $0xF  }
0xb7: {  	v1 =	vxor.u32 $0x80000000, v60;
	s24 =	sshll.u32 s28, $0x7  }
0xb8: {  	(xrf0) =	vmax.scan.msk.u32 $0xffff, v1;
	s24 =	sand.u32 $0x1FFFFF80, s24  }
0xb9: {  	s29 =	sadd.s32 $0xA200, s23;
	s24 =	sadd.s32 s3, s24  }
0xba: {  	[tilespmem:s29], [sflag:$0x2] =	stream.linear.gather [hbm4b:s24+s22], $0x400, $0x38;
	[tilespmem:$0x18200] =	vst v63  }
0xbb: {  	v0 =	vsel vm15, $0xFFFFFFFF, v0;
	v61, _, _ =	vpop (xrf0);
	s24 =	sshll.u32 s30, $0x7  }
0xbc: {  	v0 =	vxor.u32 $0x80000000, v0;
	s24 =	sand.u32 $0x1FFFFF80, s24;
	s25 =	spop (v2sf);
	(v2sf) =	vpush v61, $0xF  }
0xbd: {  	(xrf0) =	vmax.scan.msk.u32 $0xffff, v0;
	s31 =	sadd.s32 $0xA600, s23;
	s24 =	sadd.s32 s3, s24  }
0xbe: {  	v62, _, _ =	vpop (xrf0);
	[tilespmem:s31], [sflag:$0x2] =	stream.linear.gather [hbm4b:s24+s22], $0x400, $0x38;
	[tilespmem:$0x18200] =	vst v63  }
0xbf: {  	s24 =	sshll.u32 s25, $0x7;
	s28 =	spop (v2sf);
	(v2sf) =	vpush v62, $0xF  }
0xc0: {  	s24 =	sand.u32 $0x1FFFFF80, s24  }
0xc1: {  	s26 =	sadd.s32 $0xAA00, s23;
	s24 =	sadd.s32 s3, s24  }
0xc2: {  	[tilespmem:s26], [sflag:$0x2] =	stream.linear.gather [hbm4b:s24+s22], $0x400, $0x38;
	[tilespmem:$0x18200] =	vst v63  }
0xc3: {  	s24 =	sshll.u32 s28, $0x7  }
0xc4: {  	v63, _, _ =	vpop (xrf0);
	s24 =	sand.u32 $0x1FFFFF80, s24  }
0xc5: {  	s29 =	sadd.s32 $0xAE00, s23;
	s24 =	sadd.s32 s3, s24;
	s30 =	spop (v2sf);
	(v2sf) =	vpush v63, $0xF  }
0xc6: {  	[tilespmem:s29], [sflag:$0x2] =	stream.linear.gather [hbm4b:s24+s22], $0x400, $0x38;
	[tilespmem:$0x18200] =	vst v63  }
0xc7: {  	s24 =	sshll.u32 s30, $0x7  }
0xc8: {  	s24 =	sand.u32 $0x1FFFFF80, s24  }
0xc9: {  	s31 =	sadd.s32 $0xB200, s23;
	s24 =	sadd.s32 s3, s24  }
0xca: {  	[tilespmem:s31], [sflag:$0x2] =	stream.linear.gather [hbm4b:s24+s22], $0x400, $0x38;
	[tilespmem:$0x18200] =	vst v63  }
0xcb: {  	s26 =	spop (v2sf)  }
0xcc: {  	s24 =	sshll.u32 s26, $0x7  }
0xcd: {  	s24 =	sand.u32 $0x1FFFFF80, s24  }
0xce: {  	s28 =	sadd.s32 $0xB600, s23;
	s29 =	spop (v2sf);
	s24 =	sadd.s32 s3, s24  }
0xcf: {  	[tilespmem:s28], [sflag:$0x2] =	stream.linear.gather [hbm4b:s24+s22], $0x400, $0x38;
	[tilespmem:$0x18200] =	vst v63  }
0xd0: {  	s24 =	sshll.u32 s29, $0x7  }
0xd1: {  	s24 =	sand.u32 $0x1FFFFF80, s24  }
0xd2: {  	s30 =	sadd.s32 $0xBA00, s23;
	s24 =	sadd.s32 s3, s24  }
0xd3: {  	[tilespmem:s30], [sflag:$0x2] =	stream.linear.gather [hbm4b:s24+s22], $0x400, $0x38;
	[tilespmem:$0x18200] =	vst v63  }
0xd4: {  	p1 =	por p0, p0;
	s31 =	spop (v2sf)  }
.Ltmp1:
0xd5: {  	s24 =	sshll.u32 s31, $0x7;
	(pc) =	sbr.rel @p1 .LBB2_4-.Ltmp1, $4  }
0xd6: {  	s24 =	sand.u32 $0x1FFFFF80, s24  }
0xd7: {  	s23 =	sadd.s32 $0xBE00, s23;
	s24 =	sadd.s32 s3, s24  }
0xd8: {  	[tilespmem:s23], [sflag:$0x2] =	stream.linear.gather [hbm4b:s24+s22], $0x400, $0x38;
	[tilespmem:$0x18200] =	vst v63  }
0xd9: {  	p0 =	por $0x0, $0x0;
	s23 =	simm.s32 $0x1  }
.Ltmp2:
0xda: {  	_ = 	snop;
	(pc) =	sbr.rel .LBB2_5-.Ltmp2, $1  }
0xdb: {  	_ =	sdelay $0x3  }
.LBB2_10:
0xdc: {  	s24 =	sadd.s32 $0x80, s24  }
0xdd: {  	_ =	swait.ge [sflag:s19], $0x8000;
	v0 =	vmov s24  }
0xde: {  	[sflag:s19] =	ssyncset.done $0x0  }
0xdf: {  	s23 =	simm.s32 $0x0;
	p0 =	por $0x1, $0x1;
	[sflag:s19] =	ssyncadd.s32 $0xFFFF8000  }
.LBB2_11:
0xe0: {  	s24 =	sshll.u32 s23, $0x4  }
0xe1: {  	s24 =	sand.u32 $0x3FFFFFF0, s24  }
0xe2: {  	v1 =	vld.idx.msk [tilespmem:v0+s24+$0x0 ss:$0x1], $0xffff;
	_ =	sdelay $0x4  }
0xe3: {  	v2 =	vnsel vm0, $0xFFFFFFFF, v1  }
0xe4: {  	v2 =	vxor.u32 $0x80000000, v2  }
0xe5: {  	(xrf0) =	vmax.scan.msk.u32 $0xffff, v2;
	_ =	sdelay $0x1  }
0xe6: {  	v2 =	vsel vm1, $0xFFFFFFFF, v1  }
0xe7: {  	v2 =	vxor.u32 $0x80000000, v2;
	_ =	sdelay $0x1  }
0xe8: {  	(xrf0) =	vmax.scan.msk.u32 $0xffff, v2  }
0xe9: {  	v2, _, _ =	vpop (xrf0)  }
0xea: {  	(v2sf) =	vpush v2, $0xF;
	v2 =	vsel vm2, $0xFFFFFFFF, v1  }
0xeb: {  	v2 =	vxor.u32 $0x80000000, v2;
	_ =	sdelay $0x1  }
0xec: {  	(xrf0) =	vmax.scan.msk.u32 $0xffff, v2  }
0xed: {  	v2, _, _ =	vpop (xrf0)  }
0xee: {  	(v2sf) =	vpush v2, $0xF;
	v2 =	vsel vm3, $0xFFFFFFFF, v1  }
0xef: {  	v2 =	vxor.u32 $0x80000000, v2;
	_ =	sdelay $0x1  }
0xf0: {  	(xrf0) =	vmax.scan.msk.u32 $0xffff, v2  }
0xf1: {  	v2, _, _ =	vpop (xrf0)  }
0xf2: {  	(v2sf) =	vpush v2, $0xF;
	v2 =	vsel vm4, $0xFFFFFFFF, v1  }
0xf3: {  	v2 =	vxor.u32 $0x80000000, v2;
	_ =	sdelay $0x1  }
0xf4: {  	(xrf0) =	vmax.scan.msk.u32 $0xffff, v2  }
0xf5: {  	v2, _, _ =	vpop (xrf0)  }
0xf6: {  	s30 =	spop (v2sf);
	(v2sf) =	vpush v2, $0xF;
	v2 =	vsel vm5, $0xFFFFFFFF, v1  }
0xf7: {  	s31 =	sshll.u32 s23, $0xE;
	s24 =	sshll.u32 s30, $0x7;
	v2 =	vxor.u32 $0x80000000, v2  }
0xf8: {  	s23 =	sand.u32 $0x3FFFC000, s31;
	s24 =	sand.u32 $0x1FFFFF80, s24  }
0xf9: {  	s25 =	sadd.s32 $0x8200, s23;
	(xrf0) =	vmax.scan.msk.u32 $0xffff, v2;
	s24 =	sadd.s32 s3, s24  }
0xfa: {  	[tilespmem:s25], [sflag:$0x2] =	stream.linear.gather [hbm4b:s24+s2], $0x400, $0x38;
	v2, _, _ =	vpop (xrf0);
	[tilespmem:$0x18200] =	vst v63  }
0xfb: {  	s25 =	spop (v2sf);
	(v2sf) =	vpush v2, $0xF;
	v2 =	vsel vm6, $0xFFFFFFFF, v1  }
0xfc: {  	s24 =	sshll.u32 s25, $0x7;
	v2 =	vxor.u32 $0x80000000, v2  }
0xfd: {  	s24 =	sand.u32 $0x1FFFFF80, s24  }
0xfe: {  	s26 =	sadd.s32 $0x8600, s23;
	(xrf0) =	vmax.scan.msk.u32 $0xffff, v2;
	s24 =	sadd.s32 s3, s24  }
0xff: {  	[tilespmem:s26], [sflag:$0x2] =	stream.linear.gather [hbm4b:s24+s2], $0x400, $0x38;
	v2, _, _ =	vpop (xrf0);
	[tilespmem:$0x18200] =	vst v63  }
0x100: {  	s28 =	spop (v2sf);
	(v2sf) =	vpush v2, $0xF;
	v2 =	vsel vm7, $0xFFFFFFFF, v1  }
0x101: {  	s24 =	sshll.u32 s28, $0x7;
	v2 =	vxor.u32 $0x80000000, v2  }
0x102: {  	s24 =	sand.u32 $0x1FFFFF80, s24  }
0x103: {  	s29 =	sadd.s32 $0x8A00, s23;
	(xrf0) =	vmax.scan.msk.u32 $0xffff, v2;
	s24 =	sadd.s32 s3, s24  }
0x104: {  	[tilespmem:s29], [sflag:$0x2] =	stream.linear.gather [hbm4b:s24+s2], $0x400, $0x38;
	v2, _, _ =	vpop (xrf0);
	[tilespmem:$0x18200] =	vst v63  }
0x105: {  	s30 =	spop (v2sf);
	(v2sf) =	vpush v2, $0xF;
	v2 =	vsel vm8, $0xFFFFFFFF, v1  }
0x106: {  	s24 =	sshll.u32 s30, $0x7;
	v2 =	vxor.u32 $0x80000000, v2  }
0x107: {  	s24 =	sand.u32 $0x1FFFFF80, s24  }
0x108: {  	s31 =	sadd.s32 $0x8E00, s23;
	(xrf0) =	vmax.scan.msk.u32 $0xffff, v2;
	s24 =	sadd.s32 s3, s24  }
0x109: {  	[tilespmem:s31], [sflag:$0x2] =	stream.linear.gather [hbm4b:s24+s2], $0x400, $0x38;
	v2, _, _ =	vpop (xrf0);
	[tilespmem:$0x18200] =	vst v63  }
0x10a: {  	s25 =	spop (v2sf);
	(v2sf) =	vpush v2, $0xF;
	v2 =	vsel vm9, $0xFFFFFFFF, v1  }
0x10b: {  	s24 =	sshll.u32 s25, $0x7;
	v2 =	vxor.u32 $0x80000000, v2  }
0x10c: {  	s24 =	sand.u32 $0x1FFFFF80, s24  }
0x10d: {  	s26 =	sadd.s32 $0x9200, s23;
	(xrf0) =	vmax.scan.msk.u32 $0xffff, v2;
	s24 =	sadd.s32 s3, s24  }
0x10e: {  	[tilespmem:s26], [sflag:$0x2] =	stream.linear.gather [hbm4b:s24+s2], $0x400, $0x38;
	v2, _, _ =	vpop (xrf0);
	[tilespmem:$0x18200] =	vst v63  }
0x10f: {  	s28 =	spop (v2sf);
	(v2sf) =	vpush v2, $0xF;
	v2 =	vsel vm10, $0xFFFFFFFF, v1  }
0x110: {  	s24 =	sshll.u32 s28, $0x7;
	v2 =	vxor.u32 $0x80000000, v2  }
0x111: {  	s24 =	sand.u32 $0x1FFFFF80, s24  }
0x112: {  	s29 =	sadd.s32 $0x9600, s23;
	(xrf0) =	vmax.scan.msk.u32 $0xffff, v2;
	s24 =	sadd.s32 s3, s24  }
0x113: {  	[tilespmem:s29], [sflag:$0x2] =	stream.linear.gather [hbm4b:s24+s2], $0x400, $0x38;
	v2, _, _ =	vpop (xrf0);
	[tilespmem:$0x18200] =	vst v63  }
0x114: {  	s30 =	spop (v2sf);
	(v2sf) =	vpush v2, $0xF;
	v2 =	vsel vm11, $0xFFFFFFFF, v1  }
0x115: {  	s24 =	sshll.u32 s30, $0x7;
	v2 =	vxor.u32 $0x80000000, v2  }
0x116: {  	s24 =	sand.u32 $0x1FFFFF80, s24  }
0x117: {  	s31 =	sadd.s32 $0x9A00, s23;
	(xrf0) =	vmax.scan.msk.u32 $0xffff, v2;
	s24 =	sadd.s32 s3, s24  }
0x118: {  	[tilespmem:s31], [sflag:$0x2] =	stream.linear.gather [hbm4b:s24+s2], $0x400, $0x38;
	v2, _, _ =	vpop (xrf0);
	[tilespmem:$0x18200] =	vst v63  }
0x119: {  	s25 =	spop (v2sf);
	(v2sf) =	vpush v2, $0xF;
	v2 =	vsel vm12, $0xFFFFFFFF, v1  }
0x11a: {  	s24 =	sshll.u32 s25, $0x7;
	v2 =	vxor.u32 $0x80000000, v2  }
0x11b: {  	s24 =	sand.u32 $0x1FFFFF80, s24  }
0x11c: {  	s26 =	sadd.s32 $0x9E00, s23;
	(xrf0) =	vmax.scan.msk.u32 $0xffff, v2;
	s24 =	sadd.s32 s3, s24  }
0x11d: {  	[tilespmem:s26], [sflag:$0x2] =	stream.linear.gather [hbm4b:s24+s2], $0x400, $0x38;
	v2, _, _ =	vpop (xrf0);
	[tilespmem:$0x18200] =	vst v63  }
0x11e: {  	s28 =	spop (v2sf);
	(v2sf) =	vpush v2, $0xF;
	v2 =	vsel vm13, $0xFFFFFFFF, v1  }
0x11f: {  	s24 =	sshll.u32 s28, $0x7;
	v2 =	vxor.u32 $0x80000000, v2  }
0x120: {  	s24 =	sand.u32 $0x1FFFFF80, s24  }
0x121: {  	s29 =	sadd.s32 $0xA200, s23;
	(xrf0) =	vmax.scan.msk.u32 $0xffff, v2;
	s24 =	sadd.s32 s3, s24  }
0x122: {  	[tilespmem:s29], [sflag:$0x2] =	stream.linear.gather [hbm4b:s24+s2], $0x400, $0x38;
	v2, _, _ =	vpop (xrf0);
	[tilespmem:$0x18200] =	vst v63  }
0x123: {  	s30 =	spop (v2sf);
	(v2sf) =	vpush v2, $0xF;
	v2 =	vsel vm14, $0xFFFFFFFF, v1  }
0x124: {  	s24 =	sshll.u32 s30, $0x7;
	v2 =	vxor.u32 $0x80000000, v2  }
0x125: {  	s24 =	sand.u32 $0x1FFFFF80, s24  }
0x126: {  	s31 =	sadd.s32 $0xA600, s23;
	(xrf0) =	vmax.scan.msk.u32 $0xffff, v2;
	s24 =	sadd.s32 s3, s24  }
0x127: {  	[tilespmem:s31], [sflag:$0x2] =	stream.linear.gather [hbm4b:s24+s2], $0x400, $0x38;
	v2, _, _ =	vpop (xrf0);
	[tilespmem:$0x18200] =	vst v63  }
0x128: {  	v1 =	vsel vm15, $0xFFFFFFFF, v1;
	s25 =	spop (v2sf);
	(v2sf) =	vpush v2, $0xF  }
0x129: {  	v1 =	vxor.u32 $0x80000000, v1;
	s24 =	sshll.u32 s25, $0x7  }
0x12a: {  	s24 =	sand.u32 $0x1FFFFF80, s24  }
0x12b: {  	s26 =	sadd.s32 $0xAA00, s23;
	(xrf0) =	vmax.scan.msk.u32 $0xffff, v1;
	s24 =	sadd.s32 s3, s24  }
0x12c: {  	v1, _, _ =	vpop (xrf0);
	[tilespmem:s26], [sflag:$0x2] =	stream.linear.gather [hbm4b:s24+s2], $0x400, $0x38;
	[tilespmem:$0x18200] =	vst v63  }
0x12d: {  	s28 =	spop (v2sf);
	(v2sf) =	vpush v1, $0xF  }
0x12e: {  	s24 =	sshll.u32 s28, $0x7  }
0x12f: {  	s24 =	sand.u32 $0x1FFFFF80, s24  }
0x130: {  	s29 =	sadd.s32 $0xAE00, s23;
	s24 =	sadd.s32 s3, s24  }
0x131: {  	v1, _, _ =	vpop (xrf0);
	[tilespmem:s29], [sflag:$0x2] =	stream.linear.gather [hbm4b:s24+s2], $0x400, $0x38;
	[tilespmem:$0x18200] =	vst v63  }
0x132: {  	s30 =	spop (v2sf);
	(v2sf) =	vpush v1, $0xF  }
0x133: {  	s24 =	sshll.u32 s30, $0x7  }
0x134: {  	s24 =	sand.u32 $0x1FFFFF80, s24  }
0x135: {  	s31 =	sadd.s32 $0xB200, s23;
	s24 =	sadd.s32 s3, s24  }
0x136: {  	[tilespmem:s31], [sflag:$0x2] =	stream.linear.gather [hbm4b:s24+s2], $0x400, $0x38;
	[tilespmem:$0x18200] =	vst v63  }
0x137: {  	s26 =	spop (v2sf)  }
0x138: {  	s24 =	sshll.u32 s26, $0x7  }
0x139: {  	s24 =	sand.u32 $0x1FFFFF80, s24  }
0x13a: {  	s28 =	sadd.s32 $0xB600, s23;
	s24 =	sadd.s32 s3, s24  }
0x13b: {  	[tilespmem:s28], [sflag:$0x2] =	stream.linear.gather [hbm4b:s24+s2], $0x400, $0x38;
	[tilespmem:$0x18200] =	vst v63  }
0x13c: {  	s29 =	spop (v2sf)  }
0x13d: {  	s24 =	sshll.u32 s29, $0x7  }
0x13e: {  	s24 =	sand.u32 $0x1FFFFF80, s24  }
0x13f: {  	s30 =	sadd.s32 $0xBA00, s23;
	s24 =	sadd.s32 s3, s24  }
0x140: {  	[tilespmem:s30], [sflag:$0x2] =	stream.linear.gather [hbm4b:s24+s2], $0x400, $0x38;
	[tilespmem:$0x18200] =	vst v63  }
0x141: {  	p1 =	por p0, p0;
	s31 =	spop (v2sf)  }
.Ltmp3:
0x142: {  	s24 =	sshll.u32 s31, $0x7;
	(pc) =	sbr.rel @p1 .LBB2_11-.Ltmp3, $4  }
0x143: {  	s24 =	sand.u32 $0x1FFFFF80, s24  }
0x144: {  	s23 =	sadd.s32 $0xBE00, s23;
	s24 =	sadd.s32 s3, s24  }
0x145: {  	[tilespmem:s23], [sflag:$0x2] =	stream.linear.gather [hbm4b:s24+s2], $0x400, $0x38;
	[tilespmem:$0x18200] =	vst v63  }
0x146: {  	p0 =	por $0x0, $0x0;
	s23 =	simm.s32 $0x1  }
0x147: {  	s22 =	sadd.s32 $0x1, s22  }
.LBB2_5:
0x148: {  	s23 =	smul.u32 $0x60, s22;
	_ =	sdelay $0x1  }
0x149: {  	_ =	swait.ge [sflag:s12], $0x8000;
	s23 =	sadd.s32 s4, s23  }
0x14a: {  	[sflag:s12] =	ssyncset.done $0x0;
	s23 =	sshll.u32 s23, $0x7  }
0x14b: {  	s24 =	smul.u32 $0x3, s22;
	[sflag:s12] =	ssyncadd.s32 $0xFFFF8000;
	s23 =	sadd.s32 s5, s23  }
0x14c: {  	[hbm4b:s23+s2] =	stream.linear.scatter [tilespmem:s13], [sflag:$0x4], $0x8000, $0x38;
	[tilespmem:$0x18200] =	vst v63  }
0x14d: {  	s23 =	sadd.s32 $0x2, s24  }
0x14e: {  	p0 =	seq.s32 s22, $0x0;
	s25 =	sshll.u32 s23, $0x5  }
0x14f: {  	s24 =	simm.s32 @!p0 $0x6;
	s25 =	sand.u32 $0x3FFFFFE0, s25  }
0x150: {  	_ =	swait.ge @!p0 [sflag:s24], $0x8000;
	v0 =	vmov s25  }
0x151: {  	[sflag:s24] =	ssyncset.done @!p0 $0x0  }
0x152: {  	[sflag:s24] =	ssyncadd.s32 @!p0 $0xFFFF8000;
	s24 =	simm.s32 $0x0;
	p0 =	por $0x1, $0x1  }
.LBB2_6:
0x153: {  	s25 =	sshll.u32 s24, $0x4  }
0x154: {  	s25 =	sand.u32 $0x3FFFFFF0, s25  }
0x155: {  	v1 =	vld.idx.msk [tilespmem:v0+s25+$0x0 ss:$0x1], $0xffff;
	_ =	sdelay $0x4  }
0x156: {  	v2 =	vnsel vm0, $0xFFFFFFFF, v1  }
0x157: {  	v2 =	vxor.u32 $0x80000000, v2  }
0x158: {  	(xrf0) =	vmax.scan.msk.u32 $0xffff, v2;
	_ =	sdelay $0x1  }
0x159: {  	v2 =	vsel vm1, $0xFFFFFFFF, v1  }
0x15a: {  	v2 =	vxor.u32 $0x80000000, v2;
	_ =	sdelay $0x1  }
0x15b: {  	(xrf0) =	vmax.scan.msk.u32 $0xffff, v2  }
0x15c: {  	v2, _, _ =	vpop (xrf0)  }
0x15d: {  	(v2sf) =	vpush v2, $0xF;
	v2 =	vsel vm2, $0xFFFFFFFF, v1  }
0x15e: {  	v2 =	vxor.u32 $0x80000000, v2;
	_ =	sdelay $0x1  }
0x15f: {  	(xrf0) =	vmax.scan.msk.u32 $0xffff, v2  }
0x160: {  	v2, _, _ =	vpop (xrf0)  }
0x161: {  	(v2sf) =	vpush v2, $0xF;
	v2 =	vsel vm3, $0xFFFFFFFF, v1  }
0x162: {  	v2 =	vxor.u32 $0x80000000, v2;
	_ =	sdelay $0x1  }
0x163: {  	(xrf0) =	vmax.scan.msk.u32 $0xffff, v2  }
0x164: {  	v2, _, _ =	vpop (xrf0)  }
0x165: {  	(v2sf) =	vpush v2, $0xF;
	v2 =	vsel vm4, $0xFFFFFFFF, v1  }
0x166: {  	v2 =	vxor.u32 $0x80000000, v2;
	_ =	sdelay $0x1  }
0x167: {  	(xrf0) =	vmax.scan.msk.u32 $0xffff, v2  }
0x168: {  	v2, _, _ =	vpop (xrf0)  }
0x169: {  	s31 =	spop (v2sf);
	(v2sf) =	vpush v2, $0xF;
	v2 =	vsel vm5, $0xFFFFFFFF, v1  }
0x16a: {  	s26 =	sshll.u32 s24, $0xE;
	s25 =	sshll.u32 s31, $0x7;
	v2 =	vxor.u32 $0x80000000, v2  }
0x16b: {  	s24 =	sand.u32 $0x3FFFC000, s26;
	s25 =	sand.u32 $0x1FFFFF80, s25  }
0x16c: {  	s26 =	sadd.s32 $0x10200, s24;
	(xrf0) =	vmax.scan.msk.u32 $0xffff, v2;
	s25 =	sadd.s32 s3, s25  }
0x16d: {  	[tilespmem:s26], [sflag:$0x3] =	stream.linear.gather [hbm4b:s25+s2], $0x400, $0x38;
	v2, _, _ =	vpop (xrf0);
	[tilespmem:$0x18200] =	vst v63  }
0x16e: {  	s28 =	spop (v2sf);
	(v2sf) =	vpush v2, $0xF;
	v2 =	vsel vm6, $0xFFFFFFFF, v1  }
0x16f: {  	s25 =	sshll.u32 s28, $0x7;
	v2 =	vxor.u32 $0x80000000, v2  }
0x170: {  	s25 =	sand.u32 $0x1FFFFF80, s25  }
0x171: {  	s29 =	sadd.s32 $0x10600, s24;
	(xrf0) =	vmax.scan.msk.u32 $0xffff, v2;
	s25 =	sadd.s32 s3, s25  }
0x172: {  	[tilespmem:s29], [sflag:$0x3] =	stream.linear.gather [hbm4b:s25+s2], $0x400, $0x38;
	v2, _, _ =	vpop (xrf0);
	[tilespmem:$0x18200] =	vst v63  }
0x173: {  	s30 =	spop (v2sf);
	(v2sf) =	vpush v2, $0xF;
	v2 =	vsel vm7, $0xFFFFFFFF, v1  }
0x174: {  	s25 =	sshll.u32 s30, $0x7;
	v2 =	vxor.u32 $0x80000000, v2  }
0x175: {  	s25 =	sand.u32 $0x1FFFFF80, s25  }
0x176: {  	s31 =	sadd.s32 $0x10A00, s24;
	(xrf0) =	vmax.scan.msk.u32 $0xffff, v2;
	s25 =	sadd.s32 s3, s25  }
0x177: {  	[tilespmem:s31], [sflag:$0x3] =	stream.linear.gather [hbm4b:s25+s2], $0x400, $0x38;
	v2, _, _ =	vpop (xrf0);
	[tilespmem:$0x18200] =	vst v63  }
0x178: {  	s28 =	spop (v2sf);
	(v2sf) =	vpush v2, $0xF;
	v2 =	vsel vm8, $0xFFFFFFFF, v1  }
0x179: {  	s25 =	sshll.u32 s28, $0x7;
	v2 =	vxor.u32 $0x80000000, v2  }
0x17a: {  	s25 =	sand.u32 $0x1FFFFF80, s25  }
0x17b: {  	s29 =	sadd.s32 $0x10E00, s24;
	(xrf0) =	vmax.scan.msk.u32 $0xffff, v2;
	s25 =	sadd.s32 s3, s25  }
0x17c: {  	[tilespmem:s29], [sflag:$0x3] =	stream.linear.gather [hbm4b:s25+s2], $0x400, $0x38;
	v2, _, _ =	vpop (xrf0);
	[tilespmem:$0x18200] =	vst v63  }
0x17d: {  	s30 =	spop (v2sf);
	(v2sf) =	vpush v2, $0xF;
	v2 =	vsel vm9, $0xFFFFFFFF, v1  }
0x17e: {  	s25 =	sshll.u32 s30, $0x7;
	v2 =	vxor.u32 $0x80000000, v2  }
0x17f: {  	s25 =	sand.u32 $0x1FFFFF80, s25  }
0x180: {  	s31 =	sadd.s32 $0x11200, s24;
	(xrf0) =	vmax.scan.msk.u32 $0xffff, v2;
	s25 =	sadd.s32 s3, s25  }
0x181: {  	[tilespmem:s31], [sflag:$0x3] =	stream.linear.gather [hbm4b:s25+s2], $0x400, $0x38;
	v2, _, _ =	vpop (xrf0);
	[tilespmem:$0x18200] =	vst v63  }
0x182: {  	s28 =	spop (v2sf);
	(v2sf) =	vpush v2, $0xF;
	v2 =	vsel vm10, $0xFFFFFFFF, v1  }
0x183: {  	s25 =	sshll.u32 s28, $0x7;
	v2 =	vxor.u32 $0x80000000, v2  }
0x184: {  	s25 =	sand.u32 $0x1FFFFF80, s25  }
0x185: {  	s29 =	sadd.s32 $0x11600, s24;
	(xrf0) =	vmax.scan.msk.u32 $0xffff, v2;
	s25 =	sadd.s32 s3, s25  }
0x186: {  	[tilespmem:s29], [sflag:$0x3] =	stream.linear.gather [hbm4b:s25+s2], $0x400, $0x38;
	v2, _, _ =	vpop (xrf0);
	[tilespmem:$0x18200] =	vst v63  }
0x187: {  	s30 =	spop (v2sf);
	(v2sf) =	vpush v2, $0xF;
	v2 =	vsel vm11, $0xFFFFFFFF, v1  }
0x188: {  	s25 =	sshll.u32 s30, $0x7;
	v2 =	vxor.u32 $0x80000000, v2  }
0x189: {  	s25 =	sand.u32 $0x1FFFFF80, s25  }
0x18a: {  	s31 =	sadd.s32 $0x11A00, s24;
	(xrf0) =	vmax.scan.msk.u32 $0xffff, v2;
	s25 =	sadd.s32 s3, s25  }
0x18b: {  	[tilespmem:s31], [sflag:$0x3] =	stream.linear.gather [hbm4b:s25+s2], $0x400, $0x38;
	v2, _, _ =	vpop (xrf0);
	[tilespmem:$0x18200] =	vst v63  }
0x18c: {  	s28 =	spop (v2sf);
	(v2sf) =	vpush v2, $0xF;
	v2 =	vsel vm12, $0xFFFFFFFF, v1  }
0x18d: {  	s25 =	sshll.u32 s28, $0x7;
	v2 =	vxor.u32 $0x80000000, v2  }
0x18e: {  	s25 =	sand.u32 $0x1FFFFF80, s25  }
0x18f: {  	s29 =	sadd.s32 $0x11E00, s24;
	(xrf0) =	vmax.scan.msk.u32 $0xffff, v2;
	s25 =	sadd.s32 s3, s25  }
0x190: {  	[tilespmem:s29], [sflag:$0x3] =	stream.linear.gather [hbm4b:s25+s2], $0x400, $0x38;
	v2, _, _ =	vpop (xrf0);
	[tilespmem:$0x18200] =	vst v63  }
0x191: {  	s30 =	spop (v2sf);
	(v2sf) =	vpush v2, $0xF;
	v2 =	vsel vm13, $0xFFFFFFFF, v1  }
0x192: {  	s25 =	sshll.u32 s30, $0x7;
	v2 =	vxor.u32 $0x80000000, v2  }
0x193: {  	s25 =	sand.u32 $0x1FFFFF80, s25  }
0x194: {  	s31 =	sadd.s32 $0x12200, s24;
	(xrf0) =	vmax.scan.msk.u32 $0xffff, v2;
	s25 =	sadd.s32 s3, s25  }
0x195: {  	[tilespmem:s31], [sflag:$0x3] =	stream.linear.gather [hbm4b:s25+s2], $0x400, $0x38;
	v2, _, _ =	vpop (xrf0);
	[tilespmem:$0x18200] =	vst v63  }
0x196: {  	s28 =	spop (v2sf);
	(v2sf) =	vpush v2, $0xF;
	v2 =	vsel vm14, $0xFFFFFFFF, v1  }
0x197: {  	s25 =	sshll.u32 s28, $0x7;
	v2 =	vxor.u32 $0x80000000, v2  }
0x198: {  	s25 =	sand.u32 $0x1FFFFF80, s25  }
0x199: {  	s29 =	sadd.s32 $0x12600, s24;
	(xrf0) =	vmax.scan.msk.u32 $0xffff, v2;
	s25 =	sadd.s32 s3, s25  }
0x19a: {  	[tilespmem:s29], [sflag:$0x3] =	stream.linear.gather [hbm4b:s25+s2], $0x400, $0x38;
	v2, _, _ =	vpop (xrf0);
	[tilespmem:$0x18200] =	vst v63  }
0x19b: {  	v1 =	vsel vm15, $0xFFFFFFFF, v1;
	s30 =	spop (v2sf);
	(v2sf) =	vpush v2, $0xF  }
0x19c: {  	v1 =	vxor.u32 $0x80000000, v1;
	s25 =	sshll.u32 s30, $0x7  }
0x19d: {  	s25 =	sand.u32 $0x1FFFFF80, s25  }
0x19e: {  	s31 =	sadd.s32 $0x12A00, s24;
	(xrf0) =	vmax.scan.msk.u32 $0xffff, v1;
	s25 =	sadd.s32 s3, s25  }
0x19f: {  	v1, _, _ =	vpop (xrf0);
	[tilespmem:s31], [sflag:$0x3] =	stream.linear.gather [hbm4b:s25+s2], $0x400, $0x38;
	[tilespmem:$0x18200] =	vst v63  }
0x1a0: {  	s28 =	spop (v2sf);
	(v2sf) =	vpush v1, $0xF  }
0x1a1: {  	s25 =	sshll.u32 s28, $0x7  }
0x1a2: {  	s25 =	sand.u32 $0x1FFFFF80, s25  }
0x1a3: {  	s29 =	sadd.s32 $0x12E00, s24;
	s25 =	sadd.s32 s3, s25  }
0x1a4: {  	v1, _, _ =	vpop (xrf0);
	[tilespmem:s29], [sflag:$0x3] =	stream.linear.gather [hbm4b:s25+s2], $0x400, $0x38;
	[tilespmem:$0x18200] =	vst v63  }
0x1a5: {  	s30 =	spop (v2sf);
	(v2sf) =	vpush v1, $0xF  }
0x1a6: {  	s25 =	sshll.u32 s30, $0x7  }
0x1a7: {  	s25 =	sand.u32 $0x1FFFFF80, s25  }
0x1a8: {  	s31 =	sadd.s32 $0x13200, s24;
	s25 =	sadd.s32 s3, s25  }
0x1a9: {  	[tilespmem:s31], [sflag:$0x3] =	stream.linear.gather [hbm4b:s25+s2], $0x400, $0x38;
	[tilespmem:$0x18200] =	vst v63  }
0x1aa: {  	s26 =	spop (v2sf)  }
0x1ab: {  	s25 =	sshll.u32 s26, $0x7  }
0x1ac: {  	s25 =	sand.u32 $0x1FFFFF80, s25  }
0x1ad: {  	s28 =	sadd.s32 $0x13600, s24;
	s25 =	sadd.s32 s3, s25  }
0x1ae: {  	[tilespmem:s28], [sflag:$0x3] =	stream.linear.gather [hbm4b:s25+s2], $0x400, $0x38;
	[tilespmem:$0x18200] =	vst v63  }
0x1af: {  	s29 =	spop (v2sf)  }
0x1b0: {  	s25 =	sshll.u32 s29, $0x7  }
0x1b1: {  	s25 =	sand.u32 $0x1FFFFF80, s25  }
0x1b2: {  	s30 =	sadd.s32 $0x13A00, s24;
	s25 =	sadd.s32 s3, s25  }
0x1b3: {  	[tilespmem:s30], [sflag:$0x3] =	stream.linear.gather [hbm4b:s25+s2], $0x400, $0x38;
	[tilespmem:$0x18200] =	vst v63  }
0x1b4: {  	p1 =	por p0, p0;
	s31 =	spop (v2sf)  }
.Ltmp4:
0x1b5: {  	s25 =	sshll.u32 s31, $0x7;
	(pc) =	sbr.rel @p1 .LBB2_6-.Ltmp4, $4  }
0x1b6: {  	s25 =	sand.u32 $0x1FFFFF80, s25  }
0x1b7: {  	s24 =	sadd.s32 $0x13E00, s24;
	s25 =	sadd.s32 s3, s25  }
0x1b8: {  	[tilespmem:s24], [sflag:$0x3] =	stream.linear.gather [hbm4b:s25+s2], $0x400, $0x38;
	[tilespmem:$0x18200] =	vst v63  }
0x1b9: {  	p0 =	por $0x0, $0x0;
	s24 =	simm.s32 $0x1  }
0x1ba: {  	s24 =	smul.u32 $0x18000, s22;
	_ =	sdelay $0x1  }
0x1bb: {  	_ =	swait.ge [sflag:s14], $0x8000;
	s24 =	sadd.s32 s24, s8  }
0x1bc: {  	s25 =	simm.s32 $0x0;
	[sflag:s14] =	ssyncset.done $0x0;
	s24 =	sshrl.u32 s24, $0x3  }
0x1bd: {  	s26 =	smul.u32 $0x180, s22;
	[sflag:s14] =	ssyncadd.s32 $0xFFFF8000;
	s24 =	sadd.s32 s5, s24  }
0x1be: {  	[hbm4b:s24+s25] =	stream.linear.scatter [tilespmem:s15], [sflag:$0x5], $0x8000, $0x38;
	[tilespmem:$0x18200] =	vst v63  }
0x1bf: {  	s24 =	sshra.s32 s26, $0x2  }
0x1c0: {  	s26 =	sadd.s32 $0x60, s24  }
0x1c1: {  	_ =	swait.ge [sflag:s16], $0x8000;
	v0 =	vmov s26  }
0x1c2: {  	[sflag:s16] =	ssyncset.done $0x0  }
0x1c3: {  	p0 =	por $0x1, $0x1;
	[sflag:s16] =	ssyncadd.s32 $0xFFFF8000  }
.LBB2_8:
0x1c4: {  	s26 =	sshll.u32 s25, $0x4  }
0x1c5: {  	s26 =	sand.u32 $0x3FFFFFF0, s26  }
0x1c6: {  	v1 =	vld.idx.msk [tilespmem:v0+s26+$0x0 ss:$0x1], $0xffff;
	_ =	sdelay $0x4  }
0x1c7: {  	v2 =	vnsel vm0, $0xFFFFFFFF, v1  }
0x1c8: {  	v2 =	vxor.u32 $0x80000000, v2  }
0x1c9: {  	(xrf0) =	vmax.scan.msk.u32 $0xffff, v2;
	_ =	sdelay $0x1  }
0x1ca: {  	v2 =	vsel vm1, $0xFFFFFFFF, v1  }
0x1cb: {  	v2 =	vxor.u32 $0x80000000, v2;
	_ =	sdelay $0x1  }
0x1cc: {  	(xrf0) =	vmax.scan.msk.u32 $0xffff, v2  }
0x1cd: {  	v2, _, _ =	vpop (xrf0)  }
0x1ce: {  	(v2sf) =	vpush v2, $0xF;
	v2 =	vsel vm2, $0xFFFFFFFF, v1  }
0x1cf: {  	v2 =	vxor.u32 $0x80000000, v2;
	_ =	sdelay $0x1  }
0x1d0: {  	(xrf0) =	vmax.scan.msk.u32 $0xffff, v2  }
0x1d1: {  	v2, _, _ =	vpop (xrf0)  }
0x1d2: {  	(v2sf) =	vpush v2, $0xF;
	v2 =	vsel vm3, $0xFFFFFFFF, v1  }
0x1d3: {  	v2 =	vxor.u32 $0x80000000, v2;
	_ =	sdelay $0x1  }
0x1d4: {  	(xrf0) =	vmax.scan.msk.u32 $0xffff, v2  }
0x1d5: {  	v2, _, _ =	vpop (xrf0)  }
0x1d6: {  	(v2sf) =	vpush v2, $0xF;
	v2 =	vsel vm4, $0xFFFFFFFF, v1  }
0x1d7: {  	v2 =	vxor.u32 $0x80000000, v2;
	_ =	sdelay $0x1  }
0x1d8: {  	(xrf0) =	vmax.scan.msk.u32 $0xffff, v2  }
0x1d9: {  	v2, _, _ =	vpop (xrf0)  }
0x1da: {  	s28 =	spop (v2sf);
	(v2sf) =	vpush v2, $0xF;
	v2 =	vsel vm5, $0xFFFFFFFF, v1  }
0x1db: {  	s29 =	sshll.u32 s25, $0xE;
	s26 =	sshll.u32 s28, $0x7;
	v2 =	vxor.u32 $0x80000000, v2  }
0x1dc: {  	s25 =	sand.u32 $0x3FFFC000, s29;
	s26 =	sand.u32 $0x1FFFFF80, s26  }
0x1dd: {  	s28 =	sor.u32 $0x200, s25;
	(xrf0) =	vmax.scan.msk.u32 $0xffff, v2;
	s26 =	sadd.s32 s3, s26  }
0x1de: {  	[tilespmem:s28], [sflag:$0x1] =	stream.linear.gather [hbm4b:s26+s2], $0x400, $0x38;
	v2, _, _ =	vpop (xrf0);
	[tilespmem:$0x18200] =	vst v63  }
0x1df: {  	s30 =	spop (v2sf);
	(v2sf) =	vpush v2, $0xF;
	v2 =	vsel vm6, $0xFFFFFFFF, v1  }
0x1e0: {  	s26 =	sshll.u32 s30, $0x7;
	v2 =	vxor.u32 $0x80000000, v2  }
0x1e1: {  	s26 =	sand.u32 $0x1FFFFF80, s26  }
0x1e2: {  	s31 =	sor.u32 $0x600, s25;
	(xrf0) =	vmax.scan.msk.u32 $0xffff, v2;
	s26 =	sadd.s32 s3, s26  }
0x1e3: {  	[tilespmem:s31], [sflag:$0x1] =	stream.linear.gather [hbm4b:s26+s2], $0x400, $0x38;
	v2, _, _ =	vpop (xrf0);
	[tilespmem:$0x18200] =	vst v63  }
0x1e4: {  	s28 =	spop (v2sf);
	(v2sf) =	vpush v2, $0xF;
	v2 =	vsel vm7, $0xFFFFFFFF, v1  }
0x1e5: {  	s26 =	sshll.u32 s28, $0x7;
	v2 =	vxor.u32 $0x80000000, v2  }
0x1e6: {  	s26 =	sand.u32 $0x1FFFFF80, s26  }
0x1e7: {  	s29 =	sor.u32 $0xA00, s25;
	(xrf0) =	vmax.scan.msk.u32 $0xffff, v2;
	s26 =	sadd.s32 s3, s26  }
0x1e8: {  	[tilespmem:s29], [sflag:$0x1] =	stream.linear.gather [hbm4b:s26+s2], $0x400, $0x38;
	v2, _, _ =	vpop (xrf0);
	[tilespmem:$0x18200] =	vst v63  }
0x1e9: {  	s30 =	spop (v2sf);
	(v2sf) =	vpush v2, $0xF;
	v2 =	vsel vm8, $0xFFFFFFFF, v1  }
0x1ea: {  	s26 =	sshll.u32 s30, $0x7;
	v2 =	vxor.u32 $0x80000000, v2  }
0x1eb: {  	s26 =	sand.u32 $0x1FFFFF80, s26  }
0x1ec: {  	s31 =	sor.u32 $0xE00, s25;
	(xrf0) =	vmax.scan.msk.u32 $0xffff, v2;
	s26 =	sadd.s32 s3, s26  }
0x1ed: {  	[tilespmem:s31], [sflag:$0x1] =	stream.linear.gather [hbm4b:s26+s2], $0x400, $0x38;
	v2, _, _ =	vpop (xrf0);
	[tilespmem:$0x18200] =	vst v63  }
0x1ee: {  	s28 =	spop (v2sf);
	(v2sf) =	vpush v2, $0xF;
	v2 =	vsel vm9, $0xFFFFFFFF, v1  }
0x1ef: {  	s26 =	sshll.u32 s28, $0x7;
	v2 =	vxor.u32 $0x80000000, v2  }
0x1f0: {  	s26 =	sand.u32 $0x1FFFFF80, s26  }
0x1f1: {  	s29 =	sor.u32 $0x1200, s25;
	(xrf0) =	vmax.scan.msk.u32 $0xffff, v2;
	s26 =	sadd.s32 s3, s26  }
0x1f2: {  	[tilespmem:s29], [sflag:$0x1] =	stream.linear.gather [hbm4b:s26+s2], $0x400, $0x38;
	v2, _, _ =	vpop (xrf0);
	[tilespmem:$0x18200] =	vst v63  }
0x1f3: {  	s30 =	spop (v2sf);
	(v2sf) =	vpush v2, $0xF;
	v2 =	vsel vm10, $0xFFFFFFFF, v1  }
0x1f4: {  	s26 =	sshll.u32 s30, $0x7;
	v2 =	vxor.u32 $0x80000000, v2  }
0x1f5: {  	s26 =	sand.u32 $0x1FFFFF80, s26  }
0x1f6: {  	s31 =	sor.u32 $0x1600, s25;
	(xrf0) =	vmax.scan.msk.u32 $0xffff, v2;
	s26 =	sadd.s32 s3, s26  }
0x1f7: {  	[tilespmem:s31], [sflag:$0x1] =	stream.linear.gather [hbm4b:s26+s2], $0x400, $0x38;
	v2, _, _ =	vpop (xrf0);
	[tilespmem:$0x18200] =	vst v63  }
0x1f8: {  	s28 =	spop (v2sf);
	(v2sf) =	vpush v2, $0xF;
	v2 =	vsel vm11, $0xFFFFFFFF, v1  }
0x1f9: {  	s26 =	sshll.u32 s28, $0x7;
	v2 =	vxor.u32 $0x80000000, v2  }
0x1fa: {  	s26 =	sand.u32 $0x1FFFFF80, s26  }
0x1fb: {  	s29 =	sor.u32 $0x1A00, s25;
	(xrf0) =	vmax.scan.msk.u32 $0xffff, v2;
	s26 =	sadd.s32 s3, s26  }
0x1fc: {  	[tilespmem:s29], [sflag:$0x1] =	stream.linear.gather [hbm4b:s26+s2], $0x400, $0x38;
	v2, _, _ =	vpop (xrf0);
	[tilespmem:$0x18200] =	vst v63  }
0x1fd: {  	s30 =	spop (v2sf);
	(v2sf) =	vpush v2, $0xF;
	v2 =	vsel vm12, $0xFFFFFFFF, v1  }
0x1fe: {  	s26 =	sshll.u32 s30, $0x7;
	v2 =	vxor.u32 $0x80000000, v2  }
0x1ff: {  	s26 =	sand.u32 $0x1FFFFF80, s26  }
0x200: {  	s31 =	sor.u32 $0x1E00, s25;
	(xrf0) =	vmax.scan.msk.u32 $0xffff, v2;
	s26 =	sadd.s32 s3, s26  }
0x201: {  	[tilespmem:s31], [sflag:$0x1] =	stream.linear.gather [hbm4b:s26+s2], $0x400, $0x38;
	v2, _, _ =	vpop (xrf0);
	[tilespmem:$0x18200] =	vst v63  }
0x202: {  	s28 =	spop (v2sf);
	(v2sf) =	vpush v2, $0xF;
	v2 =	vsel vm13, $0xFFFFFFFF, v1  }
0x203: {  	s26 =	sshll.u32 s28, $0x7;
	v2 =	vxor.u32 $0x80000000, v2  }
0x204: {  	s26 =	sand.u32 $0x1FFFFF80, s26  }
0x205: {  	s29 =	sor.u32 $0x2200, s25;
	(xrf0) =	vmax.scan.msk.u32 $0xffff, v2;
	s26 =	sadd.s32 s3, s26  }
0x206: {  	[tilespmem:s29], [sflag:$0x1] =	stream.linear.gather [hbm4b:s26+s2], $0x400, $0x38;
	v2, _, _ =	vpop (xrf0);
	[tilespmem:$0x18200] =	vst v63  }
0x207: {  	s30 =	spop (v2sf);
	(v2sf) =	vpush v2, $0xF;
	v2 =	vsel vm14, $0xFFFFFFFF, v1  }
0x208: {  	s26 =	sshll.u32 s30, $0x7;
	v2 =	vxor.u32 $0x80000000, v2  }
0x209: {  	s26 =	sand.u32 $0x1FFFFF80, s26  }
0x20a: {  	s31 =	sor.u32 $0x2600, s25;
	(xrf0) =	vmax.scan.msk.u32 $0xffff, v2;
	s26 =	sadd.s32 s3, s26  }
0x20b: {  	[tilespmem:s31], [sflag:$0x1] =	stream.linear.gather [hbm4b:s26+s2], $0x400, $0x38;
	v2, _, _ =	vpop (xrf0);
	[tilespmem:$0x18200] =	vst v63  }
0x20c: {  	v1 =	vsel vm15, $0xFFFFFFFF, v1;
	s28 =	spop (v2sf);
	(v2sf) =	vpush v2, $0xF  }
0x20d: {  	v1 =	vxor.u32 $0x80000000, v1;
	s26 =	sshll.u32 s28, $0x7  }
0x20e: {  	s26 =	sand.u32 $0x1FFFFF80, s26  }
0x20f: {  	s29 =	sor.u32 $0x2A00, s25;
	(xrf0) =	vmax.scan.msk.u32 $0xffff, v1;
	s26 =	sadd.s32 s3, s26  }
0x210: {  	v1, _, _ =	vpop (xrf0);
	[tilespmem:s29], [sflag:$0x1] =	stream.linear.gather [hbm4b:s26+s2], $0x400, $0x38;
	[tilespmem:$0x18200] =	vst v63  }
0x211: {  	s30 =	spop (v2sf);
	(v2sf) =	vpush v1, $0xF  }
0x212: {  	s26 =	sshll.u32 s30, $0x7  }
0x213: {  	s26 =	sand.u32 $0x1FFFFF80, s26  }
0x214: {  	s31 =	sor.u32 $0x2E00, s25;
	s26 =	sadd.s32 s3, s26  }
0x215: {  	v1, _, _ =	vpop (xrf0);
	[tilespmem:s31], [sflag:$0x1] =	stream.linear.gather [hbm4b:s26+s2], $0x400, $0x38;
	[tilespmem:$0x18200] =	vst v63  }
0x216: {  	s28 =	spop (v2sf);
	(v2sf) =	vpush v1, $0xF  }
0x217: {  	s26 =	sshll.u32 s28, $0x7  }
0x218: {  	s26 =	sand.u32 $0x1FFFFF80, s26  }
0x219: {  	s29 =	sor.u32 $0x3200, s25;
	s26 =	sadd.s32 s3, s26  }
0x21a: {  	[tilespmem:s29], [sflag:$0x1] =	stream.linear.gather [hbm4b:s26+s2], $0x400, $0x38;
	[tilespmem:$0x18200] =	vst v63  }
0x21b: {  	s30 =	spop (v2sf)  }
0x21c: {  	s26 =	sshll.u32 s30, $0x7  }
0x21d: {  	s26 =	sand.u32 $0x1FFFFF80, s26  }
0x21e: {  	s31 =	sor.u32 $0x3600, s25;
	s26 =	sadd.s32 s3, s26  }
0x21f: {  	[tilespmem:s31], [sflag:$0x1] =	stream.linear.gather [hbm4b:s26+s2], $0x400, $0x38;
	[tilespmem:$0x18200] =	vst v63  }
0x220: {  	s29 =	spop (v2sf)  }
0x221: {  	s26 =	sshll.u32 s29, $0x7  }
0x222: {  	s26 =	sand.u32 $0x1FFFFF80, s26  }
0x223: {  	s30 =	sor.u32 $0x3A00, s25;
	s26 =	sadd.s32 s3, s26  }
0x224: {  	[tilespmem:s30], [sflag:$0x1] =	stream.linear.gather [hbm4b:s26+s2], $0x400, $0x38;
	[tilespmem:$0x18200] =	vst v63  }
0x225: {  	p1 =	por p0, p0;
	s31 =	spop (v2sf)  }
.Ltmp5:
0x226: {  	s26 =	sshll.u32 s31, $0x7;
	(pc) =	sbr.rel @p1 .LBB2_8-.Ltmp5, $4  }
0x227: {  	s26 =	sand.u32 $0x1FFFFF80, s26  }
0x228: {  	s25 =	sor.u32 $0x3E00, s25;
	s26 =	sadd.s32 s3, s26  }
0x229: {  	[tilespmem:s25], [sflag:$0x1] =	stream.linear.gather [hbm4b:s26+s2], $0x400, $0x38;
	[tilespmem:$0x18200] =	vst v63  }
0x22a: {  	p0 =	por $0x0, $0x0;
	s25 =	simm.s32 $0x1  }
0x22b: {  	p0 =	seq.s32 s22, $0x4  }
.Ltmp6:
0x22c: {  	_ = 	snop;
	(pc) =	sbr.rel @!p0 .LBB2_10-.Ltmp6, $4  }
0x22d: {  	_ =	swait.ge [sflag:s17], $0x8000  }
0x22e: {  	s23 =	sshll.u32 s23, $0xC;
	[sflag:s17] =	ssyncset.done $0x0  }
0x22f: {  	s23 =	sadd.s32 s23, s6;
	[sflag:s17] =	ssyncadd.s32 $0xFFFF8000  }
0x230: {  	[hbm4b:s23+s2] =	stream.linear.scatter [tilespmem:s18], [sflag:$0x6], $0x8000, $0x38;
	[tilespmem:$0x18200] =	vst v63  }
0x231: {  	_ =	swait.ge [sflag:s12], $0x8000  }
0x232: {  	[sflag:s12] =	ssyncset.done $0x0  }
0x233: {  	[sflag:s12] =	ssyncadd.s32 $0xFFFF8000  }
0x234: {  	[hbm4b:s9+s2] =	stream.linear.scatter [tilespmem:s13], [sflag:$0x4], $0x8000, $0x38;
	[tilespmem:$0x18200] =	vst v63  }
0x235: {  	_ =	swait.ge [sflag:s16], $0x8000  }
0x236: {  	[sflag:s16] =	ssyncset.done $0x0  }
0x237: {  	s21 =	sadd.s32 $0x1, s21;
	[sflag:s16] =	ssyncadd.s32 $0xFFFF8000  }
0x238: {  	p0 =	sne.s32 s21, s10;
	_ =	swait.ge [sflag:s19], $0x8000  }
.Ltmp7:
0x239: {  	[sflag:s19] =	ssyncset.done $0x0;
	(pc) =	sbr.rel @p0 .LBB2_1-.Ltmp7, $4  }
0x23a: {  	[sflag:s19] =	ssyncadd.s32 $0xFFFF8000  }
0x23b: {  	_ =	swait.ge [sflag:s20], $0x8000  }
0x23c: {  	[sflag:s20] =	ssyncset.done $0x0  }
0x23d: {  	[sflag:s20] =	ssyncadd.s32 $0xFFFF8000  }
0x23e: {  	_ =	sfence.sel $0x180000  }
0x23f: {  	[bflag:$0x0] =	sbarrier.arrive $0xFFFF  }
0x240: {  	p0 =	sne.s32 s1, $0x0;
	_ =	strace $0x90000047  }
0x241: {  	s0 =	sadd.s32 @!p0 $0x100000, s0;
	[bflag:$0x2] =	sbarrier.arrive $0xFFFF  }
0x242: {  	[sflag:s0] =	ssyncadd.tile.s32 @!p0 $0x1;
	_ =	shalt  }
.Lfunc_end2:
_tile_overlayer_lowered:
.L_overlay_start_2:
0x243: {  	(tag) =	ssettag $0x2  }
0x244: {  	s0 =	rddreg [dreg:$0x0];
	s2 =	stileid.u32  }
0x245: {  	s1 =	rddreg [dreg:$0x1];
	p0 =	sne.s32 s2, $0x0  }
0x246: {  	s3 =	rddreg [dreg:$0x2];
	[bflag:$0x3] =	sbarrier.arrive $0xFFFF;
	s2 =	simm.s32 @!p0 $0x1C07  }
0x247: {  	[timem:s3], [sflag:s2] =	dma.local @!p0 [hbm:s0], s1  }
0x248: {  	s0 =	simm.s32 @!p0 $0x7  }
0x249: {  	_ =	swait.ge @!p0 [sflag:s0], s1  }
0x24a: {  	s1 =	ssub.s32 @!p0 $0x0, s1;
	[sflag:s0] =	ssyncset.done @!p0 $0x0  }
0x24b: {  	[sflag:s0] =	ssyncadd.s32 @!p0 s1  }
0x24c: {  	[bflag:$0x3] =	sbarrier.arrive $0xFFFF  }
0x24d: {  	_ =	shalt  }

// kernel: sparse-core-data-format-call.cloned.1.call-start
scs
called_computation_lowered:
.L_overlay_start_0:
0x0: {  	s2 =	sld [smem:$0x3FD9]  }
0x1: {  	s3 =	sld [smem:$0x3FFE];
	_ =	sdelay $0x1  }
0x2: {  	s1 =	srdreg.scid  }
0x3: {  	s0 =	sand.u32 $0x1, s1  }
0x4: {  	s18 =	sshll.u32 s0, $0xA;
	s2 =	sadd.s32 s3, s2  }
0x5: {  	s2 =	sadd.s32 s2, s18  }
0x6: {  	[smem:$0x3FC6] =	sst s2  }
0x7: {  	_ = 	snop  }
0x8: {  	s2 =	sld [smem:$0x3FD0];
	(tm) =	ssettm $0x1  }
0x9: {  	s19 =	sld [smem:$0x3FFB];
	_ =	sdelay $0x3  }
0xa: {  	_ =	strace s19  }
0xb: {  	s3 =	sld [smem:$0x3FFC];
	_ =	sdelay $0x3  }
0xc: {  	_ =	strace s3  }
0xd: {  	s3 =	sld [smem:$0x3FFD];
	_ =	sdelay $0x3  }
0xe: {  	_ =	strace s3  }
0xf: {  	_ =	strace $0x8FFFFFFF  }
0x10: {  	s20 =	sld [smem:$0x3FDB];
	_ =	sdelay $0x1  }
0x11: {  	s4 =	simm.s32 $_scs_section_size  }
0x12: {  	s5 =	simm.s32 $_size__tile_overlayer_lowered;
	s6 =	simm.s32 $_tile_overlayer_lowered  }
0x13: {  	s23 =	simm.s32 $0x1BFF;
	s22 =	sshll.u32 s6, $0x1;
	s3 =	sadd.s32 s4, s20  }
0x14: {  	s7 =	simm.s32 $0x0;
	s21 =	sshll.u32 s5, $0x1;
	s5 =	sadd.s32 s22, s3  }
0x15: {  	[timem:s7], [sflag:s23] =	dma.local [hbm:s5], s21  }
0x16: {  	_ =	swait.ge [sflag:s23], s21  }
0x17: {  	s4 =	ssub.s32 $0x0, s21;
	[sflag:s23] =	ssyncset.done $0x0  }
0x18: {  	[sflag:s23] =	ssyncadd.s32 s4;
	_ =	sdelay $0x1  }
0x19: {  	s24 =	simm.s32 $0x1B8B  }
0x1a: {  	_ =	swait.ge [sflag:s24], $0x1  }
0x1b: {  	[sflag:s24] =	ssyncset.done $0x0  }
0x1c: {  	s26 =	simm.s32 $0x1B8E;
	s25 =	sld [smem:$0x3FFE];
	[sflag:s24] =	ssyncadd.s32 $0xFFFFFFFF  }
0x1d: {  	s27 =	simm.s32 $execute0_lowered;
	[smem:$0x3FD2] =	sst s26  }
0x1e: {  	s5 =	sshll.u32 s27, $0x1;
	_ =	strace $0x80000049;
	[dreg:$0x1] =	wrdreg $0xFFFFFFFF  }
0x1f: {  	s28 =	simm.s32 $_size_execute0_lowered;
	s3 =	sadd.s32 s3, s5;
	[dreg:$0x0] =	wrdreg $0x0  }
0x20: {  	s5 =	sshll.u32 s28, $0x1;
	[dreg:$0x2] =	wrdreg s3  }
0x21: {  	[dreg:$0x3] =	wrdreg s5  }
0x22: {  	[dreg:$0x4] =	wrdreg $0xC0  }
0x23: {  	_ =	task [dreg:s7], $0x5FFFF  }
0x24: {  	[dreg:$0x1] =	wrdreg $0xFFFFFFFF  }
0x25: {  	[dreg:$0x0] =	wrdreg $0x60  }
0x26: {  	[dreg:$0x2] =	wrdreg s25  }
0x27: {  	[dreg:$0x3] =	wrdreg s2  }
0x28: {  	[dreg:$0x4] =	wrdreg $0x9  }
0x29: {  	_ =	task.clear_ibuf [dreg:s7], $0x5FFFF;
	_ =	strace $0x90000049  }
0x2a: {  	s29 =	simm.s32 $0x9;
	_ =	strace $0x8000004B  }
0x2b: {  	_ =	swait.ge [sflag:s29], $0x1  }
0x2c: {  	[sflag:s29] =	ssyncadd.s32 $0xFFFFFFFF  }
0x2d: {  	_ =	strace $0x9000004B  }
0x2e: {  	_ =	sfence  }
0x2f: {  	s30 =	sld [smem:$0x0];
	_ =	sdelay $0x2  }
0x30: {  	s31 =	sshll.u32 s1, $0xD;
	s1 =	sshrl.u32 s1, $0x2  }
0x31: {  	s3 =	sand.u32 $0x4000, s31;
	s1 =	sadd.s32 s1, s30  }
0x32: {  	s0 =	sor.u32 s3, s0;
	s1 =	sshll.u32 s1, $0x11  }
0x33: {  	s0 =	sor.u32 s1, s0  }
0x34: {  	s0 =	sadd.s32 $0x8F2B, s0  }
0x35: {  	[sflag:s0] =	ssyncadd.remote.s32 $0x1  }
0x36: {  	_ =	sfence.sel $0xFFFF  }
0x37: {  	[dreg:$0x0] =	wrdreg $0xFFFFFFFF;
	(pc) =	sbr.abs _section_cstart, $3  }
0x38: {  	[dreg:$0x1] =	wrdreg $0xFFFFFFFF  }
0x39: {  	_ =	task.clear_ibuf [dreg:s7], $0x2FFFF;
	_ =	strace $0x9FFFFFFF  }
0x3a: {  	(tm) =	ssettm $0x7FFFFFFF  }
0x3b: {  	_ =	shalt  }
tec
execute0_lowered:
.L_overlay_start_1:
0x0: {  	(tag) =	ssettag $0x1  }
0x1: {  	s0 =	srdreg.scid  }
0x2: {  	s1 =	sshll.u32 s0, $0x4  }
0x3: {  	s6 =	rddreg [dreg:$0x0];
	s0 =	stileid.u32;
	s1 =	sand.u32 $0x10, s1  }
0x4: {  	s3 =	rddreg [dreg:$0x1];
	s5 =	simm.s32 $0x1;
	s1 =	sor.u32 s0, s1  }
0x5: {  	s31 =	simm.s32 $0x2;
	s12 =	simm.s32 $0x0;
	s2 =	sshll.u32 s1, $0x7  }
0x6: {  	s8 =	simm.s32 $0x20000;
	s13 =	simm.s32 $0x0;
	s4 =	ssub.s32 $0x4000, s2  }
0x7: {  	s9 =	simm.s32 $0x0;
	s11 =	simm.s32 $0x0;
	s30 =	sand.u32 $0xF80, s4  }
.Ltmp0:
0x8: {  	s6 =	sadd.s32 $0xC35800, s6;
	p0 =	sne.s32 s30, $0x0;
	(pc) =	sbr.rel .LBB1_1-.Ltmp0, $4  }
0x9: {  	s1 =	rddreg [dreg:$0x2];
	s7 =	sshrl.u32 s4, $0xC;
	s5 =	simm.s32 @!p0 $0x0  }
0xa: {  	_ =	strace $0x8000004A;
	s4 =	simm.s32 $0x1;
	s5 =	sadd.s32 s5, s7  }
0xb: {  	s10 =	smov.u32 s2;
	[sflag:s4] =	ssyncpa.u1 $0x0;
	s5 =	sshll.u32 s5, $0x3  }
0xc: {  	[sflag:s31] =	ssyncpa.u1 $0x0;
	p0 =	por $0x0, $0x0;
	s7 =	sor.u32 $0x1, s5  }
.LBB1_4:
0xd: {  	s16 =	sshll.u32 s13, $0x3;
	s17 =	sand.u32 $0x78, s13  }
0xe: {  	s30 =	sand.u32 $0x1F800, s13;
	s12 =	sshll.u32 s12, $0x11;
	s16 =	sand.u32 $0x3C00, s16  }
0xf: {  	[tilespmem:s15+$0x810 ss:$0x81] =	vst.msk $0xffff, v2;
	s31 =	sand.u32 $0x7, s13;
	s16 =	sor.u32 s17, s16;
	s17 =	sadd.s32 s3, s30  }
0x10: {  	[tilespmem:s15+$0x1020 ss:$0x81] =	vst.msk $0xffff, v0;
	s13 =	sshll.u32 s31, $0x12;
	s12 =	sadd.s32 s12, s17;
	s16 =	sshrl.u32 s16, $0x3  }
0x11: {  	[tilespmem:s15+$0x0 ss:$0x81] =	vst.msk $0xffff, v1;
	s13 =	sor.u32 $0x400, s13;
	s12 =	sadd.s32 s16, s12  }
0x12: {  	[hbm4b:s12+s13] =	stream.strided.scatter [tilespmem:s14], [sflag:$0x2], $0x2000, s8, s13, $0x20;
	[tilespmem:$0x8080] =	vst v63  }
.LBB1_5:
0x13: {  	s14 =	sadd.s32 $0x1, s9  }
0x14: {  	s12 =	sadd.s32 $0x1000, s10;
	s16 =	smov.u32 s10;
	p2 =	sgt.s32 s14, $0x7  }
0x15: {  	s16 =	smov.u32 @p2 s12  }
0x16: {  	s14 =	simm.s32 @p2 $0x0;
	p2 =	sgt.s32 s16, $0x3FFF  }
0x17: {  	s16 =	smov.u32 @p2 s2;
	p2 =	sne.s32 s11, s7  }
.Ltmp1:
0x18: {  	p1 =	slt.u32 s11, $0x2;
	(pc) =	sbr.rel @!p2 .LBB1_6-.Ltmp1, $4  }
0x19: {  	s15 =	simm.s32 @!p1 $0x2  }
0x1a: {  	s13 =	smov.u32 s10;
	p0 =	por !p0, !p0;
	_ =	swait.ge @!p1 [sflag:s15], $0x2000  }
0x1b: {  	s12 =	smov.u32 s9;
	[sflag:s15] =	ssyncset.done @!p1 $0x0;
	s9 =	smov.u32 s14  }
0x1c: {  	s11 =	sadd.s32 $0x1, s11;
	[sflag:s15] =	ssyncadd.s32 @!p1 $0xFFFFE000;
	s10 =	smov.u32 s16  }
.LBB1_1:
0x1d: {  	p1 =	sge.u32 s11, s5  }
0x1e: {  	s31 =	sadd.s32 $0xFFFFFFFF, s11;
	s14 =	sxor.u32 @!p1 $0xFFFFFFFF, s11  }
0x1f: {  	s15 =	sshll.u32 @!p1 s10, $0x7;
	s16 =	sshll.u32 @!p1 s9, $0x4;
	s17 =	simm.s32 @!p1 $0x400  }
0x20: {  	s14 =	sshll.u32 @!p1 s14, $0xD;
	s16 =	sand.u32 @!p1 $0x70, s16;
	s15 =	sadd.s32 @!p1 s6, s15  }
0x21: {  	s14 =	sand.u32 @!p1 $0x2000, s14;
	s15 =	sadd.s32 @!p1 s16, s15;
	s16 =	simm.s32 @!p1 $0x40  }
0x22: {  	[tilespmem:s14], [sflag:$0x1] =	stream.strided.gather @!p1 [hbm4b:s15+s16], $0x2000, s17, s16, $0x38;
	[tilespmem:$0x8080] =	vst v63  }
0x23: {  	p1 =	sge.u32 s31, s5  }
.Ltmp2:
0x24: {  	_ = 	snop;
	(pc) =	sbr.rel @p1 .LBB1_5-.Ltmp2, $1  }
0x25: {  	_ =	sdelay $0x3  }
0x26: {  	s14 =	simm.s32 $0x1  }
0x27: {  	_ =	swait.ge [sflag:s4], $0x2000;
	s14 =	simm.s32 @!p0 $0x0  }
0x28: {  	[sflag:s4] =	ssyncset.done $0x0;
	s15 =	sshll.u32 s14, $0xD  }
0x29: {  	[sflag:s4] =	ssyncadd.s32 $0xFFFFE000;
	s18 =	sor.u32 $0x20, s15  }
0x2a: {  	s14 =	smul.u32 $0x8100, s14;
	v3 =	vld [tilespmem:s18+$0x10]  }
0x2b: {  	s30 =	sand.u32 $0x1, s11;
	v2 =	vld [tilespmem:s18+$0xFFFFFFF0]  }
0x2c: {  	s15 =	smul.u32 $0x8100, s30;
	s14 =	sshrl.u32 s14, $0x2;
	v0 =	vld [tilespmem:s18+$0x0]  }
0x2d: {  	v1 =	vld [tilespmem:s18+$0xFFFFFFE0];
	s16 =	sor.u32 $0x4000, s14  }
0x2e: {  	s31 =	sshrl.u32 s15, $0x2;
	s15 =	sadd.s32 $0x0, s16  }
0x2f: {  	s17 =	simm.s32 $0x4;
	s18 =	sadd.s32 $0x40, s18;
	s14 =	sor.u32 $0x4000, s31;
	[tilespmem:s15+$0x1830 ss:$0x81] =	vst.msk $0xffff, v3  }
.LBB1_3:
0x30: {  	v3 =	vld [tilespmem:s18+$0x10];
	p1 =	sne.s32 s17, $0x1FC;
	[tilespmem:s15+$0x810 ss:$0x81] =	vst.msk $0xffff, v2;
	s19 =	smov.u32 s17;
	s17 =	sadd.s32 $0x4, s17  }
.Ltmp3:
0x31: {  	v2 =	vld [tilespmem:s18+$0xFFFFFFF0];
	[tilespmem:s15+$0x1020 ss:$0x81] =	vst.msk $0xffff, v0;
	(pc) =	sbr.rel @p1 .LBB1_3-.Ltmp3, $4  }
0x32: {  	v0 =	vld [tilespmem:s18+$0x0];
	[tilespmem:s15+$0x0 ss:$0x81] =	vst.msk $0xffff, v1  }
0x33: {  	s15 =	sshra.s32 s19, $0x2;
	v1 =	vld [tilespmem:s18+$0xFFFFFFE0]  }
0x34: {  	s15 =	sadd.s32 s15, s16  }
0x35: {  	s18 =	sadd.s32 $0x40, s18;
	[tilespmem:s15+$0x1830 ss:$0x81] =	vst.msk $0xffff, v3  }
.Ltmp4:
0x36: {  	_ = 	snop;
	(pc) =	sbr.rel .LBB1_4-.Ltmp4, $1  }
0x37: {  	_ =	sdelay $0x3  }
.LBB1_6:
0x38: {  	_ =	sfence.sel $0x180000  }
0x39: {  	s2 =	simm.s32 $0x1;
	[bflag:$0x0] =	sbarrier.arrive $0xFFFF  }
0x3a: {  	s31 =	simm.s32 $0x2;
	[sflag:s2] =	ssyncpa.u1 $0x1  }
0x3b: {  	[sflag:s31] =	ssyncpa.u1 $0x1  }
0x3c: {  	p0 =	sne.s32 s0, $0x0;
	_ =	strace $0x9000004A  }
0x3d: {  	s0 =	sadd.s32 @!p0 $0x100000, s1;
	[bflag:$0x2] =	sbarrier.arrive $0xFFFF  }
0x3e: {  	[sflag:s0] =	ssyncadd.tile.s32 @!p0 $0x1;
	_ =	shalt  }
.Lfunc_end1:
_tile_overlayer_lowered:
.L_overlay_start_2:
0x3f: {  	(tag) =	ssettag $0x2  }
0x40: {  	s0 =	rddreg [dreg:$0x0];
	s2 =	stileid.u32  }
0x41: {  	s1 =	rddreg [dreg:$0x1];
	p0 =	sne.s32 s2, $0x0  }
0x42: {  	s3 =	rddreg [dreg:$0x2];
	[bflag:$0x3] =	sbarrier.arrive $0xFFFF;
	s2 =	simm.s32 @!p0 $0x1C01  }
0x43: {  	[timem:s3], [sflag:s2] =	dma.local @!p0 [hbm:s0], s1  }
0x44: {  	s0 =	simm.s32 @!p0 $0x1  }
0x45: {  	_ =	swait.ge @!p0 [sflag:s0], s1  }
0x46: {  	s1 =	ssub.s32 @!p0 $0x0, s1;
	[sflag:s0] =	ssyncset.done @!p0 $0x0  }
0x47: {  	[sflag:s0] =	ssyncadd.s32 @!p0 s1  }
0x48: {  	[bflag:$0x3] =	sbarrier.arrive $0xFFFF  }
0x49: {  	_ =	shalt  }

</sc_bundles>
